<compile_context>
chip_gen: v7x
topology: tpu7x:2x2x1
jax: 0.10.2.dev20260603
libtpu: 0.0.44.dev20260713+nightly
codegen_flags: <defaults>
</compile_context>

<pallas_src>
import functools

import jax
import jax.numpy as jnp
from jax import lax
from jax.experimental import pallas as pl
from jax.experimental.pallas import tpu as pltpu
from jax.experimental.pallas import tpu_sc as plsc

B = 16384
C = 50
E = 64
SIGMA = 0.01

_NC = 2
_NS = 16
_NW = _NC * _NS
_BPW = B // _NW

_HBM = pltpu.MemorySpace.HBM



def _xcopy_body(x_ref, out_ref):
    out_ref[...] = x_ref[...]


def _tc_xcopy(xt):
    return pl.pallas_call(
        _xcopy_body,
        grid=(C,),
        in_specs=[pl.BlockSpec((1, E, B), lambda c: (c, 0, 0))],
        out_specs=pl.BlockSpec((1, E, B), lambda c: (c + 1, 0, 0)),
        out_shape=jax.ShapeDtypeStruct((C + 1, E, B), jnp.float32),
        compiler_params=pltpu.CompilerParams(
            dimension_semantics=("arbitrary",),
        ),
    )(xt)


_sc_mesh = plsc.VectorSubcoreMesh(core_axis_name="c", subcore_axis_name="s")

_LCH = 512
_NFULL = 1953
_TAIL = 1000000 - _NFULL * _LCH
_CAP = 640
_SPASS = 4096


@functools.partial(
    pl.kernel,
    mesh=_sc_mesh,
    compiler_params=pltpu.CompilerParams(needs_layout_passes=False),
    out_type=jax.ShapeDtypeStruct((B + 8, 128), jnp.float32),
    scratch_types=[
        pltpu.VMEM((_SPASS,), jnp.int32),
        pltpu.VMEM((_CAP,), jnp.int32),
        pltpu.VMEM((_CAP,), jnp.int32),
        pltpu.VMEM((_CAP // 128, 128), jnp.int32),
        pltpu.VMEM((E, _LCH), jnp.float32),
        pltpu.VMEM((_CAP,), jnp.int32),
        pltpu.VMEM((_CAP,), jnp.int32),
        pltpu.VMEM((_CAP, 128), jnp.float32),
        pltpu.SemaphoreType.DMA,
    ],
)
def _sc_gather(subject_hbm, tablet_hbm, tail128_hbm, emb2_hbm, subbuf, mysubs,
               myposl, mypos, chunkbuf, clane, cslot, rowbuf, sem):
    wid = lax.axis_index("s") * _NC + lax.axis_index("c")
    base = jnp.where(wid == 0, 0, 61 * wid + 1)
    ncheff = jnp.where((wid == 0) | (wid == _NW - 1), 62, 61)
    i16 = lax.iota(jnp.int32, 16)

    for g in range(_CAP // 16):
        mysubs[pl.ds(g * 16, 16)] = jnp.full((16,), jnp.int32(0x40000000))
        myposl[pl.ds(g * 16, 16)] = jnp.full((16,), jnp.int32(B))

    def sel_pass(p, cnt0):
        pltpu.sync_copy(subject_hbm.at[pl.ds(p * _SPASS, _SPASS)], subbuf)

        @plsc.parallel_loop(0, _SPASS, step=16, unroll=4, carry=cnt0)
        def cnt1(i, cnt):
            sv = subbuf[pl.ds(i, 16)]
            c = lax.shift_right_logical(sv, 9)
            mine = (c >= base) & (c < base + ncheff)
            posv = p * _SPASS + i + i16
            off = jnp.minimum(cnt, _CAP - 16)
            plsc.store_compressed(mysubs.at[pl.ds(off, 16)], sv, mask=mine)
            plsc.store_compressed(myposl.at[pl.ds(off, 16)], posv, mask=mine)
            n16 = plsc.all_reduce_population_count(mine)
            return cnt + n16[0]

        return cnt1

    lax.fori_loop(0, B // _SPASS, sel_pass, jnp.int32(0))

    for j in range(_CAP // 128):
        for g in range(8):
            mypos[j, pl.ds(g * 16, 16)] = myposl[pl.ds(j * 128 + g * 16, 16)]

    def chunk_step(ci, _):
        chunkidx = base + ci
        lane0 = pl.multiple_of(chunkidx * _LCH, _LCH)

        @pl.when(chunkidx < _NFULL)
        def _fetch_full():
            pltpu.sync_copy(tablet_hbm.at[:, pl.ds(lane0, _LCH)], chunkbuf)

        @pl.when(chunkidx == _NFULL)
        def _fetch_tail():
            pltpu.sync_copy(tail128_hbm, chunkbuf.at[:, pl.ds(0, 128)])

        def comp(g, m):
            sv = mysubs[pl.ds(g * 16, 16)]
            mk = lax.shift_right_logical(sv, 9) == chunkidx
            mki = mk.astype(jnp.int32)
            pi = jnp.minimum(m + plsc.cumsum(mki) - 1, _CAP - 1)
            plsc.store_scatter(clane, [pi], sv - lane0, mask=mk)
            plsc.store_scatter(cslot, [pi], g * 16 + i16, mask=mk)
            return m + jnp.sum(mki)

        m = lax.fori_loop(0, _CAP // 16, comp, jnp.int32(0))

        def ext(gi, _):
            offs = clane[pl.ds(gi * 16, 16)]
            slots = cslot[pl.ds(gi * 16, 16)]
            valid = (gi * 16 + i16) < m
            for e in range(E):
                erow = jnp.full((16,), jnp.int32(e))
                vals = plsc.load_gather(chunkbuf, [erow, offs], mask=valid)
                plsc.store_scatter(rowbuf, [slots, erow], vals, mask=valid)
            return 0

        lax.fori_loop(0, (m + 15) // 16, ext, 0)
        return 0

    lax.fori_loop(0, ncheff, chunk_step, 0)

    copies = [
        pltpu.async_copy(
            rowbuf.at[pl.ds(j * 128, 128)], emb2_hbm.at[mypos.at[j]], sem
        )
        for j in range(_CAP // 128)
    ]
    for c in copies:
        c.wait()


def _fill_body(outp_hbm, emb_hbm, noiset_hbm, out_hbm, ebuf, nbuf, tbuf, sem):
    e_in = pltpu.make_async_copy(emb_hbm.at[pl.ds(0, B)], ebuf, sem)
    e_in.start()
    n_in = pltpu.make_async_copy(noiset_hbm, nbuf, sem)
    n_in.start()
    e_in.wait()
    n_in.wait()
    tbuf[...] = jnp.transpose(ebuf[:, :E], (1, 0)) + nbuf[...]
    r_out = pltpu.make_async_copy(tbuf, out_hbm.at[0], sem)
    r_out.start()
    r_out.wait()


def _tc_fill(outp, emb, noiset):
    return pl.pallas_call(
        _fill_body,
        in_specs=[
            pl.BlockSpec(memory_space=_HBM),
            pl.BlockSpec(memory_space=_HBM),
            pl.BlockSpec(memory_space=_HBM),
        ],
        out_specs=pl.BlockSpec(memory_space=_HBM),
        out_shape=jax.ShapeDtypeStruct((C + 1, E, B), jnp.float32),
        input_output_aliases={0: 0},
        scratch_shapes=[
            pltpu.VMEM((B, 128), jnp.float32),
            pltpu.VMEM((E, B), jnp.float32),
            pltpu.VMEM((E, B), jnp.float32),
            pltpu.SemaphoreType.DMA,
        ],
    )(outp, emb, noiset)


def kernel(x, subject, table):
    noise = jax.random.normal(jax.random.key(42), (B, 1, E), dtype=jnp.float32)
    noiset = jnp.transpose((noise * SIGMA).reshape(B, E))
    xt = jnp.transpose(x, (1, 2, 0))
    tablet = jnp.transpose(table)
    tail128 = jnp.pad(tablet[:, _NFULL * _LCH:], ((0, 0), (0, 128 - _TAIL)))
    outp = _tc_xcopy(xt)
    emb2 = _sc_gather(subject.astype(jnp.int32), tablet, tail128)
    out = _tc_fill(outp, emb2, noiset)
    return jnp.transpose(out, (2, 0, 1))

# --- scband reference (transcript-rebuilt; emitter-appended) ---
"""Pipeline reference for scband-subject-input-encoder-730144441023 (READ-ONLY COPY).

The authoritative reference and input builder live on the scoring server;
editing this copy changes nothing except your own understanding.
"""

import jax, jax.numpy as jnp
import numpy as np

B = 16384
C = 50
E = 64
N_SUBJECTS = 1000000
SIGMA = 0.01

def setup_inputs(seed: int = 0) -> dict:
    key = jax.random.key(seed)
    k1, k2, k3 = jax.random.split(key, 3)
    x = jax.random.normal(k1, (B, C, E), dtype=jnp.float32)
    subject = jax.random.randint(k2, (B,), 0, N_SUBJECTS, dtype=jnp.int64 if jax.config.jax_enable_x64 else jnp.int32)
    table = jax.random.normal(k3, (N_SUBJECTS, E), dtype=jnp.float32) * 0.02
    return {"x": x, "subject": subject, "table": table}

def reference(x, subject, table):
    # subject_embed = self.subject_embedding(subject)  -> gather rows
    subject_embed = jnp.take(table, subject, axis=0)            # [B, E]
    # rearrange 'b (c e) -> b c e' with c=1
    subject_embed = subject_embed.reshape(subject_embed.shape[0], 1, subject_embed.shape[1])  # [B, 1, E]
    # noise = torch.randn_like(subject_embed) * sigma; subject_embed += noise
    noise = jax.random.normal(jax.random.key(42), subject_embed.shape, dtype=subject_embed.dtype) * SIGMA
    subject_embed = subject_embed + noise
    # x = torch.cat([subject_embed, x], dim=-2)
    out = jnp.concatenate([subject_embed, x], axis=-2)          # [B, 1+C, E]
    # encoder is nn.Identity() in this configuration
    return out

if __name__ == "__main__":
    import jax
    _d = setup_inputs()
    print(jax.jit(kernel)(*tuple(_d.values())))

</pallas_src>

<mosaic_0001>
#map = affine_map<(d0, d1) -> (0)>
#map1 = affine_map<(d0, d1) -> (0, 0)>
module attributes {stable_mosaic.version = 14 : i64} {
  func.func @_sc_gather(%arg0: i32, %arg1: i32, %arg2: memref<16384xi32, #tpu.memory_space<hbm>>, %arg3: memref<64x1000000xf32, #tpu.memory_space<hbm>>, %arg4: memref<64x128xf32, #tpu.memory_space<hbm>>, %arg5: memref<16392x128xf32, #tpu.memory_space<hbm>>, %arg6: memref<4096xi32, #tpu.memory_space<vmem>>, %arg7: memref<640xi32, #tpu.memory_space<vmem>>, %arg8: memref<640xi32, #tpu.memory_space<vmem>>, %arg9: memref<5x128xi32, #tpu.memory_space<vmem>>, %arg10: memref<64x512xf32, #tpu.memory_space<vmem>>, %arg11: memref<640xi32, #tpu.memory_space<vmem>>, %arg12: memref<640xi32, #tpu.memory_space<vmem>>, %arg13: memref<640x128xf32, #tpu.memory_space<vmem>>, %arg14: memref<!tpu.dma_semaphore, #tpu.memory_space<semaphore_mem>>) attributes {dimension_semantics = [#tpu.dimension_semantics<core_parallel>, #tpu.dimension_semantics<subcore_parallel>], iteration_bounds = array<i64: 2, 16>, scalar_prefetch = 0 : i64, scratch_operands = 9 : i64, tpu.core_type = #tpu.core_type<sc_vector_subcore>, window_params = [{transform_indices = #map}, {transform_indices = #map1}, {transform_indices = #map1}, {transform_indices = #map1}]} {
    %mul3A = arith.constant 2 : i32
    %mul3A_0 = arith.muli %arg1, %mul3A : i32
    %add3A = arith.addi %mul3A_0, %arg0 : i32
    %eq3A = arith.constant 0 : i32
    %eq3A_1 = arith.cmpi eq, %add3A, %eq3A : i32
    %mul3A_2 = arith.constant 61 : i32
    %mul3A_3 = arith.muli %mul3A_2, %add3A : i32
    %add3A_4 = arith.constant 1 : i32
    %add3A_5 = arith.addi %mul3A_3, %add3A_4 : i32
    %jit3A = arith.constant 0 : i32
    %select_n3A = arith.select %eq3A_1, %jit3A, %add3A_5 : i32
    %eq3A_6 = arith.constant 0 : i32
    %eq3A_7 = arith.cmpi eq, %add3A, %eq3A_6 : i32
    %eq3A_8 = arith.constant 31 : i32
    %eq3A_9 = arith.cmpi eq, %add3A, %eq3A_8 : i32
    %or3A = arith.ori %eq3A_7, %eq3A_9 : i1
    %jit3A_10 = arith.constant 62 : i32
    %jit3A_11 = arith.constant 61 : i32
    %select_n3A_12 = arith.select %or3A, %jit3A_10, %jit3A_11 : i32
    %iota3A = tpu.iota {dimensions = array<i32: 0>} : vector<16xi32>
    %broadcast_in_dim3A = arith.constant 1073741824 : i32
    %broadcast_in_dim3A_13 = vector.broadcast %broadcast_in_dim3A : i32 to vector<16xi32>
    %swap3A = arith.constant 0 : index
    %swap3A_14 = tpu.vector_load %arg7[%swap3A] {strides = array<i32>} : memref<640xi32, #tpu.memory_space<vmem>>, vector<16xi32>,
    tpu.vector_store %arg7[%swap3A], %broadcast_in_dim3A_13 {strides = array<i32>} : memref<640xi32, #tpu.memory_space<vmem>>, vector<16xi32>,
    %broadcast_in_dim3A_15 = arith.constant 16384 : i32
    %broadcast_in_dim3A_16 = vector.broadcast %broadcast_in_dim3A_15 : i32 to vector<16xi32>
    %swap3A_17 = arith.constant 0 : index
    %swap3A_18 = tpu.vector_load %arg8[%swap3A_17] {strides = array<i32>} : memref<640xi32, #tpu.memory_space<vmem>>, vector<16xi32>,
    tpu.vector_store %arg8[%swap3A_17], %broadcast_in_dim3A_16 {strides = array<i32>} : memref<640xi32, #tpu.memory_space<vmem>>, vector<16xi32>,
    %broadcast_in_dim3A_19 = arith.constant 1073741824 : i32
    %broadcast_in_dim3A_20 = vector.broadcast %broadcast_in_dim3A_19 : i32 to vector<16xi32>
    %swap3A_21 = arith.constant 16 : index
    %swap3A_22 = tpu.vector_load %arg7[%swap3A_21] {strides = array<i32>} : memref<640xi32, #tpu.memory_space<vmem>>, vector<16xi32>,
    tpu.vector_store %arg7[%swap3A_21], %broadcast_in_dim3A_20 {strides = array<i32>} : memref<640xi32, #tpu.memory_space<vmem>>, vector<16xi32>,
    %broadcast_in_dim3A_23 = arith.constant 16384 : i32
    %broadcast_in_dim3A_24 = vector.broadcast %broadcast_in_dim3A_23 : i32 to vector<16xi32>
    %swap3A_25 = arith.constant 16 : index
    %swap3A_26 = tpu.vector_load %arg8[%swap3A_25] {strides = array<i32>} : memref<640xi32, #tpu.memory_space<vmem>>, vector<16xi32>,
    tpu.vector_store %arg8[%swap3A_25], %broadcast_in_dim3A_24 {strides = array<i32>} : memref<640xi32, #tpu.memory_space<vmem>>, vector<16xi32>,
    %broadcast_in_dim3A_27 = arith.constant 1073741824 : i32
    %broadcast_in_dim3A_28 = vector.broadcast %broadcast_in_dim3A_27 : i32 to vector<16xi32>
    %swap3A_29 = arith.constant 32 : index
    %swap3A_30 = tpu.vector_load %arg7[%swap3A_29] {strides = array<i32>} : memref<640xi32, #tpu.memory_space<vmem>>, vector<16xi32>,
    tpu.vector_store %arg7[%swap3A_29], %broadcast_in_dim3A_28 {strides = array<i32>} : memref<640xi32, #tpu.memory_space<vmem>>, vector<16xi32>,
    %broadcast_in_dim3A_31 = arith.constant 16384 : i32
    %broadcast_in_dim3A_32 = vector.broadcast %broadcast_in_dim3A_31 : i32 to vector<16xi32>
    %swap3A_33 = arith.constant 32 : index
    %swap3A_34 = tpu.vector_load %arg8[%swap3A_33] {strides = array<i32>} : memref<640xi32, #tpu.memory_space<vmem>>, vector<16xi32>,
    tpu.vector_store %arg8[%swap3A_33], %broadcast_in_dim3A_32 {strides = array<i32>} : memref<640xi32, #tpu.memory_space<vmem>>, vector<16xi32>,
    %broadcast_in_dim3A_35 = arith.constant 1073741824 : i32
    %broadcast_in_dim3A_36 = vector.broadcast %broadcast_in_dim3A_35 : i32 to vector<16xi32>
    %swap3A_37 = arith.constant 48 : index
    %swap3A_38 = tpu.vector_load %arg7[%swap3A_37] {strides = array<i32>} : memref<640xi32, #tpu.memory_space<vmem>>, vector<16xi32>,
    tpu.vector_store %arg7[%swap3A_37], %broadcast_in_dim3A_36 {strides = array<i32>} : memref<640xi32, #tpu.memory_space<vmem>>, vector<16xi32>,
    %broadcast_in_dim3A_39 = arith.constant 16384 : i32
    %broadcast_in_dim3A_40 = vector.broadcast %broadcast_in_dim3A_39 : i32 to vector<16xi32>
    %swap3A_41 = arith.constant 48 : index
    %swap3A_42 = tpu.vector_load %arg8[%swap3A_41] {strides = array<i32>} : memref<640xi32, #tpu.memory_space<vmem>>, vector<16xi32>,
    tpu.vector_store %arg8[%swap3A_41], %broadcast_in_dim3A_40 {strides = array<i32>} : memref<640xi32, #tpu.memory_space<vmem>>, vector<16xi32>,
    %broadcast_in_dim3A_43 = arith.constant 1073741824 : i32
    %broadcast_in_dim3A_44 = vector.broadcast %broadcast_in_dim3A_43 : i32 to vector<16xi32>
    %swap3A_45 = arith.constant 64 : index
    %swap3A_46 = tpu.vector_load %arg7[%swap3A_45] {strides = array<i32>} : memref<640xi32, #tpu.memory_space<vmem>>, vector<16xi32>,
    tpu.vector_store %arg7[%swap3A_45], %broadcast_in_dim3A_44 {strides = array<i32>} : memref<640xi32, #tpu.memory_space<vmem>>, vector<16xi32>,
    %broadcast_in_dim3A_47 = arith.constant 16384 : i32
    %broadcast_in_dim3A_48 = vector.broadcast %broadcast_in_dim3A_47 : i32 to vector<16xi32>
    %swap3A_49 = arith.constant 64 : index
    %swap3A_50 = tpu.vector_load %arg8[%swap3A_49] {strides = array<i32>} : memref<640xi32, #tpu.memory_space<vmem>>, vector<16xi32>,
    tpu.vector_store %arg8[%swap3A_49], %broadcast_in_dim3A_48 {strides = array<i32>} : memref<640xi32, #tpu.memory_space<vmem>>, vector<16xi32>,
    %broadcast_in_dim3A_51 = arith.constant 1073741824 : i32
    %broadcast_in_dim3A_52 = vector.broadcast %broadcast_in_dim3A_51 : i32 to vector<16xi32>
    %swap3A_53 = arith.constant 80 : index
    %swap3A_54 = tpu.vector_load %arg7[%swap3A_53] {strides = array<i32>} : memref<640xi32, #tpu.memory_space<vmem>>, vector<16xi32>,
    tpu.vector_store %arg7[%swap3A_53], %broadcast_in_dim3A_52 {strides = array<i32>} : memref<640xi32, #tpu.memory_space<vmem>>, vector<16xi32>,
    %broadcast_in_dim3A_55 = arith.constant 16384 : i32
    %broadcast_in_dim3A_56 = vector.broadcast %broadcast_in_dim3A_55 : i32 to vector<16xi32>
    %swap3A_57 = arith.constant 80 : index
    %swap3A_58 = tpu.vector_load %arg8[%swap3A_57] {strides = array<i32>} : memref<640xi32, #tpu.memory_space<vmem>>, vector<16xi32>,
    tpu.vector_store %arg8[%swap3A_57], %broadcast_in_dim3A_56 {strides = array<i32>} : memref<640xi32, #tpu.memory_space<vmem>>, vector<16xi32>,
    %broadcast_in_dim3A_59 = arith.constant 1073741824 : i32
    %broadcast_in_dim3A_60 = vector.broadcast %broadcast_in_dim3A_59 : i32 to vector<16xi32>
    %swap3A_61 = arith.constant 96 : index
    %swap3A_62 = tpu.vector_load %arg7[%swap3A_61] {strides = array<i32>} : memref<640xi32, #tpu.memory_space<vmem>>, vector<16xi32>,
    tpu.vector_store %arg7[%swap3A_61], %broadcast_in_dim3A_60 {strides = array<i32>} : memref<640xi32, #tpu.memory_space<vmem>>, vector<16xi32>,
    %broadcast_in_dim3A_63 = arith.constant 16384 : i32
    %broadcast_in_dim3A_64 = vector.broadcast %broadcast_in_dim3A_63 : i32 to vector<16xi32>
    %swap3A_65 = arith.constant 96 : index
    %swap3A_66 = tpu.vector_load %arg8[%swap3A_65] {strides = array<i32>} : memref<640xi32, #tpu.memory_space<vmem>>, vector<16xi32>,
    tpu.vector_store %arg8[%swap3A_65], %broadcast_in_dim3A_64 {strides = array<i32>} : memref<640xi32, #tpu.memory_space<vmem>>, vector<16xi32>,
    %broadcast_in_dim3A_67 = arith.constant 1073741824 : i32
    %broadcast_in_dim3A_68 = vector.broadcast %broadcast_in_dim3A_67 : i32 to vector<16xi32>
    %swap3A_69 = arith.constant 112 : index
    %swap3A_70 = tpu.vector_load %arg7[%swap3A_69] {strides = array<i32>} : memref<640xi32, #tpu.memory_space<vmem>>, vector<16xi32>,
    tpu.vector_store %arg7[%swap3A_69], %broadcast_in_dim3A_68 {strides = array<i32>} : memref<640xi32, #tpu.memory_space<vmem>>, vector<16xi32>,
    %broadcast_in_dim3A_71 = arith.constant 16384 : i32
    %broadcast_in_dim3A_72 = vector.broadcast %broadcast_in_dim3A_71 : i32 to vector<16xi32>
    %swap3A_73 = arith.constant 112 : index
    %swap3A_74 = tpu.vector_load %arg8[%swap3A_73] {strides = array<i32>} : memref<640xi32, #tpu.memory_space<vmem>>, vector<16xi32>,
    tpu.vector_store %arg8[%swap3A_73], %broadcast_in_dim3A_72 {strides = array<i32>} : memref<640xi32, #tpu.memory_space<vmem>>, vector<16xi32>,
    %broadcast_in_dim3A_75 = arith.constant 1073741824 : i32
    %broadcast_in_dim3A_76 = vector.broadcast %broadcast_in_dim3A_75 : i32 to vector<16xi32>
    %swap3A_77 = arith.constant 128 : index
    %swap3A_78 = tpu.vector_load %arg7[%swap3A_77] {strides = array<i32>} : memref<640xi32, #tpu.memory_space<vmem>>, vector<16xi32>,
    tpu.vector_store %arg7[%swap3A_77], %broadcast_in_dim3A_76 {strides = array<i32>} : memref<640xi32, #tpu.memory_space<vmem>>, vector<16xi32>,
    %broadcast_in_dim3A_79 = arith.constant 16384 : i32
    %broadcast_in_dim3A_80 = vector.broadcast %broadcast_in_dim3A_79 : i32 to vector<16xi32>
    %swap3A_81 = arith.constant 128 : index
    %swap3A_82 = tpu.vector_load %arg8[%swap3A_81] {strides = array<i32>} : memref<640xi32, #tpu.memory_space<vmem>>, vector<16xi32>,
    tpu.vector_store %arg8[%swap3A_81], %broadcast_in_dim3A_80 {strides = array<i32>} : memref<640xi32, #tpu.memory_space<vmem>>, vector<16xi32>,
    %broadcast_in_dim3A_83 = arith.constant 1073741824 : i32
    %broadcast_in_dim3A_84 = vector.broadcast %broadcast_in_dim3A_83 : i32 to vector<16xi32>
    %swap3A_85 = arith.constant 144 : index
    %swap3A_86 = tpu.vector_load %arg7[%swap3A_85] {strides = array<i32>} : memref<640xi32, #tpu.memory_space<vmem>>, vector<16xi32>,
    tpu.vector_store %arg7[%swap3A_85], %broadcast_in_dim3A_84 {strides = array<i32>} : memref<640xi32, #tpu.memory_space<vmem>>, vector<16xi32>,
    %broadcast_in_dim3A_87 = arith.constant 16384 : i32
    %broadcast_in_dim3A_88 = vector.broadcast %broadcast_in_dim3A_87 : i32 to vector<16xi32>
    %swap3A_89 = arith.constant 144 : index
    %swap3A_90 = tpu.vector_load %arg8[%swap3A_89] {strides = array<i32>} : memref<640xi32, #tpu.memory_space<vmem>>, vector<16xi32>,
    tpu.vector_store %arg8[%swap3A_89], %broadcast_in_dim3A_88 {strides = array<i32>} : memref<640xi32, #tpu.memory_space<vmem>>, vector<16xi32>,
    %broadcast_in_dim3A_91 = arith.constant 1073741824 : i32
    %broadcast_in_dim3A_92 = vector.broadcast %broadcast_in_dim3A_91 : i32 to vector<16xi32>
    %swap3A_93 = arith.constant 160 : index
    %swap3A_94 = tpu.vector_load %arg7[%swap3A_93] {strides = array<i32>} : memref<640xi32, #tpu.memory_space<vmem>>, vector<16xi32>,
    tpu.vector_store %arg7[%swap3A_93], %broadcast_in_dim3A_92 {strides = array<i32>} : memref<640xi32, #tpu.memory_space<vmem>>, vector<16xi32>,
    %broadcast_in_dim3A_95 = arith.constant 16384 : i32
    %broadcast_in_dim3A_96 = vector.broadcast %broadcast_in_dim3A_95 : i32 to vector<16xi32>
    %swap3A_97 = arith.constant 160 : index
    %swap3A_98 = tpu.vector_load %arg8[%swap3A_97] {strides = array<i32>} : memref<640xi32, #tpu.memory_space<vmem>>, vector<16xi32>,
    tpu.vector_store %arg8[%swap3A_97], %broadcast_in_dim3A_96 {strides = array<i32>} : memref<640xi32, #tpu.memory_space<vmem>>, vector<16xi32>,
    %broadcast_in_dim3A_99 = arith.constant 1073741824 : i32
    %broadcast_in_dim3A_100 = vector.broadcast %broadcast_in_dim3A_99 : i32 to vector<16xi32>
    %swap3A_101 = arith.constant 176 : index
    %swap3A_102 = tpu.vector_load %arg7[%swap3A_101] {strides = array<i32>} : memref<640xi32, #tpu.memory_space<vmem>>, vector<16xi32>,
    tpu.vector_store %arg7[%swap3A_101], %broadcast_in_dim3A_100 {strides = array<i32>} : memref<640xi32, #tpu.memory_space<vmem>>, vector<16xi32>,
    %broadcast_in_dim3A_103 = arith.constant 16384 : i32
    %broadcast_in_dim3A_104 = vector.broadcast %broadcast_in_dim3A_103 : i32 to vector<16xi32>
    %swap3A_105 = arith.constant 176 : index
    %swap3A_106 = tpu.vector_load %arg8[%swap3A_105] {strides = array<i32>} : memref<640xi32, #tpu.memory_space<vmem>>, vector<16xi32>,
    tpu.vector_store %arg8[%swap3A_105], %broadcast_in_dim3A_104 {strides = array<i32>} : memref<640xi32, #tpu.memory_space<vmem>>, vector<16xi32>,
    %broadcast_in_dim3A_107 = arith.constant 1073741824 : i32
    %broadcast_in_dim3A_108 = vector.broadcast %broadcast_in_dim3A_107 : i32 to vector<16xi32>
    %swap3A_109 = arith.constant 192 : index
    %swap3A_110 = tpu.vector_load %arg7[%swap3A_109] {strides = array<i32>} : memref<640xi32, #tpu.memory_space<vmem>>, vector<16xi32>,
    tpu.vector_store %arg7[%swap3A_109], %broadcast_in_dim3A_108 {strides = array<i32>} : memref<640xi32, #tpu.memory_space<vmem>>, vector<16xi32>,
    %broadcast_in_dim3A_111 = arith.constant 16384 : i32
    %broadcast_in_dim3A_112 = vector.broadcast %broadcast_in_dim3A_111 : i32 to vector<16xi32>
    %swap3A_113 = arith.constant 192 : index
    %swap3A_114 = tpu.vector_load %arg8[%swap3A_113] {strides = array<i32>} : memref<640xi32, #tpu.memory_space<vmem>>, vector<16xi32>,
    tpu.vector_store %arg8[%swap3A_113], %broadcast_in_dim3A_112 {strides = array<i32>} : memref<640xi32, #tpu.memory_space<vmem>>, vector<16xi32>,
    %broadcast_in_dim3A_115 = arith.constant 1073741824 : i32
    %broadcast_in_dim3A_116 = vector.broadcast %broadcast_in_dim3A_115 : i32 to vector<16xi32>
    %swap3A_117 = arith.constant 208 : index
    %swap3A_118 = tpu.vector_load %arg7[%swap3A_117] {strides = array<i32>} : memref<640xi32, #tpu.memory_space<vmem>>, vector<16xi32>,
    tpu.vector_store %arg7[%swap3A_117], %broadcast_in_dim3A_116 {strides = array<i32>} : memref<640xi32, #tpu.memory_space<vmem>>, vector<16xi32>,
    %broadcast_in_dim3A_119 = arith.constant 16384 : i32
    %broadcast_in_dim3A_120 = vector.broadcast %broadcast_in_dim3A_119 : i32 to vector<16xi32>
    %swap3A_121 = arith.constant 208 : index
    %swap3A_122 = tpu.vector_load %arg8[%swap3A_121] {strides = array<i32>} : memref<640xi32, #tpu.memory_space<vmem>>, vector<16xi32>,
    tpu.vector_store %arg8[%swap3A_121], %broadcast_in_dim3A_120 {strides = array<i32>} : memref<640xi32, #tpu.memory_space<vmem>>, vector<16xi32>,
    %broadcast_in_dim3A_123 = arith.constant 1073741824 : i32
    %broadcast_in_dim3A_124 = vector.broadcast %broadcast_in_dim3A_123 : i32 to vector<16xi32>
    %swap3A_125 = arith.constant 224 : index
    %swap3A_126 = tpu.vector_load %arg7[%swap3A_125] {strides = array<i32>} : memref<640xi32, #tpu.memory_space<vmem>>, vector<16xi32>,
    tpu.vector_store %arg7[%swap3A_125], %broadcast_in_dim3A_124 {strides = array<i32>} : memref<640xi32, #tpu.memory_space<vmem>>, vector<16xi32>,
    %broadcast_in_dim3A_127 = arith.constant 16384 : i32
    %broadcast_in_dim3A_128 = vector.broadcast %broadcast_in_dim3A_127 : i32 to vector<16xi32>
    %swap3A_129 = arith.constant 224 : index
    %swap3A_130 = tpu.vector_load %arg8[%swap3A_129] {strides = array<i32>} : memref<640xi32, #tpu.memory_space<vmem>>, vector<16xi32>,
    tpu.vector_store %arg8[%swap3A_129], %broadcast_in_dim3A_128 {strides = array<i32>} : memref<640xi32, #tpu.memory_space<vmem>>, vector<16xi32>,
    %broadcast_in_dim3A_131 = arith.constant 1073741824 : i32
    %broadcast_in_dim3A_132 = vector.broadcast %broadcast_in_dim3A_131 : i32 to vector<16xi32>
    %swap3A_133 = arith.constant 240 : index
    %swap3A_134 = tpu.vector_load %arg7[%swap3A_133] {strides = array<i32>} : memref<640xi32, #tpu.memory_space<vmem>>, vector<16xi32>,
    tpu.vector_store %arg7[%swap3A_133], %broadcast_in_dim3A_132 {strides = array<i32>} : memref<640xi32, #tpu.memory_space<vmem>>, vector<16xi32>,
    %broadcast_in_dim3A_135 = arith.constant 16384 : i32
    %broadcast_in_dim3A_136 = vector.broadcast %broadcast_in_dim3A_135 : i32 to vector<16xi32>
    %swap3A_137 = arith.constant 240 : index
    %swap3A_138 = tpu.vector_load %arg8[%swap3A_137] {strides = array<i32>} : memref<640xi32, #tpu.memory_space<vmem>>, vector<16xi32>,
    tpu.vector_store %arg8[%swap3A_137], %broadcast_in_dim3A_136 {strides = array<i32>} : memref<640xi32, #tpu.memory_space<vmem>>, vector<16xi32>,
    %broadcast_in_dim3A_139 = arith.constant 1073741824 : i32
    %broadcast_in_dim3A_140 = vector.broadcast %broadcast_in_dim3A_139 : i32 to vector<16xi32>
    %swap3A_141 = arith.constant 256 : index
    %swap3A_142 = tpu.vector_load %arg7[%swap3A_141] {strides = array<i32>} : memref<640xi32, #tpu.memory_space<vmem>>, vector<16xi32>,
    tpu.vector_store %arg7[%swap3A_141], %broadcast_in_dim3A_140 {strides = array<i32>} : memref<640xi32, #tpu.memory_space<vmem>>, vector<16xi32>,
    %broadcast_in_dim3A_143 = arith.constant 16384 : i32
    %broadcast_in_dim3A_144 = vector.broadcast %broadcast_in_dim3A_143 : i32 to vector<16xi32>
    %swap3A_145 = arith.constant 256 : index
    %swap3A_146 = tpu.vector_load %arg8[%swap3A_145] {strides = array<i32>} : memref<640xi32, #tpu.memory_space<vmem>>, vector<16xi32>,
    tpu.vector_store %arg8[%swap3A_145], %broadcast_in_dim3A_144 {strides = array<i32>} : memref<640xi32, #tpu.memory_space<vmem>>, vector<16xi32>,
    %broadcast_in_dim3A_147 = arith.constant 1073741824 : i32
    %broadcast_in_dim3A_148 = vector.broadcast %broadcast_in_dim3A_147 : i32 to vector<16xi32>
    %swap3A_149 = arith.constant 272 : index
    %swap3A_150 = tpu.vector_load %arg7[%swap3A_149] {strides = array<i32>} : memref<640xi32, #tpu.memory_space<vmem>>, vector<16xi32>,
    tpu.vector_store %arg7[%swap3A_149], %broadcast_in_dim3A_148 {strides = array<i32>} : memref<640xi32, #tpu.memory_space<vmem>>, vector<16xi32>,
    %broadcast_in_dim3A_151 = arith.constant 16384 : i32
    %broadcast_in_dim3A_152 = vector.broadcast %broadcast_in_dim3A_151 : i32 to vector<16xi32>
    %swap3A_153 = arith.constant 272 : index
    %swap3A_154 = tpu.vector_load %arg8[%swap3A_153] {strides = array<i32>} : memref<640xi32, #tpu.memory_space<vmem>>, vector<16xi32>,
    tpu.vector_store %arg8[%swap3A_153], %broadcast_in_dim3A_152 {strides = array<i32>} : memref<640xi32, #tpu.memory_space<vmem>>, vector<16xi32>,
    %broadcast_in_dim3A_155 = arith.constant 1073741824 : i32
    %broadcast_in_dim3A_156 = vector.broadcast %broadcast_in_dim3A_155 : i32 to vector<16xi32>
    %swap3A_157 = arith.constant 288 : index
    %swap3A_158 = tpu.vector_load %arg7[%swap3A_157] {strides = array<i32>} : memref<640xi32, #tpu.memory_space<vmem>>, vector<16xi32>,
    tpu.vector_store %arg7[%swap3A_157], %broadcast_in_dim3A_156 {strides = array<i32>} : memref<640xi32, #tpu.memory_space<vmem>>, vector<16xi32>,
    %broadcast_in_dim3A_159 = arith.constant 16384 : i32
    %broadcast_in_dim3A_160 = vector.broadcast %broadcast_in_dim3A_159 : i32 to vector<16xi32>
    %swap3A_161 = arith.constant 288 : index
    %swap3A_162 = tpu.vector_load %arg8[%swap3A_161] {strides = array<i32>} : memref<640xi32, #tpu.memory_space<vmem>>, vector<16xi32>,
    tpu.vector_store %arg8[%swap3A_161], %broadcast_in_dim3A_160 {strides = array<i32>} : memref<640xi32, #tpu.memory_space<vmem>>, vector<16xi32>,
    %broadcast_in_dim3A_163 = arith.constant 1073741824 : i32
    %broadcast_in_dim3A_164 = vector.broadcast %broadcast_in_dim3A_163 : i32 to vector<16xi32>
    %swap3A_165 = arith.constant 304 : index
    %swap3A_166 = tpu.vector_load %arg7[%swap3A_165] {strides = array<i32>} : memref<640xi32, #tpu.memory_space<vmem>>, vector<16xi32>,
    tpu.vector_store %arg7[%swap3A_165], %broadcast_in_dim3A_164 {strides = array<i32>} : memref<640xi32, #tpu.memory_space<vmem>>, vector<16xi32>,
    %broadcast_in_dim3A_167 = arith.constant 16384 : i32
    %broadcast_in_dim3A_168 = vector.broadcast %broadcast_in_dim3A_167 : i32 to vector<16xi32>
    %swap3A_169 = arith.constant 304 : index
    %swap3A_170 = tpu.vector_load %arg8[%swap3A_169] {strides = array<i32>} : memref<640xi32, #tpu.memory_space<vmem>>, vector<16xi32>,
    tpu.vector_store %arg8[%swap3A_169], %broadcast_in_dim3A_168 {strides = array<i32>} : memref<640xi32, #tpu.memory_space<vmem>>, vector<16xi32>,
    %broadcast_in_dim3A_171 = arith.constant 1073741824 : i32
    %broadcast_in_dim3A_172 = vector.broadcast %broadcast_in_dim3A_171 : i32 to vector<16xi32>
    %swap3A_173 = arith.constant 320 : index
    %swap3A_174 = tpu.vector_load %arg7[%swap3A_173] {strides = array<i32>} : memref<640xi32, #tpu.memory_space<vmem>>, vector<16xi32>,
    tpu.vector_store %arg7[%swap3A_173], %broadcast_in_dim3A_172 {strides = array<i32>} : memref<640xi32, #tpu.memory_space<vmem>>, vector<16xi32>,
    %broadcast_in_dim3A_175 = arith.constant 16384 : i32
    %broadcast_in_dim3A_176 = vector.broadcast %broadcast_in_dim3A_175 : i32 to vector<16xi32>
    %swap3A_177 = arith.constant 320 : index
    %swap3A_178 = tpu.vector_load %arg8[%swap3A_177] {strides = array<i32>} : memref<640xi32, #tpu.memory_space<vmem>>, vector<16xi32>,
    tpu.vector_store %arg8[%swap3A_177], %broadcast_in_dim3A_176 {strides = array<i32>} : memref<640xi32, #tpu.memory_space<vmem>>, vector<16xi32>,
    %broadcast_in_dim3A_179 = arith.constant 1073741824 : i32
    %broadcast_in_dim3A_180 = vector.broadcast %broadcast_in_dim3A_179 : i32 to vector<16xi32>
    %swap3A_181 = arith.constant 336 : index
    %swap3A_182 = tpu.vector_load %arg7[%swap3A_181] {strides = array<i32>} : memref<640xi32, #tpu.memory_space<vmem>>, vector<16xi32>,
    tpu.vector_store %arg7[%swap3A_181], %broadcast_in_dim3A_180 {strides = array<i32>} : memref<640xi32, #tpu.memory_space<vmem>>, vector<16xi32>,
    %broadcast_in_dim3A_183 = arith.constant 16384 : i32
    %broadcast_in_dim3A_184 = vector.broadcast %broadcast_in_dim3A_183 : i32 to vector<16xi32>
    %swap3A_185 = arith.constant 336 : index
    %swap3A_186 = tpu.vector_load %arg8[%swap3A_185] {strides = array<i32>} : memref<640xi32, #tpu.memory_space<vmem>>, vector<16xi32>,
    tpu.vector_store %arg8[%swap3A_185], %broadcast_in_dim3A_184 {strides = array<i32>} : memref<640xi32, #tpu.memory_space<vmem>>, vector<16xi32>,
    %broadcast_in_dim3A_187 = arith.constant 1073741824 : i32
    %broadcast_in_dim3A_188 = vector.broadcast %broadcast_in_dim3A_187 : i32 to vector<16xi32>
    %swap3A_189 = arith.constant 352 : index
    %swap3A_190 = tpu.vector_load %arg7[%swap3A_189] {strides = array<i32>} : memref<640xi32, #tpu.memory_space<vmem>>, vector<16xi32>,
    tpu.vector_store %arg7[%swap3A_189], %broadcast_in_dim3A_188 {strides = array<i32>} : memref<640xi32, #tpu.memory_space<vmem>>, vector<16xi32>,
    %broadcast_in_dim3A_191 = arith.constant 16384 : i32
    %broadcast_in_dim3A_192 = vector.broadcast %broadcast_in_dim3A_191 : i32 to vector<16xi32>
    %swap3A_193 = arith.constant 352 : index
    %swap3A_194 = tpu.vector_load %arg8[%swap3A_193] {strides = array<i32>} : memref<640xi32, #tpu.memory_space<vmem>>, vector<16xi32>,
    tpu.vector_store %arg8[%swap3A_193], %broadcast_in_dim3A_192 {strides = array<i32>} : memref<640xi32, #tpu.memory_space<vmem>>, vector<16xi32>,
    %broadcast_in_dim3A_195 = arith.constant 1073741824 : i32
    %broadcast_in_dim3A_196 = vector.broadcast %broadcast_in_dim3A_195 : i32 to vector<16xi32>
    %swap3A_197 = arith.constant 368 : index
    %swap3A_198 = tpu.vector_load %arg7[%swap3A_197] {strides = array<i32>} : memref<640xi32, #tpu.memory_space<vmem>>, vector<16xi32>,
    tpu.vector_store %arg7[%swap3A_197], %broadcast_in_dim3A_196 {strides = array<i32>} : memref<640xi32, #tpu.memory_space<vmem>>, vector<16xi32>,
    %broadcast_in_dim3A_199 = arith.constant 16384 : i32
    %broadcast_in_dim3A_200 = vector.broadcast %broadcast_in_dim3A_199 : i32 to vector<16xi32>
    %swap3A_201 = arith.constant 368 : index
    %swap3A_202 = tpu.vector_load %arg8[%swap3A_201] {strides = array<i32>} : memref<640xi32, #tpu.memory_space<vmem>>, vector<16xi32>,
    tpu.vector_store %arg8[%swap3A_201], %broadcast_in_dim3A_200 {strides = array<i32>} : memref<640xi32, #tpu.memory_space<vmem>>, vector<16xi32>,
    %broadcast_in_dim3A_203 = arith.constant 1073741824 : i32
    %broadcast_in_dim3A_204 = vector.broadcast %broadcast_in_dim3A_203 : i32 to vector<16xi32>
    %swap3A_205 = arith.constant 384 : index
    %swap3A_206 = tpu.vector_load %arg7[%swap3A_205] {strides = array<i32>} : memref<640xi32, #tpu.memory_space<vmem>>, vector<16xi32>,
    tpu.vector_store %arg7[%swap3A_205], %broadcast_in_dim3A_204 {strides = array<i32>} : memref<640xi32, #tpu.memory_space<vmem>>, vector<16xi32>,
    %broadcast_in_dim3A_207 = arith.constant 16384 : i32
    %broadcast_in_dim3A_208 = vector.broadcast %broadcast_in_dim3A_207 : i32 to vector<16xi32>
    %swap3A_209 = arith.constant 384 : index
    %swap3A_210 = tpu.vector_load %arg8[%swap3A_209] {strides = array<i32>} : memref<640xi32, #tpu.memory_space<vmem>>, vector<16xi32>,
    tpu.vector_store %arg8[%swap3A_209], %broadcast_in_dim3A_208 {strides = array<i32>} : memref<640xi32, #tpu.memory_space<vmem>>, vector<16xi32>,
    %broadcast_in_dim3A_211 = arith.constant 1073741824 : i32
    %broadcast_in_dim3A_212 = vector.broadcast %broadcast_in_dim3A_211 : i32 to vector<16xi32>
    %swap3A_213 = arith.constant 400 : index
    %swap3A_214 = tpu.vector_load %arg7[%swap3A_213] {strides = array<i32>} : memref<640xi32, #tpu.memory_space<vmem>>, vector<16xi32>,
    tpu.vector_store %arg7[%swap3A_213], %broadcast_in_dim3A_212 {strides = array<i32>} : memref<640xi32, #tpu.memory_space<vmem>>, vector<16xi32>,
    %broadcast_in_dim3A_215 = arith.constant 16384 : i32
    %broadcast_in_dim3A_216 = vector.broadcast %broadcast_in_dim3A_215 : i32 to vector<16xi32>
    %swap3A_217 = arith.constant 400 : index
    %swap3A_218 = tpu.vector_load %arg8[%swap3A_217] {strides = array<i32>} : memref<640xi32, #tpu.memory_space<vmem>>, vector<16xi32>,
    tpu.vector_store %arg8[%swap3A_217], %broadcast_in_dim3A_216 {strides = array<i32>} : memref<640xi32, #tpu.memory_space<vmem>>, vector<16xi32>,
    %broadcast_in_dim3A_219 = arith.constant 1073741824 : i32
    %broadcast_in_dim3A_220 = vector.broadcast %broadcast_in_dim3A_219 : i32 to vector<16xi32>
    %swap3A_221 = arith.constant 416 : index
    %swap3A_222 = tpu.vector_load %arg7[%swap3A_221] {strides = array<i32>} : memref<640xi32, #tpu.memory_space<vmem>>, vector<16xi32>,
    tpu.vector_store %arg7[%swap3A_221], %broadcast_in_dim3A_220 {strides = array<i32>} : memref<640xi32, #tpu.memory_space<vmem>>, vector<16xi32>,
    %broadcast_in_dim3A_223 = arith.constant 16384 : i32
    %broadcast_in_dim3A_224 = vector.broadcast %broadcast_in_dim3A_223 : i32 to vector<16xi32>
    %swap3A_225 = arith.constant 416 : index
    %swap3A_226 = tpu.vector_load %arg8[%swap3A_225] {strides = array<i32>} : memref<640xi32, #tpu.memory_space<vmem>>, vector<16xi32>,
    tpu.vector_store %arg8[%swap3A_225], %broadcast_in_dim3A_224 {strides = array<i32>} : memref<640xi32, #tpu.memory_space<vmem>>, vector<16xi32>,
    %broadcast_in_dim3A_227 = arith.constant 1073741824 : i32
    %broadcast_in_dim3A_228 = vector.broadcast %broadcast_in_dim3A_227 : i32 to vector<16xi32>
    %swap3A_229 = arith.constant 432 : index
    %swap3A_230 = tpu.vector_load %arg7[%swap3A_229] {strides = array<i32>} : memref<640xi32, #tpu.memory_space<vmem>>, vector<16xi32>,
    tpu.vector_store %arg7[%swap3A_229], %broadcast_in_dim3A_228 {strides = array<i32>} : memref<640xi32, #tpu.memory_space<vmem>>, vector<16xi32>,
    %broadcast_in_dim3A_231 = arith.constant 16384 : i32
    %broadcast_in_dim3A_232 = vector.broadcast %broadcast_in_dim3A_231 : i32 to vector<16xi32>
    %swap3A_233 = arith.constant 432 : index
    %swap3A_234 = tpu.vector_load %arg8[%swap3A_233] {strides = array<i32>} : memref<640xi32, #tpu.memory_space<vmem>>, vector<16xi32>,
    tpu.vector_store %arg8[%swap3A_233], %broadcast_in_dim3A_232 {strides = array<i32>} : memref<640xi32, #tpu.memory_space<vmem>>, vector<16xi32>,
    %broadcast_in_dim3A_235 = arith.constant 1073741824 : i32
    %broadcast_in_dim3A_236 = vector.broadcast %broadcast_in_dim3A_235 : i32 to vector<16xi32>
    %swap3A_237 = arith.constant 448 : index
    %swap3A_238 = tpu.vector_load %arg7[%swap3A_237] {strides = array<i32>} : memref<640xi32, #tpu.memory_space<vmem>>, vector<16xi32>,
    tpu.vector_store %arg7[%swap3A_237], %broadcast_in_dim3A_236 {strides = array<i32>} : memref<640xi32, #tpu.memory_space<vmem>>, vector<16xi32>,
    %broadcast_in_dim3A_239 = arith.constant 16384 : i32
    %broadcast_in_dim3A_240 = vector.broadcast %broadcast_in_dim3A_239 : i32 to vector<16xi32>
    %swap3A_241 = arith.constant 448 : index
    %swap3A_242 = tpu.vector_load %arg8[%swap3A_241] {strides = array<i32>} : memref<640xi32, #tpu.memory_space<vmem>>, vector<16xi32>,
    tpu.vector_store %arg8[%swap3A_241], %broadcast_in_dim3A_240 {strides = array<i32>} : memref<640xi32, #tpu.memory_space<vmem>>, vector<16xi32>,
    %broadcast_in_dim3A_243 = arith.constant 1073741824 : i32
    %broadcast_in_dim3A_244 = vector.broadcast %broadcast_in_dim3A_243 : i32 to vector<16xi32>
    %swap3A_245 = arith.constant 464 : index
    %swap3A_246 = tpu.vector_load %arg7[%swap3A_245] {strides = array<i32>} : memref<640xi32, #tpu.memory_space<vmem>>, vector<16xi32>,
    tpu.vector_store %arg7[%swap3A_245], %broadcast_in_dim3A_244 {strides = array<i32>} : memref<640xi32, #tpu.memory_space<vmem>>, vector<16xi32>,
    %broadcast_in_dim3A_247 = arith.constant 16384 : i32
    %broadcast_in_dim3A_248 = vector.broadcast %broadcast_in_dim3A_247 : i32 to vector<16xi32>
    %swap3A_249 = arith.constant 464 : index
    %swap3A_250 = tpu.vector_load %arg8[%swap3A_249] {strides = array<i32>} : memref<640xi32, #tpu.memory_space<vmem>>, vector<16xi32>,
    tpu.vector_store %arg8[%swap3A_249], %broadcast_in_dim3A_248 {strides = array<i32>} : memref<640xi32, #tpu.memory_space<vmem>>, vector<16xi32>,
    %broadcast_in_dim3A_251 = arith.constant 1073741824 : i32
    %broadcast_in_dim3A_252 = vector.broadcast %broadcast_in_dim3A_251 : i32 to vector<16xi32>
    %swap3A_253 = arith.constant 480 : index
    %swap3A_254 = tpu.vector_load %arg7[%swap3A_253] {strides = array<i32>} : memref<640xi32, #tpu.memory_space<vmem>>, vector<16xi32>,
    tpu.vector_store %arg7[%swap3A_253], %broadcast_in_dim3A_252 {strides = array<i32>} : memref<640xi32, #tpu.memory_space<vmem>>, vector<16xi32>,
    %broadcast_in_dim3A_255 = arith.constant 16384 : i32
    %broadcast_in_dim3A_256 = vector.broadcast %broadcast_in_dim3A_255 : i32 to vector<16xi32>
    %swap3A_257 = arith.constant 480 : index
    %swap3A_258 = tpu.vector_load %arg8[%swap3A_257] {strides = array<i32>} : memref<640xi32, #tpu.memory_space<vmem>>, vector<16xi32>,
    tpu.vector_store %arg8[%swap3A_257], %broadcast_in_dim3A_256 {strides = array<i32>} : memref<640xi32, #tpu.memory_space<vmem>>, vector<16xi32>,
    %broadcast_in_dim3A_259 = arith.constant 1073741824 : i32
    %broadcast_in_dim3A_260 = vector.broadcast %broadcast_in_dim3A_259 : i32 to vector<16xi32>
    %swap3A_261 = arith.constant 496 : index
    %swap3A_262 = tpu.vector_load %arg7[%swap3A_261] {strides = array<i32>} : memref<640xi32, #tpu.memory_space<vmem>>, vector<16xi32>,
    tpu.vector_store %arg7[%swap3A_261], %broadcast_in_dim3A_260 {strides = array<i32>} : memref<640xi32, #tpu.memory_space<vmem>>, vector<16xi32>,
    %broadcast_in_dim3A_263 = arith.constant 16384 : i32
    %broadcast_in_dim3A_264 = vector.broadcast %broadcast_in_dim3A_263 : i32 to vector<16xi32>
    %swap3A_265 = arith.constant 496 : index
    %swap3A_266 = tpu.vector_load %arg8[%swap3A_265] {strides = array<i32>} : memref<640xi32, #tpu.memory_space<vmem>>, vector<16xi32>,
    tpu.vector_store %arg8[%swap3A_265], %broadcast_in_dim3A_264 {strides = array<i32>} : memref<640xi32, #tpu.memory_space<vmem>>, vector<16xi32>,
    %broadcast_in_dim3A_267 = arith.constant 1073741824 : i32
    %broadcast_in_dim3A_268 = vector.broadcast %broadcast_in_dim3A_267 : i32 to vector<16xi32>
    %swap3A_269 = arith.constant 512 : index
    %swap3A_270 = tpu.vector_load %arg7[%swap3A_269] {strides = array<i32>} : memref<640xi32, #tpu.memory_space<vmem>>, vector<16xi32>,
    tpu.vector_store %arg7[%swap3A_269], %broadcast_in_dim3A_268 {strides = array<i32>} : memref<640xi32, #tpu.memory_space<vmem>>, vector<16xi32>,
    %broadcast_in_dim3A_271 = arith.constant 16384 : i32
    %broadcast_in_dim3A_272 = vector.broadcast %broadcast_in_dim3A_271 : i32 to vector<16xi32>
    %swap3A_273 = arith.constant 512 : index
    %swap3A_274 = tpu.vector_load %arg8[%swap3A_273] {strides = array<i32>} : memref<640xi32, #tpu.memory_space<vmem>>, vector<16xi32>,
    tpu.vector_store %arg8[%swap3A_273], %broadcast_in_dim3A_272 {strides = array<i32>} : memref<640xi32, #tpu.memory_space<vmem>>, vector<16xi32>,
    %broadcast_in_dim3A_275 = arith.constant 1073741824 : i32
    %broadcast_in_dim3A_276 = vector.broadcast %broadcast_in_dim3A_275 : i32 to vector<16xi32>
    %swap3A_277 = arith.constant 528 : index
    %swap3A_278 = tpu.vector_load %arg7[%swap3A_277] {strides = array<i32>} : memref<640xi32, #tpu.memory_space<vmem>>, vector<16xi32>,
    tpu.vector_store %arg7[%swap3A_277], %broadcast_in_dim3A_276 {strides = array<i32>} : memref<640xi32, #tpu.memory_space<vmem>>, vector<16xi32>,
    %broadcast_in_dim3A_279 = arith.constant 16384 : i32
    %broadcast_in_dim3A_280 = vector.broadcast %broadcast_in_dim3A_279 : i32 to vector<16xi32>
    %swap3A_281 = arith.constant 528 : index
    %swap3A_282 = tpu.vector_load %arg8[%swap3A_281] {strides = array<i32>} : memref<640xi32, #tpu.memory_space<vmem>>, vector<16xi32>,
    tpu.vector_store %arg8[%swap3A_281], %broadcast_in_dim3A_280 {strides = array<i32>} : memref<640xi32, #tpu.memory_space<vmem>>, vector<16xi32>,
    %broadcast_in_dim3A_283 = arith.constant 1073741824 : i32
    %broadcast_in_dim3A_284 = vector.broadcast %broadcast_in_dim3A_283 : i32 to vector<16xi32>
    %swap3A_285 = arith.constant 544 : index
    %swap3A_286 = tpu.vector_load %arg7[%swap3A_285] {strides = array<i32>} : memref<640xi32, #tpu.memory_space<vmem>>, vector<16xi32>,
    tpu.vector_store %arg7[%swap3A_285], %broadcast_in_dim3A_284 {strides = array<i32>} : memref<640xi32, #tpu.memory_space<vmem>>, vector<16xi32>,
    %broadcast_in_dim3A_287 = arith.constant 16384 : i32
    %broadcast_in_dim3A_288 = vector.broadcast %broadcast_in_dim3A_287 : i32 to vector<16xi32>
    %swap3A_289 = arith.constant 544 : index
    %swap3A_290 = tpu.vector_load %arg8[%swap3A_289] {strides = array<i32>} : memref<640xi32, #tpu.memory_space<vmem>>, vector<16xi32>,
    tpu.vector_store %arg8[%swap3A_289], %broadcast_in_dim3A_288 {strides = array<i32>} : memref<640xi32, #tpu.memory_space<vmem>>, vector<16xi32>,
    %broadcast_in_dim3A_291 = arith.constant 1073741824 : i32
    %broadcast_in_dim3A_292 = vector.broadcast %broadcast_in_dim3A_291 : i32 to vector<16xi32>
    %swap3A_293 = arith.constant 560 : index
    %swap3A_294 = tpu.vector_load %arg7[%swap3A_293] {strides = array<i32>} : memref<640xi32, #tpu.memory_space<vmem>>, vector<16xi32>,
    tpu.vector_store %arg7[%swap3A_293], %broadcast_in_dim3A_292 {strides = array<i32>} : memref<640xi32, #tpu.memory_space<vmem>>, vector<16xi32>,
    %broadcast_in_dim3A_295 = arith.constant 16384 : i32
    %broadcast_in_dim3A_296 = vector.broadcast %broadcast_in_dim3A_295 : i32 to vector<16xi32>
    %swap3A_297 = arith.constant 560 : index
    %swap3A_298 = tpu.vector_load %arg8[%swap3A_297] {strides = array<i32>} : memref<640xi32, #tpu.memory_space<vmem>>, vector<16xi32>,
    tpu.vector_store %arg8[%swap3A_297], %broadcast_in_dim3A_296 {strides = array<i32>} : memref<640xi32, #tpu.memory_space<vmem>>, vector<16xi32>,
    %broadcast_in_dim3A_299 = arith.constant 1073741824 : i32
    %broadcast_in_dim3A_300 = vector.broadcast %broadcast_in_dim3A_299 : i32 to vector<16xi32>
    %swap3A_301 = arith.constant 576 : index
    %swap3A_302 = tpu.vector_load %arg7[%swap3A_301] {strides = array<i32>} : memref<640xi32, #tpu.memory_space<vmem>>, vector<16xi32>,
    tpu.vector_store %arg7[%swap3A_301], %broadcast_in_dim3A_300 {strides = array<i32>} : memref<640xi32, #tpu.memory_space<vmem>>, vector<16xi32>,
    %broadcast_in_dim3A_303 = arith.constant 16384 : i32
    %broadcast_in_dim3A_304 = vector.broadcast %broadcast_in_dim3A_303 : i32 to vector<16xi32>
    %swap3A_305 = arith.constant 576 : index
    %swap3A_306 = tpu.vector_load %arg8[%swap3A_305] {strides = array<i32>} : memref<640xi32, #tpu.memory_space<vmem>>, vector<16xi32>,
    tpu.vector_store %arg8[%swap3A_305], %broadcast_in_dim3A_304 {strides = array<i32>} : memref<640xi32, #tpu.memory_space<vmem>>, vector<16xi32>,
    %broadcast_in_dim3A_307 = arith.constant 1073741824 : i32
    %broadcast_in_dim3A_308 = vector.broadcast %broadcast_in_dim3A_307 : i32 to vector<16xi32>
    %swap3A_309 = arith.constant 592 : index
    %swap3A_310 = tpu.vector_load %arg7[%swap3A_309] {strides = array<i32>} : memref<640xi32, #tpu.memory_space<vmem>>, vector<16xi32>,
    tpu.vector_store %arg7[%swap3A_309], %broadcast_in_dim3A_308 {strides = array<i32>} : memref<640xi32, #tpu.memory_space<vmem>>, vector<16xi32>,
    %broadcast_in_dim3A_311 = arith.constant 16384 : i32
    %broadcast_in_dim3A_312 = vector.broadcast %broadcast_in_dim3A_311 : i32 to vector<16xi32>
    %swap3A_313 = arith.constant 592 : index
    %swap3A_314 = tpu.vector_load %arg8[%swap3A_313] {strides = array<i32>} : memref<640xi32, #tpu.memory_space<vmem>>, vector<16xi32>,
    tpu.vector_store %arg8[%swap3A_313], %broadcast_in_dim3A_312 {strides = array<i32>} : memref<640xi32, #tpu.memory_space<vmem>>, vector<16xi32>,
    %broadcast_in_dim3A_315 = arith.constant 1073741824 : i32
    %broadcast_in_dim3A_316 = vector.broadcast %broadcast_in_dim3A_315 : i32 to vector<16xi32>
    %swap3A_317 = arith.constant 608 : index
    %swap3A_318 = tpu.vector_load %arg7[%swap3A_317] {strides = array<i32>} : memref<640xi32, #tpu.memory_space<vmem>>, vector<16xi32>,
    tpu.vector_store %arg7[%swap3A_317], %broadcast_in_dim3A_316 {strides = array<i32>} : memref<640xi32, #tpu.memory_space<vmem>>, vector<16xi32>,
    %broadcast_in_dim3A_319 = arith.constant 16384 : i32
    %broadcast_in_dim3A_320 = vector.broadcast %broadcast_in_dim3A_319 : i32 to vector<16xi32>
    %swap3A_321 = arith.constant 608 : index
    %swap3A_322 = tpu.vector_load %arg8[%swap3A_321] {strides = array<i32>} : memref<640xi32, #tpu.memory_space<vmem>>, vector<16xi32>,
    tpu.vector_store %arg8[%swap3A_321], %broadcast_in_dim3A_320 {strides = array<i32>} : memref<640xi32, #tpu.memory_space<vmem>>, vector<16xi32>,
    %broadcast_in_dim3A_323 = arith.constant 1073741824 : i32
    %broadcast_in_dim3A_324 = vector.broadcast %broadcast_in_dim3A_323 : i32 to vector<16xi32>
    %swap3A_325 = arith.constant 624 : index
    %swap3A_326 = tpu.vector_load %arg7[%swap3A_325] {strides = array<i32>} : memref<640xi32, #tpu.memory_space<vmem>>, vector<16xi32>,
    tpu.vector_store %arg7[%swap3A_325], %broadcast_in_dim3A_324 {strides = array<i32>} : memref<640xi32, #tpu.memory_space<vmem>>, vector<16xi32>,
    %broadcast_in_dim3A_327 = arith.constant 16384 : i32
    %broadcast_in_dim3A_328 = vector.broadcast %broadcast_in_dim3A_327 : i32 to vector<16xi32>
    %swap3A_329 = arith.constant 624 : index
    %swap3A_330 = tpu.vector_load %arg8[%swap3A_329] {strides = array<i32>} : memref<640xi32, #tpu.memory_space<vmem>>, vector<16xi32>,
    tpu.vector_store %arg8[%swap3A_329], %broadcast_in_dim3A_328 {strides = array<i32>} : memref<640xi32, #tpu.memory_space<vmem>>, vector<16xi32>,
    %scan3A = arith.constant 0 : i32
    %scan3A_331 = arith.constant 0 : i32
    %scan3A_332 = arith.constant 4 : i32
    %scan3A_333 = arith.addi %scan3A_331, %scan3A_332 : i32
    %scan3A_334 = arith.constant 1 : i32
    %scan3A_335 = scf.for %scan3A_685 = %scan3A_331 to %scan3A_333 step %scan3A_334 iter_args(%scan3A_686 = %scan3A) -> (i32)  : i32 {
      %mul3A_687 = arith.constant 4096 : i32
      %mul3A_688 = arith.muli %scan3A_685, %mul3A_687 : i32
      "tpu.region"() ({
        %run_scoped3A = tpu.sem_alloc : memref<!tpu.dma_semaphore, #tpu.memory_space<semaphore_mem>>
        %dma_start3A_692 = tpu.memref_slice %arg2[%mul3A_688] : memref<16384xi32, #tpu.memory_space<hbm>> -> memref<4096xi32, #tpu.memory_space<hbm>>
        %dma_start3A_693 = tpu.memref_slice %arg2[%mul3A_688] : memref<16384xi32, #tpu.memory_space<hbm>> -> memref<4096xi32, #tpu.memory_space<hbm>>
        tpu.enqueue_dma source(%dma_start3A_693 : memref<4096xi32, #tpu.memory_space<hbm>>) target(%arg6 : memref<4096xi32, #tpu.memory_space<vmem>>) target_semaphore(%run_scoped3A : memref<!tpu.dma_semaphore, #tpu.memory_space<semaphore_mem>>)
        %dma_wait3A_694 = tpu.memref_slice %arg2[%mul3A_688] : memref<16384xi32, #tpu.memory_space<hbm>> -> memref<4096xi32, #tpu.memory_space<hbm>>
        %dma_wait3A_695 = tpu.memref_slice %arg2[%mul3A_688] : memref<16384xi32, #tpu.memory_space<hbm>> -> memref<4096xi32, #tpu.memory_space<hbm>>
        tpu.wait_dma2 semaphore(%run_scoped3A : memref<!tpu.dma_semaphore, #tpu.memory_space<semaphore_mem>>) src(%dma_wait3A_695 : memref<4096xi32, #tpu.memory_space<hbm>>) dst(%arg6 : memref<4096xi32, #tpu.memory_space<vmem>>)
        tpu.yield
      }) : () -> ()
      %parallel_loop3A = arith.constant 0 : i32
      %parallel_loop3A_689 = arith.constant 4096 : i32
      %parallel_loop3A_690 = arith.constant 16 : i32
      %parallel_loop3A_691 = scf.for %parallel_loop3A_692 = %parallel_loop3A to %parallel_loop3A_689 step %parallel_loop3A_690 iter_args(%parallel_loop3A_693 = %scan3A_686) -> (i32)  : i32 {
        %parallel_loop3A_694 = arith.index_cast %parallel_loop3A_692 : i32 to index
        %parallel_loop3A_695 = tpu.vector_load %arg6[%parallel_loop3A_694] {strides = array<i32>} : memref<4096xi32, #tpu.memory_space<vmem>>, vector<16xi32>,
        %parallel_loop3A_696 = arith.constant 9 : i32
        %parallel_loop3A_697 = vector.broadcast %parallel_loop3A_696 : i32 to vector<16xi32>
        %parallel_loop3A_698 = arith.shrui %parallel_loop3A_695, %parallel_loop3A_697 : vector<16xi32>
        %parallel_loop3A_699 = vector.broadcast %select_n3A : i32 to vector<16xi32>
        %parallel_loop3A_700 = arith.cmpi sge, %parallel_loop3A_698, %parallel_loop3A_699 : vector<16xi32>
        %parallel_loop3A_701 = arith.addi %select_n3A, %select_n3A_12 : i32
        %parallel_loop3A_702 = vector.broadcast %parallel_loop3A_701 : i32 to vector<16xi32>
        %parallel_loop3A_703 = arith.cmpi slt, %parallel_loop3A_698, %parallel_loop3A_702 : vector<16xi32>
        %parallel_loop3A_704 = arith.andi %parallel_loop3A_700, %parallel_loop3A_703 : vector<16xi1>
        %parallel_loop3A_705 = arith.constant 4096 : i32
        %parallel_loop3A_706 = arith.muli %scan3A_685, %parallel_loop3A_705 : i32
        %parallel_loop3A_707 = arith.addi %parallel_loop3A_706, %parallel_loop3A_692 : i32
        %parallel_loop3A_708 = vector.broadcast %parallel_loop3A_707 : i32 to vector<16xi32>
        %parallel_loop3A_709 = arith.addi %parallel_loop3A_708, %iota3A : vector<16xi32>
        %parallel_loop3A_710 = arith.constant 624 : i32
        %parallel_loop3A_711 = arith.minsi %parallel_loop3A_693, %parallel_loop3A_710 : i32
        %parallel_loop3A_712 = arith.index_cast %parallel_loop3A_711 : i32 to index
        %parallel_loop3A_713 = tpu.vector_load %arg7[%parallel_loop3A_712] masked %parallel_loop3A_704 {strides = array<i32>} : memref<640xi32, #tpu.memory_space<vmem>>, vector<16xi32>, vector<16xi1>
        tpu.vector_store %arg7[%parallel_loop3A_712], %parallel_loop3A_695 masked %parallel_loop3A_704 {strides = array<i32>} : memref<640xi32, #tpu.memory_space<vmem>>, vector<16xi32>, vector<16xi1>
        %parallel_loop3A_714 = arith.index_cast %parallel_loop3A_711 : i32 to index
        %parallel_loop3A_715 = tpu.vector_load %arg8[%parallel_loop3A_714] masked %parallel_loop3A_704 {strides = array<i32>} : memref<640xi32, #tpu.memory_space<vmem>>, vector<16xi32>, vector<16xi1>
        tpu.vector_store %arg8[%parallel_loop3A_714], %parallel_loop3A_709 masked %parallel_loop3A_704 {strides = array<i32>} : memref<640xi32, #tpu.memory_space<vmem>>, vector<16xi32>, vector<16xi1>
        %parallel_loop3A_716 = tpu.all_reduce %parallel_loop3A_704 {dim = 0 : i64, kind = #tpu.reduction_kind<sum>} : vector<16xi1> -> vector<16xi32>
        %parallel_loop3A_717 = vector.extract_strided_slice %parallel_loop3A_716 {offsets = [0], sizes = [1], strides = [1]} : vector<16xi32> to vector<1xi32>
        %parallel_loop3A_718 = vector.extract %parallel_loop3A_717[0] : i32 from vector<1xi32>
        %parallel_loop3A_719 = arith.addi %parallel_loop3A_693, %parallel_loop3A_718 : i32
        scf.yield %parallel_loop3A_719 : i32
      } {sc.loop_unroll_factor = 4 : i64, sc.parallel_access}
      scf.yield %parallel_loop3A_691 : i32
    }
    %scan3A_336 = arith.constant 4 : i32
    %get3A = arith.constant 0 : index
    %get3A_337 = tpu.vector_load %arg8[%get3A] {strides = array<i32>} : memref<640xi32, #tpu.memory_space<vmem>>, vector<16xi32>,
    %swap3A_338 = arith.constant 0 : i32
    %swap3A_339 = arith.index_cast %swap3A_338 : i32 to index
    %swap3A_340 = arith.constant 0 : index
    %swap3A_341 = tpu.vector_load %arg9[%swap3A_339, %swap3A_340] {strides = array<i32>} : memref<5x128xi32, #tpu.memory_space<vmem>>, vector<16xi32>,
    tpu.vector_store %arg9[%swap3A_339, %swap3A_340], %get3A_337 {strides = array<i32>} : memref<5x128xi32, #tpu.memory_space<vmem>>, vector<16xi32>,
    %get3A_342 = arith.constant 16 : index
    %get3A_343 = tpu.vector_load %arg8[%get3A_342] {strides = array<i32>} : memref<640xi32, #tpu.memory_space<vmem>>, vector<16xi32>,
    %swap3A_344 = arith.constant 0 : i32
    %swap3A_345 = arith.index_cast %swap3A_344 : i32 to index
    %swap3A_346 = arith.constant 16 : index
    %swap3A_347 = tpu.vector_load %arg9[%swap3A_345, %swap3A_346] {strides = array<i32>} : memref<5x128xi32, #tpu.memory_space<vmem>>, vector<16xi32>,
    tpu.vector_store %arg9[%swap3A_345, %swap3A_346], %get3A_343 {strides = array<i32>} : memref<5x128xi32, #tpu.memory_space<vmem>>, vector<16xi32>,
    %get3A_348 = arith.constant 32 : index
    %get3A_349 = tpu.vector_load %arg8[%get3A_348] {strides = array<i32>} : memref<640xi32, #tpu.memory_space<vmem>>, vector<16xi32>,
    %swap3A_350 = arith.constant 0 : i32
    %swap3A_351 = arith.index_cast %swap3A_350 : i32 to index
    %swap3A_352 = arith.constant 32 : index
    %swap3A_353 = tpu.vector_load %arg9[%swap3A_351, %swap3A_352] {strides = array<i32>} : memref<5x128xi32, #tpu.memory_space<vmem>>, vector<16xi32>,
    tpu.vector_store %arg9[%swap3A_351, %swap3A_352], %get3A_349 {strides = array<i32>} : memref<5x128xi32, #tpu.memory_space<vmem>>, vector<16xi32>,
    %get3A_354 = arith.constant 48 : index
    %get3A_355 = tpu.vector_load %arg8[%get3A_354] {strides = array<i32>} : memref<640xi32, #tpu.memory_space<vmem>>, vector<16xi32>,
    %swap3A_356 = arith.constant 0 : i32
    %swap3A_357 = arith.index_cast %swap3A_356 : i32 to index
    %swap3A_358 = arith.constant 48 : index
    %swap3A_359 = tpu.vector_load %arg9[%swap3A_357, %swap3A_358] {strides = array<i32>} : memref<5x128xi32, #tpu.memory_space<vmem>>, vector<16xi32>,
    tpu.vector_store %arg9[%swap3A_357, %swap3A_358], %get3A_355 {strides = array<i32>} : memref<5x128xi32, #tpu.memory_space<vmem>>, vector<16xi32>,
    %get3A_360 = arith.constant 64 : index
    %get3A_361 = tpu.vector_load %arg8[%get3A_360] {strides = array<i32>} : memref<640xi32, #tpu.memory_space<vmem>>, vector<16xi32>,
    %swap3A_362 = arith.constant 0 : i32
    %swap3A_363 = arith.index_cast %swap3A_362 : i32 to index
    %swap3A_364 = arith.constant 64 : index
    %swap3A_365 = tpu.vector_load %arg9[%swap3A_363, %swap3A_364] {strides = array<i32>} : memref<5x128xi32, #tpu.memory_space<vmem>>, vector<16xi32>,
    tpu.vector_store %arg9[%swap3A_363, %swap3A_364], %get3A_361 {strides = array<i32>} : memref<5x128xi32, #tpu.memory_space<vmem>>, vector<16xi32>,
    %get3A_366 = arith.constant 80 : index
    %get3A_367 = tpu.vector_load %arg8[%get3A_366] {strides = array<i32>} : memref<640xi32, #tpu.memory_space<vmem>>, vector<16xi32>,
    %swap3A_368 = arith.constant 0 : i32
    %swap3A_369 = arith.index_cast %swap3A_368 : i32 to index
    %swap3A_370 = arith.constant 80 : index
    %swap3A_371 = tpu.vector_load %arg9[%swap3A_369, %swap3A_370] {strides = array<i32>} : memref<5x128xi32, #tpu.memory_space<vmem>>, vector<16xi32>,
    tpu.vector_store %arg9[%swap3A_369, %swap3A_370], %get3A_367 {strides = array<i32>} : memref<5x128xi32, #tpu.memory_space<vmem>>, vector<16xi32>,
    %get3A_372 = arith.constant 96 : index
    %get3A_373 = tpu.vector_load %arg8[%get3A_372] {strides = array<i32>} : memref<640xi32, #tpu.memory_space<vmem>>, vector<16xi32>,
    %swap3A_374 = arith.constant 0 : i32
    %swap3A_375 = arith.index_cast %swap3A_374 : i32 to index
    %swap3A_376 = arith.constant 96 : index
    %swap3A_377 = tpu.vector_load %arg9[%swap3A_375, %swap3A_376] {strides = array<i32>} : memref<5x128xi32, #tpu.memory_space<vmem>>, vector<16xi32>,
    tpu.vector_store %arg9[%swap3A_375, %swap3A_376], %get3A_373 {strides = array<i32>} : memref<5x128xi32, #tpu.memory_space<vmem>>, vector<16xi32>,
    %get3A_378 = arith.constant 112 : index
    %get3A_379 = tpu.vector_load %arg8[%get3A_378] {strides = array<i32>} : memref<640xi32, #tpu.memory_space<vmem>>, vector<16xi32>,
    %swap3A_380 = arith.constant 0 : i32
    %swap3A_381 = arith.index_cast %swap3A_380 : i32 to index
    %swap3A_382 = arith.constant 112 : index
    %swap3A_383 = tpu.vector_load %arg9[%swap3A_381, %swap3A_382] {strides = array<i32>} : memref<5x128xi32, #tpu.memory_space<vmem>>, vector<16xi32>,
    tpu.vector_store %arg9[%swap3A_381, %swap3A_382], %get3A_379 {strides = array<i32>} : memref<5x128xi32, #tpu.memory_space<vmem>>, vector<16xi32>,
    %get3A_384 = arith.constant 128 : index
    %get3A_385 = tpu.vector_load %arg8[%get3A_384] {strides = array<i32>} : memref<640xi32, #tpu.memory_space<vmem>>, vector<16xi32>,
    %swap3A_386 = arith.constant 1 : i32
    %swap3A_387 = arith.index_cast %swap3A_386 : i32 to index
    %swap3A_388 = arith.constant 0 : index
    %swap3A_389 = tpu.vector_load %arg9[%swap3A_387, %swap3A_388] {strides = array<i32>} : memref<5x128xi32, #tpu.memory_space<vmem>>, vector<16xi32>,
    tpu.vector_store %arg9[%swap3A_387, %swap3A_388], %get3A_385 {strides = array<i32>} : memref<5x128xi32, #tpu.memory_space<vmem>>, vector<16xi32>,
    %get3A_390 = arith.constant 144 : index
    %get3A_391 = tpu.vector_load %arg8[%get3A_390] {strides = array<i32>} : memref<640xi32, #tpu.memory_space<vmem>>, vector<16xi32>,
    %swap3A_392 = arith.constant 1 : i32
    %swap3A_393 = arith.index_cast %swap3A_392 : i32 to index
    %swap3A_394 = arith.constant 16 : index
    %swap3A_395 = tpu.vector_load %arg9[%swap3A_393, %swap3A_394] {strides = array<i32>} : memref<5x128xi32, #tpu.memory_space<vmem>>, vector<16xi32>,
    tpu.vector_store %arg9[%swap3A_393, %swap3A_394], %get3A_391 {strides = array<i32>} : memref<5x128xi32, #tpu.memory_space<vmem>>, vector<16xi32>,
    %get3A_396 = arith.constant 160 : index
    %get3A_397 = tpu.vector_load %arg8[%get3A_396] {strides = array<i32>} : memref<640xi32, #tpu.memory_space<vmem>>, vector<16xi32>,
    %swap3A_398 = arith.constant 1 : i32
    %swap3A_399 = arith.index_cast %swap3A_398 : i32 to index
    %swap3A_400 = arith.constant 32 : index
    %swap3A_401 = tpu.vector_load %arg9[%swap3A_399, %swap3A_400] {strides = array<i32>} : memref<5x128xi32, #tpu.memory_space<vmem>>, vector<16xi32>,
    tpu.vector_store %arg9[%swap3A_399, %swap3A_400], %get3A_397 {strides = array<i32>} : memref<5x128xi32, #tpu.memory_space<vmem>>, vector<16xi32>,
    %get3A_402 = arith.constant 176 : index
    %get3A_403 = tpu.vector_load %arg8[%get3A_402] {strides = array<i32>} : memref<640xi32, #tpu.memory_space<vmem>>, vector<16xi32>,
    %swap3A_404 = arith.constant 1 : i32
    %swap3A_405 = arith.index_cast %swap3A_404 : i32 to index
    %swap3A_406 = arith.constant 48 : index
    %swap3A_407 = tpu.vector_load %arg9[%swap3A_405, %swap3A_406] {strides = array<i32>} : memref<5x128xi32, #tpu.memory_space<vmem>>, vector<16xi32>,
    tpu.vector_store %arg9[%swap3A_405, %swap3A_406], %get3A_403 {strides = array<i32>} : memref<5x128xi32, #tpu.memory_space<vmem>>, vector<16xi32>,
    %get3A_408 = arith.constant 192 : index
    %get3A_409 = tpu.vector_load %arg8[%get3A_408] {strides = array<i32>} : memref<640xi32, #tpu.memory_space<vmem>>, vector<16xi32>,
    %swap3A_410 = arith.constant 1 : i32
    %swap3A_411 = arith.index_cast %swap3A_410 : i32 to index
    %swap3A_412 = arith.constant 64 : index
    %swap3A_413 = tpu.vector_load %arg9[%swap3A_411, %swap3A_412] {strides = array<i32>} : memref<5x128xi32, #tpu.memory_space<vmem>>, vector<16xi32>,
    tpu.vector_store %arg9[%swap3A_411, %swap3A_412], %get3A_409 {strides = array<i32>} : memref<5x128xi32, #tpu.memory_space<vmem>>, vector<16xi32>,
    %get3A_414 = arith.constant 208 : index
    %get3A_415 = tpu.vector_load %arg8[%get3A_414] {strides = array<i32>} : memref<640xi32, #tpu.memory_space<vmem>>, vector<16xi32>,
    %swap3A_416 = arith.constant 1 : i32
    %swap3A_417 = arith.index_cast %swap3A_416 : i32 to index
    %swap3A_418 = arith.constant 80 : index
    %swap3A_419 = tpu.vector_load %arg9[%swap3A_417, %swap3A_418] {strides = array<i32>} : memref<5x128xi32, #tpu.memory_space<vmem>>, vector<16xi32>,
    tpu.vector_store %arg9[%swap3A_417, %swap3A_418], %get3A_415 {strides = array<i32>} : memref<5x128xi32, #tpu.memory_space<vmem>>, vector<16xi32>,
    %get3A_420 = arith.constant 224 : index
    %get3A_421 = tpu.vector_load %arg8[%get3A_420] {strides = array<i32>} : memref<640xi32, #tpu.memory_space<vmem>>, vector<16xi32>,
    %swap3A_422 = arith.constant 1 : i32
    %swap3A_423 = arith.index_cast %swap3A_422 : i32 to index
    %swap3A_424 = arith.constant 96 : index
    %swap3A_425 = tpu.vector_load %arg9[%swap3A_423, %swap3A_424] {strides = array<i32>} : memref<5x128xi32, #tpu.memory_space<vmem>>, vector<16xi32>,
    tpu.vector_store %arg9[%swap3A_423, %swap3A_424], %get3A_421 {strides = array<i32>} : memref<5x128xi32, #tpu.memory_space<vmem>>, vector<16xi32>,
    %get3A_426 = arith.constant 240 : index
    %get3A_427 = tpu.vector_load %arg8[%get3A_426] {strides = array<i32>} : memref<640xi32, #tpu.memory_space<vmem>>, vector<16xi32>,
    %swap3A_428 = arith.constant 1 : i32
    %swap3A_429 = arith.index_cast %swap3A_428 : i32 to index
    %swap3A_430 = arith.constant 112 : index
    %swap3A_431 = tpu.vector_load %arg9[%swap3A_429, %swap3A_430] {strides = array<i32>} : memref<5x128xi32, #tpu.memory_space<vmem>>, vector<16xi32>,
    tpu.vector_store %arg9[%swap3A_429, %swap3A_430], %get3A_427 {strides = array<i32>} : memref<5x128xi32, #tpu.memory_space<vmem>>, vector<16xi32>,
    %get3A_432 = arith.constant 256 : index
    %get3A_433 = tpu.vector_load %arg8[%get3A_432] {strides = array<i32>} : memref<640xi32, #tpu.memory_space<vmem>>, vector<16xi32>,
    %swap3A_434 = arith.constant 2 : i32
    %swap3A_435 = arith.index_cast %swap3A_434 : i32 to index
    %swap3A_436 = arith.constant 0 : index
    %swap3A_437 = tpu.vector_load %arg9[%swap3A_435, %swap3A_436] {strides = array<i32>} : memref<5x128xi32, #tpu.memory_space<vmem>>, vector<16xi32>,
    tpu.vector_store %arg9[%swap3A_435, %swap3A_436], %get3A_433 {strides = array<i32>} : memref<5x128xi32, #tpu.memory_space<vmem>>, vector<16xi32>,
    %get3A_438 = arith.constant 272 : index
    %get3A_439 = tpu.vector_load %arg8[%get3A_438] {strides = array<i32>} : memref<640xi32, #tpu.memory_space<vmem>>, vector<16xi32>,
    %swap3A_440 = arith.constant 2 : i32
    %swap3A_441 = arith.index_cast %swap3A_440 : i32 to index
    %swap3A_442 = arith.constant 16 : index
    %swap3A_443 = tpu.vector_load %arg9[%swap3A_441, %swap3A_442] {strides = array<i32>} : memref<5x128xi32, #tpu.memory_space<vmem>>, vector<16xi32>,
    tpu.vector_store %arg9[%swap3A_441, %swap3A_442], %get3A_439 {strides = array<i32>} : memref<5x128xi32, #tpu.memory_space<vmem>>, vector<16xi32>,
    %get3A_444 = arith.constant 288 : index
    %get3A_445 = tpu.vector_load %arg8[%get3A_444] {strides = array<i32>} : memref<640xi32, #tpu.memory_space<vmem>>, vector<16xi32>,
    %swap3A_446 = arith.constant 2 : i32
    %swap3A_447 = arith.index_cast %swap3A_446 : i32 to index
    %swap3A_448 = arith.constant 32 : index
    %swap3A_449 = tpu.vector_load %arg9[%swap3A_447, %swap3A_448] {strides = array<i32>} : memref<5x128xi32, #tpu.memory_space<vmem>>, vector<16xi32>,
    tpu.vector_store %arg9[%swap3A_447, %swap3A_448], %get3A_445 {strides = array<i32>} : memref<5x128xi32, #tpu.memory_space<vmem>>, vector<16xi32>,
    %get3A_450 = arith.constant 304 : index
    %get3A_451 = tpu.vector_load %arg8[%get3A_450] {strides = array<i32>} : memref<640xi32, #tpu.memory_space<vmem>>, vector<16xi32>,
    %swap3A_452 = arith.constant 2 : i32
    %swap3A_453 = arith.index_cast %swap3A_452 : i32 to index
    %swap3A_454 = arith.constant 48 : index
    %swap3A_455 = tpu.vector_load %arg9[%swap3A_453, %swap3A_454] {strides = array<i32>} : memref<5x128xi32, #tpu.memory_space<vmem>>, vector<16xi32>,
    tpu.vector_store %arg9[%swap3A_453, %swap3A_454], %get3A_451 {strides = array<i32>} : memref<5x128xi32, #tpu.memory_space<vmem>>, vector<16xi32>,
    %get3A_456 = arith.constant 320 : index
    %get3A_457 = tpu.vector_load %arg8[%get3A_456] {strides = array<i32>} : memref<640xi32, #tpu.memory_space<vmem>>, vector<16xi32>,
    %swap3A_458 = arith.constant 2 : i32
    %swap3A_459 = arith.index_cast %swap3A_458 : i32 to index
    %swap3A_460 = arith.constant 64 : index
    %swap3A_461 = tpu.vector_load %arg9[%swap3A_459, %swap3A_460] {strides = array<i32>} : memref<5x128xi32, #tpu.memory_space<vmem>>, vector<16xi32>,
    tpu.vector_store %arg9[%swap3A_459, %swap3A_460], %get3A_457 {strides = array<i32>} : memref<5x128xi32, #tpu.memory_space<vmem>>, vector<16xi32>,
    %get3A_462 = arith.constant 336 : index
    %get3A_463 = tpu.vector_load %arg8[%get3A_462] {strides = array<i32>} : memref<640xi32, #tpu.memory_space<vmem>>, vector<16xi32>,
    %swap3A_464 = arith.constant 2 : i32
    %swap3A_465 = arith.index_cast %swap3A_464 : i32 to index
    %swap3A_466 = arith.constant 80 : index
    %swap3A_467 = tpu.vector_load %arg9[%swap3A_465, %swap3A_466] {strides = array<i32>} : memref<5x128xi32, #tpu.memory_space<vmem>>, vector<16xi32>,
    tpu.vector_store %arg9[%swap3A_465, %swap3A_466], %get3A_463 {strides = array<i32>} : memref<5x128xi32, #tpu.memory_space<vmem>>, vector<16xi32>,
    %get3A_468 = arith.constant 352 : index
    %get3A_469 = tpu.vector_load %arg8[%get3A_468] {strides = array<i32>} : memref<640xi32, #tpu.memory_space<vmem>>, vector<16xi32>,
    %swap3A_470 = arith.constant 2 : i32
    %swap3A_471 = arith.index_cast %swap3A_470 : i32 to index
    %swap3A_472 = arith.constant 96 : index
    %swap3A_473 = tpu.vector_load %arg9[%swap3A_471, %swap3A_472] {strides = array<i32>} : memref<5x128xi32, #tpu.memory_space<vmem>>, vector<16xi32>,
    tpu.vector_store %arg9[%swap3A_471, %swap3A_472], %get3A_469 {strides = array<i32>} : memref<5x128xi32, #tpu.memory_space<vmem>>, vector<16xi32>,
    %get3A_474 = arith.constant 368 : index
    %get3A_475 = tpu.vector_load %arg8[%get3A_474] {strides = array<i32>} : memref<640xi32, #tpu.memory_space<vmem>>, vector<16xi32>,
    %swap3A_476 = arith.constant 2 : i32
    %swap3A_477 = arith.index_cast %swap3A_476 : i32 to index
    %swap3A_478 = arith.constant 112 : index
    %swap3A_479 = tpu.vector_load %arg9[%swap3A_477, %swap3A_478] {strides = array<i32>} : memref<5x128xi32, #tpu.memory_space<vmem>>, vector<16xi32>,
    tpu.vector_store %arg9[%swap3A_477, %swap3A_478], %get3A_475 {strides = array<i32>} : memref<5x128xi32, #tpu.memory_space<vmem>>, vector<16xi32>,
    %get3A_480 = arith.constant 384 : index
    %get3A_481 = tpu.vector_load %arg8[%get3A_480] {strides = array<i32>} : memref<640xi32, #tpu.memory_space<vmem>>, vector<16xi32>,
    %swap3A_482 = arith.constant 3 : i32
    %swap3A_483 = arith.index_cast %swap3A_482 : i32 to index
    %swap3A_484 = arith.constant 0 : index
    %swap3A_485 = tpu.vector_load %arg9[%swap3A_483, %swap3A_484] {strides = array<i32>} : memref<5x128xi32, #tpu.memory_space<vmem>>, vector<16xi32>,
    tpu.vector_store %arg9[%swap3A_483, %swap3A_484], %get3A_481 {strides = array<i32>} : memref<5x128xi32, #tpu.memory_space<vmem>>, vector<16xi32>,
    %get3A_486 = arith.constant 400 : index
    %get3A_487 = tpu.vector_load %arg8[%get3A_486] {strides = array<i32>} : memref<640xi32, #tpu.memory_space<vmem>>, vector<16xi32>,
    %swap3A_488 = arith.constant 3 : i32
    %swap3A_489 = arith.index_cast %swap3A_488 : i32 to index
    %swap3A_490 = arith.constant 16 : index
    %swap3A_491 = tpu.vector_load %arg9[%swap3A_489, %swap3A_490] {strides = array<i32>} : memref<5x128xi32, #tpu.memory_space<vmem>>, vector<16xi32>,
    tpu.vector_store %arg9[%swap3A_489, %swap3A_490], %get3A_487 {strides = array<i32>} : memref<5x128xi32, #tpu.memory_space<vmem>>, vector<16xi32>,
    %get3A_492 = arith.constant 416 : index
    %get3A_493 = tpu.vector_load %arg8[%get3A_492] {strides = array<i32>} : memref<640xi32, #tpu.memory_space<vmem>>, vector<16xi32>,
    %swap3A_494 = arith.constant 3 : i32
    %swap3A_495 = arith.index_cast %swap3A_494 : i32 to index
    %swap3A_496 = arith.constant 32 : index
    %swap3A_497 = tpu.vector_load %arg9[%swap3A_495, %swap3A_496] {strides = array<i32>} : memref<5x128xi32, #tpu.memory_space<vmem>>, vector<16xi32>,
    tpu.vector_store %arg9[%swap3A_495, %swap3A_496], %get3A_493 {strides = array<i32>} : memref<5x128xi32, #tpu.memory_space<vmem>>, vector<16xi32>,
    %get3A_498 = arith.constant 432 : index
    %get3A_499 = tpu.vector_load %arg8[%get3A_498] {strides = array<i32>} : memref<640xi32, #tpu.memory_space<vmem>>, vector<16xi32>,
    %swap3A_500 = arith.constant 3 : i32
    %swap3A_501 = arith.index_cast %swap3A_500 : i32 to index
    %swap3A_502 = arith.constant 48 : index
    %swap3A_503 = tpu.vector_load %arg9[%swap3A_501, %swap3A_502] {strides = array<i32>} : memref<5x128xi32, #tpu.memory_space<vmem>>, vector<16xi32>,
    tpu.vector_store %arg9[%swap3A_501, %swap3A_502], %get3A_499 {strides = array<i32>} : memref<5x128xi32, #tpu.memory_space<vmem>>, vector<16xi32>,
    %get3A_504 = arith.constant 448 : index
    %get3A_505 = tpu.vector_load %arg8[%get3A_504] {strides = array<i32>} : memref<640xi32, #tpu.memory_space<vmem>>, vector<16xi32>,
    %swap3A_506 = arith.constant 3 : i32
    %swap3A_507 = arith.index_cast %swap3A_506 : i32 to index
    %swap3A_508 = arith.constant 64 : index
    %swap3A_509 = tpu.vector_load %arg9[%swap3A_507, %swap3A_508] {strides = array<i32>} : memref<5x128xi32, #tpu.memory_space<vmem>>, vector<16xi32>,
    tpu.vector_store %arg9[%swap3A_507, %swap3A_508], %get3A_505 {strides = array<i32>} : memref<5x128xi32, #tpu.memory_space<vmem>>, vector<16xi32>,
    %get3A_510 = arith.constant 464 : index
    %get3A_511 = tpu.vector_load %arg8[%get3A_510] {strides = array<i32>} : memref<640xi32, #tpu.memory_space<vmem>>, vector<16xi32>,
    %swap3A_512 = arith.constant 3 : i32
    %swap3A_513 = arith.index_cast %swap3A_512 : i32 to index
    %swap3A_514 = arith.constant 80 : index
    %swap3A_515 = tpu.vector_load %arg9[%swap3A_513, %swap3A_514] {strides = array<i32>} : memref<5x128xi32, #tpu.memory_space<vmem>>, vector<16xi32>,
    tpu.vector_store %arg9[%swap3A_513, %swap3A_514], %get3A_511 {strides = array<i32>} : memref<5x128xi32, #tpu.memory_space<vmem>>, vector<16xi32>,
    %get3A_516 = arith.constant 480 : index
    %get3A_517 = tpu.vector_load %arg8[%get3A_516] {strides = array<i32>} : memref<640xi32, #tpu.memory_space<vmem>>, vector<16xi32>,
    %swap3A_518 = arith.constant 3 : i32
    %swap3A_519 = arith.index_cast %swap3A_518 : i32 to index
    %swap3A_520 = arith.constant 96 : index
    %swap3A_521 = tpu.vector_load %arg9[%swap3A_519, %swap3A_520] {strides = array<i32>} : memref<5x128xi32, #tpu.memory_space<vmem>>, vector<16xi32>,
    tpu.vector_store %arg9[%swap3A_519, %swap3A_520], %get3A_517 {strides = array<i32>} : memref<5x128xi32, #tpu.memory_space<vmem>>, vector<16xi32>,
    %get3A_522 = arith.constant 496 : index
    %get3A_523 = tpu.vector_load %arg8[%get3A_522] {strides = array<i32>} : memref<640xi32, #tpu.memory_space<vmem>>, vector<16xi32>,
    %swap3A_524 = arith.constant 3 : i32
    %swap3A_525 = arith.index_cast %swap3A_524 : i32 to index
    %swap3A_526 = arith.constant 112 : index
    %swap3A_527 = tpu.vector_load %arg9[%swap3A_525, %swap3A_526] {strides = array<i32>} : memref<5x128xi32, #tpu.memory_space<vmem>>, vector<16xi32>,
    tpu.vector_store %arg9[%swap3A_525, %swap3A_526], %get3A_523 {strides = array<i32>} : memref<5x128xi32, #tpu.memory_space<vmem>>, vector<16xi32>,
    %get3A_528 = arith.constant 512 : index
    %get3A_529 = tpu.vector_load %arg8[%get3A_528] {strides = array<i32>} : memref<640xi32, #tpu.memory_space<vmem>>, vector<16xi32>,
    %swap3A_530 = arith.constant 4 : i32
    %swap3A_531 = arith.index_cast %swap3A_530 : i32 to index
    %swap3A_532 = arith.constant 0 : index
    %swap3A_533 = tpu.vector_load %arg9[%swap3A_531, %swap3A_532] {strides = array<i32>} : memref<5x128xi32, #tpu.memory_space<vmem>>, vector<16xi32>,
    tpu.vector_store %arg9[%swap3A_531, %swap3A_532], %get3A_529 {strides = array<i32>} : memref<5x128xi32, #tpu.memory_space<vmem>>, vector<16xi32>,
    %get3A_534 = arith.constant 528 : index
    %get3A_535 = tpu.vector_load %arg8[%get3A_534] {strides = array<i32>} : memref<640xi32, #tpu.memory_space<vmem>>, vector<16xi32>,
    %swap3A_536 = arith.constant 4 : i32
    %swap3A_537 = arith.index_cast %swap3A_536 : i32 to index
    %swap3A_538 = arith.constant 16 : index
    %swap3A_539 = tpu.vector_load %arg9[%swap3A_537, %swap3A_538] {strides = array<i32>} : memref<5x128xi32, #tpu.memory_space<vmem>>, vector<16xi32>,
    tpu.vector_store %arg9[%swap3A_537, %swap3A_538], %get3A_535 {strides = array<i32>} : memref<5x128xi32, #tpu.memory_space<vmem>>, vector<16xi32>,
    %get3A_540 = arith.constant 544 : index
    %get3A_541 = tpu.vector_load %arg8[%get3A_540] {strides = array<i32>} : memref<640xi32, #tpu.memory_space<vmem>>, vector<16xi32>,
    %swap3A_542 = arith.constant 4 : i32
    %swap3A_543 = arith.index_cast %swap3A_542 : i32 to index
    %swap3A_544 = arith.constant 32 : index
    %swap3A_545 = tpu.vector_load %arg9[%swap3A_543, %swap3A_544] {strides = array<i32>} : memref<5x128xi32, #tpu.memory_space<vmem>>, vector<16xi32>,
    tpu.vector_store %arg9[%swap3A_543, %swap3A_544], %get3A_541 {strides = array<i32>} : memref<5x128xi32, #tpu.memory_space<vmem>>, vector<16xi32>,
    %get3A_546 = arith.constant 560 : index
    %get3A_547 = tpu.vector_load %arg8[%get3A_546] {strides = array<i32>} : memref<640xi32, #tpu.memory_space<vmem>>, vector<16xi32>,
    %swap3A_548 = arith.constant 4 : i32
    %swap3A_549 = arith.index_cast %swap3A_548 : i32 to index
    %swap3A_550 = arith.constant 48 : index
    %swap3A_551 = tpu.vector_load %arg9[%swap3A_549, %swap3A_550] {strides = array<i32>} : memref<5x128xi32, #tpu.memory_space<vmem>>, vector<16xi32>,
    tpu.vector_store %arg9[%swap3A_549, %swap3A_550], %get3A_547 {strides = array<i32>} : memref<5x128xi32, #tpu.memory_space<vmem>>, vector<16xi32>,
    %get3A_552 = arith.constant 576 : index
    %get3A_553 = tpu.vector_load %arg8[%get3A_552] {strides = array<i32>} : memref<640xi32, #tpu.memory_space<vmem>>, vector<16xi32>,
    %swap3A_554 = arith.constant 4 : i32
    %swap3A_555 = arith.index_cast %swap3A_554 : i32 to index
    %swap3A_556 = arith.constant 64 : index
    %swap3A_557 = tpu.vector_load %arg9[%swap3A_555, %swap3A_556] {strides = array<i32>} : memref<5x128xi32, #tpu.memory_space<vmem>>, vector<16xi32>,
    tpu.vector_store %arg9[%swap3A_555, %swap3A_556], %get3A_553 {strides = array<i32>} : memref<5x128xi32, #tpu.memory_space<vmem>>, vector<16xi32>,
    %get3A_558 = arith.constant 592 : index
    %get3A_559 = tpu.vector_load %arg8[%get3A_558] {strides = array<i32>} : memref<640xi32, #tpu.memory_space<vmem>>, vector<16xi32>,
    %swap3A_560 = arith.constant 4 : i32
    %swap3A_561 = arith.index_cast %swap3A_560 : i32 to index
    %swap3A_562 = arith.constant 80 : index
    %swap3A_563 = tpu.vector_load %arg9[%swap3A_561, %swap3A_562] {strides = array<i32>} : memref<5x128xi32, #tpu.memory_space<vmem>>, vector<16xi32>,
    tpu.vector_store %arg9[%swap3A_561, %swap3A_562], %get3A_559 {strides = array<i32>} : memref<5x128xi32, #tpu.memory_space<vmem>>, vector<16xi32>,
    %get3A_564 = arith.constant 608 : index
    %get3A_565 = tpu.vector_load %arg8[%get3A_564] {strides = array<i32>} : memref<640xi32, #tpu.memory_space<vmem>>, vector<16xi32>,
    %swap3A_566 = arith.constant 4 : i32
    %swap3A_567 = arith.index_cast %swap3A_566 : i32 to index
    %swap3A_568 = arith.constant 96 : index
    %swap3A_569 = tpu.vector_load %arg9[%swap3A_567, %swap3A_568] {strides = array<i32>} : memref<5x128xi32, #tpu.memory_space<vmem>>, vector<16xi32>,
    tpu.vector_store %arg9[%swap3A_567, %swap3A_568], %get3A_565 {strides = array<i32>} : memref<5x128xi32, #tpu.memory_space<vmem>>, vector<16xi32>,
    %get3A_570 = arith.constant 624 : index
    %get3A_571 = tpu.vector_load %arg8[%get3A_570] {strides = array<i32>} : memref<640xi32, #tpu.memory_space<vmem>>, vector<16xi32>,
    %swap3A_572 = arith.constant 4 : i32
    %swap3A_573 = arith.index_cast %swap3A_572 : i32 to index
    %swap3A_574 = arith.constant 112 : index
    %swap3A_575 = tpu.vector_load %arg9[%swap3A_573, %swap3A_574] {strides = array<i32>} : memref<5x128xi32, #tpu.memory_space<vmem>>, vector<16xi32>,
    tpu.vector_store %arg9[%swap3A_573, %swap3A_574], %get3A_571 {strides = array<i32>} : memref<5x128xi32, #tpu.memory_space<vmem>>, vector<16xi32>,
    %while3A = arith.constant 0 : i32
    %while3A_576 = arith.constant 0 : i32
    %while3A_577 = arith.subi %select_n3A_12, %while3A : i32
    %while3A_578 = arith.addi %while3A, %while3A_577 : i32
    %while3A_579 = arith.constant 1 : i32
    %while3A_580 = arith.divsi %while3A_577, %while3A_579 : i32
    %while3A_581 = arith.muli %while3A_580, %while3A_579 : i32
    %while3A_582 = arith.addi %while3A, %while3A_581 : i32
    %while3A_583 = arith.constant 1 : i32
    %while3A_584 = scf.for %while3A_685 = %while3A to %while3A_582 step %while3A_583 iter_args(%while3A_686 = %while3A_576) -> (i32)  : i32 {
      %add3A_687 = arith.addi %select_n3A, %while3A_685 : i32
      %mul3A_688 = arith.constant 512 : i32
      %mul3A_689 = arith.muli %add3A_687, %mul3A_688 : i32
      %multiple_of3A = tpu.assume_multiple %mul3A_689, 512 : i32
      %lt3A = arith.constant 1953 : i32
      %lt3A_690 = arith.cmpi slt, %add3A_687, %lt3A : i32
      %convert_element_type3A = arith.extui %lt3A_690 : i1 to i32
      %cond3A = arith.constant 0 : i32
      %cond3A_691 = arith.cmpi ne, %convert_element_type3A, %cond3A : i32
      scf.if %cond3A_691 {
        "tpu.region"() ({
          %run_scoped3A = tpu.sem_alloc : memref<!tpu.dma_semaphore, #tpu.memory_space<semaphore_mem>>
          %dma_start3A_737 = arith.constant 0 : i32
          %dma_start3A_738 = tpu.memref_slice %arg3[%dma_start3A_737, %multiple_of3A] : memref<64x1000000xf32, #tpu.memory_space<hbm>> -> memref<64x512xf32, #tpu.memory_space<hbm>>
          %dma_start3A_739 = arith.constant 0 : i32
          %dma_start3A_740 = tpu.memref_slice %arg3[%dma_start3A_739, %multiple_of3A] : memref<64x1000000xf32, #tpu.memory_space<hbm>> -> memref<64x512xf32, #tpu.memory_space<hbm>>
          tpu.enqueue_dma source(%dma_start3A_740 : memref<64x512xf32, #tpu.memory_space<hbm>>) target(%arg10 : memref<64x512xf32, #tpu.memory_space<vmem>>) target_semaphore(%run_scoped3A : memref<!tpu.dma_semaphore, #tpu.memory_space<semaphore_mem>>)
          %dma_wait3A_741 = arith.constant 0 : i32
          %dma_wait3A_742 = tpu.memref_slice %arg3[%dma_wait3A_741, %multiple_of3A] : memref<64x1000000xf32, #tpu.memory_space<hbm>> -> memref<64x512xf32, #tpu.memory_space<hbm>>
          %dma_wait3A_743 = arith.constant 0 : i32
          %dma_wait3A_744 = tpu.memref_slice %arg3[%dma_wait3A_743, %multiple_of3A] : memref<64x1000000xf32, #tpu.memory_space<hbm>> -> memref<64x512xf32, #tpu.memory_space<hbm>>
          tpu.wait_dma2 semaphore(%run_scoped3A : memref<!tpu.dma_semaphore, #tpu.memory_space<semaphore_mem>>) src(%dma_wait3A_744 : memref<64x512xf32, #tpu.memory_space<hbm>>) dst(%arg10 : memref<64x512xf32, #tpu.memory_space<vmem>>)
          tpu.yield
        }) : () -> ()
      } else {
      }
      %eq3A_692 = arith.constant 1953 : i32
      %eq3A_693 = arith.cmpi eq, %add3A_687, %eq3A_692 : i32
      %convert_element_type3A_694 = arith.extui %eq3A_693 : i1 to i32
      %cond3A_695 = arith.constant 0 : i32
      %cond3A_696 = arith.cmpi ne, %convert_element_type3A_694, %cond3A_695 : i32
      scf.if %cond3A_696 {
        "tpu.region"() ({
          %run_scoped3A = tpu.sem_alloc : memref<!tpu.dma_semaphore, #tpu.memory_space<semaphore_mem>>
          %dma_start3A_737 = arith.constant 0 : i32
          %dma_start3A_738 = arith.constant 0 : i32
          %dma_start3A_739 = tpu.memref_slice %arg10[%dma_start3A_737, %dma_start3A_738] : memref<64x512xf32, #tpu.memory_space<vmem>> -> memref<64x128xf32, #tpu.memory_space<vmem>>
          %dma_start3A_740 = arith.constant 0 : i32
          %dma_start3A_741 = arith.constant 0 : i32
          %dma_start3A_742 = tpu.memref_slice %arg10[%dma_start3A_740, %dma_start3A_741] : memref<64x512xf32, #tpu.memory_space<vmem>> -> memref<64x128xf32, #tpu.memory_space<vmem>>
          tpu.enqueue_dma source(%arg4 : memref<64x128xf32, #tpu.memory_space<hbm>>) target(%dma_start3A_742 : memref<64x128xf32, #tpu.memory_space<vmem>>) target_semaphore(%run_scoped3A : memref<!tpu.dma_semaphore, #tpu.memory_space<semaphore_mem>>)
          %dma_wait3A_743 = arith.constant 0 : i32
          %dma_wait3A_744 = arith.constant 0 : i32
          %dma_wait3A_745 = tpu.memref_slice %arg10[%dma_wait3A_743, %dma_wait3A_744] : memref<64x512xf32, #tpu.memory_space<vmem>> -> memref<64x128xf32, #tpu.memory_space<vmem>>
          %dma_wait3A_746 = arith.constant 0 : i32
          %dma_wait3A_747 = arith.constant 0 : i32
          %dma_wait3A_748 = tpu.memref_slice %arg10[%dma_wait3A_746, %dma_wait3A_747] : memref<64x512xf32, #tpu.memory_space<vmem>> -> memref<64x128xf32, #tpu.memory_space<vmem>>
          tpu.wait_dma2 semaphore(%run_scoped3A : memref<!tpu.dma_semaphore, #tpu.memory_space<semaphore_mem>>) src(%arg4 : memref<64x128xf32, #tpu.memory_space<hbm>>) dst(%dma_wait3A_748 : memref<64x128xf32, #tpu.memory_space<vmem>>)
          tpu.yield
        }) : () -> ()
      } else {
      }
      %scan3A_697 = arith.constant 0 : i32
      %scan3A_698 = arith.constant 0 : i32
      %scan3A_699 = arith.constant 40 : i32
      %scan3A_700 = arith.addi %scan3A_698, %scan3A_699 : i32
      %scan3A_701 = arith.constant 1 : i32
      %scan3A_702 = scf.for %scan3A_737 = %scan3A_698 to %scan3A_700 step %scan3A_701 iter_args(%scan3A_738 = %scan3A_697) -> (i32)  : i32 {
        %mul3A_739 = arith.constant 16 : i32
        %mul3A_740 = arith.muli %scan3A_737, %mul3A_739 : i32
        %get3A_741 = arith.index_cast %mul3A_740 : i32 to index
        %get3A_742 = tpu.vector_load %arg7[%get3A_741] {strides = array<i32>} : memref<640xi32, #tpu.memory_space<vmem>>, vector<16xi32>,
        %shift_right_logical3A = arith.constant 9 : i32
        %shift_right_logical3A_743 = vector.broadcast %shift_right_logical3A : i32 to vector<16xi32>
        %shift_right_logical3A_744 = arith.shrui %get3A_742, %shift_right_logical3A_743 : vector<16xi32>
        %eq3A_745 = vector.broadcast %add3A_687 : i32 to vector<16xi32>
        %eq3A_746 = arith.cmpi eq, %shift_right_logical3A_744, %eq3A_745 : vector<16xi32>
        %convert_element_type3A_747 = arith.extui %eq3A_746 : vector<16xi1> to vector<16xi32>
        %broadcast_in_dim3A_748 = arith.constant true
        %broadcast_in_dim3A_749 = vector.broadcast %broadcast_in_dim3A_748 : i1 to vector<16xi1>
        %masked_cumsum3A = tpu.scan <sum>, %convert_element_type3A_747 masked %broadcast_in_dim3A_749 : vector<16xi32>, vector<16xi1> -> vector<16xi32>
        %add3A_750 = vector.broadcast %scan3A_738 : i32 to vector<16xi32>
        %add3A_751 = arith.addi %add3A_750, %masked_cumsum3A : vector<16xi32>
        %sub3A_752 = arith.constant 1 : i32
        %sub3A_753 = vector.broadcast %sub3A_752 : i32 to vector<16xi32>
        %sub3A_754 = arith.subi %add3A_751, %sub3A_753 : vector<16xi32>
        %min3A = arith.constant 639 : i32
        %min3A_755 = vector.broadcast %min3A : i32 to vector<16xi32>
        %min3A_756 = arith.minsi %sub3A_754, %min3A_755 : vector<16xi32>
        %sub3A_757 = vector.broadcast %multiple_of3A : i32 to vector<16xi32>
        %sub3A_758 = arith.subi %get3A_742, %sub3A_757 : vector<16xi32>
        tpu.vector_store_idx %arg11[%min3A_756], %sub3A_758 masked %eq3A_746 : memref<640xi32, #tpu.memory_space<vmem>>[vector<16xi32>], vector<16xi32>, vector<16xi1>
        %mul3A_759 = arith.constant 16 : i32
        %mul3A_760 = arith.muli %scan3A_737, %mul3A_759 : i32
        %add3A_761 = vector.broadcast %mul3A_760 : i32 to vector<16xi32>
        %add3A_762 = arith.addi %add3A_761, %iota3A : vector<16xi32>
        tpu.vector_store_idx %arg12[%min3A_756], %add3A_762 masked %eq3A_746 : memref<640xi32, #tpu.memory_space<vmem>>[vector<16xi32>], vector<16xi32>, vector<16xi1>
        %reduce_sum3A = arith.constant true
        %reduce_sum3A_763 = vector.broadcast %reduce_sum3A : i1 to vector<16xi1>
        %reduce_sum3A_764 = tpu.scan <sum>, %convert_element_type3A_747 masked %reduce_sum3A_763 : vector<16xi32>, vector<16xi1> -> vector<16xi32>
        %reduce_sum3A_765 = vector.extract %reduce_sum3A_764[15] : i32 from vector<16xi32>
        %add3A_766 = arith.addi %scan3A_738, %reduce_sum3A_765 : i32
        scf.yield %add3A_766 : i32
      }
      %scan3A_703 = arith.constant 40 : i32
      %add3A_704 = arith.constant 15 : i32
      %add3A_705 = arith.addi %scan3A_702, %add3A_704 : i32
      %jit3A_706 = arith.constant 16 : i32
      %div3A = arith.divsi %add3A_705, %jit3A_706 : i32
      %sign3A = arith.constant 0 : i32
      %sign3A_707 = arith.cmpi sgt, %add3A_705, %sign3A : i32
      %sign3A_708 = arith.extui %sign3A_707 : i1 to i32
      %sign3A_709 = arith.constant 0 : i32
      %sign3A_710 = arith.cmpi slt, %add3A_705, %sign3A_709 : i32
      %sign3A_711 = arith.extui %sign3A_710 : i1 to i32
      %sign3A_712 = arith.subi %sign3A_708, %sign3A_711 : i32
      %sign3A_713 = arith.constant 0 : i32
      %sign3A_714 = arith.cmpi sgt, %jit3A_706, %sign3A_713 : i32
      %sign3A_715 = arith.extui %sign3A_714 : i1 to i32
      %sign3A_716 = arith.constant 0 : i32
      %sign3A_717 = arith.cmpi slt, %jit3A_706, %sign3A_716 : i32
      %sign3A_718 = arith.extui %sign3A_717 : i1 to i32
      %sign3A_719 = arith.subi %sign3A_715, %sign3A_718 : i32
      %ne3A = arith.cmpi ne, %sign3A_712, %sign3A_719 : i32
      %rem3A = arith.remsi %add3A_705, %jit3A_706 : i32
      %ne3A_720 = arith.constant 0 : i32
      %ne3A_721 = arith.cmpi ne, %rem3A, %ne3A_720 : i32
      %and3A = arith.andi %ne3A, %ne3A_721 : i1
      %sub3A = arith.constant 1 : i32
      %sub3A_722 = arith.subi %div3A, %sub3A : i32
      %select_n3A_723 = arith.select %and3A, %sub3A_722, %div3A : i32
      %while3A_724 = arith.constant 0 : i32
      %while3A_725 = arith.constant 0 : i32
      %while3A_726 = arith.subi %select_n3A_723, %while3A_724 : i32
      %while3A_727 = arith.addi %while3A_724, %while3A_726 : i32
      %while3A_728 = arith.constant 1 : i32
      %while3A_729 = arith.divsi %while3A_726, %while3A_728 : i32
      %while3A_730 = arith.muli %while3A_729, %while3A_728 : i32
      %while3A_731 = arith.addi %while3A_724, %while3A_730 : i32
      %while3A_732 = arith.constant 1 : i32
      %while3A_733 = scf.for %while3A_737 = %while3A_724 to %while3A_731 step %while3A_732 iter_args(%while3A_738 = %while3A_725) -> (i32)  : i32 {
        %mul3A_739 = arith.constant 16 : i32
        %mul3A_740 = arith.muli %while3A_737, %mul3A_739 : i32
        %get3A_741 = arith.index_cast %mul3A_740 : i32 to index
        %get3A_742 = tpu.vector_load %arg11[%get3A_741] {strides = array<i32>} : memref<640xi32, #tpu.memory_space<vmem>>, vector<16xi32>,
        %mul3A_743 = arith.constant 16 : i32
        %mul3A_744 = arith.muli %while3A_737, %mul3A_743 : i32
        %get3A_745 = arith.index_cast %mul3A_744 : i32 to index
        %get3A_746 = tpu.vector_load %arg12[%get3A_745] {strides = array<i32>} : memref<640xi32, #tpu.memory_space<vmem>>, vector<16xi32>,
        %mul3A_747 = arith.constant 16 : i32
        %mul3A_748 = arith.muli %while3A_737, %mul3A_747 : i32
        %add3A_749 = vector.broadcast %mul3A_748 : i32 to vector<16xi32>
        %add3A_750 = arith.addi %add3A_749, %iota3A : vector<16xi32>
        %lt3A_751 = vector.broadcast %scan3A_702 : i32 to vector<16xi32>
        %lt3A_752 = arith.cmpi slt, %add3A_750, %lt3A_751 : vector<16xi32>
        %broadcast_in_dim3A_753 = arith.constant 0 : i32
        %broadcast_in_dim3A_754 = vector.broadcast %broadcast_in_dim3A_753 : i32 to vector<16xi32>
        %gather3A = tpu.vector_load_idx %arg10[%broadcast_in_dim3A_754, %get3A_742] masked %lt3A_752 : memref<64x512xf32, #tpu.memory_space<vmem>>[vector<16xi32>, vector<16xi32>], vector<16xf32>, vector<16xi1>
        tpu.vector_store_idx %arg13[%get3A_746, %broadcast_in_dim3A_754], %gather3A masked %lt3A_752 : memref<640x128xf32, #tpu.memory_space<vmem>>[vector<16xi32>, vector<16xi32>], vector<16xf32>, vector<16xi1>
        %broadcast_in_dim3A_755 = arith.constant 1 : i32
        %broadcast_in_dim3A_756 = vector.broadcast %broadcast_in_dim3A_755 : i32 to vector<16xi32>
        %gather3A_757 = tpu.vector_load_idx %arg10[%broadcast_in_dim3A_756, %get3A_742] masked %lt3A_752 : memref<64x512xf32, #tpu.memory_space<vmem>>[vector<16xi32>, vector<16xi32>], vector<16xf32>, vector<16xi1>
        tpu.vector_store_idx %arg13[%get3A_746, %broadcast_in_dim3A_756], %gather3A_757 masked %lt3A_752 : memref<640x128xf32, #tpu.memory_space<vmem>>[vector<16xi32>, vector<16xi32>], vector<16xf32>, vector<16xi1>
        %broadcast_in_dim3A_758 = arith.constant 2 : i32
        %broadcast_in_dim3A_759 = vector.broadcast %broadcast_in_dim3A_758 : i32 to vector<16xi32>
        %gather3A_760 = tpu.vector_load_idx %arg10[%broadcast_in_dim3A_759, %get3A_742] masked %lt3A_752 : memref<64x512xf32, #tpu.memory_space<vmem>>[vector<16xi32>, vector<16xi32>], vector<16xf32>, vector<16xi1>
        tpu.vector_store_idx %arg13[%get3A_746, %broadcast_in_dim3A_759], %gather3A_760 masked %lt3A_752 : memref<640x128xf32, #tpu.memory_space<vmem>>[vector<16xi32>, vector<16xi32>], vector<16xf32>, vector<16xi1>
        %broadcast_in_dim3A_761 = arith.constant 3 : i32
        %broadcast_in_dim3A_762 = vector.broadcast %broadcast_in_dim3A_761 : i32 to vector<16xi32>
        %gather3A_763 = tpu.vector_load_idx %arg10[%broadcast_in_dim3A_762, %get3A_742] masked %lt3A_752 : memref<64x512xf32, #tpu.memory_space<vmem>>[vector<16xi32>, vector<16xi32>], vector<16xf32>, vector<16xi1>
        tpu.vector_store_idx %arg13[%get3A_746, %broadcast_in_dim3A_762], %gather3A_763 masked %lt3A_752 : memref<640x128xf32, #tpu.memory_space<vmem>>[vector<16xi32>, vector<16xi32>], vector<16xf32>, vector<16xi1>
        %broadcast_in_dim3A_764 = arith.constant 4 : i32
        %broadcast_in_dim3A_765 = vector.broadcast %broadcast_in_dim3A_764 : i32 to vector<16xi32>
        %gather3A_766 = tpu.vector_load_idx %arg10[%broadcast_in_dim3A_765, %get3A_742] masked %lt3A_752 : memref<64x512xf32, #tpu.memory_space<vmem>>[vector<16xi32>, vector<16xi32>], vector<16xf32>, vector<16xi1>
        tpu.vector_store_idx %arg13[%get3A_746, %broadcast_in_dim3A_765], %gather3A_766 masked %lt3A_752 : memref<640x128xf32, #tpu.memory_space<vmem>>[vector<16xi32>, vector<16xi32>], vector<16xf32>, vector<16xi1>
        %broadcast_in_dim3A_767 = arith.constant 5 : i32
        %broadcast_in_dim3A_768 = vector.broadcast %broadcast_in_dim3A_767 : i32 to vector<16xi32>
        %gather3A_769 = tpu.vector_load_idx %arg10[%broadcast_in_dim3A_768, %get3A_742] masked %lt3A_752 : memref<64x512xf32, #tpu.memory_space<vmem>>[vector<16xi32>, vector<16xi32>], vector<16xf32>, vector<16xi1>
        tpu.vector_store_idx %arg13[%get3A_746, %broadcast_in_dim3A_768], %gather3A_769 masked %lt3A_752 : memref<640x128xf32, #tpu.memory_space<vmem>>[vector<16xi32>, vector<16xi32>], vector<16xf32>, vector<16xi1>
        %broadcast_in_dim3A_770 = arith.constant 6 : i32
        %broadcast_in_dim3A_771 = vector.broadcast %broadcast_in_dim3A_770 : i32 to vector<16xi32>
        %gather3A_772 = tpu.vector_load_idx %arg10[%broadcast_in_dim3A_771, %get3A_742] masked %lt3A_752 : memref<64x512xf32, #tpu.memory_space<vmem>>[vector<16xi32>, vector<16xi32>], vector<16xf32>, vector<16xi1>
        tpu.vector_store_idx %arg13[%get3A_746, %broadcast_in_dim3A_771], %gather3A_772 masked %lt3A_752 : memref<640x128xf32, #tpu.memory_space<vmem>>[vector<16xi32>, vector<16xi32>], vector<16xf32>, vector<16xi1>
        %broadcast_in_dim3A_773 = arith.constant 7 : i32
        %broadcast_in_dim3A_774 = vector.broadcast %broadcast_in_dim3A_773 : i32 to vector<16xi32>
        %gather3A_775 = tpu.vector_load_idx %arg10[%broadcast_in_dim3A_774, %get3A_742] masked %lt3A_752 : memref<64x512xf32, #tpu.memory_space<vmem>>[vector<16xi32>, vector<16xi32>], vector<16xf32>, vector<16xi1>
        tpu.vector_store_idx %arg13[%get3A_746, %broadcast_in_dim3A_774], %gather3A_775 masked %lt3A_752 : memref<640x128xf32, #tpu.memory_space<vmem>>[vector<16xi32>, vector<16xi32>], vector<16xf32>, vector<16xi1>
        %broadcast_in_dim3A_776 = arith.constant 8 : i32
        %broadcast_in_dim3A_777 = vector.broadcast %broadcast_in_dim3A_776 : i32 to vector<16xi32>
        %gather3A_778 = tpu.vector_load_idx %arg10[%broadcast_in_dim3A_777, %get3A_742] masked %lt3A_752 : memref<64x512xf32, #tpu.memory_space<vmem>>[vector<16xi32>, vector<16xi32>], vector<16xf32>, vector<16xi1>
        tpu.vector_store_idx %arg13[%get3A_746, %broadcast_in_dim3A_777], %gather3A_778 masked %lt3A_752 : memref<640x128xf32, #tpu.memory_space<vmem>>[vector<16xi32>, vector<16xi32>], vector<16xf32>, vector<16xi1>
        %broadcast_in_dim3A_779 = arith.constant 9 : i32
        %broadcast_in_dim3A_780 = vector.broadcast %broadcast_in_dim3A_779 : i32 to vector<16xi32>
        %gather3A_781 = tpu.vector_load_idx %arg10[%broadcast_in_dim3A_780, %get3A_742] masked %lt3A_752 : memref<64x512xf32, #tpu.memory_space<vmem>>[vector<16xi32>, vector<16xi32>], vector<16xf32>, vector<16xi1>
        tpu.vector_store_idx %arg13[%get3A_746, %broadcast_in_dim3A_780], %gather3A_781 masked %lt3A_752 : memref<640x128xf32, #tpu.memory_space<vmem>>[vector<16xi32>, vector<16xi32>], vector<16xf32>, vector<16xi1>
        %broadcast_in_dim3A_782 = arith.constant 10 : i32
        %broadcast_in_dim3A_783 = vector.broadcast %broadcast_in_dim3A_782 : i32 to vector<16xi32>
        %gather3A_784 = tpu.vector_load_idx %arg10[%broadcast_in_dim3A_783, %get3A_742] masked %lt3A_752 : memref<64x512xf32, #tpu.memory_space<vmem>>[vector<16xi32>, vector<16xi32>], vector<16xf32>, vector<16xi1>
        tpu.vector_store_idx %arg13[%get3A_746, %broadcast_in_dim3A_783], %gather3A_784 masked %lt3A_752 : memref<640x128xf32, #tpu.memory_space<vmem>>[vector<16xi32>, vector<16xi32>], vector<16xf32>, vector<16xi1>
        %broadcast_in_dim3A_785 = arith.constant 11 : i32
        %broadcast_in_dim3A_786 = vector.broadcast %broadcast_in_dim3A_785 : i32 to vector<16xi32>
        %gather3A_787 = tpu.vector_load_idx %arg10[%broadcast_in_dim3A_786, %get3A_742] masked %lt3A_752 : memref<64x512xf32, #tpu.memory_space<vmem>>[vector<16xi32>, vector<16xi32>], vector<16xf32>, vector<16xi1>
        tpu.vector_store_idx %arg13[%get3A_746, %broadcast_in_dim3A_786], %gather3A_787 masked %lt3A_752 : memref<640x128xf32, #tpu.memory_space<vmem>>[vector<16xi32>, vector<16xi32>], vector<16xf32>, vector<16xi1>
        %broadcast_in_dim3A_788 = arith.constant 12 : i32
        %broadcast_in_dim3A_789 = vector.broadcast %broadcast_in_dim3A_788 : i32 to vector<16xi32>
        %gather3A_790 = tpu.vector_load_idx %arg10[%broadcast_in_dim3A_789, %get3A_742] masked %lt3A_752 : memref<64x512xf32, #tpu.memory_space<vmem>>[vector<16xi32>, vector<16xi32>], vector<16xf32>, vector<16xi1>
        tpu.vector_store_idx %arg13[%get3A_746, %broadcast_in_dim3A_789], %gather3A_790 masked %lt3A_752 : memref<640x128xf32, #tpu.memory_space<vmem>>[vector<16xi32>, vector<16xi32>], vector<16xf32>, vector<16xi1>
        %broadcast_in_dim3A_791 = arith.constant 13 : i32
        %broadcast_in_dim3A_792 = vector.broadcast %broadcast_in_dim3A_791 : i32 to vector<16xi32>
        %gather3A_793 = tpu.vector_load_idx %arg10[%broadcast_in_dim3A_792, %get3A_742] masked %lt3A_752 : memref<64x512xf32, #tpu.memory_space<vmem>>[vector<16xi32>, vector<16xi32>], vector<16xf32>, vector<16xi1>
        tpu.vector_store_idx %arg13[%get3A_746, %broadcast_in_dim3A_792], %gather3A_793 masked %lt3A_752 : memref<640x128xf32, #tpu.memory_space<vmem>>[vector<16xi32>, vector<16xi32>], vector<16xf32>, vector<16xi1>
        %broadcast_in_dim3A_794 = arith.constant 14 : i32
        %broadcast_in_dim3A_795 = vector.broadcast %broadcast_in_dim3A_794 : i32 to vector<16xi32>
        %gather3A_796 = tpu.vector_load_idx %arg10[%broadcast_in_dim3A_795, %get3A_742] masked %lt3A_752 : memref<64x512xf32, #tpu.memory_space<vmem>>[vector<16xi32>, vector<16xi32>], vector<16xf32>, vector<16xi1>
        tpu.vector_store_idx %arg13[%get3A_746, %broadcast_in_dim3A_795], %gather3A_796 masked %lt3A_752 : memref<640x128xf32, #tpu.memory_space<vmem>>[vector<16xi32>, vector<16xi32>], vector<16xf32>, vector<16xi1>
        %broadcast_in_dim3A_797 = arith.constant 15 : i32
        %broadcast_in_dim3A_798 = vector.broadcast %broadcast_in_dim3A_797 : i32 to vector<16xi32>
        %gather3A_799 = tpu.vector_load_idx %arg10[%broadcast_in_dim3A_798, %get3A_742] masked %lt3A_752 : memref<64x512xf32, #tpu.memory_space<vmem>>[vector<16xi32>, vector<16xi32>], vector<16xf32>, vector<16xi1>
        tpu.vector_store_idx %arg13[%get3A_746, %broadcast_in_dim3A_798], %gather3A_799 masked %lt3A_752 : memref<640x128xf32, #tpu.memory_space<vmem>>[vector<16xi32>, vector<16xi32>], vector<16xf32>, vector<16xi1>
        %broadcast_in_dim3A_800 = arith.constant 16 : i32
        %broadcast_in_dim3A_801 = vector.broadcast %broadcast_in_dim3A_800 : i32 to vector<16xi32>
        %gather3A_802 = tpu.vector_load_idx %arg10[%broadcast_in_dim3A_801, %get3A_742] masked %lt3A_752 : memref<64x512xf32, #tpu.memory_space<vmem>>[vector<16xi32>, vector<16xi32>], vector<16xf32>, vector<16xi1>
        tpu.vector_store_idx %arg13[%get3A_746, %broadcast_in_dim3A_801], %gather3A_802 masked %lt3A_752 : memref<640x128xf32, #tpu.memory_space<vmem>>[vector<16xi32>, vector<16xi32>], vector<16xf32>, vector<16xi1>
        %broadcast_in_dim3A_803 = arith.constant 17 : i32
        %broadcast_in_dim3A_804 = vector.broadcast %broadcast_in_dim3A_803 : i32 to vector<16xi32>
        %gather3A_805 = tpu.vector_load_idx %arg10[%broadcast_in_dim3A_804, %get3A_742] masked %lt3A_752 : memref<64x512xf32, #tpu.memory_space<vmem>>[vector<16xi32>, vector<16xi32>], vector<16xf32>, vector<16xi1>
        tpu.vector_store_idx %arg13[%get3A_746, %broadcast_in_dim3A_804], %gather3A_805 masked %lt3A_752 : memref<640x128xf32, #tpu.memory_space<vmem>>[vector<16xi32>, vector<16xi32>], vector<16xf32>, vector<16xi1>
        %broadcast_in_dim3A_806 = arith.constant 18 : i32
        %broadcast_in_dim3A_807 = vector.broadcast %broadcast_in_dim3A_806 : i32 to vector<16xi32>
        %gather3A_808 = tpu.vector_load_idx %arg10[%broadcast_in_dim3A_807, %get3A_742] masked %lt3A_752 : memref<64x512xf32, #tpu.memory_space<vmem>>[vector<16xi32>, vector<16xi32>], vector<16xf32>, vector<16xi1>
        tpu.vector_store_idx %arg13[%get3A_746, %broadcast_in_dim3A_807], %gather3A_808 masked %lt3A_752 : memref<640x128xf32, #tpu.memory_space<vmem>>[vector<16xi32>, vector<16xi32>], vector<16xf32>, vector<16xi1>
        %broadcast_in_dim3A_809 = arith.constant 19 : i32
        %broadcast_in_dim3A_810 = vector.broadcast %broadcast_in_dim3A_809 : i32 to vector<16xi32>
        %gather3A_811 = tpu.vector_load_idx %arg10[%broadcast_in_dim3A_810, %get3A_742] masked %lt3A_752 : memref<64x512xf32, #tpu.memory_space<vmem>>[vector<16xi32>, vector<16xi32>], vector<16xf32>, vector<16xi1>
        tpu.vector_store_idx %arg13[%get3A_746, %broadcast_in_dim3A_810], %gather3A_811 masked %lt3A_752 : memref<640x128xf32, #tpu.memory_space<vmem>>[vector<16xi32>, vector<16xi32>], vector<16xf32>, vector<16xi1>
        %broadcast_in_dim3A_812 = arith.constant 20 : i32
        %broadcast_in_dim3A_813 = vector.broadcast %broadcast_in_dim3A_812 : i32 to vector<16xi32>
        %gather3A_814 = tpu.vector_load_idx %arg10[%broadcast_in_dim3A_813, %get3A_742] masked %lt3A_752 : memref<64x512xf32, #tpu.memory_space<vmem>>[vector<16xi32>, vector<16xi32>], vector<16xf32>, vector<16xi1>
        tpu.vector_store_idx %arg13[%get3A_746, %broadcast_in_dim3A_813], %gather3A_814 masked %lt3A_752 : memref<640x128xf32, #tpu.memory_space<vmem>>[vector<16xi32>, vector<16xi32>], vector<16xf32>, vector<16xi1>
        %broadcast_in_dim3A_815 = arith.constant 21 : i32
        %broadcast_in_dim3A_816 = vector.broadcast %broadcast_in_dim3A_815 : i32 to vector<16xi32>
        %gather3A_817 = tpu.vector_load_idx %arg10[%broadcast_in_dim3A_816, %get3A_742] masked %lt3A_752 : memref<64x512xf32, #tpu.memory_space<vmem>>[vector<16xi32>, vector<16xi32>], vector<16xf32>, vector<16xi1>
        tpu.vector_store_idx %arg13[%get3A_746, %broadcast_in_dim3A_816], %gather3A_817 masked %lt3A_752 : memref<640x128xf32, #tpu.memory_space<vmem>>[vector<16xi32>, vector<16xi32>], vector<16xf32>, vector<16xi1>
        %broadcast_in_dim3A_818 = arith.constant 22 : i32
        %broadcast_in_dim3A_819 = vector.broadcast %broadcast_in_dim3A_818 : i32 to vector<16xi32>
        %gather3A_820 = tpu.vector_load_idx %arg10[%broadcast_in_dim3A_819, %get3A_742] masked %lt3A_752 : memref<64x512xf32, #tpu.memory_space<vmem>>[vector<16xi32>, vector<16xi32>], vector<16xf32>, vector<16xi1>
        tpu.vector_store_idx %arg13[%get3A_746, %broadcast_in_dim3A_819], %gather3A_820 masked %lt3A_752 : memref<640x128xf32, #tpu.memory_space<vmem>>[vector<16xi32>, vector<16xi32>], vector<16xf32>, vector<16xi1>
        %broadcast_in_dim3A_821 = arith.constant 23 : i32
        %broadcast_in_dim3A_822 = vector.broadcast %broadcast_in_dim3A_821 : i32 to vector<16xi32>
        %gather3A_823 = tpu.vector_load_idx %arg10[%broadcast_in_dim3A_822, %get3A_742] masked %lt3A_752 : memref<64x512xf32, #tpu.memory_space<vmem>>[vector<16xi32>, vector<16xi32>], vector<16xf32>, vector<16xi1>
        tpu.vector_store_idx %arg13[%get3A_746, %broadcast_in_dim3A_822], %gather3A_823 masked %lt3A_752 : memref<640x128xf32, #tpu.memory_space<vmem>>[vector<16xi32>, vector<16xi32>], vector<16xf32>, vector<16xi1>
        %broadcast_in_dim3A_824 = arith.constant 24 : i32
        %broadcast_in_dim3A_825 = vector.broadcast %broadcast_in_dim3A_824 : i32 to vector<16xi32>
        %gather3A_826 = tpu.vector_load_idx %arg10[%broadcast_in_dim3A_825, %get3A_742] masked %lt3A_752 : memref<64x512xf32, #tpu.memory_space<vmem>>[vector<16xi32>, vector<16xi32>], vector<16xf32>, vector<16xi1>
        tpu.vector_store_idx %arg13[%get3A_746, %broadcast_in_dim3A_825], %gather3A_826 masked %lt3A_752 : memref<640x128xf32, #tpu.memory_space<vmem>>[vector<16xi32>, vector<16xi32>], vector<16xf32>, vector<16xi1>
        %broadcast_in_dim3A_827 = arith.constant 25 : i32
        %broadcast_in_dim3A_828 = vector.broadcast %broadcast_in_dim3A_827 : i32 to vector<16xi32>
        %gather3A_829 = tpu.vector_load_idx %arg10[%broadcast_in_dim3A_828, %get3A_742] masked %lt3A_752 : memref<64x512xf32, #tpu.memory_space<vmem>>[vector<16xi32>, vector<16xi32>], vector<16xf32>, vector<16xi1>
        tpu.vector_store_idx %arg13[%get3A_746, %broadcast_in_dim3A_828], %gather3A_829 masked %lt3A_752 : memref<640x128xf32, #tpu.memory_space<vmem>>[vector<16xi32>, vector<16xi32>], vector<16xf32>, vector<16xi1>
        %broadcast_in_dim3A_830 = arith.constant 26 : i32
        %broadcast_in_dim3A_831 = vector.broadcast %broadcast_in_dim3A_830 : i32 to vector<16xi32>
        %gather3A_832 = tpu.vector_load_idx %arg10[%broadcast_in_dim3A_831, %get3A_742] masked %lt3A_752 : memref<64x512xf32, #tpu.memory_space<vmem>>[vector<16xi32>, vector<16xi32>], vector<16xf32>, vector<16xi1>
        tpu.vector_store_idx %arg13[%get3A_746, %broadcast_in_dim3A_831], %gather3A_832 masked %lt3A_752 : memref<640x128xf32, #tpu.memory_space<vmem>>[vector<16xi32>, vector<16xi32>], vector<16xf32>, vector<16xi1>
        %broadcast_in_dim3A_833 = arith.constant 27 : i32
        %broadcast_in_dim3A_834 = vector.broadcast %broadcast_in_dim3A_833 : i32 to vector<16xi32>
        %gather3A_835 = tpu.vector_load_idx %arg10[%broadcast_in_dim3A_834, %get3A_742] masked %lt3A_752 : memref<64x512xf32, #tpu.memory_space<vmem>>[vector<16xi32>, vector<16xi32>], vector<16xf32>, vector<16xi1>
        tpu.vector_store_idx %arg13[%get3A_746, %broadcast_in_dim3A_834], %gather3A_835 masked %lt3A_752 : memref<640x128xf32, #tpu.memory_space<vmem>>[vector<16xi32>, vector<16xi32>], vector<16xf32>, vector<16xi1>
        %broadcast_in_dim3A_836 = arith.constant 28 : i32
        %broadcast_in_dim3A_837 = vector.broadcast %broadcast_in_dim3A_836 : i32 to vector<16xi32>
        %gather3A_838 = tpu.vector_load_idx %arg10[%broadcast_in_dim3A_837, %get3A_742] masked %lt3A_752 : memref<64x512xf32, #tpu.memory_space<vmem>>[vector<16xi32>, vector<16xi32>], vector<16xf32>, vector<16xi1>
        tpu.vector_store_idx %arg13[%get3A_746, %broadcast_in_dim3A_837], %gather3A_838 masked %lt3A_752 : memref<640x128xf32, #tpu.memory_space<vmem>>[vector<16xi32>, vector<16xi32>], vector<16xf32>, vector<16xi1>
        %broadcast_in_dim3A_839 = arith.constant 29 : i32
        %broadcast_in_dim3A_840 = vector.broadcast %broadcast_in_dim3A_839 : i32 to vector<16xi32>
        %gather3A_841 = tpu.vector_load_idx %arg10[%broadcast_in_dim3A_840, %get3A_742] masked %lt3A_752 : memref<64x512xf32, #tpu.memory_space<vmem>>[vector<16xi32>, vector<16xi32>], vector<16xf32>, vector<16xi1>
        tpu.vector_store_idx %arg13[%get3A_746, %broadcast_in_dim3A_840], %gather3A_841 masked %lt3A_752 : memref<640x128xf32, #tpu.memory_space<vmem>>[vector<16xi32>, vector<16xi32>], vector<16xf32>, vector<16xi1>
        %broadcast_in_dim3A_842 = arith.constant 30 : i32
        %broadcast_in_dim3A_843 = vector.broadcast %broadcast_in_dim3A_842 : i32 to vector<16xi32>
        %gather3A_844 = tpu.vector_load_idx %arg10[%broadcast_in_dim3A_843, %get3A_742] masked %lt3A_752 : memref<64x512xf32, #tpu.memory_space<vmem>>[vector<16xi32>, vector<16xi32>], vector<16xf32>, vector<16xi1>
        tpu.vector_store_idx %arg13[%get3A_746, %broadcast_in_dim3A_843], %gather3A_844 masked %lt3A_752 : memref<640x128xf32, #tpu.memory_space<vmem>>[vector<16xi32>, vector<16xi32>], vector<16xf32>, vector<16xi1>
        %broadcast_in_dim3A_845 = arith.constant 31 : i32
        %broadcast_in_dim3A_846 = vector.broadcast %broadcast_in_dim3A_845 : i32 to vector<16xi32>
        %gather3A_847 = tpu.vector_load_idx %arg10[%broadcast_in_dim3A_846, %get3A_742] masked %lt3A_752 : memref<64x512xf32, #tpu.memory_space<vmem>>[vector<16xi32>, vector<16xi32>], vector<16xf32>, vector<16xi1>
        tpu.vector_store_idx %arg13[%get3A_746, %broadcast_in_dim3A_846], %gather3A_847 masked %lt3A_752 : memref<640x128xf32, #tpu.memory_space<vmem>>[vector<16xi32>, vector<16xi32>], vector<16xf32>, vector<16xi1>
        %broadcast_in_dim3A_848 = arith.constant 32 : i32
        %broadcast_in_dim3A_849 = vector.broadcast %broadcast_in_dim3A_848 : i32 to vector<16xi32>
        %gather3A_850 = tpu.vector_load_idx %arg10[%broadcast_in_dim3A_849, %get3A_742] masked %lt3A_752 : memref<64x512xf32, #tpu.memory_space<vmem>>[vector<16xi32>, vector<16xi32>], vector<16xf32>, vector<16xi1>
        tpu.vector_store_idx %arg13[%get3A_746, %broadcast_in_dim3A_849], %gather3A_850 masked %lt3A_752 : memref<640x128xf32, #tpu.memory_space<vmem>>[vector<16xi32>, vector<16xi32>], vector<16xf32>, vector<16xi1>
        %broadcast_in_dim3A_851 = arith.constant 33 : i32
        %broadcast_in_dim3A_852 = vector.broadcast %broadcast_in_dim3A_851 : i32 to vector<16xi32>
        %gather3A_853 = tpu.vector_load_idx %arg10[%broadcast_in_dim3A_852, %get3A_742] masked %lt3A_752 : memref<64x512xf32, #tpu.memory_space<vmem>>[vector<16xi32>, vector<16xi32>], vector<16xf32>, vector<16xi1>
        tpu.vector_store_idx %arg13[%get3A_746, %broadcast_in_dim3A_852], %gather3A_853 masked %lt3A_752 : memref<640x128xf32, #tpu.memory_space<vmem>>[vector<16xi32>, vector<16xi32>], vector<16xf32>, vector<16xi1>
        %broadcast_in_dim3A_854 = arith.constant 34 : i32
        %broadcast_in_dim3A_855 = vector.broadcast %broadcast_in_dim3A_854 : i32 to vector<16xi32>
        %gather3A_856 = tpu.vector_load_idx %arg10[%broadcast_in_dim3A_855, %get3A_742] masked %lt3A_752 : memref<64x512xf32, #tpu.memory_space<vmem>>[vector<16xi32>, vector<16xi32>], vector<16xf32>, vector<16xi1>
        tpu.vector_store_idx %arg13[%get3A_746, %broadcast_in_dim3A_855], %gather3A_856 masked %lt3A_752 : memref<640x128xf32, #tpu.memory_space<vmem>>[vector<16xi32>, vector<16xi32>], vector<16xf32>, vector<16xi1>
        %broadcast_in_dim3A_857 = arith.constant 35 : i32
        %broadcast_in_dim3A_858 = vector.broadcast %broadcast_in_dim3A_857 : i32 to vector<16xi32>
        %gather3A_859 = tpu.vector_load_idx %arg10[%broadcast_in_dim3A_858, %get3A_742] masked %lt3A_752 : memref<64x512xf32, #tpu.memory_space<vmem>>[vector<16xi32>, vector<16xi32>], vector<16xf32>, vector<16xi1>
        tpu.vector_store_idx %arg13[%get3A_746, %broadcast_in_dim3A_858], %gather3A_859 masked %lt3A_752 : memref<640x128xf32, #tpu.memory_space<vmem>>[vector<16xi32>, vector<16xi32>], vector<16xf32>, vector<16xi1>
        %broadcast_in_dim3A_860 = arith.constant 36 : i32
        %broadcast_in_dim3A_861 = vector.broadcast %broadcast_in_dim3A_860 : i32 to vector<16xi32>
        %gather3A_862 = tpu.vector_load_idx %arg10[%broadcast_in_dim3A_861, %get3A_742] masked %lt3A_752 : memref<64x512xf32, #tpu.memory_space<vmem>>[vector<16xi32>, vector<16xi32>], vector<16xf32>, vector<16xi1>
        tpu.vector_store_idx %arg13[%get3A_746, %broadcast_in_dim3A_861], %gather3A_862 masked %lt3A_752 : memref<640x128xf32, #tpu.memory_space<vmem>>[vector<16xi32>, vector<16xi32>], vector<16xf32>, vector<16xi1>
        %broadcast_in_dim3A_863 = arith.constant 37 : i32
        %broadcast_in_dim3A_864 = vector.broadcast %broadcast_in_dim3A_863 : i32 to vector<16xi32>
        %gather3A_865 = tpu.vector_load_idx %arg10[%broadcast_in_dim3A_864, %get3A_742] masked %lt3A_752 : memref<64x512xf32, #tpu.memory_space<vmem>>[vector<16xi32>, vector<16xi32>], vector<16xf32>, vector<16xi1>
        tpu.vector_store_idx %arg13[%get3A_746, %broadcast_in_dim3A_864], %gather3A_865 masked %lt3A_752 : memref<640x128xf32, #tpu.memory_space<vmem>>[vector<16xi32>, vector<16xi32>], vector<16xf32>, vector<16xi1>
        %broadcast_in_dim3A_866 = arith.constant 38 : i32
        %broadcast_in_dim3A_867 = vector.broadcast %broadcast_in_dim3A_866 : i32 to vector<16xi32>
        %gather3A_868 = tpu.vector_load_idx %arg10[%broadcast_in_dim3A_867, %get3A_742] masked %lt3A_752 : memref<64x512xf32, #tpu.memory_space<vmem>>[vector<16xi32>, vector<16xi32>], vector<16xf32>, vector<16xi1>
        tpu.vector_store_idx %arg13[%get3A_746, %broadcast_in_dim3A_867], %gather3A_868 masked %lt3A_752 : memref<640x128xf32, #tpu.memory_space<vmem>>[vector<16xi32>, vector<16xi32>], vector<16xf32>, vector<16xi1>
        %broadcast_in_dim3A_869 = arith.constant 39 : i32
        %broadcast_in_dim3A_870 = vector.broadcast %broadcast_in_dim3A_869 : i32 to vector<16xi32>
        %gather3A_871 = tpu.vector_load_idx %arg10[%broadcast_in_dim3A_870, %get3A_742] masked %lt3A_752 : memref<64x512xf32, #tpu.memory_space<vmem>>[vector<16xi32>, vector<16xi32>], vector<16xf32>, vector<16xi1>
        tpu.vector_store_idx %arg13[%get3A_746, %broadcast_in_dim3A_870], %gather3A_871 masked %lt3A_752 : memref<640x128xf32, #tpu.memory_space<vmem>>[vector<16xi32>, vector<16xi32>], vector<16xf32>, vector<16xi1>
        %broadcast_in_dim3A_872 = arith.constant 40 : i32
        %broadcast_in_dim3A_873 = vector.broadcast %broadcast_in_dim3A_872 : i32 to vector<16xi32>
        %gather3A_874 = tpu.vector_load_idx %arg10[%broadcast_in_dim3A_873, %get3A_742] masked %lt3A_752 : memref<64x512xf32, #tpu.memory_space<vmem>>[vector<16xi32>, vector<16xi32>], vector<16xf32>, vector<16xi1>
        tpu.vector_store_idx %arg13[%get3A_746, %broadcast_in_dim3A_873], %gather3A_874 masked %lt3A_752 : memref<640x128xf32, #tpu.memory_space<vmem>>[vector<16xi32>, vector<16xi32>], vector<16xf32>, vector<16xi1>
        %broadcast_in_dim3A_875 = arith.constant 41 : i32
        %broadcast_in_dim3A_876 = vector.broadcast %broadcast_in_dim3A_875 : i32 to vector<16xi32>
        %gather3A_877 = tpu.vector_load_idx %arg10[%broadcast_in_dim3A_876, %get3A_742] masked %lt3A_752 : memref<64x512xf32, #tpu.memory_space<vmem>>[vector<16xi32>, vector<16xi32>], vector<16xf32>, vector<16xi1>
        tpu.vector_store_idx %arg13[%get3A_746, %broadcast_in_dim3A_876], %gather3A_877 masked %lt3A_752 : memref<640x128xf32, #tpu.memory_space<vmem>>[vector<16xi32>, vector<16xi32>], vector<16xf32>, vector<16xi1>
        %broadcast_in_dim3A_878 = arith.constant 42 : i32
        %broadcast_in_dim3A_879 = vector.broadcast %broadcast_in_dim3A_878 : i32 to vector<16xi32>
        %gather3A_880 = tpu.vector_load_idx %arg10[%broadcast_in_dim3A_879, %get3A_742] masked %lt3A_752 : memref<64x512xf32, #tpu.memory_space<vmem>>[vector<16xi32>, vector<16xi32>], vector<16xf32>, vector<16xi1>
        tpu.vector_store_idx %arg13[%get3A_746, %broadcast_in_dim3A_879], %gather3A_880 masked %lt3A_752 : memref<640x128xf32, #tpu.memory_space<vmem>>[vector<16xi32>, vector<16xi32>], vector<16xf32>, vector<16xi1>
        %broadcast_in_dim3A_881 = arith.constant 43 : i32
        %broadcast_in_dim3A_882 = vector.broadcast %broadcast_in_dim3A_881 : i32 to vector<16xi32>
        %gather3A_883 = tpu.vector_load_idx %arg10[%broadcast_in_dim3A_882, %get3A_742] masked %lt3A_752 : memref<64x512xf32, #tpu.memory_space<vmem>>[vector<16xi32>, vector<16xi32>], vector<16xf32>, vector<16xi1>
        tpu.vector_store_idx %arg13[%get3A_746, %broadcast_in_dim3A_882], %gather3A_883 masked %lt3A_752 : memref<640x128xf32, #tpu.memory_space<vmem>>[vector<16xi32>, vector<16xi32>], vector<16xf32>, vector<16xi1>
        %broadcast_in_dim3A_884 = arith.constant 44 : i32
        %broadcast_in_dim3A_885 = vector.broadcast %broadcast_in_dim3A_884 : i32 to vector<16xi32>
        %gather3A_886 = tpu.vector_load_idx %arg10[%broadcast_in_dim3A_885, %get3A_742] masked %lt3A_752 : memref<64x512xf32, #tpu.memory_space<vmem>>[vector<16xi32>, vector<16xi32>], vector<16xf32>, vector<16xi1>
        tpu.vector_store_idx %arg13[%get3A_746, %broadcast_in_dim3A_885], %gather3A_886 masked %lt3A_752 : memref<640x128xf32, #tpu.memory_space<vmem>>[vector<16xi32>, vector<16xi32>], vector<16xf32>, vector<16xi1>
        %broadcast_in_dim3A_887 = arith.constant 45 : i32
        %broadcast_in_dim3A_888 = vector.broadcast %broadcast_in_dim3A_887 : i32 to vector<16xi32>
        %gather3A_889 = tpu.vector_load_idx %arg10[%broadcast_in_dim3A_888, %get3A_742] masked %lt3A_752 : memref<64x512xf32, #tpu.memory_space<vmem>>[vector<16xi32>, vector<16xi32>], vector<16xf32>, vector<16xi1>
        tpu.vector_store_idx %arg13[%get3A_746, %broadcast_in_dim3A_888], %gather3A_889 masked %lt3A_752 : memref<640x128xf32, #tpu.memory_space<vmem>>[vector<16xi32>, vector<16xi32>], vector<16xf32>, vector<16xi1>
        %broadcast_in_dim3A_890 = arith.constant 46 : i32
        %broadcast_in_dim3A_891 = vector.broadcast %broadcast_in_dim3A_890 : i32 to vector<16xi32>
        %gather3A_892 = tpu.vector_load_idx %arg10[%broadcast_in_dim3A_891, %get3A_742] masked %lt3A_752 : memref<64x512xf32, #tpu.memory_space<vmem>>[vector<16xi32>, vector<16xi32>], vector<16xf32>, vector<16xi1>
        tpu.vector_store_idx %arg13[%get3A_746, %broadcast_in_dim3A_891], %gather3A_892 masked %lt3A_752 : memref<640x128xf32, #tpu.memory_space<vmem>>[vector<16xi32>, vector<16xi32>], vector<16xf32>, vector<16xi1>
        %broadcast_in_dim3A_893 = arith.constant 47 : i32
        %broadcast_in_dim3A_894 = vector.broadcast %broadcast_in_dim3A_893 : i32 to vector<16xi32>
        %gather3A_895 = tpu.vector_load_idx %arg10[%broadcast_in_dim3A_894, %get3A_742] masked %lt3A_752 : memref<64x512xf32, #tpu.memory_space<vmem>>[vector<16xi32>, vector<16xi32>], vector<16xf32>, vector<16xi1>
        tpu.vector_store_idx %arg13[%get3A_746, %broadcast_in_dim3A_894], %gather3A_895 masked %lt3A_752 : memref<640x128xf32, #tpu.memory_space<vmem>>[vector<16xi32>, vector<16xi32>], vector<16xf32>, vector<16xi1>
        %broadcast_in_dim3A_896 = arith.constant 48 : i32
        %broadcast_in_dim3A_897 = vector.broadcast %broadcast_in_dim3A_896 : i32 to vector<16xi32>
        %gather3A_898 = tpu.vector_load_idx %arg10[%broadcast_in_dim3A_897, %get3A_742] masked %lt3A_752 : memref<64x512xf32, #tpu.memory_space<vmem>>[vector<16xi32>, vector<16xi32>], vector<16xf32>, vector<16xi1>
        tpu.vector_store_idx %arg13[%get3A_746, %broadcast_in_dim3A_897], %gather3A_898 masked %lt3A_752 : memref<640x128xf32, #tpu.memory_space<vmem>>[vector<16xi32>, vector<16xi32>], vector<16xf32>, vector<16xi1>
        %broadcast_in_dim3A_899 = arith.constant 49 : i32
        %broadcast_in_dim3A_900 = vector.broadcast %broadcast_in_dim3A_899 : i32 to vector<16xi32>
        %gather3A_901 = tpu.vector_load_idx %arg10[%broadcast_in_dim3A_900, %get3A_742] masked %lt3A_752 : memref<64x512xf32, #tpu.memory_space<vmem>>[vector<16xi32>, vector<16xi32>], vector<16xf32>, vector<16xi1>
        tpu.vector_store_idx %arg13[%get3A_746, %broadcast_in_dim3A_900], %gather3A_901 masked %lt3A_752 : memref<640x128xf32, #tpu.memory_space<vmem>>[vector<16xi32>, vector<16xi32>], vector<16xf32>, vector<16xi1>
        %broadcast_in_dim3A_902 = arith.constant 50 : i32
        %broadcast_in_dim3A_903 = vector.broadcast %broadcast_in_dim3A_902 : i32 to vector<16xi32>
        %gather3A_904 = tpu.vector_load_idx %arg10[%broadcast_in_dim3A_903, %get3A_742] masked %lt3A_752 : memref<64x512xf32, #tpu.memory_space<vmem>>[vector<16xi32>, vector<16xi32>], vector<16xf32>, vector<16xi1>
        tpu.vector_store_idx %arg13[%get3A_746, %broadcast_in_dim3A_903], %gather3A_904 masked %lt3A_752 : memref<640x128xf32, #tpu.memory_space<vmem>>[vector<16xi32>, vector<16xi32>], vector<16xf32>, vector<16xi1>
        %broadcast_in_dim3A_905 = arith.constant 51 : i32
        %broadcast_in_dim3A_906 = vector.broadcast %broadcast_in_dim3A_905 : i32 to vector<16xi32>
        %gather3A_907 = tpu.vector_load_idx %arg10[%broadcast_in_dim3A_906, %get3A_742] masked %lt3A_752 : memref<64x512xf32, #tpu.memory_space<vmem>>[vector<16xi32>, vector<16xi32>], vector<16xf32>, vector<16xi1>
        tpu.vector_store_idx %arg13[%get3A_746, %broadcast_in_dim3A_906], %gather3A_907 masked %lt3A_752 : memref<640x128xf32, #tpu.memory_space<vmem>>[vector<16xi32>, vector<16xi32>], vector<16xf32>, vector<16xi1>
        %broadcast_in_dim3A_908 = arith.constant 52 : i32
        %broadcast_in_dim3A_909 = vector.broadcast %broadcast_in_dim3A_908 : i32 to vector<16xi32>
        %gather3A_910 = tpu.vector_load_idx %arg10[%broadcast_in_dim3A_909, %get3A_742] masked %lt3A_752 : memref<64x512xf32, #tpu.memory_space<vmem>>[vector<16xi32>, vector<16xi32>], vector<16xf32>, vector<16xi1>
        tpu.vector_store_idx %arg13[%get3A_746, %broadcast_in_dim3A_909], %gather3A_910 masked %lt3A_752 : memref<640x128xf32, #tpu.memory_space<vmem>>[vector<16xi32>, vector<16xi32>], vector<16xf32>, vector<16xi1>
        %broadcast_in_dim3A_911 = arith.constant 53 : i32
        %broadcast_in_dim3A_912 = vector.broadcast %broadcast_in_dim3A_911 : i32 to vector<16xi32>
        %gather3A_913 = tpu.vector_load_idx %arg10[%broadcast_in_dim3A_912, %get3A_742] masked %lt3A_752 : memref<64x512xf32, #tpu.memory_space<vmem>>[vector<16xi32>, vector<16xi32>], vector<16xf32>, vector<16xi1>
        tpu.vector_store_idx %arg13[%get3A_746, %broadcast_in_dim3A_912], %gather3A_913 masked %lt3A_752 : memref<640x128xf32, #tpu.memory_space<vmem>>[vector<16xi32>, vector<16xi32>], vector<16xf32>, vector<16xi1>
        %broadcast_in_dim3A_914 = arith.constant 54 : i32
        %broadcast_in_dim3A_915 = vector.broadcast %broadcast_in_dim3A_914 : i32 to vector<16xi32>
        %gather3A_916 = tpu.vector_load_idx %arg10[%broadcast_in_dim3A_915, %get3A_742] masked %lt3A_752 : memref<64x512xf32, #tpu.memory_space<vmem>>[vector<16xi32>, vector<16xi32>], vector<16xf32>, vector<16xi1>
        tpu.vector_store_idx %arg13[%get3A_746, %broadcast_in_dim3A_915], %gather3A_916 masked %lt3A_752 : memref<640x128xf32, #tpu.memory_space<vmem>>[vector<16xi32>, vector<16xi32>], vector<16xf32>, vector<16xi1>
        %broadcast_in_dim3A_917 = arith.constant 55 : i32
        %broadcast_in_dim3A_918 = vector.broadcast %broadcast_in_dim3A_917 : i32 to vector<16xi32>
        %gather3A_919 = tpu.vector_load_idx %arg10[%broadcast_in_dim3A_918, %get3A_742] masked %lt3A_752 : memref<64x512xf32, #tpu.memory_space<vmem>>[vector<16xi32>, vector<16xi32>], vector<16xf32>, vector<16xi1>
        tpu.vector_store_idx %arg13[%get3A_746, %broadcast_in_dim3A_918], %gather3A_919 masked %lt3A_752 : memref<640x128xf32, #tpu.memory_space<vmem>>[vector<16xi32>, vector<16xi32>], vector<16xf32>, vector<16xi1>
        %broadcast_in_dim3A_920 = arith.constant 56 : i32
        %broadcast_in_dim3A_921 = vector.broadcast %broadcast_in_dim3A_920 : i32 to vector<16xi32>
        %gather3A_922 = tpu.vector_load_idx %arg10[%broadcast_in_dim3A_921, %get3A_742] masked %lt3A_752 : memref<64x512xf32, #tpu.memory_space<vmem>>[vector<16xi32>, vector<16xi32>], vector<16xf32>, vector<16xi1>
        tpu.vector_store_idx %arg13[%get3A_746, %broadcast_in_dim3A_921], %gather3A_922 masked %lt3A_752 : memref<640x128xf32, #tpu.memory_space<vmem>>[vector<16xi32>, vector<16xi32>], vector<16xf32>, vector<16xi1>
        %broadcast_in_dim3A_923 = arith.constant 57 : i32
        %broadcast_in_dim3A_924 = vector.broadcast %broadcast_in_dim3A_923 : i32 to vector<16xi32>
        %gather3A_925 = tpu.vector_load_idx %arg10[%broadcast_in_dim3A_924, %get3A_742] masked %lt3A_752 : memref<64x512xf32, #tpu.memory_space<vmem>>[vector<16xi32>, vector<16xi32>], vector<16xf32>, vector<16xi1>
        tpu.vector_store_idx %arg13[%get3A_746, %broadcast_in_dim3A_924], %gather3A_925 masked %lt3A_752 : memref<640x128xf32, #tpu.memory_space<vmem>>[vector<16xi32>, vector<16xi32>], vector<16xf32>, vector<16xi1>
        %broadcast_in_dim3A_926 = arith.constant 58 : i32
        %broadcast_in_dim3A_927 = vector.broadcast %broadcast_in_dim3A_926 : i32 to vector<16xi32>
        %gather3A_928 = tpu.vector_load_idx %arg10[%broadcast_in_dim3A_927, %get3A_742] masked %lt3A_752 : memref<64x512xf32, #tpu.memory_space<vmem>>[vector<16xi32>, vector<16xi32>], vector<16xf32>, vector<16xi1>
        tpu.vector_store_idx %arg13[%get3A_746, %broadcast_in_dim3A_927], %gather3A_928 masked %lt3A_752 : memref<640x128xf32, #tpu.memory_space<vmem>>[vector<16xi32>, vector<16xi32>], vector<16xf32>, vector<16xi1>
        %broadcast_in_dim3A_929 = arith.constant 59 : i32
        %broadcast_in_dim3A_930 = vector.broadcast %broadcast_in_dim3A_929 : i32 to vector<16xi32>
        %gather3A_931 = tpu.vector_load_idx %arg10[%broadcast_in_dim3A_930, %get3A_742] masked %lt3A_752 : memref<64x512xf32, #tpu.memory_space<vmem>>[vector<16xi32>, vector<16xi32>], vector<16xf32>, vector<16xi1>
        tpu.vector_store_idx %arg13[%get3A_746, %broadcast_in_dim3A_930], %gather3A_931 masked %lt3A_752 : memref<640x128xf32, #tpu.memory_space<vmem>>[vector<16xi32>, vector<16xi32>], vector<16xf32>, vector<16xi1>
        %broadcast_in_dim3A_932 = arith.constant 60 : i32
        %broadcast_in_dim3A_933 = vector.broadcast %broadcast_in_dim3A_932 : i32 to vector<16xi32>
        %gather3A_934 = tpu.vector_load_idx %arg10[%broadcast_in_dim3A_933, %get3A_742] masked %lt3A_752 : memref<64x512xf32, #tpu.memory_space<vmem>>[vector<16xi32>, vector<16xi32>], vector<16xf32>, vector<16xi1>
        tpu.vector_store_idx %arg13[%get3A_746, %broadcast_in_dim3A_933], %gather3A_934 masked %lt3A_752 : memref<640x128xf32, #tpu.memory_space<vmem>>[vector<16xi32>, vector<16xi32>], vector<16xf32>, vector<16xi1>
        %broadcast_in_dim3A_935 = arith.constant 61 : i32
        %broadcast_in_dim3A_936 = vector.broadcast %broadcast_in_dim3A_935 : i32 to vector<16xi32>
        %gather3A_937 = tpu.vector_load_idx %arg10[%broadcast_in_dim3A_936, %get3A_742] masked %lt3A_752 : memref<64x512xf32, #tpu.memory_space<vmem>>[vector<16xi32>, vector<16xi32>], vector<16xf32>, vector<16xi1>
        tpu.vector_store_idx %arg13[%get3A_746, %broadcast_in_dim3A_936], %gather3A_937 masked %lt3A_752 : memref<640x128xf32, #tpu.memory_space<vmem>>[vector<16xi32>, vector<16xi32>], vector<16xf32>, vector<16xi1>
        %broadcast_in_dim3A_938 = arith.constant 62 : i32
        %broadcast_in_dim3A_939 = vector.broadcast %broadcast_in_dim3A_938 : i32 to vector<16xi32>
        %gather3A_940 = tpu.vector_load_idx %arg10[%broadcast_in_dim3A_939, %get3A_742] masked %lt3A_752 : memref<64x512xf32, #tpu.memory_space<vmem>>[vector<16xi32>, vector<16xi32>], vector<16xf32>, vector<16xi1>
        tpu.vector_store_idx %arg13[%get3A_746, %broadcast_in_dim3A_939], %gather3A_940 masked %lt3A_752 : memref<640x128xf32, #tpu.memory_space<vmem>>[vector<16xi32>, vector<16xi32>], vector<16xf32>, vector<16xi1>
        %broadcast_in_dim3A_941 = arith.constant 63 : i32
        %broadcast_in_dim3A_942 = vector.broadcast %broadcast_in_dim3A_941 : i32 to vector<16xi32>
        %gather3A_943 = tpu.vector_load_idx %arg10[%broadcast_in_dim3A_942, %get3A_742] masked %lt3A_752 : memref<64x512xf32, #tpu.memory_space<vmem>>[vector<16xi32>, vector<16xi32>], vector<16xf32>, vector<16xi1>
        tpu.vector_store_idx %arg13[%get3A_746, %broadcast_in_dim3A_942], %gather3A_943 masked %lt3A_752 : memref<640x128xf32, #tpu.memory_space<vmem>>[vector<16xi32>, vector<16xi32>], vector<16xf32>, vector<16xi1>
        %while3A_944 = arith.constant 0 : i32
        scf.yield %while3A_944 : i32
      }
      %while3A_734 = arith.constant 1 : i32
      %while3A_735 = scf.for %while3A_737 = %while3A_731 to %while3A_727 step %while3A_734 iter_args(%while3A_738 = %while3A_733) -> (i32)  : i32 {
        %mul3A_739 = arith.constant 16 : i32
        %mul3A_740 = arith.muli %while3A_737, %mul3A_739 : i32
        %get3A_741 = arith.index_cast %mul3A_740 : i32 to index
        %get3A_742 = tpu.vector_load %arg11[%get3A_741] {strides = array<i32>} : memref<640xi32, #tpu.memory_space<vmem>>, vector<16xi32>,
        %mul3A_743 = arith.constant 16 : i32
        %mul3A_744 = arith.muli %while3A_737, %mul3A_743 : i32
        %get3A_745 = arith.index_cast %mul3A_744 : i32 to index
        %get3A_746 = tpu.vector_load %arg12[%get3A_745] {strides = array<i32>} : memref<640xi32, #tpu.memory_space<vmem>>, vector<16xi32>,
        %mul3A_747 = arith.constant 16 : i32
        %mul3A_748 = arith.muli %while3A_737, %mul3A_747 : i32
        %add3A_749 = vector.broadcast %mul3A_748 : i32 to vector<16xi32>
        %add3A_750 = arith.addi %add3A_749, %iota3A : vector<16xi32>
        %lt3A_751 = vector.broadcast %scan3A_702 : i32 to vector<16xi32>
        %lt3A_752 = arith.cmpi slt, %add3A_750, %lt3A_751 : vector<16xi32>
        %broadcast_in_dim3A_753 = arith.constant 0 : i32
        %broadcast_in_dim3A_754 = vector.broadcast %broadcast_in_dim3A_753 : i32 to vector<16xi32>
        %gather3A = tpu.vector_load_idx %arg10[%broadcast_in_dim3A_754, %get3A_742] masked %lt3A_752 : memref<64x512xf32, #tpu.memory_space<vmem>>[vector<16xi32>, vector<16xi32>], vector<16xf32>, vector<16xi1>
        tpu.vector_store_idx %arg13[%get3A_746, %broadcast_in_dim3A_754], %gather3A masked %lt3A_752 : memref<640x128xf32, #tpu.memory_space<vmem>>[vector<16xi32>, vector<16xi32>], vector<16xf32>, vector<16xi1>
        %broadcast_in_dim3A_755 = arith.constant 1 : i32
        %broadcast_in_dim3A_756 = vector.broadcast %broadcast_in_dim3A_755 : i32 to vector<16xi32>
        %gather3A_757 = tpu.vector_load_idx %arg10[%broadcast_in_dim3A_756, %get3A_742] masked %lt3A_752 : memref<64x512xf32, #tpu.memory_space<vmem>>[vector<16xi32>, vector<16xi32>], vector<16xf32>, vector<16xi1>
        tpu.vector_store_idx %arg13[%get3A_746, %broadcast_in_dim3A_756], %gather3A_757 masked %lt3A_752 : memref<640x128xf32, #tpu.memory_space<vmem>>[vector<16xi32>, vector<16xi32>], vector<16xf32>, vector<16xi1>
        %broadcast_in_dim3A_758 = arith.constant 2 : i32
        %broadcast_in_dim3A_759 = vector.broadcast %broadcast_in_dim3A_758 : i32 to vector<16xi32>
        %gather3A_760 = tpu.vector_load_idx %arg10[%broadcast_in_dim3A_759, %get3A_742] masked %lt3A_752 : memref<64x512xf32, #tpu.memory_space<vmem>>[vector<16xi32>, vector<16xi32>], vector<16xf32>, vector<16xi1>
        tpu.vector_store_idx %arg13[%get3A_746, %broadcast_in_dim3A_759], %gather3A_760 masked %lt3A_752 : memref<640x128xf32, #tpu.memory_space<vmem>>[vector<16xi32>, vector<16xi32>], vector<16xf32>, vector<16xi1>
        %broadcast_in_dim3A_761 = arith.constant 3 : i32
        %broadcast_in_dim3A_762 = vector.broadcast %broadcast_in_dim3A_761 : i32 to vector<16xi32>
        %gather3A_763 = tpu.vector_load_idx %arg10[%broadcast_in_dim3A_762, %get3A_742] masked %lt3A_752 : memref<64x512xf32, #tpu.memory_space<vmem>>[vector<16xi32>, vector<16xi32>], vector<16xf32>, vector<16xi1>
        tpu.vector_store_idx %arg13[%get3A_746, %broadcast_in_dim3A_762], %gather3A_763 masked %lt3A_752 : memref<640x128xf32, #tpu.memory_space<vmem>>[vector<16xi32>, vector<16xi32>], vector<16xf32>, vector<16xi1>
        %broadcast_in_dim3A_764 = arith.constant 4 : i32
        %broadcast_in_dim3A_765 = vector.broadcast %broadcast_in_dim3A_764 : i32 to vector<16xi32>
        %gather3A_766 = tpu.vector_load_idx %arg10[%broadcast_in_dim3A_765, %get3A_742] masked %lt3A_752 : memref<64x512xf32, #tpu.memory_space<vmem>>[vector<16xi32>, vector<16xi32>], vector<16xf32>, vector<16xi1>
        tpu.vector_store_idx %arg13[%get3A_746, %broadcast_in_dim3A_765], %gather3A_766 masked %lt3A_752 : memref<640x128xf32, #tpu.memory_space<vmem>>[vector<16xi32>, vector<16xi32>], vector<16xf32>, vector<16xi1>
        %broadcast_in_dim3A_767 = arith.constant 5 : i32
        %broadcast_in_dim3A_768 = vector.broadcast %broadcast_in_dim3A_767 : i32 to vector<16xi32>
        %gather3A_769 = tpu.vector_load_idx %arg10[%broadcast_in_dim3A_768, %get3A_742] masked %lt3A_752 : memref<64x512xf32, #tpu.memory_space<vmem>>[vector<16xi32>, vector<16xi32>], vector<16xf32>, vector<16xi1>
        tpu.vector_store_idx %arg13[%get3A_746, %broadcast_in_dim3A_768], %gather3A_769 masked %lt3A_752 : memref<640x128xf32, #tpu.memory_space<vmem>>[vector<16xi32>, vector<16xi32>], vector<16xf32>, vector<16xi1>
        %broadcast_in_dim3A_770 = arith.constant 6 : i32
        %broadcast_in_dim3A_771 = vector.broadcast %broadcast_in_dim3A_770 : i32 to vector<16xi32>
        %gather3A_772 = tpu.vector_load_idx %arg10[%broadcast_in_dim3A_771, %get3A_742] masked %lt3A_752 : memref<64x512xf32, #tpu.memory_space<vmem>>[vector<16xi32>, vector<16xi32>], vector<16xf32>, vector<16xi1>
        tpu.vector_store_idx %arg13[%get3A_746, %broadcast_in_dim3A_771], %gather3A_772 masked %lt3A_752 : memref<640x128xf32, #tpu.memory_space<vmem>>[vector<16xi32>, vector<16xi32>], vector<16xf32>, vector<16xi1>
        %broadcast_in_dim3A_773 = arith.constant 7 : i32
        %broadcast_in_dim3A_774 = vector.broadcast %broadcast_in_dim3A_773 : i32 to vector<16xi32>
        %gather3A_775 = tpu.vector_load_idx %arg10[%broadcast_in_dim3A_774, %get3A_742] masked %lt3A_752 : memref<64x512xf32, #tpu.memory_space<vmem>>[vector<16xi32>, vector<16xi32>], vector<16xf32>, vector<16xi1>
        tpu.vector_store_idx %arg13[%get3A_746, %broadcast_in_dim3A_774], %gather3A_775 masked %lt3A_752 : memref<640x128xf32, #tpu.memory_space<vmem>>[vector<16xi32>, vector<16xi32>], vector<16xf32>, vector<16xi1>
        %broadcast_in_dim3A_776 = arith.constant 8 : i32
        %broadcast_in_dim3A_777 = vector.broadcast %broadcast_in_dim3A_776 : i32 to vector<16xi32>
        %gather3A_778 = tpu.vector_load_idx %arg10[%broadcast_in_dim3A_777, %get3A_742] masked %lt3A_752 : memref<64x512xf32, #tpu.memory_space<vmem>>[vector<16xi32>, vector<16xi32>], vector<16xf32>, vector<16xi1>
        tpu.vector_store_idx %arg13[%get3A_746, %broadcast_in_dim3A_777], %gather3A_778 masked %lt3A_752 : memref<640x128xf32, #tpu.memory_space<vmem>>[vector<16xi32>, vector<16xi32>], vector<16xf32>, vector<16xi1>
        %broadcast_in_dim3A_779 = arith.constant 9 : i32
        %broadcast_in_dim3A_780 = vector.broadcast %broadcast_in_dim3A_779 : i32 to vector<16xi32>
        %gather3A_781 = tpu.vector_load_idx %arg10[%broadcast_in_dim3A_780, %get3A_742] masked %lt3A_752 : memref<64x512xf32, #tpu.memory_space<vmem>>[vector<16xi32>, vector<16xi32>], vector<16xf32>, vector<16xi1>
        tpu.vector_store_idx %arg13[%get3A_746, %broadcast_in_dim3A_780], %gather3A_781 masked %lt3A_752 : memref<640x128xf32, #tpu.memory_space<vmem>>[vector<16xi32>, vector<16xi32>], vector<16xf32>, vector<16xi1>
        %broadcast_in_dim3A_782 = arith.constant 10 : i32
        %broadcast_in_dim3A_783 = vector.broadcast %broadcast_in_dim3A_782 : i32 to vector<16xi32>
        %gather3A_784 = tpu.vector_load_idx %arg10[%broadcast_in_dim3A_783, %get3A_742] masked %lt3A_752 : memref<64x512xf32, #tpu.memory_space<vmem>>[vector<16xi32>, vector<16xi32>], vector<16xf32>, vector<16xi1>
        tpu.vector_store_idx %arg13[%get3A_746, %broadcast_in_dim3A_783], %gather3A_784 masked %lt3A_752 : memref<640x128xf32, #tpu.memory_space<vmem>>[vector<16xi32>, vector<16xi32>], vector<16xf32>, vector<16xi1>
        %broadcast_in_dim3A_785 = arith.constant 11 : i32
        %broadcast_in_dim3A_786 = vector.broadcast %broadcast_in_dim3A_785 : i32 to vector<16xi32>
        %gather3A_787 = tpu.vector_load_idx %arg10[%broadcast_in_dim3A_786, %get3A_742] masked %lt3A_752 : memref<64x512xf32, #tpu.memory_space<vmem>>[vector<16xi32>, vector<16xi32>], vector<16xf32>, vector<16xi1>
        tpu.vector_store_idx %arg13[%get3A_746, %broadcast_in_dim3A_786], %gather3A_787 masked %lt3A_752 : memref<640x128xf32, #tpu.memory_space<vmem>>[vector<16xi32>, vector<16xi32>], vector<16xf32>, vector<16xi1>
        %broadcast_in_dim3A_788 = arith.constant 12 : i32
        %broadcast_in_dim3A_789 = vector.broadcast %broadcast_in_dim3A_788 : i32 to vector<16xi32>
        %gather3A_790 = tpu.vector_load_idx %arg10[%broadcast_in_dim3A_789, %get3A_742] masked %lt3A_752 : memref<64x512xf32, #tpu.memory_space<vmem>>[vector<16xi32>, vector<16xi32>], vector<16xf32>, vector<16xi1>
        tpu.vector_store_idx %arg13[%get3A_746, %broadcast_in_dim3A_789], %gather3A_790 masked %lt3A_752 : memref<640x128xf32, #tpu.memory_space<vmem>>[vector<16xi32>, vector<16xi32>], vector<16xf32>, vector<16xi1>
        %broadcast_in_dim3A_791 = arith.constant 13 : i32
        %broadcast_in_dim3A_792 = vector.broadcast %broadcast_in_dim3A_791 : i32 to vector<16xi32>
        %gather3A_793 = tpu.vector_load_idx %arg10[%broadcast_in_dim3A_792, %get3A_742] masked %lt3A_752 : memref<64x512xf32, #tpu.memory_space<vmem>>[vector<16xi32>, vector<16xi32>], vector<16xf32>, vector<16xi1>
        tpu.vector_store_idx %arg13[%get3A_746, %broadcast_in_dim3A_792], %gather3A_793 masked %lt3A_752 : memref<640x128xf32, #tpu.memory_space<vmem>>[vector<16xi32>, vector<16xi32>], vector<16xf32>, vector<16xi1>
        %broadcast_in_dim3A_794 = arith.constant 14 : i32
        %broadcast_in_dim3A_795 = vector.broadcast %broadcast_in_dim3A_794 : i32 to vector<16xi32>
        %gather3A_796 = tpu.vector_load_idx %arg10[%broadcast_in_dim3A_795, %get3A_742] masked %lt3A_752 : memref<64x512xf32, #tpu.memory_space<vmem>>[vector<16xi32>, vector<16xi32>], vector<16xf32>, vector<16xi1>
        tpu.vector_store_idx %arg13[%get3A_746, %broadcast_in_dim3A_795], %gather3A_796 masked %lt3A_752 : memref<640x128xf32, #tpu.memory_space<vmem>>[vector<16xi32>, vector<16xi32>], vector<16xf32>, vector<16xi1>
        %broadcast_in_dim3A_797 = arith.constant 15 : i32
        %broadcast_in_dim3A_798 = vector.broadcast %broadcast_in_dim3A_797 : i32 to vector<16xi32>
        %gather3A_799 = tpu.vector_load_idx %arg10[%broadcast_in_dim3A_798, %get3A_742] masked %lt3A_752 : memref<64x512xf32, #tpu.memory_space<vmem>>[vector<16xi32>, vector<16xi32>], vector<16xf32>, vector<16xi1>
        tpu.vector_store_idx %arg13[%get3A_746, %broadcast_in_dim3A_798], %gather3A_799 masked %lt3A_752 : memref<640x128xf32, #tpu.memory_space<vmem>>[vector<16xi32>, vector<16xi32>], vector<16xf32>, vector<16xi1>
        %broadcast_in_dim3A_800 = arith.constant 16 : i32
        %broadcast_in_dim3A_801 = vector.broadcast %broadcast_in_dim3A_800 : i32 to vector<16xi32>
        %gather3A_802 = tpu.vector_load_idx %arg10[%broadcast_in_dim3A_801, %get3A_742] masked %lt3A_752 : memref<64x512xf32, #tpu.memory_space<vmem>>[vector<16xi32>, vector<16xi32>], vector<16xf32>, vector<16xi1>
        tpu.vector_store_idx %arg13[%get3A_746, %broadcast_in_dim3A_801], %gather3A_802 masked %lt3A_752 : memref<640x128xf32, #tpu.memory_space<vmem>>[vector<16xi32>, vector<16xi32>], vector<16xf32>, vector<16xi1>
        %broadcast_in_dim3A_803 = arith.constant 17 : i32
        %broadcast_in_dim3A_804 = vector.broadcast %broadcast_in_dim3A_803 : i32 to vector<16xi32>
        %gather3A_805 = tpu.vector_load_idx %arg10[%broadcast_in_dim3A_804, %get3A_742] masked %lt3A_752 : memref<64x512xf32, #tpu.memory_space<vmem>>[vector<16xi32>, vector<16xi32>], vector<16xf32>, vector<16xi1>
        tpu.vector_store_idx %arg13[%get3A_746, %broadcast_in_dim3A_804], %gather3A_805 masked %lt3A_752 : memref<640x128xf32, #tpu.memory_space<vmem>>[vector<16xi32>, vector<16xi32>], vector<16xf32>, vector<16xi1>
        %broadcast_in_dim3A_806 = arith.constant 18 : i32
        %broadcast_in_dim3A_807 = vector.broadcast %broadcast_in_dim3A_806 : i32 to vector<16xi32>
        %gather3A_808 = tpu.vector_load_idx %arg10[%broadcast_in_dim3A_807, %get3A_742] masked %lt3A_752 : memref<64x512xf32, #tpu.memory_space<vmem>>[vector<16xi32>, vector<16xi32>], vector<16xf32>, vector<16xi1>
        tpu.vector_store_idx %arg13[%get3A_746, %broadcast_in_dim3A_807], %gather3A_808 masked %lt3A_752 : memref<640x128xf32, #tpu.memory_space<vmem>>[vector<16xi32>, vector<16xi32>], vector<16xf32>, vector<16xi1>
        %broadcast_in_dim3A_809 = arith.constant 19 : i32
        %broadcast_in_dim3A_810 = vector.broadcast %broadcast_in_dim3A_809 : i32 to vector<16xi32>
        %gather3A_811 = tpu.vector_load_idx %arg10[%broadcast_in_dim3A_810, %get3A_742] masked %lt3A_752 : memref<64x512xf32, #tpu.memory_space<vmem>>[vector<16xi32>, vector<16xi32>], vector<16xf32>, vector<16xi1>
        tpu.vector_store_idx %arg13[%get3A_746, %broadcast_in_dim3A_810], %gather3A_811 masked %lt3A_752 : memref<640x128xf32, #tpu.memory_space<vmem>>[vector<16xi32>, vector<16xi32>], vector<16xf32>, vector<16xi1>
        %broadcast_in_dim3A_812 = arith.constant 20 : i32
        %broadcast_in_dim3A_813 = vector.broadcast %broadcast_in_dim3A_812 : i32 to vector<16xi32>
        %gather3A_814 = tpu.vector_load_idx %arg10[%broadcast_in_dim3A_813, %get3A_742] masked %lt3A_752 : memref<64x512xf32, #tpu.memory_space<vmem>>[vector<16xi32>, vector<16xi32>], vector<16xf32>, vector<16xi1>
        tpu.vector_store_idx %arg13[%get3A_746, %broadcast_in_dim3A_813], %gather3A_814 masked %lt3A_752 : memref<640x128xf32, #tpu.memory_space<vmem>>[vector<16xi32>, vector<16xi32>], vector<16xf32>, vector<16xi1>
        %broadcast_in_dim3A_815 = arith.constant 21 : i32
        %broadcast_in_dim3A_816 = vector.broadcast %broadcast_in_dim3A_815 : i32 to vector<16xi32>
        %gather3A_817 = tpu.vector_load_idx %arg10[%broadcast_in_dim3A_816, %get3A_742] masked %lt3A_752 : memref<64x512xf32, #tpu.memory_space<vmem>>[vector<16xi32>, vector<16xi32>], vector<16xf32>, vector<16xi1>
        tpu.vector_store_idx %arg13[%get3A_746, %broadcast_in_dim3A_816], %gather3A_817 masked %lt3A_752 : memref<640x128xf32, #tpu.memory_space<vmem>>[vector<16xi32>, vector<16xi32>], vector<16xf32>, vector<16xi1>
        %broadcast_in_dim3A_818 = arith.constant 22 : i32
        %broadcast_in_dim3A_819 = vector.broadcast %broadcast_in_dim3A_818 : i32 to vector<16xi32>
        %gather3A_820 = tpu.vector_load_idx %arg10[%broadcast_in_dim3A_819, %get3A_742] masked %lt3A_752 : memref<64x512xf32, #tpu.memory_space<vmem>>[vector<16xi32>, vector<16xi32>], vector<16xf32>, vector<16xi1>
        tpu.vector_store_idx %arg13[%get3A_746, %broadcast_in_dim3A_819], %gather3A_820 masked %lt3A_752 : memref<640x128xf32, #tpu.memory_space<vmem>>[vector<16xi32>, vector<16xi32>], vector<16xf32>, vector<16xi1>
        %broadcast_in_dim3A_821 = arith.constant 23 : i32
        %broadcast_in_dim3A_822 = vector.broadcast %broadcast_in_dim3A_821 : i32 to vector<16xi32>
        %gather3A_823 = tpu.vector_load_idx %arg10[%broadcast_in_dim3A_822, %get3A_742] masked %lt3A_752 : memref<64x512xf32, #tpu.memory_space<vmem>>[vector<16xi32>, vector<16xi32>], vector<16xf32>, vector<16xi1>
        tpu.vector_store_idx %arg13[%get3A_746, %broadcast_in_dim3A_822], %gather3A_823 masked %lt3A_752 : memref<640x128xf32, #tpu.memory_space<vmem>>[vector<16xi32>, vector<16xi32>], vector<16xf32>, vector<16xi1>
        %broadcast_in_dim3A_824 = arith.constant 24 : i32
        %broadcast_in_dim3A_825 = vector.broadcast %broadcast_in_dim3A_824 : i32 to vector<16xi32>
        %gather3A_826 = tpu.vector_load_idx %arg10[%broadcast_in_dim3A_825, %get3A_742] masked %lt3A_752 : memref<64x512xf32, #tpu.memory_space<vmem>>[vector<16xi32>, vector<16xi32>], vector<16xf32>, vector<16xi1>
        tpu.vector_store_idx %arg13[%get3A_746, %broadcast_in_dim3A_825], %gather3A_826 masked %lt3A_752 : memref<640x128xf32, #tpu.memory_space<vmem>>[vector<16xi32>, vector<16xi32>], vector<16xf32>, vector<16xi1>
        %broadcast_in_dim3A_827 = arith.constant 25 : i32
        %broadcast_in_dim3A_828 = vector.broadcast %broadcast_in_dim3A_827 : i32 to vector<16xi32>
        %gather3A_829 = tpu.vector_load_idx %arg10[%broadcast_in_dim3A_828, %get3A_742] masked %lt3A_752 : memref<64x512xf32, #tpu.memory_space<vmem>>[vector<16xi32>, vector<16xi32>], vector<16xf32>, vector<16xi1>
        tpu.vector_store_idx %arg13[%get3A_746, %broadcast_in_dim3A_828], %gather3A_829 masked %lt3A_752 : memref<640x128xf32, #tpu.memory_space<vmem>>[vector<16xi32>, vector<16xi32>], vector<16xf32>, vector<16xi1>
        %broadcast_in_dim3A_830 = arith.constant 26 : i32
        %broadcast_in_dim3A_831 = vector.broadcast %broadcast_in_dim3A_830 : i32 to vector<16xi32>
        %gather3A_832 = tpu.vector_load_idx %arg10[%broadcast_in_dim3A_831, %get3A_742] masked %lt3A_752 : memref<64x512xf32, #tpu.memory_space<vmem>>[vector<16xi32>, vector<16xi32>], vector<16xf32>, vector<16xi1>
        tpu.vector_store_idx %arg13[%get3A_746, %broadcast_in_dim3A_831], %gather3A_832 masked %lt3A_752 : memref<640x128xf32, #tpu.memory_space<vmem>>[vector<16xi32>, vector<16xi32>], vector<16xf32>, vector<16xi1>
        %broadcast_in_dim3A_833 = arith.constant 27 : i32
        %broadcast_in_dim3A_834 = vector.broadcast %broadcast_in_dim3A_833 : i32 to vector<16xi32>
        %gather3A_835 = tpu.vector_load_idx %arg10[%broadcast_in_dim3A_834, %get3A_742] masked %lt3A_752 : memref<64x512xf32, #tpu.memory_space<vmem>>[vector<16xi32>, vector<16xi32>], vector<16xf32>, vector<16xi1>
        tpu.vector_store_idx %arg13[%get3A_746, %broadcast_in_dim3A_834], %gather3A_835 masked %lt3A_752 : memref<640x128xf32, #tpu.memory_space<vmem>>[vector<16xi32>, vector<16xi32>], vector<16xf32>, vector<16xi1>
        %broadcast_in_dim3A_836 = arith.constant 28 : i32
        %broadcast_in_dim3A_837 = vector.broadcast %broadcast_in_dim3A_836 : i32 to vector<16xi32>
        %gather3A_838 = tpu.vector_load_idx %arg10[%broadcast_in_dim3A_837, %get3A_742] masked %lt3A_752 : memref<64x512xf32, #tpu.memory_space<vmem>>[vector<16xi32>, vector<16xi32>], vector<16xf32>, vector<16xi1>
        tpu.vector_store_idx %arg13[%get3A_746, %broadcast_in_dim3A_837], %gather3A_838 masked %lt3A_752 : memref<640x128xf32, #tpu.memory_space<vmem>>[vector<16xi32>, vector<16xi32>], vector<16xf32>, vector<16xi1>
        %broadcast_in_dim3A_839 = arith.constant 29 : i32
        %broadcast_in_dim3A_840 = vector.broadcast %broadcast_in_dim3A_839 : i32 to vector<16xi32>
        %gather3A_841 = tpu.vector_load_idx %arg10[%broadcast_in_dim3A_840, %get3A_742] masked %lt3A_752 : memref<64x512xf32, #tpu.memory_space<vmem>>[vector<16xi32>, vector<16xi32>], vector<16xf32>, vector<16xi1>
        tpu.vector_store_idx %arg13[%get3A_746, %broadcast_in_dim3A_840], %gather3A_841 masked %lt3A_752 : memref<640x128xf32, #tpu.memory_space<vmem>>[vector<16xi32>, vector<16xi32>], vector<16xf32>, vector<16xi1>
        %broadcast_in_dim3A_842 = arith.constant 30 : i32
        %broadcast_in_dim3A_843 = vector.broadcast %broadcast_in_dim3A_842 : i32 to vector<16xi32>
        %gather3A_844 = tpu.vector_load_idx %arg10[%broadcast_in_dim3A_843, %get3A_742] masked %lt3A_752 : memref<64x512xf32, #tpu.memory_space<vmem>>[vector<16xi32>, vector<16xi32>], vector<16xf32>, vector<16xi1>
        tpu.vector_store_idx %arg13[%get3A_746, %broadcast_in_dim3A_843], %gather3A_844 masked %lt3A_752 : memref<640x128xf32, #tpu.memory_space<vmem>>[vector<16xi32>, vector<16xi32>], vector<16xf32>, vector<16xi1>
        %broadcast_in_dim3A_845 = arith.constant 31 : i32
        %broadcast_in_dim3A_846 = vector.broadcast %broadcast_in_dim3A_845 : i32 to vector<16xi32>
        %gather3A_847 = tpu.vector_load_idx %arg10[%broadcast_in_dim3A_846, %get3A_742] masked %lt3A_752 : memref<64x512xf32, #tpu.memory_space<vmem>>[vector<16xi32>, vector<16xi32>], vector<16xf32>, vector<16xi1>
        tpu.vector_store_idx %arg13[%get3A_746, %broadcast_in_dim3A_846], %gather3A_847 masked %lt3A_752 : memref<640x128xf32, #tpu.memory_space<vmem>>[vector<16xi32>, vector<16xi32>], vector<16xf32>, vector<16xi1>
        %broadcast_in_dim3A_848 = arith.constant 32 : i32
        %broadcast_in_dim3A_849 = vector.broadcast %broadcast_in_dim3A_848 : i32 to vector<16xi32>
        %gather3A_850 = tpu.vector_load_idx %arg10[%broadcast_in_dim3A_849, %get3A_742] masked %lt3A_752 : memref<64x512xf32, #tpu.memory_space<vmem>>[vector<16xi32>, vector<16xi32>], vector<16xf32>, vector<16xi1>
        tpu.vector_store_idx %arg13[%get3A_746, %broadcast_in_dim3A_849], %gather3A_850 masked %lt3A_752 : memref<640x128xf32, #tpu.memory_space<vmem>>[vector<16xi32>, vector<16xi32>], vector<16xf32>, vector<16xi1>
        %broadcast_in_dim3A_851 = arith.constant 33 : i32
        %broadcast_in_dim3A_852 = vector.broadcast %broadcast_in_dim3A_851 : i32 to vector<16xi32>
        %gather3A_853 = tpu.vector_load_idx %arg10[%broadcast_in_dim3A_852, %get3A_742] masked %lt3A_752 : memref<64x512xf32, #tpu.memory_space<vmem>>[vector<16xi32>, vector<16xi32>], vector<16xf32>, vector<16xi1>
        tpu.vector_store_idx %arg13[%get3A_746, %broadcast_in_dim3A_852], %gather3A_853 masked %lt3A_752 : memref<640x128xf32, #tpu.memory_space<vmem>>[vector<16xi32>, vector<16xi32>], vector<16xf32>, vector<16xi1>
        %broadcast_in_dim3A_854 = arith.constant 34 : i32
        %broadcast_in_dim3A_855 = vector.broadcast %broadcast_in_dim3A_854 : i32 to vector<16xi32>
        %gather3A_856 = tpu.vector_load_idx %arg10[%broadcast_in_dim3A_855, %get3A_742] masked %lt3A_752 : memref<64x512xf32, #tpu.memory_space<vmem>>[vector<16xi32>, vector<16xi32>], vector<16xf32>, vector<16xi1>
        tpu.vector_store_idx %arg13[%get3A_746, %broadcast_in_dim3A_855], %gather3A_856 masked %lt3A_752 : memref<640x128xf32, #tpu.memory_space<vmem>>[vector<16xi32>, vector<16xi32>], vector<16xf32>, vector<16xi1>
        %broadcast_in_dim3A_857 = arith.constant 35 : i32
        %broadcast_in_dim3A_858 = vector.broadcast %broadcast_in_dim3A_857 : i32 to vector<16xi32>
        %gather3A_859 = tpu.vector_load_idx %arg10[%broadcast_in_dim3A_858, %get3A_742] masked %lt3A_752 : memref<64x512xf32, #tpu.memory_space<vmem>>[vector<16xi32>, vector<16xi32>], vector<16xf32>, vector<16xi1>
        tpu.vector_store_idx %arg13[%get3A_746, %broadcast_in_dim3A_858], %gather3A_859 masked %lt3A_752 : memref<640x128xf32, #tpu.memory_space<vmem>>[vector<16xi32>, vector<16xi32>], vector<16xf32>, vector<16xi1>
        %broadcast_in_dim3A_860 = arith.constant 36 : i32
        %broadcast_in_dim3A_861 = vector.broadcast %broadcast_in_dim3A_860 : i32 to vector<16xi32>
        %gather3A_862 = tpu.vector_load_idx %arg10[%broadcast_in_dim3A_861, %get3A_742] masked %lt3A_752 : memref<64x512xf32, #tpu.memory_space<vmem>>[vector<16xi32>, vector<16xi32>], vector<16xf32>, vector<16xi1>
        tpu.vector_store_idx %arg13[%get3A_746, %broadcast_in_dim3A_861], %gather3A_862 masked %lt3A_752 : memref<640x128xf32, #tpu.memory_space<vmem>>[vector<16xi32>, vector<16xi32>], vector<16xf32>, vector<16xi1>
        %broadcast_in_dim3A_863 = arith.constant 37 : i32
        %broadcast_in_dim3A_864 = vector.broadcast %broadcast_in_dim3A_863 : i32 to vector<16xi32>
        %gather3A_865 = tpu.vector_load_idx %arg10[%broadcast_in_dim3A_864, %get3A_742] masked %lt3A_752 : memref<64x512xf32, #tpu.memory_space<vmem>>[vector<16xi32>, vector<16xi32>], vector<16xf32>, vector<16xi1>
        tpu.vector_store_idx %arg13[%get3A_746, %broadcast_in_dim3A_864], %gather3A_865 masked %lt3A_752 : memref<640x128xf32, #tpu.memory_space<vmem>>[vector<16xi32>, vector<16xi32>], vector<16xf32>, vector<16xi1>
        %broadcast_in_dim3A_866 = arith.constant 38 : i32
        %broadcast_in_dim3A_867 = vector.broadcast %broadcast_in_dim3A_866 : i32 to vector<16xi32>
        %gather3A_868 = tpu.vector_load_idx %arg10[%broadcast_in_dim3A_867, %get3A_742] masked %lt3A_752 : memref<64x512xf32, #tpu.memory_space<vmem>>[vector<16xi32>, vector<16xi32>], vector<16xf32>, vector<16xi1>
        tpu.vector_store_idx %arg13[%get3A_746, %broadcast_in_dim3A_867], %gather3A_868 masked %lt3A_752 : memref<640x128xf32, #tpu.memory_space<vmem>>[vector<16xi32>, vector<16xi32>], vector<16xf32>, vector<16xi1>
        %broadcast_in_dim3A_869 = arith.constant 39 : i32
        %broadcast_in_dim3A_870 = vector.broadcast %broadcast_in_dim3A_869 : i32 to vector<16xi32>
        %gather3A_871 = tpu.vector_load_idx %arg10[%broadcast_in_dim3A_870, %get3A_742] masked %lt3A_752 : memref<64x512xf32, #tpu.memory_space<vmem>>[vector<16xi32>, vector<16xi32>], vector<16xf32>, vector<16xi1>
        tpu.vector_store_idx %arg13[%get3A_746, %broadcast_in_dim3A_870], %gather3A_871 masked %lt3A_752 : memref<640x128xf32, #tpu.memory_space<vmem>>[vector<16xi32>, vector<16xi32>], vector<16xf32>, vector<16xi1>
        %broadcast_in_dim3A_872 = arith.constant 40 : i32
        %broadcast_in_dim3A_873 = vector.broadcast %broadcast_in_dim3A_872 : i32 to vector<16xi32>
        %gather3A_874 = tpu.vector_load_idx %arg10[%broadcast_in_dim3A_873, %get3A_742] masked %lt3A_752 : memref<64x512xf32, #tpu.memory_space<vmem>>[vector<16xi32>, vector<16xi32>], vector<16xf32>, vector<16xi1>
        tpu.vector_store_idx %arg13[%get3A_746, %broadcast_in_dim3A_873], %gather3A_874 masked %lt3A_752 : memref<640x128xf32, #tpu.memory_space<vmem>>[vector<16xi32>, vector<16xi32>], vector<16xf32>, vector<16xi1>
        %broadcast_in_dim3A_875 = arith.constant 41 : i32
        %broadcast_in_dim3A_876 = vector.broadcast %broadcast_in_dim3A_875 : i32 to vector<16xi32>
        %gather3A_877 = tpu.vector_load_idx %arg10[%broadcast_in_dim3A_876, %get3A_742] masked %lt3A_752 : memref<64x512xf32, #tpu.memory_space<vmem>>[vector<16xi32>, vector<16xi32>], vector<16xf32>, vector<16xi1>
        tpu.vector_store_idx %arg13[%get3A_746, %broadcast_in_dim3A_876], %gather3A_877 masked %lt3A_752 : memref<640x128xf32, #tpu.memory_space<vmem>>[vector<16xi32>, vector<16xi32>], vector<16xf32>, vector<16xi1>
        %broadcast_in_dim3A_878 = arith.constant 42 : i32
        %broadcast_in_dim3A_879 = vector.broadcast %broadcast_in_dim3A_878 : i32 to vector<16xi32>
        %gather3A_880 = tpu.vector_load_idx %arg10[%broadcast_in_dim3A_879, %get3A_742] masked %lt3A_752 : memref<64x512xf32, #tpu.memory_space<vmem>>[vector<16xi32>, vector<16xi32>], vector<16xf32>, vector<16xi1>
        tpu.vector_store_idx %arg13[%get3A_746, %broadcast_in_dim3A_879], %gather3A_880 masked %lt3A_752 : memref<640x128xf32, #tpu.memory_space<vmem>>[vector<16xi32>, vector<16xi32>], vector<16xf32>, vector<16xi1>
        %broadcast_in_dim3A_881 = arith.constant 43 : i32
        %broadcast_in_dim3A_882 = vector.broadcast %broadcast_in_dim3A_881 : i32 to vector<16xi32>
        %gather3A_883 = tpu.vector_load_idx %arg10[%broadcast_in_dim3A_882, %get3A_742] masked %lt3A_752 : memref<64x512xf32, #tpu.memory_space<vmem>>[vector<16xi32>, vector<16xi32>], vector<16xf32>, vector<16xi1>
        tpu.vector_store_idx %arg13[%get3A_746, %broadcast_in_dim3A_882], %gather3A_883 masked %lt3A_752 : memref<640x128xf32, #tpu.memory_space<vmem>>[vector<16xi32>, vector<16xi32>], vector<16xf32>, vector<16xi1>
        %broadcast_in_dim3A_884 = arith.constant 44 : i32
        %broadcast_in_dim3A_885 = vector.broadcast %broadcast_in_dim3A_884 : i32 to vector<16xi32>
        %gather3A_886 = tpu.vector_load_idx %arg10[%broadcast_in_dim3A_885, %get3A_742] masked %lt3A_752 : memref<64x512xf32, #tpu.memory_space<vmem>>[vector<16xi32>, vector<16xi32>], vector<16xf32>, vector<16xi1>
        tpu.vector_store_idx %arg13[%get3A_746, %broadcast_in_dim3A_885], %gather3A_886 masked %lt3A_752 : memref<640x128xf32, #tpu.memory_space<vmem>>[vector<16xi32>, vector<16xi32>], vector<16xf32>, vector<16xi1>
        %broadcast_in_dim3A_887 = arith.constant 45 : i32
        %broadcast_in_dim3A_888 = vector.broadcast %broadcast_in_dim3A_887 : i32 to vector<16xi32>
        %gather3A_889 = tpu.vector_load_idx %arg10[%broadcast_in_dim3A_888, %get3A_742] masked %lt3A_752 : memref<64x512xf32, #tpu.memory_space<vmem>>[vector<16xi32>, vector<16xi32>], vector<16xf32>, vector<16xi1>
        tpu.vector_store_idx %arg13[%get3A_746, %broadcast_in_dim3A_888], %gather3A_889 masked %lt3A_752 : memref<640x128xf32, #tpu.memory_space<vmem>>[vector<16xi32>, vector<16xi32>], vector<16xf32>, vector<16xi1>
        %broadcast_in_dim3A_890 = arith.constant 46 : i32
        %broadcast_in_dim3A_891 = vector.broadcast %broadcast_in_dim3A_890 : i32 to vector<16xi32>
        %gather3A_892 = tpu.vector_load_idx %arg10[%broadcast_in_dim3A_891, %get3A_742] masked %lt3A_752 : memref<64x512xf32, #tpu.memory_space<vmem>>[vector<16xi32>, vector<16xi32>], vector<16xf32>, vector<16xi1>
        tpu.vector_store_idx %arg13[%get3A_746, %broadcast_in_dim3A_891], %gather3A_892 masked %lt3A_752 : memref<640x128xf32, #tpu.memory_space<vmem>>[vector<16xi32>, vector<16xi32>], vector<16xf32>, vector<16xi1>
        %broadcast_in_dim3A_893 = arith.constant 47 : i32
        %broadcast_in_dim3A_894 = vector.broadcast %broadcast_in_dim3A_893 : i32 to vector<16xi32>
        %gather3A_895 = tpu.vector_load_idx %arg10[%broadcast_in_dim3A_894, %get3A_742] masked %lt3A_752 : memref<64x512xf32, #tpu.memory_space<vmem>>[vector<16xi32>, vector<16xi32>], vector<16xf32>, vector<16xi1>
        tpu.vector_store_idx %arg13[%get3A_746, %broadcast_in_dim3A_894], %gather3A_895 masked %lt3A_752 : memref<640x128xf32, #tpu.memory_space<vmem>>[vector<16xi32>, vector<16xi32>], vector<16xf32>, vector<16xi1>
        %broadcast_in_dim3A_896 = arith.constant 48 : i32
        %broadcast_in_dim3A_897 = vector.broadcast %broadcast_in_dim3A_896 : i32 to vector<16xi32>
        %gather3A_898 = tpu.vector_load_idx %arg10[%broadcast_in_dim3A_897, %get3A_742] masked %lt3A_752 : memref<64x512xf32, #tpu.memory_space<vmem>>[vector<16xi32>, vector<16xi32>], vector<16xf32>, vector<16xi1>
        tpu.vector_store_idx %arg13[%get3A_746, %broadcast_in_dim3A_897], %gather3A_898 masked %lt3A_752 : memref<640x128xf32, #tpu.memory_space<vmem>>[vector<16xi32>, vector<16xi32>], vector<16xf32>, vector<16xi1>
        %broadcast_in_dim3A_899 = arith.constant 49 : i32
        %broadcast_in_dim3A_900 = vector.broadcast %broadcast_in_dim3A_899 : i32 to vector<16xi32>
        %gather3A_901 = tpu.vector_load_idx %arg10[%broadcast_in_dim3A_900, %get3A_742] masked %lt3A_752 : memref<64x512xf32, #tpu.memory_space<vmem>>[vector<16xi32>, vector<16xi32>], vector<16xf32>, vector<16xi1>
        tpu.vector_store_idx %arg13[%get3A_746, %broadcast_in_dim3A_900], %gather3A_901 masked %lt3A_752 : memref<640x128xf32, #tpu.memory_space<vmem>>[vector<16xi32>, vector<16xi32>], vector<16xf32>, vector<16xi1>
        %broadcast_in_dim3A_902 = arith.constant 50 : i32
        %broadcast_in_dim3A_903 = vector.broadcast %broadcast_in_dim3A_902 : i32 to vector<16xi32>
        %gather3A_904 = tpu.vector_load_idx %arg10[%broadcast_in_dim3A_903, %get3A_742] masked %lt3A_752 : memref<64x512xf32, #tpu.memory_space<vmem>>[vector<16xi32>, vector<16xi32>], vector<16xf32>, vector<16xi1>
        tpu.vector_store_idx %arg13[%get3A_746, %broadcast_in_dim3A_903], %gather3A_904 masked %lt3A_752 : memref<640x128xf32, #tpu.memory_space<vmem>>[vector<16xi32>, vector<16xi32>], vector<16xf32>, vector<16xi1>
        %broadcast_in_dim3A_905 = arith.constant 51 : i32
        %broadcast_in_dim3A_906 = vector.broadcast %broadcast_in_dim3A_905 : i32 to vector<16xi32>
        %gather3A_907 = tpu.vector_load_idx %arg10[%broadcast_in_dim3A_906, %get3A_742] masked %lt3A_752 : memref<64x512xf32, #tpu.memory_space<vmem>>[vector<16xi32>, vector<16xi32>], vector<16xf32>, vector<16xi1>
        tpu.vector_store_idx %arg13[%get3A_746, %broadcast_in_dim3A_906], %gather3A_907 masked %lt3A_752 : memref<640x128xf32, #tpu.memory_space<vmem>>[vector<16xi32>, vector<16xi32>], vector<16xf32>, vector<16xi1>
        %broadcast_in_dim3A_908 = arith.constant 52 : i32
        %broadcast_in_dim3A_909 = vector.broadcast %broadcast_in_dim3A_908 : i32 to vector<16xi32>
        %gather3A_910 = tpu.vector_load_idx %arg10[%broadcast_in_dim3A_909, %get3A_742] masked %lt3A_752 : memref<64x512xf32, #tpu.memory_space<vmem>>[vector<16xi32>, vector<16xi32>], vector<16xf32>, vector<16xi1>
        tpu.vector_store_idx %arg13[%get3A_746, %broadcast_in_dim3A_909], %gather3A_910 masked %lt3A_752 : memref<640x128xf32, #tpu.memory_space<vmem>>[vector<16xi32>, vector<16xi32>], vector<16xf32>, vector<16xi1>
        %broadcast_in_dim3A_911 = arith.constant 53 : i32
        %broadcast_in_dim3A_912 = vector.broadcast %broadcast_in_dim3A_911 : i32 to vector<16xi32>
        %gather3A_913 = tpu.vector_load_idx %arg10[%broadcast_in_dim3A_912, %get3A_742] masked %lt3A_752 : memref<64x512xf32, #tpu.memory_space<vmem>>[vector<16xi32>, vector<16xi32>], vector<16xf32>, vector<16xi1>
        tpu.vector_store_idx %arg13[%get3A_746, %broadcast_in_dim3A_912], %gather3A_913 masked %lt3A_752 : memref<640x128xf32, #tpu.memory_space<vmem>>[vector<16xi32>, vector<16xi32>], vector<16xf32>, vector<16xi1>
        %broadcast_in_dim3A_914 = arith.constant 54 : i32
        %broadcast_in_dim3A_915 = vector.broadcast %broadcast_in_dim3A_914 : i32 to vector<16xi32>
        %gather3A_916 = tpu.vector_load_idx %arg10[%broadcast_in_dim3A_915, %get3A_742] masked %lt3A_752 : memref<64x512xf32, #tpu.memory_space<vmem>>[vector<16xi32>, vector<16xi32>], vector<16xf32>, vector<16xi1>
        tpu.vector_store_idx %arg13[%get3A_746, %broadcast_in_dim3A_915], %gather3A_916 masked %lt3A_752 : memref<640x128xf32, #tpu.memory_space<vmem>>[vector<16xi32>, vector<16xi32>], vector<16xf32>, vector<16xi1>
        %broadcast_in_dim3A_917 = arith.constant 55 : i32
        %broadcast_in_dim3A_918 = vector.broadcast %broadcast_in_dim3A_917 : i32 to vector<16xi32>
        %gather3A_919 = tpu.vector_load_idx %arg10[%broadcast_in_dim3A_918, %get3A_742] masked %lt3A_752 : memref<64x512xf32, #tpu.memory_space<vmem>>[vector<16xi32>, vector<16xi32>], vector<16xf32>, vector<16xi1>
        tpu.vector_store_idx %arg13[%get3A_746, %broadcast_in_dim3A_918], %gather3A_919 masked %lt3A_752 : memref<640x128xf32, #tpu.memory_space<vmem>>[vector<16xi32>, vector<16xi32>], vector<16xf32>, vector<16xi1>
        %broadcast_in_dim3A_920 = arith.constant 56 : i32
        %broadcast_in_dim3A_921 = vector.broadcast %broadcast_in_dim3A_920 : i32 to vector<16xi32>
        %gather3A_922 = tpu.vector_load_idx %arg10[%broadcast_in_dim3A_921, %get3A_742] masked %lt3A_752 : memref<64x512xf32, #tpu.memory_space<vmem>>[vector<16xi32>, vector<16xi32>], vector<16xf32>, vector<16xi1>
        tpu.vector_store_idx %arg13[%get3A_746, %broadcast_in_dim3A_921], %gather3A_922 masked %lt3A_752 : memref<640x128xf32, #tpu.memory_space<vmem>>[vector<16xi32>, vector<16xi32>], vector<16xf32>, vector<16xi1>
        %broadcast_in_dim3A_923 = arith.constant 57 : i32
        %broadcast_in_dim3A_924 = vector.broadcast %broadcast_in_dim3A_923 : i32 to vector<16xi32>
        %gather3A_925 = tpu.vector_load_idx %arg10[%broadcast_in_dim3A_924, %get3A_742] masked %lt3A_752 : memref<64x512xf32, #tpu.memory_space<vmem>>[vector<16xi32>, vector<16xi32>], vector<16xf32>, vector<16xi1>
        tpu.vector_store_idx %arg13[%get3A_746, %broadcast_in_dim3A_924], %gather3A_925 masked %lt3A_752 : memref<640x128xf32, #tpu.memory_space<vmem>>[vector<16xi32>, vector<16xi32>], vector<16xf32>, vector<16xi1>
        %broadcast_in_dim3A_926 = arith.constant 58 : i32
        %broadcast_in_dim3A_927 = vector.broadcast %broadcast_in_dim3A_926 : i32 to vector<16xi32>
        %gather3A_928 = tpu.vector_load_idx %arg10[%broadcast_in_dim3A_927, %get3A_742] masked %lt3A_752 : memref<64x512xf32, #tpu.memory_space<vmem>>[vector<16xi32>, vector<16xi32>], vector<16xf32>, vector<16xi1>
        tpu.vector_store_idx %arg13[%get3A_746, %broadcast_in_dim3A_927], %gather3A_928 masked %lt3A_752 : memref<640x128xf32, #tpu.memory_space<vmem>>[vector<16xi32>, vector<16xi32>], vector<16xf32>, vector<16xi1>
        %broadcast_in_dim3A_929 = arith.constant 59 : i32
        %broadcast_in_dim3A_930 = vector.broadcast %broadcast_in_dim3A_929 : i32 to vector<16xi32>
        %gather3A_931 = tpu.vector_load_idx %arg10[%broadcast_in_dim3A_930, %get3A_742] masked %lt3A_752 : memref<64x512xf32, #tpu.memory_space<vmem>>[vector<16xi32>, vector<16xi32>], vector<16xf32>, vector<16xi1>
        tpu.vector_store_idx %arg13[%get3A_746, %broadcast_in_dim3A_930], %gather3A_931 masked %lt3A_752 : memref<640x128xf32, #tpu.memory_space<vmem>>[vector<16xi32>, vector<16xi32>], vector<16xf32>, vector<16xi1>
        %broadcast_in_dim3A_932 = arith.constant 60 : i32
        %broadcast_in_dim3A_933 = vector.broadcast %broadcast_in_dim3A_932 : i32 to vector<16xi32>
        %gather3A_934 = tpu.vector_load_idx %arg10[%broadcast_in_dim3A_933, %get3A_742] masked %lt3A_752 : memref<64x512xf32, #tpu.memory_space<vmem>>[vector<16xi32>, vector<16xi32>], vector<16xf32>, vector<16xi1>
        tpu.vector_store_idx %arg13[%get3A_746, %broadcast_in_dim3A_933], %gather3A_934 masked %lt3A_752 : memref<640x128xf32, #tpu.memory_space<vmem>>[vector<16xi32>, vector<16xi32>], vector<16xf32>, vector<16xi1>
        %broadcast_in_dim3A_935 = arith.constant 61 : i32
        %broadcast_in_dim3A_936 = vector.broadcast %broadcast_in_dim3A_935 : i32 to vector<16xi32>
        %gather3A_937 = tpu.vector_load_idx %arg10[%broadcast_in_dim3A_936, %get3A_742] masked %lt3A_752 : memref<64x512xf32, #tpu.memory_space<vmem>>[vector<16xi32>, vector<16xi32>], vector<16xf32>, vector<16xi1>
        tpu.vector_store_idx %arg13[%get3A_746, %broadcast_in_dim3A_936], %gather3A_937 masked %lt3A_752 : memref<640x128xf32, #tpu.memory_space<vmem>>[vector<16xi32>, vector<16xi32>], vector<16xf32>, vector<16xi1>
        %broadcast_in_dim3A_938 = arith.constant 62 : i32
        %broadcast_in_dim3A_939 = vector.broadcast %broadcast_in_dim3A_938 : i32 to vector<16xi32>
        %gather3A_940 = tpu.vector_load_idx %arg10[%broadcast_in_dim3A_939, %get3A_742] masked %lt3A_752 : memref<64x512xf32, #tpu.memory_space<vmem>>[vector<16xi32>, vector<16xi32>], vector<16xf32>, vector<16xi1>
        tpu.vector_store_idx %arg13[%get3A_746, %broadcast_in_dim3A_939], %gather3A_940 masked %lt3A_752 : memref<640x128xf32, #tpu.memory_space<vmem>>[vector<16xi32>, vector<16xi32>], vector<16xf32>, vector<16xi1>
        %broadcast_in_dim3A_941 = arith.constant 63 : i32
        %broadcast_in_dim3A_942 = vector.broadcast %broadcast_in_dim3A_941 : i32 to vector<16xi32>
        %gather3A_943 = tpu.vector_load_idx %arg10[%broadcast_in_dim3A_942, %get3A_742] masked %lt3A_752 : memref<64x512xf32, #tpu.memory_space<vmem>>[vector<16xi32>, vector<16xi32>], vector<16xf32>, vector<16xi1>
        tpu.vector_store_idx %arg13[%get3A_746, %broadcast_in_dim3A_942], %gather3A_943 masked %lt3A_752 : memref<640x128xf32, #tpu.memory_space<vmem>>[vector<16xi32>, vector<16xi32>], vector<16xf32>, vector<16xi1>
        %while3A_944 = arith.constant 0 : i32
        scf.yield %while3A_944 : i32
      }
      %while3A_736 = arith.constant 0 : i32
      scf.yield %while3A_736 : i32
    }
    %while3A_585 = arith.constant 1 : i32
    %while3A_586 = scf.for %while3A_685 = %while3A_582 to %while3A_578 step %while3A_585 iter_args(%while3A_686 = %while3A_584) -> (i32)  : i32 {
      %add3A_687 = arith.addi %select_n3A, %while3A_685 : i32
      %mul3A_688 = arith.constant 512 : i32
      %mul3A_689 = arith.muli %add3A_687, %mul3A_688 : i32
      %multiple_of3A = tpu.assume_multiple %mul3A_689, 512 : i32
      %lt3A = arith.constant 1953 : i32
      %lt3A_690 = arith.cmpi slt, %add3A_687, %lt3A : i32
      %convert_element_type3A = arith.extui %lt3A_690 : i1 to i32
      %cond3A = arith.constant 0 : i32
      %cond3A_691 = arith.cmpi ne, %convert_element_type3A, %cond3A : i32
      scf.if %cond3A_691 {
        "tpu.region"() ({
          %run_scoped3A = tpu.sem_alloc : memref<!tpu.dma_semaphore, #tpu.memory_space<semaphore_mem>>
          %dma_start3A_737 = arith.constant 0 : i32
          %dma_start3A_738 = tpu.memref_slice %arg3[%dma_start3A_737, %multiple_of3A] : memref<64x1000000xf32, #tpu.memory_space<hbm>> -> memref<64x512xf32, #tpu.memory_space<hbm>>
          %dma_start3A_739 = arith.constant 0 : i32
          %dma_start3A_740 = tpu.memref_slice %arg3[%dma_start3A_739, %multiple_of3A] : memref<64x1000000xf32, #tpu.memory_space<hbm>> -> memref<64x512xf32, #tpu.memory_space<hbm>>
          tpu.enqueue_dma source(%dma_start3A_740 : memref<64x512xf32, #tpu.memory_space<hbm>>) target(%arg10 : memref<64x512xf32, #tpu.memory_space<vmem>>) target_semaphore(%run_scoped3A : memref<!tpu.dma_semaphore, #tpu.memory_space<semaphore_mem>>)
          %dma_wait3A_741 = arith.constant 0 : i32
          %dma_wait3A_742 = tpu.memref_slice %arg3[%dma_wait3A_741, %multiple_of3A] : memref<64x1000000xf32, #tpu.memory_space<hbm>> -> memref<64x512xf32, #tpu.memory_space<hbm>>
          %dma_wait3A_743 = arith.constant 0 : i32
          %dma_wait3A_744 = tpu.memref_slice %arg3[%dma_wait3A_743, %multiple_of3A] : memref<64x1000000xf32, #tpu.memory_space<hbm>> -> memref<64x512xf32, #tpu.memory_space<hbm>>
          tpu.wait_dma2 semaphore(%run_scoped3A : memref<!tpu.dma_semaphore, #tpu.memory_space<semaphore_mem>>) src(%dma_wait3A_744 : memref<64x512xf32, #tpu.memory_space<hbm>>) dst(%arg10 : memref<64x512xf32, #tpu.memory_space<vmem>>)
          tpu.yield
        }) : () -> ()
      } else {
      }
      %eq3A_692 = arith.constant 1953 : i32
      %eq3A_693 = arith.cmpi eq, %add3A_687, %eq3A_692 : i32
      %convert_element_type3A_694 = arith.extui %eq3A_693 : i1 to i32
      %cond3A_695 = arith.constant 0 : i32
      %cond3A_696 = arith.cmpi ne, %convert_element_type3A_694, %cond3A_695 : i32
      scf.if %cond3A_696 {
        "tpu.region"() ({
          %run_scoped3A = tpu.sem_alloc : memref<!tpu.dma_semaphore, #tpu.memory_space<semaphore_mem>>
          %dma_start3A_737 = arith.constant 0 : i32
          %dma_start3A_738 = arith.constant 0 : i32
          %dma_start3A_739 = tpu.memref_slice %arg10[%dma_start3A_737, %dma_start3A_738] : memref<64x512xf32, #tpu.memory_space<vmem>> -> memref<64x128xf32, #tpu.memory_space<vmem>>
          %dma_start3A_740 = arith.constant 0 : i32
          %dma_start3A_741 = arith.constant 0 : i32
          %dma_start3A_742 = tpu.memref_slice %arg10[%dma_start3A_740, %dma_start3A_741] : memref<64x512xf32, #tpu.memory_space<vmem>> -> memref<64x128xf32, #tpu.memory_space<vmem>>
          tpu.enqueue_dma source(%arg4 : memref<64x128xf32, #tpu.memory_space<hbm>>) target(%dma_start3A_742 : memref<64x128xf32, #tpu.memory_space<vmem>>) target_semaphore(%run_scoped3A : memref<!tpu.dma_semaphore, #tpu.memory_space<semaphore_mem>>)
          %dma_wait3A_743 = arith.constant 0 : i32
          %dma_wait3A_744 = arith.constant 0 : i32
          %dma_wait3A_745 = tpu.memref_slice %arg10[%dma_wait3A_743, %dma_wait3A_744] : memref<64x512xf32, #tpu.memory_space<vmem>> -> memref<64x128xf32, #tpu.memory_space<vmem>>
          %dma_wait3A_746 = arith.constant 0 : i32
          %dma_wait3A_747 = arith.constant 0 : i32
          %dma_wait3A_748 = tpu.memref_slice %arg10[%dma_wait3A_746, %dma_wait3A_747] : memref<64x512xf32, #tpu.memory_space<vmem>> -> memref<64x128xf32, #tpu.memory_space<vmem>>
          tpu.wait_dma2 semaphore(%run_scoped3A : memref<!tpu.dma_semaphore, #tpu.memory_space<semaphore_mem>>) src(%arg4 : memref<64x128xf32, #tpu.memory_space<hbm>>) dst(%dma_wait3A_748 : memref<64x128xf32, #tpu.memory_space<vmem>>)
          tpu.yield
        }) : () -> ()
      } else {
      }
      %scan3A_697 = arith.constant 0 : i32
      %scan3A_698 = arith.constant 0 : i32
      %scan3A_699 = arith.constant 40 : i32
      %scan3A_700 = arith.addi %scan3A_698, %scan3A_699 : i32
      %scan3A_701 = arith.constant 1 : i32
      %scan3A_702 = scf.for %scan3A_737 = %scan3A_698 to %scan3A_700 step %scan3A_701 iter_args(%scan3A_738 = %scan3A_697) -> (i32)  : i32 {
        %mul3A_739 = arith.constant 16 : i32
        %mul3A_740 = arith.muli %scan3A_737, %mul3A_739 : i32
        %get3A_741 = arith.index_cast %mul3A_740 : i32 to index
        %get3A_742 = tpu.vector_load %arg7[%get3A_741] {strides = array<i32>} : memref<640xi32, #tpu.memory_space<vmem>>, vector<16xi32>,
        %shift_right_logical3A = arith.constant 9 : i32
        %shift_right_logical3A_743 = vector.broadcast %shift_right_logical3A : i32 to vector<16xi32>
        %shift_right_logical3A_744 = arith.shrui %get3A_742, %shift_right_logical3A_743 : vector<16xi32>
        %eq3A_745 = vector.broadcast %add3A_687 : i32 to vector<16xi32>
        %eq3A_746 = arith.cmpi eq, %shift_right_logical3A_744, %eq3A_745 : vector<16xi32>
        %convert_element_type3A_747 = arith.extui %eq3A_746 : vector<16xi1> to vector<16xi32>
        %broadcast_in_dim3A_748 = arith.constant true
        %broadcast_in_dim3A_749 = vector.broadcast %broadcast_in_dim3A_748 : i1 to vector<16xi1>
        %masked_cumsum3A = tpu.scan <sum>, %convert_element_type3A_747 masked %broadcast_in_dim3A_749 : vector<16xi32>, vector<16xi1> -> vector<16xi32>
        %add3A_750 = vector.broadcast %scan3A_738 : i32 to vector<16xi32>
        %add3A_751 = arith.addi %add3A_750, %masked_cumsum3A : vector<16xi32>
        %sub3A_752 = arith.constant 1 : i32
        %sub3A_753 = vector.broadcast %sub3A_752 : i32 to vector<16xi32>
        %sub3A_754 = arith.subi %add3A_751, %sub3A_753 : vector<16xi32>
        %min3A = arith.constant 639 : i32
        %min3A_755 = vector.broadcast %min3A : i32 to vector<16xi32>
        %min3A_756 = arith.minsi %sub3A_754, %min3A_755 : vector<16xi32>
        %sub3A_757 = vector.broadcast %multiple_of3A : i32 to vector<16xi32>
        %sub3A_758 = arith.subi %get3A_742, %sub3A_757 : vector<16xi32>
        tpu.vector_store_idx %arg11[%min3A_756], %sub3A_758 masked %eq3A_746 : memref<640xi32, #tpu.memory_space<vmem>>[vector<16xi32>], vector<16xi32>, vector<16xi1>
        %mul3A_759 = arith.constant 16 : i32
        %mul3A_760 = arith.muli %scan3A_737, %mul3A_759 : i32
        %add3A_761 = vector.broadcast %mul3A_760 : i32 to vector<16xi32>
        %add3A_762 = arith.addi %add3A_761, %iota3A : vector<16xi32>
        tpu.vector_store_idx %arg12[%min3A_756], %add3A_762 masked %eq3A_746 : memref<640xi32, #tpu.memory_space<vmem>>[vector<16xi32>], vector<16xi32>, vector<16xi1>
        %reduce_sum3A = arith.constant true
        %reduce_sum3A_763 = vector.broadcast %reduce_sum3A : i1 to vector<16xi1>
        %reduce_sum3A_764 = tpu.scan <sum>, %convert_element_type3A_747 masked %reduce_sum3A_763 : vector<16xi32>, vector<16xi1> -> vector<16xi32>
        %reduce_sum3A_765 = vector.extract %reduce_sum3A_764[15] : i32 from vector<16xi32>
        %add3A_766 = arith.addi %scan3A_738, %reduce_sum3A_765 : i32
        scf.yield %add3A_766 : i32
      }
      %scan3A_703 = arith.constant 40 : i32
      %add3A_704 = arith.constant 15 : i32
      %add3A_705 = arith.addi %scan3A_702, %add3A_704 : i32
      %jit3A_706 = arith.constant 16 : i32
      %div3A = arith.divsi %add3A_705, %jit3A_706 : i32
      %sign3A = arith.constant 0 : i32
      %sign3A_707 = arith.cmpi sgt, %add3A_705, %sign3A : i32
      %sign3A_708 = arith.extui %sign3A_707 : i1 to i32
      %sign3A_709 = arith.constant 0 : i32
      %sign3A_710 = arith.cmpi slt, %add3A_705, %sign3A_709 : i32
      %sign3A_711 = arith.extui %sign3A_710 : i1 to i32
      %sign3A_712 = arith.subi %sign3A_708, %sign3A_711 : i32
      %sign3A_713 = arith.constant 0 : i32
      %sign3A_714 = arith.cmpi sgt, %jit3A_706, %sign3A_713 : i32
      %sign3A_715 = arith.extui %sign3A_714 : i1 to i32
      %sign3A_716 = arith.constant 0 : i32
      %sign3A_717 = arith.cmpi slt, %jit3A_706, %sign3A_716 : i32
      %sign3A_718 = arith.extui %sign3A_717 : i1 to i32
      %sign3A_719 = arith.subi %sign3A_715, %sign3A_718 : i32
      %ne3A = arith.cmpi ne, %sign3A_712, %sign3A_719 : i32
      %rem3A = arith.remsi %add3A_705, %jit3A_706 : i32
      %ne3A_720 = arith.constant 0 : i32
      %ne3A_721 = arith.cmpi ne, %rem3A, %ne3A_720 : i32
      %and3A = arith.andi %ne3A, %ne3A_721 : i1
      %sub3A = arith.constant 1 : i32
      %sub3A_722 = arith.subi %div3A, %sub3A : i32
      %select_n3A_723 = arith.select %and3A, %sub3A_722, %div3A : i32
      %while3A_724 = arith.constant 0 : i32
      %while3A_725 = arith.constant 0 : i32
      %while3A_726 = arith.subi %select_n3A_723, %while3A_724 : i32
      %while3A_727 = arith.addi %while3A_724, %while3A_726 : i32
      %while3A_728 = arith.constant 1 : i32
      %while3A_729 = arith.divsi %while3A_726, %while3A_728 : i32
      %while3A_730 = arith.muli %while3A_729, %while3A_728 : i32
      %while3A_731 = arith.addi %while3A_724, %while3A_730 : i32
      %while3A_732 = arith.constant 1 : i32
      %while3A_733 = scf.for %while3A_737 = %while3A_724 to %while3A_731 step %while3A_732 iter_args(%while3A_738 = %while3A_725) -> (i32)  : i32 {
        %mul3A_739 = arith.constant 16 : i32
        %mul3A_740 = arith.muli %while3A_737, %mul3A_739 : i32
        %get3A_741 = arith.index_cast %mul3A_740 : i32 to index
        %get3A_742 = tpu.vector_load %arg11[%get3A_741] {strides = array<i32>} : memref<640xi32, #tpu.memory_space<vmem>>, vector<16xi32>,
        %mul3A_743 = arith.constant 16 : i32
        %mul3A_744 = arith.muli %while3A_737, %mul3A_743 : i32
        %get3A_745 = arith.index_cast %mul3A_744 : i32 to index
        %get3A_746 = tpu.vector_load %arg12[%get3A_745] {strides = array<i32>} : memref<640xi32, #tpu.memory_space<vmem>>, vector<16xi32>,
        %mul3A_747 = arith.constant 16 : i32
        %mul3A_748 = arith.muli %while3A_737, %mul3A_747 : i32
        %add3A_749 = vector.broadcast %mul3A_748 : i32 to vector<16xi32>
        %add3A_750 = arith.addi %add3A_749, %iota3A : vector<16xi32>
        %lt3A_751 = vector.broadcast %scan3A_702 : i32 to vector<16xi32>
        %lt3A_752 = arith.cmpi slt, %add3A_750, %lt3A_751 : vector<16xi32>
        %broadcast_in_dim3A_753 = arith.constant 0 : i32
        %broadcast_in_dim3A_754 = vector.broadcast %broadcast_in_dim3A_753 : i32 to vector<16xi32>
        %gather3A = tpu.vector_load_idx %arg10[%broadcast_in_dim3A_754, %get3A_742] masked %lt3A_752 : memref<64x512xf32, #tpu.memory_space<vmem>>[vector<16xi32>, vector<16xi32>], vector<16xf32>, vector<16xi1>
        tpu.vector_store_idx %arg13[%get3A_746, %broadcast_in_dim3A_754], %gather3A masked %lt3A_752 : memref<640x128xf32, #tpu.memory_space<vmem>>[vector<16xi32>, vector<16xi32>], vector<16xf32>, vector<16xi1>
        %broadcast_in_dim3A_755 = arith.constant 1 : i32
        %broadcast_in_dim3A_756 = vector.broadcast %broadcast_in_dim3A_755 : i32 to vector<16xi32>
        %gather3A_757 = tpu.vector_load_idx %arg10[%broadcast_in_dim3A_756, %get3A_742] masked %lt3A_752 : memref<64x512xf32, #tpu.memory_space<vmem>>[vector<16xi32>, vector<16xi32>], vector<16xf32>, vector<16xi1>
        tpu.vector_store_idx %arg13[%get3A_746, %broadcast_in_dim3A_756], %gather3A_757 masked %lt3A_752 : memref<640x128xf32, #tpu.memory_space<vmem>>[vector<16xi32>, vector<16xi32>], vector<16xf32>, vector<16xi1>
        %broadcast_in_dim3A_758 = arith.constant 2 : i32
        %broadcast_in_dim3A_759 = vector.broadcast %broadcast_in_dim3A_758 : i32 to vector<16xi32>
        %gather3A_760 = tpu.vector_load_idx %arg10[%broadcast_in_dim3A_759, %get3A_742] masked %lt3A_752 : memref<64x512xf32, #tpu.memory_space<vmem>>[vector<16xi32>, vector<16xi32>], vector<16xf32>, vector<16xi1>
        tpu.vector_store_idx %arg13[%get3A_746, %broadcast_in_dim3A_759], %gather3A_760 masked %lt3A_752 : memref<640x128xf32, #tpu.memory_space<vmem>>[vector<16xi32>, vector<16xi32>], vector<16xf32>, vector<16xi1>
        %broadcast_in_dim3A_761 = arith.constant 3 : i32
        %broadcast_in_dim3A_762 = vector.broadcast %broadcast_in_dim3A_761 : i32 to vector<16xi32>
        %gather3A_763 = tpu.vector_load_idx %arg10[%broadcast_in_dim3A_762, %get3A_742] masked %lt3A_752 : memref<64x512xf32, #tpu.memory_space<vmem>>[vector<16xi32>, vector<16xi32>], vector<16xf32>, vector<16xi1>
        tpu.vector_store_idx %arg13[%get3A_746, %broadcast_in_dim3A_762], %gather3A_763 masked %lt3A_752 : memref<640x128xf32, #tpu.memory_space<vmem>>[vector<16xi32>, vector<16xi32>], vector<16xf32>, vector<16xi1>
        %broadcast_in_dim3A_764 = arith.constant 4 : i32
        %broadcast_in_dim3A_765 = vector.broadcast %broadcast_in_dim3A_764 : i32 to vector<16xi32>
        %gather3A_766 = tpu.vector_load_idx %arg10[%broadcast_in_dim3A_765, %get3A_742] masked %lt3A_752 : memref<64x512xf32, #tpu.memory_space<vmem>>[vector<16xi32>, vector<16xi32>], vector<16xf32>, vector<16xi1>
        tpu.vector_store_idx %arg13[%get3A_746, %broadcast_in_dim3A_765], %gather3A_766 masked %lt3A_752 : memref<640x128xf32, #tpu.memory_space<vmem>>[vector<16xi32>, vector<16xi32>], vector<16xf32>, vector<16xi1>
        %broadcast_in_dim3A_767 = arith.constant 5 : i32
        %broadcast_in_dim3A_768 = vector.broadcast %broadcast_in_dim3A_767 : i32 to vector<16xi32>
        %gather3A_769 = tpu.vector_load_idx %arg10[%broadcast_in_dim3A_768, %get3A_742] masked %lt3A_752 : memref<64x512xf32, #tpu.memory_space<vmem>>[vector<16xi32>, vector<16xi32>], vector<16xf32>, vector<16xi1>
        tpu.vector_store_idx %arg13[%get3A_746, %broadcast_in_dim3A_768], %gather3A_769 masked %lt3A_752 : memref<640x128xf32, #tpu.memory_space<vmem>>[vector<16xi32>, vector<16xi32>], vector<16xf32>, vector<16xi1>
        %broadcast_in_dim3A_770 = arith.constant 6 : i32
        %broadcast_in_dim3A_771 = vector.broadcast %broadcast_in_dim3A_770 : i32 to vector<16xi32>
        %gather3A_772 = tpu.vector_load_idx %arg10[%broadcast_in_dim3A_771, %get3A_742] masked %lt3A_752 : memref<64x512xf32, #tpu.memory_space<vmem>>[vector<16xi32>, vector<16xi32>], vector<16xf32>, vector<16xi1>
        tpu.vector_store_idx %arg13[%get3A_746, %broadcast_in_dim3A_771], %gather3A_772 masked %lt3A_752 : memref<640x128xf32, #tpu.memory_space<vmem>>[vector<16xi32>, vector<16xi32>], vector<16xf32>, vector<16xi1>
        %broadcast_in_dim3A_773 = arith.constant 7 : i32
        %broadcast_in_dim3A_774 = vector.broadcast %broadcast_in_dim3A_773 : i32 to vector<16xi32>
        %gather3A_775 = tpu.vector_load_idx %arg10[%broadcast_in_dim3A_774, %get3A_742] masked %lt3A_752 : memref<64x512xf32, #tpu.memory_space<vmem>>[vector<16xi32>, vector<16xi32>], vector<16xf32>, vector<16xi1>
        tpu.vector_store_idx %arg13[%get3A_746, %broadcast_in_dim3A_774], %gather3A_775 masked %lt3A_752 : memref<640x128xf32, #tpu.memory_space<vmem>>[vector<16xi32>, vector<16xi32>], vector<16xf32>, vector<16xi1>
        %broadcast_in_dim3A_776 = arith.constant 8 : i32
        %broadcast_in_dim3A_777 = vector.broadcast %broadcast_in_dim3A_776 : i32 to vector<16xi32>
        %gather3A_778 = tpu.vector_load_idx %arg10[%broadcast_in_dim3A_777, %get3A_742] masked %lt3A_752 : memref<64x512xf32, #tpu.memory_space<vmem>>[vector<16xi32>, vector<16xi32>], vector<16xf32>, vector<16xi1>
        tpu.vector_store_idx %arg13[%get3A_746, %broadcast_in_dim3A_777], %gather3A_778 masked %lt3A_752 : memref<640x128xf32, #tpu.memory_space<vmem>>[vector<16xi32>, vector<16xi32>], vector<16xf32>, vector<16xi1>
        %broadcast_in_dim3A_779 = arith.constant 9 : i32
        %broadcast_in_dim3A_780 = vector.broadcast %broadcast_in_dim3A_779 : i32 to vector<16xi32>
        %gather3A_781 = tpu.vector_load_idx %arg10[%broadcast_in_dim3A_780, %get3A_742] masked %lt3A_752 : memref<64x512xf32, #tpu.memory_space<vmem>>[vector<16xi32>, vector<16xi32>], vector<16xf32>, vector<16xi1>
        tpu.vector_store_idx %arg13[%get3A_746, %broadcast_in_dim3A_780], %gather3A_781 masked %lt3A_752 : memref<640x128xf32, #tpu.memory_space<vmem>>[vector<16xi32>, vector<16xi32>], vector<16xf32>, vector<16xi1>
        %broadcast_in_dim3A_782 = arith.constant 10 : i32
        %broadcast_in_dim3A_783 = vector.broadcast %broadcast_in_dim3A_782 : i32 to vector<16xi32>
        %gather3A_784 = tpu.vector_load_idx %arg10[%broadcast_in_dim3A_783, %get3A_742] masked %lt3A_752 : memref<64x512xf32, #tpu.memory_space<vmem>>[vector<16xi32>, vector<16xi32>], vector<16xf32>, vector<16xi1>
        tpu.vector_store_idx %arg13[%get3A_746, %broadcast_in_dim3A_783], %gather3A_784 masked %lt3A_752 : memref<640x128xf32, #tpu.memory_space<vmem>>[vector<16xi32>, vector<16xi32>], vector<16xf32>, vector<16xi1>
        %broadcast_in_dim3A_785 = arith.constant 11 : i32
        %broadcast_in_dim3A_786 = vector.broadcast %broadcast_in_dim3A_785 : i32 to vector<16xi32>
        %gather3A_787 = tpu.vector_load_idx %arg10[%broadcast_in_dim3A_786, %get3A_742] masked %lt3A_752 : memref<64x512xf32, #tpu.memory_space<vmem>>[vector<16xi32>, vector<16xi32>], vector<16xf32>, vector<16xi1>
        tpu.vector_store_idx %arg13[%get3A_746, %broadcast_in_dim3A_786], %gather3A_787 masked %lt3A_752 : memref<640x128xf32, #tpu.memory_space<vmem>>[vector<16xi32>, vector<16xi32>], vector<16xf32>, vector<16xi1>
        %broadcast_in_dim3A_788 = arith.constant 12 : i32
        %broadcast_in_dim3A_789 = vector.broadcast %broadcast_in_dim3A_788 : i32 to vector<16xi32>
        %gather3A_790 = tpu.vector_load_idx %arg10[%broadcast_in_dim3A_789, %get3A_742] masked %lt3A_752 : memref<64x512xf32, #tpu.memory_space<vmem>>[vector<16xi32>, vector<16xi32>], vector<16xf32>, vector<16xi1>
        tpu.vector_store_idx %arg13[%get3A_746, %broadcast_in_dim3A_789], %gather3A_790 masked %lt3A_752 : memref<640x128xf32, #tpu.memory_space<vmem>>[vector<16xi32>, vector<16xi32>], vector<16xf32>, vector<16xi1>
        %broadcast_in_dim3A_791 = arith.constant 13 : i32
        %broadcast_in_dim3A_792 = vector.broadcast %broadcast_in_dim3A_791 : i32 to vector<16xi32>
        %gather3A_793 = tpu.vector_load_idx %arg10[%broadcast_in_dim3A_792, %get3A_742] masked %lt3A_752 : memref<64x512xf32, #tpu.memory_space<vmem>>[vector<16xi32>, vector<16xi32>], vector<16xf32>, vector<16xi1>
        tpu.vector_store_idx %arg13[%get3A_746, %broadcast_in_dim3A_792], %gather3A_793 masked %lt3A_752 : memref<640x128xf32, #tpu.memory_space<vmem>>[vector<16xi32>, vector<16xi32>], vector<16xf32>, vector<16xi1>
        %broadcast_in_dim3A_794 = arith.constant 14 : i32
        %broadcast_in_dim3A_795 = vector.broadcast %broadcast_in_dim3A_794 : i32 to vector<16xi32>
        %gather3A_796 = tpu.vector_load_idx %arg10[%broadcast_in_dim3A_795, %get3A_742] masked %lt3A_752 : memref<64x512xf32, #tpu.memory_space<vmem>>[vector<16xi32>, vector<16xi32>], vector<16xf32>, vector<16xi1>
        tpu.vector_store_idx %arg13[%get3A_746, %broadcast_in_dim3A_795], %gather3A_796 masked %lt3A_752 : memref<640x128xf32, #tpu.memory_space<vmem>>[vector<16xi32>, vector<16xi32>], vector<16xf32>, vector<16xi1>
        %broadcast_in_dim3A_797 = arith.constant 15 : i32
        %broadcast_in_dim3A_798 = vector.broadcast %broadcast_in_dim3A_797 : i32 to vector<16xi32>
        %gather3A_799 = tpu.vector_load_idx %arg10[%broadcast_in_dim3A_798, %get3A_742] masked %lt3A_752 : memref<64x512xf32, #tpu.memory_space<vmem>>[vector<16xi32>, vector<16xi32>], vector<16xf32>, vector<16xi1>
        tpu.vector_store_idx %arg13[%get3A_746, %broadcast_in_dim3A_798], %gather3A_799 masked %lt3A_752 : memref<640x128xf32, #tpu.memory_space<vmem>>[vector<16xi32>, vector<16xi32>], vector<16xf32>, vector<16xi1>
        %broadcast_in_dim3A_800 = arith.constant 16 : i32
        %broadcast_in_dim3A_801 = vector.broadcast %broadcast_in_dim3A_800 : i32 to vector<16xi32>
        %gather3A_802 = tpu.vector_load_idx %arg10[%broadcast_in_dim3A_801, %get3A_742] masked %lt3A_752 : memref<64x512xf32, #tpu.memory_space<vmem>>[vector<16xi32>, vector<16xi32>], vector<16xf32>, vector<16xi1>
        tpu.vector_store_idx %arg13[%get3A_746, %broadcast_in_dim3A_801], %gather3A_802 masked %lt3A_752 : memref<640x128xf32, #tpu.memory_space<vmem>>[vector<16xi32>, vector<16xi32>], vector<16xf32>, vector<16xi1>
        %broadcast_in_dim3A_803 = arith.constant 17 : i32
        %broadcast_in_dim3A_804 = vector.broadcast %broadcast_in_dim3A_803 : i32 to vector<16xi32>
        %gather3A_805 = tpu.vector_load_idx %arg10[%broadcast_in_dim3A_804, %get3A_742] masked %lt3A_752 : memref<64x512xf32, #tpu.memory_space<vmem>>[vector<16xi32>, vector<16xi32>], vector<16xf32>, vector<16xi1>
        tpu.vector_store_idx %arg13[%get3A_746, %broadcast_in_dim3A_804], %gather3A_805 masked %lt3A_752 : memref<640x128xf32, #tpu.memory_space<vmem>>[vector<16xi32>, vector<16xi32>], vector<16xf32>, vector<16xi1>
        %broadcast_in_dim3A_806 = arith.constant 18 : i32
        %broadcast_in_dim3A_807 = vector.broadcast %broadcast_in_dim3A_806 : i32 to vector<16xi32>
        %gather3A_808 = tpu.vector_load_idx %arg10[%broadcast_in_dim3A_807, %get3A_742] masked %lt3A_752 : memref<64x512xf32, #tpu.memory_space<vmem>>[vector<16xi32>, vector<16xi32>], vector<16xf32>, vector<16xi1>
        tpu.vector_store_idx %arg13[%get3A_746, %broadcast_in_dim3A_807], %gather3A_808 masked %lt3A_752 : memref<640x128xf32, #tpu.memory_space<vmem>>[vector<16xi32>, vector<16xi32>], vector<16xf32>, vector<16xi1>
        %broadcast_in_dim3A_809 = arith.constant 19 : i32
        %broadcast_in_dim3A_810 = vector.broadcast %broadcast_in_dim3A_809 : i32 to vector<16xi32>
        %gather3A_811 = tpu.vector_load_idx %arg10[%broadcast_in_dim3A_810, %get3A_742] masked %lt3A_752 : memref<64x512xf32, #tpu.memory_space<vmem>>[vector<16xi32>, vector<16xi32>], vector<16xf32>, vector<16xi1>
        tpu.vector_store_idx %arg13[%get3A_746, %broadcast_in_dim3A_810], %gather3A_811 masked %lt3A_752 : memref<640x128xf32, #tpu.memory_space<vmem>>[vector<16xi32>, vector<16xi32>], vector<16xf32>, vector<16xi1>
        %broadcast_in_dim3A_812 = arith.constant 20 : i32
        %broadcast_in_dim3A_813 = vector.broadcast %broadcast_in_dim3A_812 : i32 to vector<16xi32>
        %gather3A_814 = tpu.vector_load_idx %arg10[%broadcast_in_dim3A_813, %get3A_742] masked %lt3A_752 : memref<64x512xf32, #tpu.memory_space<vmem>>[vector<16xi32>, vector<16xi32>], vector<16xf32>, vector<16xi1>
        tpu.vector_store_idx %arg13[%get3A_746, %broadcast_in_dim3A_813], %gather3A_814 masked %lt3A_752 : memref<640x128xf32, #tpu.memory_space<vmem>>[vector<16xi32>, vector<16xi32>], vector<16xf32>, vector<16xi1>
        %broadcast_in_dim3A_815 = arith.constant 21 : i32
        %broadcast_in_dim3A_816 = vector.broadcast %broadcast_in_dim3A_815 : i32 to vector<16xi32>
        %gather3A_817 = tpu.vector_load_idx %arg10[%broadcast_in_dim3A_816, %get3A_742] masked %lt3A_752 : memref<64x512xf32, #tpu.memory_space<vmem>>[vector<16xi32>, vector<16xi32>], vector<16xf32>, vector<16xi1>
        tpu.vector_store_idx %arg13[%get3A_746, %broadcast_in_dim3A_816], %gather3A_817 masked %lt3A_752 : memref<640x128xf32, #tpu.memory_space<vmem>>[vector<16xi32>, vector<16xi32>], vector<16xf32>, vector<16xi1>
        %broadcast_in_dim3A_818 = arith.constant 22 : i32
        %broadcast_in_dim3A_819 = vector.broadcast %broadcast_in_dim3A_818 : i32 to vector<16xi32>
        %gather3A_820 = tpu.vector_load_idx %arg10[%broadcast_in_dim3A_819, %get3A_742] masked %lt3A_752 : memref<64x512xf32, #tpu.memory_space<vmem>>[vector<16xi32>, vector<16xi32>], vector<16xf32>, vector<16xi1>
        tpu.vector_store_idx %arg13[%get3A_746, %broadcast_in_dim3A_819], %gather3A_820 masked %lt3A_752 : memref<640x128xf32, #tpu.memory_space<vmem>>[vector<16xi32>, vector<16xi32>], vector<16xf32>, vector<16xi1>
        %broadcast_in_dim3A_821 = arith.constant 23 : i32
        %broadcast_in_dim3A_822 = vector.broadcast %broadcast_in_dim3A_821 : i32 to vector<16xi32>
        %gather3A_823 = tpu.vector_load_idx %arg10[%broadcast_in_dim3A_822, %get3A_742] masked %lt3A_752 : memref<64x512xf32, #tpu.memory_space<vmem>>[vector<16xi32>, vector<16xi32>], vector<16xf32>, vector<16xi1>
        tpu.vector_store_idx %arg13[%get3A_746, %broadcast_in_dim3A_822], %gather3A_823 masked %lt3A_752 : memref<640x128xf32, #tpu.memory_space<vmem>>[vector<16xi32>, vector<16xi32>], vector<16xf32>, vector<16xi1>
        %broadcast_in_dim3A_824 = arith.constant 24 : i32
        %broadcast_in_dim3A_825 = vector.broadcast %broadcast_in_dim3A_824 : i32 to vector<16xi32>
        %gather3A_826 = tpu.vector_load_idx %arg10[%broadcast_in_dim3A_825, %get3A_742] masked %lt3A_752 : memref<64x512xf32, #tpu.memory_space<vmem>>[vector<16xi32>, vector<16xi32>], vector<16xf32>, vector<16xi1>
        tpu.vector_store_idx %arg13[%get3A_746, %broadcast_in_dim3A_825], %gather3A_826 masked %lt3A_752 : memref<640x128xf32, #tpu.memory_space<vmem>>[vector<16xi32>, vector<16xi32>], vector<16xf32>, vector<16xi1>
        %broadcast_in_dim3A_827 = arith.constant 25 : i32
        %broadcast_in_dim3A_828 = vector.broadcast %broadcast_in_dim3A_827 : i32 to vector<16xi32>
        %gather3A_829 = tpu.vector_load_idx %arg10[%broadcast_in_dim3A_828, %get3A_742] masked %lt3A_752 : memref<64x512xf32, #tpu.memory_space<vmem>>[vector<16xi32>, vector<16xi32>], vector<16xf32>, vector<16xi1>
        tpu.vector_store_idx %arg13[%get3A_746, %broadcast_in_dim3A_828], %gather3A_829 masked %lt3A_752 : memref<640x128xf32, #tpu.memory_space<vmem>>[vector<16xi32>, vector<16xi32>], vector<16xf32>, vector<16xi1>
        %broadcast_in_dim3A_830 = arith.constant 26 : i32
        %broadcast_in_dim3A_831 = vector.broadcast %broadcast_in_dim3A_830 : i32 to vector<16xi32>
        %gather3A_832 = tpu.vector_load_idx %arg10[%broadcast_in_dim3A_831, %get3A_742] masked %lt3A_752 : memref<64x512xf32, #tpu.memory_space<vmem>>[vector<16xi32>, vector<16xi32>], vector<16xf32>, vector<16xi1>
        tpu.vector_store_idx %arg13[%get3A_746, %broadcast_in_dim3A_831], %gather3A_832 masked %lt3A_752 : memref<640x128xf32, #tpu.memory_space<vmem>>[vector<16xi32>, vector<16xi32>], vector<16xf32>, vector<16xi1>
        %broadcast_in_dim3A_833 = arith.constant 27 : i32
        %broadcast_in_dim3A_834 = vector.broadcast %broadcast_in_dim3A_833 : i32 to vector<16xi32>
        %gather3A_835 = tpu.vector_load_idx %arg10[%broadcast_in_dim3A_834, %get3A_742] masked %lt3A_752 : memref<64x512xf32, #tpu.memory_space<vmem>>[vector<16xi32>, vector<16xi32>], vector<16xf32>, vector<16xi1>
        tpu.vector_store_idx %arg13[%get3A_746, %broadcast_in_dim3A_834], %gather3A_835 masked %lt3A_752 : memref<640x128xf32, #tpu.memory_space<vmem>>[vector<16xi32>, vector<16xi32>], vector<16xf32>, vector<16xi1>
        %broadcast_in_dim3A_836 = arith.constant 28 : i32
        %broadcast_in_dim3A_837 = vector.broadcast %broadcast_in_dim3A_836 : i32 to vector<16xi32>
        %gather3A_838 = tpu.vector_load_idx %arg10[%broadcast_in_dim3A_837, %get3A_742] masked %lt3A_752 : memref<64x512xf32, #tpu.memory_space<vmem>>[vector<16xi32>, vector<16xi32>], vector<16xf32>, vector<16xi1>
        tpu.vector_store_idx %arg13[%get3A_746, %broadcast_in_dim3A_837], %gather3A_838 masked %lt3A_752 : memref<640x128xf32, #tpu.memory_space<vmem>>[vector<16xi32>, vector<16xi32>], vector<16xf32>, vector<16xi1>
        %broadcast_in_dim3A_839 = arith.constant 29 : i32
        %broadcast_in_dim3A_840 = vector.broadcast %broadcast_in_dim3A_839 : i32 to vector<16xi32>
        %gather3A_841 = tpu.vector_load_idx %arg10[%broadcast_in_dim3A_840, %get3A_742] masked %lt3A_752 : memref<64x512xf32, #tpu.memory_space<vmem>>[vector<16xi32>, vector<16xi32>], vector<16xf32>, vector<16xi1>
        tpu.vector_store_idx %arg13[%get3A_746, %broadcast_in_dim3A_840], %gather3A_841 masked %lt3A_752 : memref<640x128xf32, #tpu.memory_space<vmem>>[vector<16xi32>, vector<16xi32>], vector<16xf32>, vector<16xi1>
        %broadcast_in_dim3A_842 = arith.constant 30 : i32
        %broadcast_in_dim3A_843 = vector.broadcast %broadcast_in_dim3A_842 : i32 to vector<16xi32>
        %gather3A_844 = tpu.vector_load_idx %arg10[%broadcast_in_dim3A_843, %get3A_742] masked %lt3A_752 : memref<64x512xf32, #tpu.memory_space<vmem>>[vector<16xi32>, vector<16xi32>], vector<16xf32>, vector<16xi1>
        tpu.vector_store_idx %arg13[%get3A_746, %broadcast_in_dim3A_843], %gather3A_844 masked %lt3A_752 : memref<640x128xf32, #tpu.memory_space<vmem>>[vector<16xi32>, vector<16xi32>], vector<16xf32>, vector<16xi1>
        %broadcast_in_dim3A_845 = arith.constant 31 : i32
        %broadcast_in_dim3A_846 = vector.broadcast %broadcast_in_dim3A_845 : i32 to vector<16xi32>
        %gather3A_847 = tpu.vector_load_idx %arg10[%broadcast_in_dim3A_846, %get3A_742] masked %lt3A_752 : memref<64x512xf32, #tpu.memory_space<vmem>>[vector<16xi32>, vector<16xi32>], vector<16xf32>, vector<16xi1>
        tpu.vector_store_idx %arg13[%get3A_746, %broadcast_in_dim3A_846], %gather3A_847 masked %lt3A_752 : memref<640x128xf32, #tpu.memory_space<vmem>>[vector<16xi32>, vector<16xi32>], vector<16xf32>, vector<16xi1>
        %broadcast_in_dim3A_848 = arith.constant 32 : i32
        %broadcast_in_dim3A_849 = vector.broadcast %broadcast_in_dim3A_848 : i32 to vector<16xi32>
        %gather3A_850 = tpu.vector_load_idx %arg10[%broadcast_in_dim3A_849, %get3A_742] masked %lt3A_752 : memref<64x512xf32, #tpu.memory_space<vmem>>[vector<16xi32>, vector<16xi32>], vector<16xf32>, vector<16xi1>
        tpu.vector_store_idx %arg13[%get3A_746, %broadcast_in_dim3A_849], %gather3A_850 masked %lt3A_752 : memref<640x128xf32, #tpu.memory_space<vmem>>[vector<16xi32>, vector<16xi32>], vector<16xf32>, vector<16xi1>
        %broadcast_in_dim3A_851 = arith.constant 33 : i32
        %broadcast_in_dim3A_852 = vector.broadcast %broadcast_in_dim3A_851 : i32 to vector<16xi32>
        %gather3A_853 = tpu.vector_load_idx %arg10[%broadcast_in_dim3A_852, %get3A_742] masked %lt3A_752 : memref<64x512xf32, #tpu.memory_space<vmem>>[vector<16xi32>, vector<16xi32>], vector<16xf32>, vector<16xi1>
        tpu.vector_store_idx %arg13[%get3A_746, %broadcast_in_dim3A_852], %gather3A_853 masked %lt3A_752 : memref<640x128xf32, #tpu.memory_space<vmem>>[vector<16xi32>, vector<16xi32>], vector<16xf32>, vector<16xi1>
        %broadcast_in_dim3A_854 = arith.constant 34 : i32
        %broadcast_in_dim3A_855 = vector.broadcast %broadcast_in_dim3A_854 : i32 to vector<16xi32>
        %gather3A_856 = tpu.vector_load_idx %arg10[%broadcast_in_dim3A_855, %get3A_742] masked %lt3A_752 : memref<64x512xf32, #tpu.memory_space<vmem>>[vector<16xi32>, vector<16xi32>], vector<16xf32>, vector<16xi1>
        tpu.vector_store_idx %arg13[%get3A_746, %broadcast_in_dim3A_855], %gather3A_856 masked %lt3A_752 : memref<640x128xf32, #tpu.memory_space<vmem>>[vector<16xi32>, vector<16xi32>], vector<16xf32>, vector<16xi1>
        %broadcast_in_dim3A_857 = arith.constant 35 : i32
        %broadcast_in_dim3A_858 = vector.broadcast %broadcast_in_dim3A_857 : i32 to vector<16xi32>
        %gather3A_859 = tpu.vector_load_idx %arg10[%broadcast_in_dim3A_858, %get3A_742] masked %lt3A_752 : memref<64x512xf32, #tpu.memory_space<vmem>>[vector<16xi32>, vector<16xi32>], vector<16xf32>, vector<16xi1>
        tpu.vector_store_idx %arg13[%get3A_746, %broadcast_in_dim3A_858], %gather3A_859 masked %lt3A_752 : memref<640x128xf32, #tpu.memory_space<vmem>>[vector<16xi32>, vector<16xi32>], vector<16xf32>, vector<16xi1>
        %broadcast_in_dim3A_860 = arith.constant 36 : i32
        %broadcast_in_dim3A_861 = vector.broadcast %broadcast_in_dim3A_860 : i32 to vector<16xi32>
        %gather3A_862 = tpu.vector_load_idx %arg10[%broadcast_in_dim3A_861, %get3A_742] masked %lt3A_752 : memref<64x512xf32, #tpu.memory_space<vmem>>[vector<16xi32>, vector<16xi32>], vector<16xf32>, vector<16xi1>
        tpu.vector_store_idx %arg13[%get3A_746, %broadcast_in_dim3A_861], %gather3A_862 masked %lt3A_752 : memref<640x128xf32, #tpu.memory_space<vmem>>[vector<16xi32>, vector<16xi32>], vector<16xf32>, vector<16xi1>
        %broadcast_in_dim3A_863 = arith.constant 37 : i32
        %broadcast_in_dim3A_864 = vector.broadcast %broadcast_in_dim3A_863 : i32 to vector<16xi32>
        %gather3A_865 = tpu.vector_load_idx %arg10[%broadcast_in_dim3A_864, %get3A_742] masked %lt3A_752 : memref<64x512xf32, #tpu.memory_space<vmem>>[vector<16xi32>, vector<16xi32>], vector<16xf32>, vector<16xi1>
        tpu.vector_store_idx %arg13[%get3A_746, %broadcast_in_dim3A_864], %gather3A_865 masked %lt3A_752 : memref<640x128xf32, #tpu.memory_space<vmem>>[vector<16xi32>, vector<16xi32>], vector<16xf32>, vector<16xi1>
        %broadcast_in_dim3A_866 = arith.constant 38 : i32
        %broadcast_in_dim3A_867 = vector.broadcast %broadcast_in_dim3A_866 : i32 to vector<16xi32>
        %gather3A_868 = tpu.vector_load_idx %arg10[%broadcast_in_dim3A_867, %get3A_742] masked %lt3A_752 : memref<64x512xf32, #tpu.memory_space<vmem>>[vector<16xi32>, vector<16xi32>], vector<16xf32>, vector<16xi1>
        tpu.vector_store_idx %arg13[%get3A_746, %broadcast_in_dim3A_867], %gather3A_868 masked %lt3A_752 : memref<640x128xf32, #tpu.memory_space<vmem>>[vector<16xi32>, vector<16xi32>], vector<16xf32>, vector<16xi1>
        %broadcast_in_dim3A_869 = arith.constant 39 : i32
        %broadcast_in_dim3A_870 = vector.broadcast %broadcast_in_dim3A_869 : i32 to vector<16xi32>
        %gather3A_871 = tpu.vector_load_idx %arg10[%broadcast_in_dim3A_870, %get3A_742] masked %lt3A_752 : memref<64x512xf32, #tpu.memory_space<vmem>>[vector<16xi32>, vector<16xi32>], vector<16xf32>, vector<16xi1>
        tpu.vector_store_idx %arg13[%get3A_746, %broadcast_in_dim3A_870], %gather3A_871 masked %lt3A_752 : memref<640x128xf32, #tpu.memory_space<vmem>>[vector<16xi32>, vector<16xi32>], vector<16xf32>, vector<16xi1>
        %broadcast_in_dim3A_872 = arith.constant 40 : i32
        %broadcast_in_dim3A_873 = vector.broadcast %broadcast_in_dim3A_872 : i32 to vector<16xi32>
        %gather3A_874 = tpu.vector_load_idx %arg10[%broadcast_in_dim3A_873, %get3A_742] masked %lt3A_752 : memref<64x512xf32, #tpu.memory_space<vmem>>[vector<16xi32>, vector<16xi32>], vector<16xf32>, vector<16xi1>
        tpu.vector_store_idx %arg13[%get3A_746, %broadcast_in_dim3A_873], %gather3A_874 masked %lt3A_752 : memref<640x128xf32, #tpu.memory_space<vmem>>[vector<16xi32>, vector<16xi32>], vector<16xf32>, vector<16xi1>
        %broadcast_in_dim3A_875 = arith.constant 41 : i32
        %broadcast_in_dim3A_876 = vector.broadcast %broadcast_in_dim3A_875 : i32 to vector<16xi32>
        %gather3A_877 = tpu.vector_load_idx %arg10[%broadcast_in_dim3A_876, %get3A_742] masked %lt3A_752 : memref<64x512xf32, #tpu.memory_space<vmem>>[vector<16xi32>, vector<16xi32>], vector<16xf32>, vector<16xi1>
        tpu.vector_store_idx %arg13[%get3A_746, %broadcast_in_dim3A_876], %gather3A_877 masked %lt3A_752 : memref<640x128xf32, #tpu.memory_space<vmem>>[vector<16xi32>, vector<16xi32>], vector<16xf32>, vector<16xi1>
        %broadcast_in_dim3A_878 = arith.constant 42 : i32
        %broadcast_in_dim3A_879 = vector.broadcast %broadcast_in_dim3A_878 : i32 to vector<16xi32>
        %gather3A_880 = tpu.vector_load_idx %arg10[%broadcast_in_dim3A_879, %get3A_742] masked %lt3A_752 : memref<64x512xf32, #tpu.memory_space<vmem>>[vector<16xi32>, vector<16xi32>], vector<16xf32>, vector<16xi1>
        tpu.vector_store_idx %arg13[%get3A_746, %broadcast_in_dim3A_879], %gather3A_880 masked %lt3A_752 : memref<640x128xf32, #tpu.memory_space<vmem>>[vector<16xi32>, vector<16xi32>], vector<16xf32>, vector<16xi1>
        %broadcast_in_dim3A_881 = arith.constant 43 : i32
        %broadcast_in_dim3A_882 = vector.broadcast %broadcast_in_dim3A_881 : i32 to vector<16xi32>
        %gather3A_883 = tpu.vector_load_idx %arg10[%broadcast_in_dim3A_882, %get3A_742] masked %lt3A_752 : memref<64x512xf32, #tpu.memory_space<vmem>>[vector<16xi32>, vector<16xi32>], vector<16xf32>, vector<16xi1>
        tpu.vector_store_idx %arg13[%get3A_746, %broadcast_in_dim3A_882], %gather3A_883 masked %lt3A_752 : memref<640x128xf32, #tpu.memory_space<vmem>>[vector<16xi32>, vector<16xi32>], vector<16xf32>, vector<16xi1>
        %broadcast_in_dim3A_884 = arith.constant 44 : i32
        %broadcast_in_dim3A_885 = vector.broadcast %broadcast_in_dim3A_884 : i32 to vector<16xi32>
        %gather3A_886 = tpu.vector_load_idx %arg10[%broadcast_in_dim3A_885, %get3A_742] masked %lt3A_752 : memref<64x512xf32, #tpu.memory_space<vmem>>[vector<16xi32>, vector<16xi32>], vector<16xf32>, vector<16xi1>
        tpu.vector_store_idx %arg13[%get3A_746, %broadcast_in_dim3A_885], %gather3A_886 masked %lt3A_752 : memref<640x128xf32, #tpu.memory_space<vmem>>[vector<16xi32>, vector<16xi32>], vector<16xf32>, vector<16xi1>
        %broadcast_in_dim3A_887 = arith.constant 45 : i32
        %broadcast_in_dim3A_888 = vector.broadcast %broadcast_in_dim3A_887 : i32 to vector<16xi32>
        %gather3A_889 = tpu.vector_load_idx %arg10[%broadcast_in_dim3A_888, %get3A_742] masked %lt3A_752 : memref<64x512xf32, #tpu.memory_space<vmem>>[vector<16xi32>, vector<16xi32>], vector<16xf32>, vector<16xi1>
        tpu.vector_store_idx %arg13[%get3A_746, %broadcast_in_dim3A_888], %gather3A_889 masked %lt3A_752 : memref<640x128xf32, #tpu.memory_space<vmem>>[vector<16xi32>, vector<16xi32>], vector<16xf32>, vector<16xi1>
        %broadcast_in_dim3A_890 = arith.constant 46 : i32
        %broadcast_in_dim3A_891 = vector.broadcast %broadcast_in_dim3A_890 : i32 to vector<16xi32>
        %gather3A_892 = tpu.vector_load_idx %arg10[%broadcast_in_dim3A_891, %get3A_742] masked %lt3A_752 : memref<64x512xf32, #tpu.memory_space<vmem>>[vector<16xi32>, vector<16xi32>], vector<16xf32>, vector<16xi1>
        tpu.vector_store_idx %arg13[%get3A_746, %broadcast_in_dim3A_891], %gather3A_892 masked %lt3A_752 : memref<640x128xf32, #tpu.memory_space<vmem>>[vector<16xi32>, vector<16xi32>], vector<16xf32>, vector<16xi1>
        %broadcast_in_dim3A_893 = arith.constant 47 : i32
        %broadcast_in_dim3A_894 = vector.broadcast %broadcast_in_dim3A_893 : i32 to vector<16xi32>
        %gather3A_895 = tpu.vector_load_idx %arg10[%broadcast_in_dim3A_894, %get3A_742] masked %lt3A_752 : memref<64x512xf32, #tpu.memory_space<vmem>>[vector<16xi32>, vector<16xi32>], vector<16xf32>, vector<16xi1>
        tpu.vector_store_idx %arg13[%get3A_746, %broadcast_in_dim3A_894], %gather3A_895 masked %lt3A_752 : memref<640x128xf32, #tpu.memory_space<vmem>>[vector<16xi32>, vector<16xi32>], vector<16xf32>, vector<16xi1>
        %broadcast_in_dim3A_896 = arith.constant 48 : i32
        %broadcast_in_dim3A_897 = vector.broadcast %broadcast_in_dim3A_896 : i32 to vector<16xi32>
        %gather3A_898 = tpu.vector_load_idx %arg10[%broadcast_in_dim3A_897, %get3A_742] masked %lt3A_752 : memref<64x512xf32, #tpu.memory_space<vmem>>[vector<16xi32>, vector<16xi32>], vector<16xf32>, vector<16xi1>
        tpu.vector_store_idx %arg13[%get3A_746, %broadcast_in_dim3A_897], %gather3A_898 masked %lt3A_752 : memref<640x128xf32, #tpu.memory_space<vmem>>[vector<16xi32>, vector<16xi32>], vector<16xf32>, vector<16xi1>
        %broadcast_in_dim3A_899 = arith.constant 49 : i32
        %broadcast_in_dim3A_900 = vector.broadcast %broadcast_in_dim3A_899 : i32 to vector<16xi32>
        %gather3A_901 = tpu.vector_load_idx %arg10[%broadcast_in_dim3A_900, %get3A_742] masked %lt3A_752 : memref<64x512xf32, #tpu.memory_space<vmem>>[vector<16xi32>, vector<16xi32>], vector<16xf32>, vector<16xi1>
        tpu.vector_store_idx %arg13[%get3A_746, %broadcast_in_dim3A_900], %gather3A_901 masked %lt3A_752 : memref<640x128xf32, #tpu.memory_space<vmem>>[vector<16xi32>, vector<16xi32>], vector<16xf32>, vector<16xi1>
        %broadcast_in_dim3A_902 = arith.constant 50 : i32
        %broadcast_in_dim3A_903 = vector.broadcast %broadcast_in_dim3A_902 : i32 to vector<16xi32>
        %gather3A_904 = tpu.vector_load_idx %arg10[%broadcast_in_dim3A_903, %get3A_742] masked %lt3A_752 : memref<64x512xf32, #tpu.memory_space<vmem>>[vector<16xi32>, vector<16xi32>], vector<16xf32>, vector<16xi1>
        tpu.vector_store_idx %arg13[%get3A_746, %broadcast_in_dim3A_903], %gather3A_904 masked %lt3A_752 : memref<640x128xf32, #tpu.memory_space<vmem>>[vector<16xi32>, vector<16xi32>], vector<16xf32>, vector<16xi1>
        %broadcast_in_dim3A_905 = arith.constant 51 : i32
        %broadcast_in_dim3A_906 = vector.broadcast %broadcast_in_dim3A_905 : i32 to vector<16xi32>
        %gather3A_907 = tpu.vector_load_idx %arg10[%broadcast_in_dim3A_906, %get3A_742] masked %lt3A_752 : memref<64x512xf32, #tpu.memory_space<vmem>>[vector<16xi32>, vector<16xi32>], vector<16xf32>, vector<16xi1>
        tpu.vector_store_idx %arg13[%get3A_746, %broadcast_in_dim3A_906], %gather3A_907 masked %lt3A_752 : memref<640x128xf32, #tpu.memory_space<vmem>>[vector<16xi32>, vector<16xi32>], vector<16xf32>, vector<16xi1>
        %broadcast_in_dim3A_908 = arith.constant 52 : i32
        %broadcast_in_dim3A_909 = vector.broadcast %broadcast_in_dim3A_908 : i32 to vector<16xi32>
        %gather3A_910 = tpu.vector_load_idx %arg10[%broadcast_in_dim3A_909, %get3A_742] masked %lt3A_752 : memref<64x512xf32, #tpu.memory_space<vmem>>[vector<16xi32>, vector<16xi32>], vector<16xf32>, vector<16xi1>
        tpu.vector_store_idx %arg13[%get3A_746, %broadcast_in_dim3A_909], %gather3A_910 masked %lt3A_752 : memref<640x128xf32, #tpu.memory_space<vmem>>[vector<16xi32>, vector<16xi32>], vector<16xf32>, vector<16xi1>
        %broadcast_in_dim3A_911 = arith.constant 53 : i32
        %broadcast_in_dim3A_912 = vector.broadcast %broadcast_in_dim3A_911 : i32 to vector<16xi32>
        %gather3A_913 = tpu.vector_load_idx %arg10[%broadcast_in_dim3A_912, %get3A_742] masked %lt3A_752 : memref<64x512xf32, #tpu.memory_space<vmem>>[vector<16xi32>, vector<16xi32>], vector<16xf32>, vector<16xi1>
        tpu.vector_store_idx %arg13[%get3A_746, %broadcast_in_dim3A_912], %gather3A_913 masked %lt3A_752 : memref<640x128xf32, #tpu.memory_space<vmem>>[vector<16xi32>, vector<16xi32>], vector<16xf32>, vector<16xi1>
        %broadcast_in_dim3A_914 = arith.constant 54 : i32
        %broadcast_in_dim3A_915 = vector.broadcast %broadcast_in_dim3A_914 : i32 to vector<16xi32>
        %gather3A_916 = tpu.vector_load_idx %arg10[%broadcast_in_dim3A_915, %get3A_742] masked %lt3A_752 : memref<64x512xf32, #tpu.memory_space<vmem>>[vector<16xi32>, vector<16xi32>], vector<16xf32>, vector<16xi1>
        tpu.vector_store_idx %arg13[%get3A_746, %broadcast_in_dim3A_915], %gather3A_916 masked %lt3A_752 : memref<640x128xf32, #tpu.memory_space<vmem>>[vector<16xi32>, vector<16xi32>], vector<16xf32>, vector<16xi1>
        %broadcast_in_dim3A_917 = arith.constant 55 : i32
        %broadcast_in_dim3A_918 = vector.broadcast %broadcast_in_dim3A_917 : i32 to vector<16xi32>
        %gather3A_919 = tpu.vector_load_idx %arg10[%broadcast_in_dim3A_918, %get3A_742] masked %lt3A_752 : memref<64x512xf32, #tpu.memory_space<vmem>>[vector<16xi32>, vector<16xi32>], vector<16xf32>, vector<16xi1>
        tpu.vector_store_idx %arg13[%get3A_746, %broadcast_in_dim3A_918], %gather3A_919 masked %lt3A_752 : memref<640x128xf32, #tpu.memory_space<vmem>>[vector<16xi32>, vector<16xi32>], vector<16xf32>, vector<16xi1>
        %broadcast_in_dim3A_920 = arith.constant 56 : i32
        %broadcast_in_dim3A_921 = vector.broadcast %broadcast_in_dim3A_920 : i32 to vector<16xi32>
        %gather3A_922 = tpu.vector_load_idx %arg10[%broadcast_in_dim3A_921, %get3A_742] masked %lt3A_752 : memref<64x512xf32, #tpu.memory_space<vmem>>[vector<16xi32>, vector<16xi32>], vector<16xf32>, vector<16xi1>
        tpu.vector_store_idx %arg13[%get3A_746, %broadcast_in_dim3A_921], %gather3A_922 masked %lt3A_752 : memref<640x128xf32, #tpu.memory_space<vmem>>[vector<16xi32>, vector<16xi32>], vector<16xf32>, vector<16xi1>
        %broadcast_in_dim3A_923 = arith.constant 57 : i32
        %broadcast_in_dim3A_924 = vector.broadcast %broadcast_in_dim3A_923 : i32 to vector<16xi32>
        %gather3A_925 = tpu.vector_load_idx %arg10[%broadcast_in_dim3A_924, %get3A_742] masked %lt3A_752 : memref<64x512xf32, #tpu.memory_space<vmem>>[vector<16xi32>, vector<16xi32>], vector<16xf32>, vector<16xi1>
        tpu.vector_store_idx %arg13[%get3A_746, %broadcast_in_dim3A_924], %gather3A_925 masked %lt3A_752 : memref<640x128xf32, #tpu.memory_space<vmem>>[vector<16xi32>, vector<16xi32>], vector<16xf32>, vector<16xi1>
        %broadcast_in_dim3A_926 = arith.constant 58 : i32
        %broadcast_in_dim3A_927 = vector.broadcast %broadcast_in_dim3A_926 : i32 to vector<16xi32>
        %gather3A_928 = tpu.vector_load_idx %arg10[%broadcast_in_dim3A_927, %get3A_742] masked %lt3A_752 : memref<64x512xf32, #tpu.memory_space<vmem>>[vector<16xi32>, vector<16xi32>], vector<16xf32>, vector<16xi1>
        tpu.vector_store_idx %arg13[%get3A_746, %broadcast_in_dim3A_927], %gather3A_928 masked %lt3A_752 : memref<640x128xf32, #tpu.memory_space<vmem>>[vector<16xi32>, vector<16xi32>], vector<16xf32>, vector<16xi1>
        %broadcast_in_dim3A_929 = arith.constant 59 : i32
        %broadcast_in_dim3A_930 = vector.broadcast %broadcast_in_dim3A_929 : i32 to vector<16xi32>
        %gather3A_931 = tpu.vector_load_idx %arg10[%broadcast_in_dim3A_930, %get3A_742] masked %lt3A_752 : memref<64x512xf32, #tpu.memory_space<vmem>>[vector<16xi32>, vector<16xi32>], vector<16xf32>, vector<16xi1>
        tpu.vector_store_idx %arg13[%get3A_746, %broadcast_in_dim3A_930], %gather3A_931 masked %lt3A_752 : memref<640x128xf32, #tpu.memory_space<vmem>>[vector<16xi32>, vector<16xi32>], vector<16xf32>, vector<16xi1>
        %broadcast_in_dim3A_932 = arith.constant 60 : i32
        %broadcast_in_dim3A_933 = vector.broadcast %broadcast_in_dim3A_932 : i32 to vector<16xi32>
        %gather3A_934 = tpu.vector_load_idx %arg10[%broadcast_in_dim3A_933, %get3A_742] masked %lt3A_752 : memref<64x512xf32, #tpu.memory_space<vmem>>[vector<16xi32>, vector<16xi32>], vector<16xf32>, vector<16xi1>
        tpu.vector_store_idx %arg13[%get3A_746, %broadcast_in_dim3A_933], %gather3A_934 masked %lt3A_752 : memref<640x128xf32, #tpu.memory_space<vmem>>[vector<16xi32>, vector<16xi32>], vector<16xf32>, vector<16xi1>
        %broadcast_in_dim3A_935 = arith.constant 61 : i32
        %broadcast_in_dim3A_936 = vector.broadcast %broadcast_in_dim3A_935 : i32 to vector<16xi32>
        %gather3A_937 = tpu.vector_load_idx %arg10[%broadcast_in_dim3A_936, %get3A_742] masked %lt3A_752 : memref<64x512xf32, #tpu.memory_space<vmem>>[vector<16xi32>, vector<16xi32>], vector<16xf32>, vector<16xi1>
        tpu.vector_store_idx %arg13[%get3A_746, %broadcast_in_dim3A_936], %gather3A_937 masked %lt3A_752 : memref<640x128xf32, #tpu.memory_space<vmem>>[vector<16xi32>, vector<16xi32>], vector<16xf32>, vector<16xi1>
        %broadcast_in_dim3A_938 = arith.constant 62 : i32
        %broadcast_in_dim3A_939 = vector.broadcast %broadcast_in_dim3A_938 : i32 to vector<16xi32>
        %gather3A_940 = tpu.vector_load_idx %arg10[%broadcast_in_dim3A_939, %get3A_742] masked %lt3A_752 : memref<64x512xf32, #tpu.memory_space<vmem>>[vector<16xi32>, vector<16xi32>], vector<16xf32>, vector<16xi1>
        tpu.vector_store_idx %arg13[%get3A_746, %broadcast_in_dim3A_939], %gather3A_940 masked %lt3A_752 : memref<640x128xf32, #tpu.memory_space<vmem>>[vector<16xi32>, vector<16xi32>], vector<16xf32>, vector<16xi1>
        %broadcast_in_dim3A_941 = arith.constant 63 : i32
        %broadcast_in_dim3A_942 = vector.broadcast %broadcast_in_dim3A_941 : i32 to vector<16xi32>
        %gather3A_943 = tpu.vector_load_idx %arg10[%broadcast_in_dim3A_942, %get3A_742] masked %lt3A_752 : memref<64x512xf32, #tpu.memory_space<vmem>>[vector<16xi32>, vector<16xi32>], vector<16xf32>, vector<16xi1>
        tpu.vector_store_idx %arg13[%get3A_746, %broadcast_in_dim3A_942], %gather3A_943 masked %lt3A_752 : memref<640x128xf32, #tpu.memory_space<vmem>>[vector<16xi32>, vector<16xi32>], vector<16xf32>, vector<16xi1>
        %while3A_944 = arith.constant 0 : i32
        scf.yield %while3A_944 : i32
      }
      %while3A_734 = arith.constant 1 : i32
      %while3A_735 = scf.for %while3A_737 = %while3A_731 to %while3A_727 step %while3A_734 iter_args(%while3A_738 = %while3A_733) -> (i32)  : i32 {
        %mul3A_739 = arith.constant 16 : i32
        %mul3A_740 = arith.muli %while3A_737, %mul3A_739 : i32
        %get3A_741 = arith.index_cast %mul3A_740 : i32 to index
        %get3A_742 = tpu.vector_load %arg11[%get3A_741] {strides = array<i32>} : memref<640xi32, #tpu.memory_space<vmem>>, vector<16xi32>,
        %mul3A_743 = arith.constant 16 : i32
        %mul3A_744 = arith.muli %while3A_737, %mul3A_743 : i32
        %get3A_745 = arith.index_cast %mul3A_744 : i32 to index
        %get3A_746 = tpu.vector_load %arg12[%get3A_745] {strides = array<i32>} : memref<640xi32, #tpu.memory_space<vmem>>, vector<16xi32>,
        %mul3A_747 = arith.constant 16 : i32
        %mul3A_748 = arith.muli %while3A_737, %mul3A_747 : i32
        %add3A_749 = vector.broadcast %mul3A_748 : i32 to vector<16xi32>
        %add3A_750 = arith.addi %add3A_749, %iota3A : vector<16xi32>
        %lt3A_751 = vector.broadcast %scan3A_702 : i32 to vector<16xi32>
        %lt3A_752 = arith.cmpi slt, %add3A_750, %lt3A_751 : vector<16xi32>
        %broadcast_in_dim3A_753 = arith.constant 0 : i32
        %broadcast_in_dim3A_754 = vector.broadcast %broadcast_in_dim3A_753 : i32 to vector<16xi32>
        %gather3A = tpu.vector_load_idx %arg10[%broadcast_in_dim3A_754, %get3A_742] masked %lt3A_752 : memref<64x512xf32, #tpu.memory_space<vmem>>[vector<16xi32>, vector<16xi32>], vector<16xf32>, vector<16xi1>
        tpu.vector_store_idx %arg13[%get3A_746, %broadcast_in_dim3A_754], %gather3A masked %lt3A_752 : memref<640x128xf32, #tpu.memory_space<vmem>>[vector<16xi32>, vector<16xi32>], vector<16xf32>, vector<16xi1>
        %broadcast_in_dim3A_755 = arith.constant 1 : i32
        %broadcast_in_dim3A_756 = vector.broadcast %broadcast_in_dim3A_755 : i32 to vector<16xi32>
        %gather3A_757 = tpu.vector_load_idx %arg10[%broadcast_in_dim3A_756, %get3A_742] masked %lt3A_752 : memref<64x512xf32, #tpu.memory_space<vmem>>[vector<16xi32>, vector<16xi32>], vector<16xf32>, vector<16xi1>
        tpu.vector_store_idx %arg13[%get3A_746, %broadcast_in_dim3A_756], %gather3A_757 masked %lt3A_752 : memref<640x128xf32, #tpu.memory_space<vmem>>[vector<16xi32>, vector<16xi32>], vector<16xf32>, vector<16xi1>
        %broadcast_in_dim3A_758 = arith.constant 2 : i32
        %broadcast_in_dim3A_759 = vector.broadcast %broadcast_in_dim3A_758 : i32 to vector<16xi32>
        %gather3A_760 = tpu.vector_load_idx %arg10[%broadcast_in_dim3A_759, %get3A_742] masked %lt3A_752 : memref<64x512xf32, #tpu.memory_space<vmem>>[vector<16xi32>, vector<16xi32>], vector<16xf32>, vector<16xi1>
        tpu.vector_store_idx %arg13[%get3A_746, %broadcast_in_dim3A_759], %gather3A_760 masked %lt3A_752 : memref<640x128xf32, #tpu.memory_space<vmem>>[vector<16xi32>, vector<16xi32>], vector<16xf32>, vector<16xi1>
        %broadcast_in_dim3A_761 = arith.constant 3 : i32
        %broadcast_in_dim3A_762 = vector.broadcast %broadcast_in_dim3A_761 : i32 to vector<16xi32>
        %gather3A_763 = tpu.vector_load_idx %arg10[%broadcast_in_dim3A_762, %get3A_742] masked %lt3A_752 : memref<64x512xf32, #tpu.memory_space<vmem>>[vector<16xi32>, vector<16xi32>], vector<16xf32>, vector<16xi1>
        tpu.vector_store_idx %arg13[%get3A_746, %broadcast_in_dim3A_762], %gather3A_763 masked %lt3A_752 : memref<640x128xf32, #tpu.memory_space<vmem>>[vector<16xi32>, vector<16xi32>], vector<16xf32>, vector<16xi1>
        %broadcast_in_dim3A_764 = arith.constant 4 : i32
        %broadcast_in_dim3A_765 = vector.broadcast %broadcast_in_dim3A_764 : i32 to vector<16xi32>
        %gather3A_766 = tpu.vector_load_idx %arg10[%broadcast_in_dim3A_765, %get3A_742] masked %lt3A_752 : memref<64x512xf32, #tpu.memory_space<vmem>>[vector<16xi32>, vector<16xi32>], vector<16xf32>, vector<16xi1>
        tpu.vector_store_idx %arg13[%get3A_746, %broadcast_in_dim3A_765], %gather3A_766 masked %lt3A_752 : memref<640x128xf32, #tpu.memory_space<vmem>>[vector<16xi32>, vector<16xi32>], vector<16xf32>, vector<16xi1>
        %broadcast_in_dim3A_767 = arith.constant 5 : i32
        %broadcast_in_dim3A_768 = vector.broadcast %broadcast_in_dim3A_767 : i32 to vector<16xi32>
        %gather3A_769 = tpu.vector_load_idx %arg10[%broadcast_in_dim3A_768, %get3A_742] masked %lt3A_752 : memref<64x512xf32, #tpu.memory_space<vmem>>[vector<16xi32>, vector<16xi32>], vector<16xf32>, vector<16xi1>
        tpu.vector_store_idx %arg13[%get3A_746, %broadcast_in_dim3A_768], %gather3A_769 masked %lt3A_752 : memref<640x128xf32, #tpu.memory_space<vmem>>[vector<16xi32>, vector<16xi32>], vector<16xf32>, vector<16xi1>
        %broadcast_in_dim3A_770 = arith.constant 6 : i32
        %broadcast_in_dim3A_771 = vector.broadcast %broadcast_in_dim3A_770 : i32 to vector<16xi32>
        %gather3A_772 = tpu.vector_load_idx %arg10[%broadcast_in_dim3A_771, %get3A_742] masked %lt3A_752 : memref<64x512xf32, #tpu.memory_space<vmem>>[vector<16xi32>, vector<16xi32>], vector<16xf32>, vector<16xi1>
        tpu.vector_store_idx %arg13[%get3A_746, %broadcast_in_dim3A_771], %gather3A_772 masked %lt3A_752 : memref<640x128xf32, #tpu.memory_space<vmem>>[vector<16xi32>, vector<16xi32>], vector<16xf32>, vector<16xi1>
        %broadcast_in_dim3A_773 = arith.constant 7 : i32
        %broadcast_in_dim3A_774 = vector.broadcast %broadcast_in_dim3A_773 : i32 to vector<16xi32>
        %gather3A_775 = tpu.vector_load_idx %arg10[%broadcast_in_dim3A_774, %get3A_742] masked %lt3A_752 : memref<64x512xf32, #tpu.memory_space<vmem>>[vector<16xi32>, vector<16xi32>], vector<16xf32>, vector<16xi1>
        tpu.vector_store_idx %arg13[%get3A_746, %broadcast_in_dim3A_774], %gather3A_775 masked %lt3A_752 : memref<640x128xf32, #tpu.memory_space<vmem>>[vector<16xi32>, vector<16xi32>], vector<16xf32>, vector<16xi1>
        %broadcast_in_dim3A_776 = arith.constant 8 : i32
        %broadcast_in_dim3A_777 = vector.broadcast %broadcast_in_dim3A_776 : i32 to vector<16xi32>
        %gather3A_778 = tpu.vector_load_idx %arg10[%broadcast_in_dim3A_777, %get3A_742] masked %lt3A_752 : memref<64x512xf32, #tpu.memory_space<vmem>>[vector<16xi32>, vector<16xi32>], vector<16xf32>, vector<16xi1>
        tpu.vector_store_idx %arg13[%get3A_746, %broadcast_in_dim3A_777], %gather3A_778 masked %lt3A_752 : memref<640x128xf32, #tpu.memory_space<vmem>>[vector<16xi32>, vector<16xi32>], vector<16xf32>, vector<16xi1>
        %broadcast_in_dim3A_779 = arith.constant 9 : i32
        %broadcast_in_dim3A_780 = vector.broadcast %broadcast_in_dim3A_779 : i32 to vector<16xi32>
        %gather3A_781 = tpu.vector_load_idx %arg10[%broadcast_in_dim3A_780, %get3A_742] masked %lt3A_752 : memref<64x512xf32, #tpu.memory_space<vmem>>[vector<16xi32>, vector<16xi32>], vector<16xf32>, vector<16xi1>
        tpu.vector_store_idx %arg13[%get3A_746, %broadcast_in_dim3A_780], %gather3A_781 masked %lt3A_752 : memref<640x128xf32, #tpu.memory_space<vmem>>[vector<16xi32>, vector<16xi32>], vector<16xf32>, vector<16xi1>
        %broadcast_in_dim3A_782 = arith.constant 10 : i32
        %broadcast_in_dim3A_783 = vector.broadcast %broadcast_in_dim3A_782 : i32 to vector<16xi32>
        %gather3A_784 = tpu.vector_load_idx %arg10[%broadcast_in_dim3A_783, %get3A_742] masked %lt3A_752 : memref<64x512xf32, #tpu.memory_space<vmem>>[vector<16xi32>, vector<16xi32>], vector<16xf32>, vector<16xi1>
        tpu.vector_store_idx %arg13[%get3A_746, %broadcast_in_dim3A_783], %gather3A_784 masked %lt3A_752 : memref<640x128xf32, #tpu.memory_space<vmem>>[vector<16xi32>, vector<16xi32>], vector<16xf32>, vector<16xi1>
        %broadcast_in_dim3A_785 = arith.constant 11 : i32
        %broadcast_in_dim3A_786 = vector.broadcast %broadcast_in_dim3A_785 : i32 to vector<16xi32>
        %gather3A_787 = tpu.vector_load_idx %arg10[%broadcast_in_dim3A_786, %get3A_742] masked %lt3A_752 : memref<64x512xf32, #tpu.memory_space<vmem>>[vector<16xi32>, vector<16xi32>], vector<16xf32>, vector<16xi1>
        tpu.vector_store_idx %arg13[%get3A_746, %broadcast_in_dim3A_786], %gather3A_787 masked %lt3A_752 : memref<640x128xf32, #tpu.memory_space<vmem>>[vector<16xi32>, vector<16xi32>], vector<16xf32>, vector<16xi1>
        %broadcast_in_dim3A_788 = arith.constant 12 : i32
        %broadcast_in_dim3A_789 = vector.broadcast %broadcast_in_dim3A_788 : i32 to vector<16xi32>
        %gather3A_790 = tpu.vector_load_idx %arg10[%broadcast_in_dim3A_789, %get3A_742] masked %lt3A_752 : memref<64x512xf32, #tpu.memory_space<vmem>>[vector<16xi32>, vector<16xi32>], vector<16xf32>, vector<16xi1>
        tpu.vector_store_idx %arg13[%get3A_746, %broadcast_in_dim3A_789], %gather3A_790 masked %lt3A_752 : memref<640x128xf32, #tpu.memory_space<vmem>>[vector<16xi32>, vector<16xi32>], vector<16xf32>, vector<16xi1>
        %broadcast_in_dim3A_791 = arith.constant 13 : i32
        %broadcast_in_dim3A_792 = vector.broadcast %broadcast_in_dim3A_791 : i32 to vector<16xi32>
        %gather3A_793 = tpu.vector_load_idx %arg10[%broadcast_in_dim3A_792, %get3A_742] masked %lt3A_752 : memref<64x512xf32, #tpu.memory_space<vmem>>[vector<16xi32>, vector<16xi32>], vector<16xf32>, vector<16xi1>
        tpu.vector_store_idx %arg13[%get3A_746, %broadcast_in_dim3A_792], %gather3A_793 masked %lt3A_752 : memref<640x128xf32, #tpu.memory_space<vmem>>[vector<16xi32>, vector<16xi32>], vector<16xf32>, vector<16xi1>
        %broadcast_in_dim3A_794 = arith.constant 14 : i32
        %broadcast_in_dim3A_795 = vector.broadcast %broadcast_in_dim3A_794 : i32 to vector<16xi32>
        %gather3A_796 = tpu.vector_load_idx %arg10[%broadcast_in_dim3A_795, %get3A_742] masked %lt3A_752 : memref<64x512xf32, #tpu.memory_space<vmem>>[vector<16xi32>, vector<16xi32>], vector<16xf32>, vector<16xi1>
        tpu.vector_store_idx %arg13[%get3A_746, %broadcast_in_dim3A_795], %gather3A_796 masked %lt3A_752 : memref<640x128xf32, #tpu.memory_space<vmem>>[vector<16xi32>, vector<16xi32>], vector<16xf32>, vector<16xi1>
        %broadcast_in_dim3A_797 = arith.constant 15 : i32
        %broadcast_in_dim3A_798 = vector.broadcast %broadcast_in_dim3A_797 : i32 to vector<16xi32>
        %gather3A_799 = tpu.vector_load_idx %arg10[%broadcast_in_dim3A_798, %get3A_742] masked %lt3A_752 : memref<64x512xf32, #tpu.memory_space<vmem>>[vector<16xi32>, vector<16xi32>], vector<16xf32>, vector<16xi1>
        tpu.vector_store_idx %arg13[%get3A_746, %broadcast_in_dim3A_798], %gather3A_799 masked %lt3A_752 : memref<640x128xf32, #tpu.memory_space<vmem>>[vector<16xi32>, vector<16xi32>], vector<16xf32>, vector<16xi1>
        %broadcast_in_dim3A_800 = arith.constant 16 : i32
        %broadcast_in_dim3A_801 = vector.broadcast %broadcast_in_dim3A_800 : i32 to vector<16xi32>
        %gather3A_802 = tpu.vector_load_idx %arg10[%broadcast_in_dim3A_801, %get3A_742] masked %lt3A_752 : memref<64x512xf32, #tpu.memory_space<vmem>>[vector<16xi32>, vector<16xi32>], vector<16xf32>, vector<16xi1>
        tpu.vector_store_idx %arg13[%get3A_746, %broadcast_in_dim3A_801], %gather3A_802 masked %lt3A_752 : memref<640x128xf32, #tpu.memory_space<vmem>>[vector<16xi32>, vector<16xi32>], vector<16xf32>, vector<16xi1>
        %broadcast_in_dim3A_803 = arith.constant 17 : i32
        %broadcast_in_dim3A_804 = vector.broadcast %broadcast_in_dim3A_803 : i32 to vector<16xi32>
        %gather3A_805 = tpu.vector_load_idx %arg10[%broadcast_in_dim3A_804, %get3A_742] masked %lt3A_752 : memref<64x512xf32, #tpu.memory_space<vmem>>[vector<16xi32>, vector<16xi32>], vector<16xf32>, vector<16xi1>
        tpu.vector_store_idx %arg13[%get3A_746, %broadcast_in_dim3A_804], %gather3A_805 masked %lt3A_752 : memref<640x128xf32, #tpu.memory_space<vmem>>[vector<16xi32>, vector<16xi32>], vector<16xf32>, vector<16xi1>
        %broadcast_in_dim3A_806 = arith.constant 18 : i32
        %broadcast_in_dim3A_807 = vector.broadcast %broadcast_in_dim3A_806 : i32 to vector<16xi32>
        %gather3A_808 = tpu.vector_load_idx %arg10[%broadcast_in_dim3A_807, %get3A_742] masked %lt3A_752 : memref<64x512xf32, #tpu.memory_space<vmem>>[vector<16xi32>, vector<16xi32>], vector<16xf32>, vector<16xi1>
        tpu.vector_store_idx %arg13[%get3A_746, %broadcast_in_dim3A_807], %gather3A_808 masked %lt3A_752 : memref<640x128xf32, #tpu.memory_space<vmem>>[vector<16xi32>, vector<16xi32>], vector<16xf32>, vector<16xi1>
        %broadcast_in_dim3A_809 = arith.constant 19 : i32
        %broadcast_in_dim3A_810 = vector.broadcast %broadcast_in_dim3A_809 : i32 to vector<16xi32>
        %gather3A_811 = tpu.vector_load_idx %arg10[%broadcast_in_dim3A_810, %get3A_742] masked %lt3A_752 : memref<64x512xf32, #tpu.memory_space<vmem>>[vector<16xi32>, vector<16xi32>], vector<16xf32>, vector<16xi1>
        tpu.vector_store_idx %arg13[%get3A_746, %broadcast_in_dim3A_810], %gather3A_811 masked %lt3A_752 : memref<640x128xf32, #tpu.memory_space<vmem>>[vector<16xi32>, vector<16xi32>], vector<16xf32>, vector<16xi1>
        %broadcast_in_dim3A_812 = arith.constant 20 : i32
        %broadcast_in_dim3A_813 = vector.broadcast %broadcast_in_dim3A_812 : i32 to vector<16xi32>
        %gather3A_814 = tpu.vector_load_idx %arg10[%broadcast_in_dim3A_813, %get3A_742] masked %lt3A_752 : memref<64x512xf32, #tpu.memory_space<vmem>>[vector<16xi32>, vector<16xi32>], vector<16xf32>, vector<16xi1>
        tpu.vector_store_idx %arg13[%get3A_746, %broadcast_in_dim3A_813], %gather3A_814 masked %lt3A_752 : memref<640x128xf32, #tpu.memory_space<vmem>>[vector<16xi32>, vector<16xi32>], vector<16xf32>, vector<16xi1>
        %broadcast_in_dim3A_815 = arith.constant 21 : i32
        %broadcast_in_dim3A_816 = vector.broadcast %broadcast_in_dim3A_815 : i32 to vector<16xi32>
        %gather3A_817 = tpu.vector_load_idx %arg10[%broadcast_in_dim3A_816, %get3A_742] masked %lt3A_752 : memref<64x512xf32, #tpu.memory_space<vmem>>[vector<16xi32>, vector<16xi32>], vector<16xf32>, vector<16xi1>
        tpu.vector_store_idx %arg13[%get3A_746, %broadcast_in_dim3A_816], %gather3A_817 masked %lt3A_752 : memref<640x128xf32, #tpu.memory_space<vmem>>[vector<16xi32>, vector<16xi32>], vector<16xf32>, vector<16xi1>
        %broadcast_in_dim3A_818 = arith.constant 22 : i32
        %broadcast_in_dim3A_819 = vector.broadcast %broadcast_in_dim3A_818 : i32 to vector<16xi32>
        %gather3A_820 = tpu.vector_load_idx %arg10[%broadcast_in_dim3A_819, %get3A_742] masked %lt3A_752 : memref<64x512xf32, #tpu.memory_space<vmem>>[vector<16xi32>, vector<16xi32>], vector<16xf32>, vector<16xi1>
        tpu.vector_store_idx %arg13[%get3A_746, %broadcast_in_dim3A_819], %gather3A_820 masked %lt3A_752 : memref<640x128xf32, #tpu.memory_space<vmem>>[vector<16xi32>, vector<16xi32>], vector<16xf32>, vector<16xi1>
        %broadcast_in_dim3A_821 = arith.constant 23 : i32
        %broadcast_in_dim3A_822 = vector.broadcast %broadcast_in_dim3A_821 : i32 to vector<16xi32>
        %gather3A_823 = tpu.vector_load_idx %arg10[%broadcast_in_dim3A_822, %get3A_742] masked %lt3A_752 : memref<64x512xf32, #tpu.memory_space<vmem>>[vector<16xi32>, vector<16xi32>], vector<16xf32>, vector<16xi1>
        tpu.vector_store_idx %arg13[%get3A_746, %broadcast_in_dim3A_822], %gather3A_823 masked %lt3A_752 : memref<640x128xf32, #tpu.memory_space<vmem>>[vector<16xi32>, vector<16xi32>], vector<16xf32>, vector<16xi1>
        %broadcast_in_dim3A_824 = arith.constant 24 : i32
        %broadcast_in_dim3A_825 = vector.broadcast %broadcast_in_dim3A_824 : i32 to vector<16xi32>
        %gather3A_826 = tpu.vector_load_idx %arg10[%broadcast_in_dim3A_825, %get3A_742] masked %lt3A_752 : memref<64x512xf32, #tpu.memory_space<vmem>>[vector<16xi32>, vector<16xi32>], vector<16xf32>, vector<16xi1>
        tpu.vector_store_idx %arg13[%get3A_746, %broadcast_in_dim3A_825], %gather3A_826 masked %lt3A_752 : memref<640x128xf32, #tpu.memory_space<vmem>>[vector<16xi32>, vector<16xi32>], vector<16xf32>, vector<16xi1>
        %broadcast_in_dim3A_827 = arith.constant 25 : i32
        %broadcast_in_dim3A_828 = vector.broadcast %broadcast_in_dim3A_827 : i32 to vector<16xi32>
        %gather3A_829 = tpu.vector_load_idx %arg10[%broadcast_in_dim3A_828, %get3A_742] masked %lt3A_752 : memref<64x512xf32, #tpu.memory_space<vmem>>[vector<16xi32>, vector<16xi32>], vector<16xf32>, vector<16xi1>
        tpu.vector_store_idx %arg13[%get3A_746, %broadcast_in_dim3A_828], %gather3A_829 masked %lt3A_752 : memref<640x128xf32, #tpu.memory_space<vmem>>[vector<16xi32>, vector<16xi32>], vector<16xf32>, vector<16xi1>
        %broadcast_in_dim3A_830 = arith.constant 26 : i32
        %broadcast_in_dim3A_831 = vector.broadcast %broadcast_in_dim3A_830 : i32 to vector<16xi32>
        %gather3A_832 = tpu.vector_load_idx %arg10[%broadcast_in_dim3A_831, %get3A_742] masked %lt3A_752 : memref<64x512xf32, #tpu.memory_space<vmem>>[vector<16xi32>, vector<16xi32>], vector<16xf32>, vector<16xi1>
        tpu.vector_store_idx %arg13[%get3A_746, %broadcast_in_dim3A_831], %gather3A_832 masked %lt3A_752 : memref<640x128xf32, #tpu.memory_space<vmem>>[vector<16xi32>, vector<16xi32>], vector<16xf32>, vector<16xi1>
        %broadcast_in_dim3A_833 = arith.constant 27 : i32
        %broadcast_in_dim3A_834 = vector.broadcast %broadcast_in_dim3A_833 : i32 to vector<16xi32>
        %gather3A_835 = tpu.vector_load_idx %arg10[%broadcast_in_dim3A_834, %get3A_742] masked %lt3A_752 : memref<64x512xf32, #tpu.memory_space<vmem>>[vector<16xi32>, vector<16xi32>], vector<16xf32>, vector<16xi1>
        tpu.vector_store_idx %arg13[%get3A_746, %broadcast_in_dim3A_834], %gather3A_835 masked %lt3A_752 : memref<640x128xf32, #tpu.memory_space<vmem>>[vector<16xi32>, vector<16xi32>], vector<16xf32>, vector<16xi1>
        %broadcast_in_dim3A_836 = arith.constant 28 : i32
        %broadcast_in_dim3A_837 = vector.broadcast %broadcast_in_dim3A_836 : i32 to vector<16xi32>
        %gather3A_838 = tpu.vector_load_idx %arg10[%broadcast_in_dim3A_837, %get3A_742] masked %lt3A_752 : memref<64x512xf32, #tpu.memory_space<vmem>>[vector<16xi32>, vector<16xi32>], vector<16xf32>, vector<16xi1>
        tpu.vector_store_idx %arg13[%get3A_746, %broadcast_in_dim3A_837], %gather3A_838 masked %lt3A_752 : memref<640x128xf32, #tpu.memory_space<vmem>>[vector<16xi32>, vector<16xi32>], vector<16xf32>, vector<16xi1>
        %broadcast_in_dim3A_839 = arith.constant 29 : i32
        %broadcast_in_dim3A_840 = vector.broadcast %broadcast_in_dim3A_839 : i32 to vector<16xi32>
        %gather3A_841 = tpu.vector_load_idx %arg10[%broadcast_in_dim3A_840, %get3A_742] masked %lt3A_752 : memref<64x512xf32, #tpu.memory_space<vmem>>[vector<16xi32>, vector<16xi32>], vector<16xf32>, vector<16xi1>
        tpu.vector_store_idx %arg13[%get3A_746, %broadcast_in_dim3A_840], %gather3A_841 masked %lt3A_752 : memref<640x128xf32, #tpu.memory_space<vmem>>[vector<16xi32>, vector<16xi32>], vector<16xf32>, vector<16xi1>
        %broadcast_in_dim3A_842 = arith.constant 30 : i32
        %broadcast_in_dim3A_843 = vector.broadcast %broadcast_in_dim3A_842 : i32 to vector<16xi32>
        %gather3A_844 = tpu.vector_load_idx %arg10[%broadcast_in_dim3A_843, %get3A_742] masked %lt3A_752 : memref<64x512xf32, #tpu.memory_space<vmem>>[vector<16xi32>, vector<16xi32>], vector<16xf32>, vector<16xi1>
        tpu.vector_store_idx %arg13[%get3A_746, %broadcast_in_dim3A_843], %gather3A_844 masked %lt3A_752 : memref<640x128xf32, #tpu.memory_space<vmem>>[vector<16xi32>, vector<16xi32>], vector<16xf32>, vector<16xi1>
        %broadcast_in_dim3A_845 = arith.constant 31 : i32
        %broadcast_in_dim3A_846 = vector.broadcast %broadcast_in_dim3A_845 : i32 to vector<16xi32>
        %gather3A_847 = tpu.vector_load_idx %arg10[%broadcast_in_dim3A_846, %get3A_742] masked %lt3A_752 : memref<64x512xf32, #tpu.memory_space<vmem>>[vector<16xi32>, vector<16xi32>], vector<16xf32>, vector<16xi1>
        tpu.vector_store_idx %arg13[%get3A_746, %broadcast_in_dim3A_846], %gather3A_847 masked %lt3A_752 : memref<640x128xf32, #tpu.memory_space<vmem>>[vector<16xi32>, vector<16xi32>], vector<16xf32>, vector<16xi1>
        %broadcast_in_dim3A_848 = arith.constant 32 : i32
        %broadcast_in_dim3A_849 = vector.broadcast %broadcast_in_dim3A_848 : i32 to vector<16xi32>
        %gather3A_850 = tpu.vector_load_idx %arg10[%broadcast_in_dim3A_849, %get3A_742] masked %lt3A_752 : memref<64x512xf32, #tpu.memory_space<vmem>>[vector<16xi32>, vector<16xi32>], vector<16xf32>, vector<16xi1>
        tpu.vector_store_idx %arg13[%get3A_746, %broadcast_in_dim3A_849], %gather3A_850 masked %lt3A_752 : memref<640x128xf32, #tpu.memory_space<vmem>>[vector<16xi32>, vector<16xi32>], vector<16xf32>, vector<16xi1>
        %broadcast_in_dim3A_851 = arith.constant 33 : i32
        %broadcast_in_dim3A_852 = vector.broadcast %broadcast_in_dim3A_851 : i32 to vector<16xi32>
        %gather3A_853 = tpu.vector_load_idx %arg10[%broadcast_in_dim3A_852, %get3A_742] masked %lt3A_752 : memref<64x512xf32, #tpu.memory_space<vmem>>[vector<16xi32>, vector<16xi32>], vector<16xf32>, vector<16xi1>
        tpu.vector_store_idx %arg13[%get3A_746, %broadcast_in_dim3A_852], %gather3A_853 masked %lt3A_752 : memref<640x128xf32, #tpu.memory_space<vmem>>[vector<16xi32>, vector<16xi32>], vector<16xf32>, vector<16xi1>
        %broadcast_in_dim3A_854 = arith.constant 34 : i32
        %broadcast_in_dim3A_855 = vector.broadcast %broadcast_in_dim3A_854 : i32 to vector<16xi32>
        %gather3A_856 = tpu.vector_load_idx %arg10[%broadcast_in_dim3A_855, %get3A_742] masked %lt3A_752 : memref<64x512xf32, #tpu.memory_space<vmem>>[vector<16xi32>, vector<16xi32>], vector<16xf32>, vector<16xi1>
        tpu.vector_store_idx %arg13[%get3A_746, %broadcast_in_dim3A_855], %gather3A_856 masked %lt3A_752 : memref<640x128xf32, #tpu.memory_space<vmem>>[vector<16xi32>, vector<16xi32>], vector<16xf32>, vector<16xi1>
        %broadcast_in_dim3A_857 = arith.constant 35 : i32
        %broadcast_in_dim3A_858 = vector.broadcast %broadcast_in_dim3A_857 : i32 to vector<16xi32>
        %gather3A_859 = tpu.vector_load_idx %arg10[%broadcast_in_dim3A_858, %get3A_742] masked %lt3A_752 : memref<64x512xf32, #tpu.memory_space<vmem>>[vector<16xi32>, vector<16xi32>], vector<16xf32>, vector<16xi1>
        tpu.vector_store_idx %arg13[%get3A_746, %broadcast_in_dim3A_858], %gather3A_859 masked %lt3A_752 : memref<640x128xf32, #tpu.memory_space<vmem>>[vector<16xi32>, vector<16xi32>], vector<16xf32>, vector<16xi1>
        %broadcast_in_dim3A_860 = arith.constant 36 : i32
        %broadcast_in_dim3A_861 = vector.broadcast %broadcast_in_dim3A_860 : i32 to vector<16xi32>
        %gather3A_862 = tpu.vector_load_idx %arg10[%broadcast_in_dim3A_861, %get3A_742] masked %lt3A_752 : memref<64x512xf32, #tpu.memory_space<vmem>>[vector<16xi32>, vector<16xi32>], vector<16xf32>, vector<16xi1>
        tpu.vector_store_idx %arg13[%get3A_746, %broadcast_in_dim3A_861], %gather3A_862 masked %lt3A_752 : memref<640x128xf32, #tpu.memory_space<vmem>>[vector<16xi32>, vector<16xi32>], vector<16xf32>, vector<16xi1>
        %broadcast_in_dim3A_863 = arith.constant 37 : i32
        %broadcast_in_dim3A_864 = vector.broadcast %broadcast_in_dim3A_863 : i32 to vector<16xi32>
        %gather3A_865 = tpu.vector_load_idx %arg10[%broadcast_in_dim3A_864, %get3A_742] masked %lt3A_752 : memref<64x512xf32, #tpu.memory_space<vmem>>[vector<16xi32>, vector<16xi32>], vector<16xf32>, vector<16xi1>
        tpu.vector_store_idx %arg13[%get3A_746, %broadcast_in_dim3A_864], %gather3A_865 masked %lt3A_752 : memref<640x128xf32, #tpu.memory_space<vmem>>[vector<16xi32>, vector<16xi32>], vector<16xf32>, vector<16xi1>
        %broadcast_in_dim3A_866 = arith.constant 38 : i32
        %broadcast_in_dim3A_867 = vector.broadcast %broadcast_in_dim3A_866 : i32 to vector<16xi32>
        %gather3A_868 = tpu.vector_load_idx %arg10[%broadcast_in_dim3A_867, %get3A_742] masked %lt3A_752 : memref<64x512xf32, #tpu.memory_space<vmem>>[vector<16xi32>, vector<16xi32>], vector<16xf32>, vector<16xi1>
        tpu.vector_store_idx %arg13[%get3A_746, %broadcast_in_dim3A_867], %gather3A_868 masked %lt3A_752 : memref<640x128xf32, #tpu.memory_space<vmem>>[vector<16xi32>, vector<16xi32>], vector<16xf32>, vector<16xi1>
        %broadcast_in_dim3A_869 = arith.constant 39 : i32
        %broadcast_in_dim3A_870 = vector.broadcast %broadcast_in_dim3A_869 : i32 to vector<16xi32>
        %gather3A_871 = tpu.vector_load_idx %arg10[%broadcast_in_dim3A_870, %get3A_742] masked %lt3A_752 : memref<64x512xf32, #tpu.memory_space<vmem>>[vector<16xi32>, vector<16xi32>], vector<16xf32>, vector<16xi1>
        tpu.vector_store_idx %arg13[%get3A_746, %broadcast_in_dim3A_870], %gather3A_871 masked %lt3A_752 : memref<640x128xf32, #tpu.memory_space<vmem>>[vector<16xi32>, vector<16xi32>], vector<16xf32>, vector<16xi1>
        %broadcast_in_dim3A_872 = arith.constant 40 : i32
        %broadcast_in_dim3A_873 = vector.broadcast %broadcast_in_dim3A_872 : i32 to vector<16xi32>
        %gather3A_874 = tpu.vector_load_idx %arg10[%broadcast_in_dim3A_873, %get3A_742] masked %lt3A_752 : memref<64x512xf32, #tpu.memory_space<vmem>>[vector<16xi32>, vector<16xi32>], vector<16xf32>, vector<16xi1>
        tpu.vector_store_idx %arg13[%get3A_746, %broadcast_in_dim3A_873], %gather3A_874 masked %lt3A_752 : memref<640x128xf32, #tpu.memory_space<vmem>>[vector<16xi32>, vector<16xi32>], vector<16xf32>, vector<16xi1>
        %broadcast_in_dim3A_875 = arith.constant 41 : i32
        %broadcast_in_dim3A_876 = vector.broadcast %broadcast_in_dim3A_875 : i32 to vector<16xi32>
        %gather3A_877 = tpu.vector_load_idx %arg10[%broadcast_in_dim3A_876, %get3A_742] masked %lt3A_752 : memref<64x512xf32, #tpu.memory_space<vmem>>[vector<16xi32>, vector<16xi32>], vector<16xf32>, vector<16xi1>
        tpu.vector_store_idx %arg13[%get3A_746, %broadcast_in_dim3A_876], %gather3A_877 masked %lt3A_752 : memref<640x128xf32, #tpu.memory_space<vmem>>[vector<16xi32>, vector<16xi32>], vector<16xf32>, vector<16xi1>
        %broadcast_in_dim3A_878 = arith.constant 42 : i32
        %broadcast_in_dim3A_879 = vector.broadcast %broadcast_in_dim3A_878 : i32 to vector<16xi32>
        %gather3A_880 = tpu.vector_load_idx %arg10[%broadcast_in_dim3A_879, %get3A_742] masked %lt3A_752 : memref<64x512xf32, #tpu.memory_space<vmem>>[vector<16xi32>, vector<16xi32>], vector<16xf32>, vector<16xi1>
        tpu.vector_store_idx %arg13[%get3A_746, %broadcast_in_dim3A_879], %gather3A_880 masked %lt3A_752 : memref<640x128xf32, #tpu.memory_space<vmem>>[vector<16xi32>, vector<16xi32>], vector<16xf32>, vector<16xi1>
        %broadcast_in_dim3A_881 = arith.constant 43 : i32
        %broadcast_in_dim3A_882 = vector.broadcast %broadcast_in_dim3A_881 : i32 to vector<16xi32>
        %gather3A_883 = tpu.vector_load_idx %arg10[%broadcast_in_dim3A_882, %get3A_742] masked %lt3A_752 : memref<64x512xf32, #tpu.memory_space<vmem>>[vector<16xi32>, vector<16xi32>], vector<16xf32>, vector<16xi1>
        tpu.vector_store_idx %arg13[%get3A_746, %broadcast_in_dim3A_882], %gather3A_883 masked %lt3A_752 : memref<640x128xf32, #tpu.memory_space<vmem>>[vector<16xi32>, vector<16xi32>], vector<16xf32>, vector<16xi1>
        %broadcast_in_dim3A_884 = arith.constant 44 : i32
        %broadcast_in_dim3A_885 = vector.broadcast %broadcast_in_dim3A_884 : i32 to vector<16xi32>
        %gather3A_886 = tpu.vector_load_idx %arg10[%broadcast_in_dim3A_885, %get3A_742] masked %lt3A_752 : memref<64x512xf32, #tpu.memory_space<vmem>>[vector<16xi32>, vector<16xi32>], vector<16xf32>, vector<16xi1>
        tpu.vector_store_idx %arg13[%get3A_746, %broadcast_in_dim3A_885], %gather3A_886 masked %lt3A_752 : memref<640x128xf32, #tpu.memory_space<vmem>>[vector<16xi32>, vector<16xi32>], vector<16xf32>, vector<16xi1>
        %broadcast_in_dim3A_887 = arith.constant 45 : i32
        %broadcast_in_dim3A_888 = vector.broadcast %broadcast_in_dim3A_887 : i32 to vector<16xi32>
        %gather3A_889 = tpu.vector_load_idx %arg10[%broadcast_in_dim3A_888, %get3A_742] masked %lt3A_752 : memref<64x512xf32, #tpu.memory_space<vmem>>[vector<16xi32>, vector<16xi32>], vector<16xf32>, vector<16xi1>
        tpu.vector_store_idx %arg13[%get3A_746, %broadcast_in_dim3A_888], %gather3A_889 masked %lt3A_752 : memref<640x128xf32, #tpu.memory_space<vmem>>[vector<16xi32>, vector<16xi32>], vector<16xf32>, vector<16xi1>
        %broadcast_in_dim3A_890 = arith.constant 46 : i32
        %broadcast_in_dim3A_891 = vector.broadcast %broadcast_in_dim3A_890 : i32 to vector<16xi32>
        %gather3A_892 = tpu.vector_load_idx %arg10[%broadcast_in_dim3A_891, %get3A_742] masked %lt3A_752 : memref<64x512xf32, #tpu.memory_space<vmem>>[vector<16xi32>, vector<16xi32>], vector<16xf32>, vector<16xi1>
        tpu.vector_store_idx %arg13[%get3A_746, %broadcast_in_dim3A_891], %gather3A_892 masked %lt3A_752 : memref<640x128xf32, #tpu.memory_space<vmem>>[vector<16xi32>, vector<16xi32>], vector<16xf32>, vector<16xi1>
        %broadcast_in_dim3A_893 = arith.constant 47 : i32
        %broadcast_in_dim3A_894 = vector.broadcast %broadcast_in_dim3A_893 : i32 to vector<16xi32>
        %gather3A_895 = tpu.vector_load_idx %arg10[%broadcast_in_dim3A_894, %get3A_742] masked %lt3A_752 : memref<64x512xf32, #tpu.memory_space<vmem>>[vector<16xi32>, vector<16xi32>], vector<16xf32>, vector<16xi1>
        tpu.vector_store_idx %arg13[%get3A_746, %broadcast_in_dim3A_894], %gather3A_895 masked %lt3A_752 : memref<640x128xf32, #tpu.memory_space<vmem>>[vector<16xi32>, vector<16xi32>], vector<16xf32>, vector<16xi1>
        %broadcast_in_dim3A_896 = arith.constant 48 : i32
        %broadcast_in_dim3A_897 = vector.broadcast %broadcast_in_dim3A_896 : i32 to vector<16xi32>
        %gather3A_898 = tpu.vector_load_idx %arg10[%broadcast_in_dim3A_897, %get3A_742] masked %lt3A_752 : memref<64x512xf32, #tpu.memory_space<vmem>>[vector<16xi32>, vector<16xi32>], vector<16xf32>, vector<16xi1>
        tpu.vector_store_idx %arg13[%get3A_746, %broadcast_in_dim3A_897], %gather3A_898 masked %lt3A_752 : memref<640x128xf32, #tpu.memory_space<vmem>>[vector<16xi32>, vector<16xi32>], vector<16xf32>, vector<16xi1>
        %broadcast_in_dim3A_899 = arith.constant 49 : i32
        %broadcast_in_dim3A_900 = vector.broadcast %broadcast_in_dim3A_899 : i32 to vector<16xi32>
        %gather3A_901 = tpu.vector_load_idx %arg10[%broadcast_in_dim3A_900, %get3A_742] masked %lt3A_752 : memref<64x512xf32, #tpu.memory_space<vmem>>[vector<16xi32>, vector<16xi32>], vector<16xf32>, vector<16xi1>
        tpu.vector_store_idx %arg13[%get3A_746, %broadcast_in_dim3A_900], %gather3A_901 masked %lt3A_752 : memref<640x128xf32, #tpu.memory_space<vmem>>[vector<16xi32>, vector<16xi32>], vector<16xf32>, vector<16xi1>
        %broadcast_in_dim3A_902 = arith.constant 50 : i32
        %broadcast_in_dim3A_903 = vector.broadcast %broadcast_in_dim3A_902 : i32 to vector<16xi32>
        %gather3A_904 = tpu.vector_load_idx %arg10[%broadcast_in_dim3A_903, %get3A_742] masked %lt3A_752 : memref<64x512xf32, #tpu.memory_space<vmem>>[vector<16xi32>, vector<16xi32>], vector<16xf32>, vector<16xi1>
        tpu.vector_store_idx %arg13[%get3A_746, %broadcast_in_dim3A_903], %gather3A_904 masked %lt3A_752 : memref<640x128xf32, #tpu.memory_space<vmem>>[vector<16xi32>, vector<16xi32>], vector<16xf32>, vector<16xi1>
        %broadcast_in_dim3A_905 = arith.constant 51 : i32
        %broadcast_in_dim3A_906 = vector.broadcast %broadcast_in_dim3A_905 : i32 to vector<16xi32>
        %gather3A_907 = tpu.vector_load_idx %arg10[%broadcast_in_dim3A_906, %get3A_742] masked %lt3A_752 : memref<64x512xf32, #tpu.memory_space<vmem>>[vector<16xi32>, vector<16xi32>], vector<16xf32>, vector<16xi1>
        tpu.vector_store_idx %arg13[%get3A_746, %broadcast_in_dim3A_906], %gather3A_907 masked %lt3A_752 : memref<640x128xf32, #tpu.memory_space<vmem>>[vector<16xi32>, vector<16xi32>], vector<16xf32>, vector<16xi1>
        %broadcast_in_dim3A_908 = arith.constant 52 : i32
        %broadcast_in_dim3A_909 = vector.broadcast %broadcast_in_dim3A_908 : i32 to vector<16xi32>
        %gather3A_910 = tpu.vector_load_idx %arg10[%broadcast_in_dim3A_909, %get3A_742] masked %lt3A_752 : memref<64x512xf32, #tpu.memory_space<vmem>>[vector<16xi32>, vector<16xi32>], vector<16xf32>, vector<16xi1>
        tpu.vector_store_idx %arg13[%get3A_746, %broadcast_in_dim3A_909], %gather3A_910 masked %lt3A_752 : memref<640x128xf32, #tpu.memory_space<vmem>>[vector<16xi32>, vector<16xi32>], vector<16xf32>, vector<16xi1>
        %broadcast_in_dim3A_911 = arith.constant 53 : i32
        %broadcast_in_dim3A_912 = vector.broadcast %broadcast_in_dim3A_911 : i32 to vector<16xi32>
        %gather3A_913 = tpu.vector_load_idx %arg10[%broadcast_in_dim3A_912, %get3A_742] masked %lt3A_752 : memref<64x512xf32, #tpu.memory_space<vmem>>[vector<16xi32>, vector<16xi32>], vector<16xf32>, vector<16xi1>
        tpu.vector_store_idx %arg13[%get3A_746, %broadcast_in_dim3A_912], %gather3A_913 masked %lt3A_752 : memref<640x128xf32, #tpu.memory_space<vmem>>[vector<16xi32>, vector<16xi32>], vector<16xf32>, vector<16xi1>
        %broadcast_in_dim3A_914 = arith.constant 54 : i32
        %broadcast_in_dim3A_915 = vector.broadcast %broadcast_in_dim3A_914 : i32 to vector<16xi32>
        %gather3A_916 = tpu.vector_load_idx %arg10[%broadcast_in_dim3A_915, %get3A_742] masked %lt3A_752 : memref<64x512xf32, #tpu.memory_space<vmem>>[vector<16xi32>, vector<16xi32>], vector<16xf32>, vector<16xi1>
        tpu.vector_store_idx %arg13[%get3A_746, %broadcast_in_dim3A_915], %gather3A_916 masked %lt3A_752 : memref<640x128xf32, #tpu.memory_space<vmem>>[vector<16xi32>, vector<16xi32>], vector<16xf32>, vector<16xi1>
        %broadcast_in_dim3A_917 = arith.constant 55 : i32
        %broadcast_in_dim3A_918 = vector.broadcast %broadcast_in_dim3A_917 : i32 to vector<16xi32>
        %gather3A_919 = tpu.vector_load_idx %arg10[%broadcast_in_dim3A_918, %get3A_742] masked %lt3A_752 : memref<64x512xf32, #tpu.memory_space<vmem>>[vector<16xi32>, vector<16xi32>], vector<16xf32>, vector<16xi1>
        tpu.vector_store_idx %arg13[%get3A_746, %broadcast_in_dim3A_918], %gather3A_919 masked %lt3A_752 : memref<640x128xf32, #tpu.memory_space<vmem>>[vector<16xi32>, vector<16xi32>], vector<16xf32>, vector<16xi1>
        %broadcast_in_dim3A_920 = arith.constant 56 : i32
        %broadcast_in_dim3A_921 = vector.broadcast %broadcast_in_dim3A_920 : i32 to vector<16xi32>
        %gather3A_922 = tpu.vector_load_idx %arg10[%broadcast_in_dim3A_921, %get3A_742] masked %lt3A_752 : memref<64x512xf32, #tpu.memory_space<vmem>>[vector<16xi32>, vector<16xi32>], vector<16xf32>, vector<16xi1>
        tpu.vector_store_idx %arg13[%get3A_746, %broadcast_in_dim3A_921], %gather3A_922 masked %lt3A_752 : memref<640x128xf32, #tpu.memory_space<vmem>>[vector<16xi32>, vector<16xi32>], vector<16xf32>, vector<16xi1>
        %broadcast_in_dim3A_923 = arith.constant 57 : i32
        %broadcast_in_dim3A_924 = vector.broadcast %broadcast_in_dim3A_923 : i32 to vector<16xi32>
        %gather3A_925 = tpu.vector_load_idx %arg10[%broadcast_in_dim3A_924, %get3A_742] masked %lt3A_752 : memref<64x512xf32, #tpu.memory_space<vmem>>[vector<16xi32>, vector<16xi32>], vector<16xf32>, vector<16xi1>
        tpu.vector_store_idx %arg13[%get3A_746, %broadcast_in_dim3A_924], %gather3A_925 masked %lt3A_752 : memref<640x128xf32, #tpu.memory_space<vmem>>[vector<16xi32>, vector<16xi32>], vector<16xf32>, vector<16xi1>
        %broadcast_in_dim3A_926 = arith.constant 58 : i32
        %broadcast_in_dim3A_927 = vector.broadcast %broadcast_in_dim3A_926 : i32 to vector<16xi32>
        %gather3A_928 = tpu.vector_load_idx %arg10[%broadcast_in_dim3A_927, %get3A_742] masked %lt3A_752 : memref<64x512xf32, #tpu.memory_space<vmem>>[vector<16xi32>, vector<16xi32>], vector<16xf32>, vector<16xi1>
        tpu.vector_store_idx %arg13[%get3A_746, %broadcast_in_dim3A_927], %gather3A_928 masked %lt3A_752 : memref<640x128xf32, #tpu.memory_space<vmem>>[vector<16xi32>, vector<16xi32>], vector<16xf32>, vector<16xi1>
        %broadcast_in_dim3A_929 = arith.constant 59 : i32
        %broadcast_in_dim3A_930 = vector.broadcast %broadcast_in_dim3A_929 : i32 to vector<16xi32>
        %gather3A_931 = tpu.vector_load_idx %arg10[%broadcast_in_dim3A_930, %get3A_742] masked %lt3A_752 : memref<64x512xf32, #tpu.memory_space<vmem>>[vector<16xi32>, vector<16xi32>], vector<16xf32>, vector<16xi1>
        tpu.vector_store_idx %arg13[%get3A_746, %broadcast_in_dim3A_930], %gather3A_931 masked %lt3A_752 : memref<640x128xf32, #tpu.memory_space<vmem>>[vector<16xi32>, vector<16xi32>], vector<16xf32>, vector<16xi1>
        %broadcast_in_dim3A_932 = arith.constant 60 : i32
        %broadcast_in_dim3A_933 = vector.broadcast %broadcast_in_dim3A_932 : i32 to vector<16xi32>
        %gather3A_934 = tpu.vector_load_idx %arg10[%broadcast_in_dim3A_933, %get3A_742] masked %lt3A_752 : memref<64x512xf32, #tpu.memory_space<vmem>>[vector<16xi32>, vector<16xi32>], vector<16xf32>, vector<16xi1>
        tpu.vector_store_idx %arg13[%get3A_746, %broadcast_in_dim3A_933], %gather3A_934 masked %lt3A_752 : memref<640x128xf32, #tpu.memory_space<vmem>>[vector<16xi32>, vector<16xi32>], vector<16xf32>, vector<16xi1>
        %broadcast_in_dim3A_935 = arith.constant 61 : i32
        %broadcast_in_dim3A_936 = vector.broadcast %broadcast_in_dim3A_935 : i32 to vector<16xi32>
        %gather3A_937 = tpu.vector_load_idx %arg10[%broadcast_in_dim3A_936, %get3A_742] masked %lt3A_752 : memref<64x512xf32, #tpu.memory_space<vmem>>[vector<16xi32>, vector<16xi32>], vector<16xf32>, vector<16xi1>
        tpu.vector_store_idx %arg13[%get3A_746, %broadcast_in_dim3A_936], %gather3A_937 masked %lt3A_752 : memref<640x128xf32, #tpu.memory_space<vmem>>[vector<16xi32>, vector<16xi32>], vector<16xf32>, vector<16xi1>
        %broadcast_in_dim3A_938 = arith.constant 62 : i32
        %broadcast_in_dim3A_939 = vector.broadcast %broadcast_in_dim3A_938 : i32 to vector<16xi32>
        %gather3A_940 = tpu.vector_load_idx %arg10[%broadcast_in_dim3A_939, %get3A_742] masked %lt3A_752 : memref<64x512xf32, #tpu.memory_space<vmem>>[vector<16xi32>, vector<16xi32>], vector<16xf32>, vector<16xi1>
        tpu.vector_store_idx %arg13[%get3A_746, %broadcast_in_dim3A_939], %gather3A_940 masked %lt3A_752 : memref<640x128xf32, #tpu.memory_space<vmem>>[vector<16xi32>, vector<16xi32>], vector<16xf32>, vector<16xi1>
        %broadcast_in_dim3A_941 = arith.constant 63 : i32
        %broadcast_in_dim3A_942 = vector.broadcast %broadcast_in_dim3A_941 : i32 to vector<16xi32>
        %gather3A_943 = tpu.vector_load_idx %arg10[%broadcast_in_dim3A_942, %get3A_742] masked %lt3A_752 : memref<64x512xf32, #tpu.memory_space<vmem>>[vector<16xi32>, vector<16xi32>], vector<16xf32>, vector<16xi1>
        tpu.vector_store_idx %arg13[%get3A_746, %broadcast_in_dim3A_942], %gather3A_943 masked %lt3A_752 : memref<640x128xf32, #tpu.memory_space<vmem>>[vector<16xi32>, vector<16xi32>], vector<16xf32>, vector<16xi1>
        %while3A_944 = arith.constant 0 : i32
        scf.yield %while3A_944 : i32
      }
      %while3A_736 = arith.constant 0 : i32
      scf.yield %while3A_736 : i32
    }
    %dma_start3A = arith.constant 0 : i32
    %dma_start3A_587 = arith.constant 0 : i32
    %dma_start3A_588 = arith.constant 0 : i32
    %dma_start3A_589 = tpu.memref_slice %arg13[%dma_start3A_587, %dma_start3A_588] : memref<640x128xf32, #tpu.memory_space<vmem>> -> memref<128x128xf32, #tpu.memory_space<vmem>>
    %dma_start3A_590 = arith.constant 0 : i32
    %dma_start3A_591 = tpu.memref_slice %arg9[%dma_start3A, %dma_start3A_590] : memref<5x128xi32, #tpu.memory_space<vmem>> -> memref<1x128xi32, #tpu.memory_space<vmem>>
    %dma_start3A_592 = tpu.memref_squeeze %dma_start3A_591 : memref<1x128xi32, #tpu.memory_space<vmem>> -> memref<128xi32, #tpu.memory_space<vmem>>
    %dma_start3A_593 = arith.constant 0 : i32
    %dma_start3A_594 = arith.constant 0 : i32
    %dma_start3A_595 = tpu.memref_slice %arg5[%dma_start3A_593, %dma_start3A_594] : memref<16392x128xf32, #tpu.memory_space<hbm>> -> memref<16392x128xf32, #tpu.memory_space<hbm>>
    tpu.enqueue_indirect_dma source(%dma_start3A_589 : memref<128x128xf32, #tpu.memory_space<vmem>>) target(%dma_start3A_595 : memref<16392x128xf32, #tpu.memory_space<hbm>>) offsets(%dma_start3A_592 : memref<128xi32, #tpu.memory_space<vmem>>) semaphore(%arg14 : memref<!tpu.dma_semaphore, #tpu.memory_space<semaphore_mem>>)
    %dma_start3A_596 = arith.constant 1 : i32
    %dma_start3A_597 = arith.constant 128 : i32
    %dma_start3A_598 = arith.constant 0 : i32
    %dma_start3A_599 = tpu.memref_slice %arg13[%dma_start3A_597, %dma_start3A_598] : memref<640x128xf32, #tpu.memory_space<vmem>> -> memref<128x128xf32, #tpu.memory_space<vmem>>
    %dma_start3A_600 = arith.constant 0 : i32
    %dma_start3A_601 = tpu.memref_slice %arg9[%dma_start3A_596, %dma_start3A_600] : memref<5x128xi32, #tpu.memory_space<vmem>> -> memref<1x128xi32, #tpu.memory_space<vmem>>
    %dma_start3A_602 = tpu.memref_squeeze %dma_start3A_601 : memref<1x128xi32, #tpu.memory_space<vmem>> -> memref<128xi32, #tpu.memory_space<vmem>>
    %dma_start3A_603 = arith.constant 0 : i32
    %dma_start3A_604 = arith.constant 0 : i32
    %dma_start3A_605 = tpu.memref_slice %arg5[%dma_start3A_603, %dma_start3A_604] : memref<16392x128xf32, #tpu.memory_space<hbm>> -> memref<16392x128xf32, #tpu.memory_space<hbm>>
    tpu.enqueue_indirect_dma source(%dma_start3A_599 : memref<128x128xf32, #tpu.memory_space<vmem>>) target(%dma_start3A_605 : memref<16392x128xf32, #tpu.memory_space<hbm>>) offsets(%dma_start3A_602 : memref<128xi32, #tpu.memory_space<vmem>>) semaphore(%arg14 : memref<!tpu.dma_semaphore, #tpu.memory_space<semaphore_mem>>)
    %dma_start3A_606 = arith.constant 2 : i32
    %dma_start3A_607 = arith.constant 256 : i32
    %dma_start3A_608 = arith.constant 0 : i32
    %dma_start3A_609 = tpu.memref_slice %arg13[%dma_start3A_607, %dma_start3A_608] : memref<640x128xf32, #tpu.memory_space<vmem>> -> memref<128x128xf32, #tpu.memory_space<vmem>>
    %dma_start3A_610 = arith.constant 0 : i32
    %dma_start3A_611 = tpu.memref_slice %arg9[%dma_start3A_606, %dma_start3A_610] : memref<5x128xi32, #tpu.memory_space<vmem>> -> memref<1x128xi32, #tpu.memory_space<vmem>>
    %dma_start3A_612 = tpu.memref_squeeze %dma_start3A_611 : memref<1x128xi32, #tpu.memory_space<vmem>> -> memref<128xi32, #tpu.memory_space<vmem>>
    %dma_start3A_613 = arith.constant 0 : i32
    %dma_start3A_614 = arith.constant 0 : i32
    %dma_start3A_615 = tpu.memref_slice %arg5[%dma_start3A_613, %dma_start3A_614] : memref<16392x128xf32, #tpu.memory_space<hbm>> -> memref<16392x128xf32, #tpu.memory_space<hbm>>
    tpu.enqueue_indirect_dma source(%dma_start3A_609 : memref<128x128xf32, #tpu.memory_space<vmem>>) target(%dma_start3A_615 : memref<16392x128xf32, #tpu.memory_space<hbm>>) offsets(%dma_start3A_612 : memref<128xi32, #tpu.memory_space<vmem>>) semaphore(%arg14 : memref<!tpu.dma_semaphore, #tpu.memory_space<semaphore_mem>>)
    %dma_start3A_616 = arith.constant 3 : i32
    %dma_start3A_617 = arith.constant 384 : i32
    %dma_start3A_618 = arith.constant 0 : i32
    %dma_start3A_619 = tpu.memref_slice %arg13[%dma_start3A_617, %dma_start3A_618] : memref<640x128xf32, #tpu.memory_space<vmem>> -> memref<128x128xf32, #tpu.memory_space<vmem>>
    %dma_start3A_620 = arith.constant 0 : i32
    %dma_start3A_621 = tpu.memref_slice %arg9[%dma_start3A_616, %dma_start3A_620] : memref<5x128xi32, #tpu.memory_space<vmem>> -> memref<1x128xi32, #tpu.memory_space<vmem>>
    %dma_start3A_622 = tpu.memref_squeeze %dma_start3A_621 : memref<1x128xi32, #tpu.memory_space<vmem>> -> memref<128xi32, #tpu.memory_space<vmem>>
    %dma_start3A_623 = arith.constant 0 : i32
    %dma_start3A_624 = arith.constant 0 : i32
    %dma_start3A_625 = tpu.memref_slice %arg5[%dma_start3A_623, %dma_start3A_624] : memref<16392x128xf32, #tpu.memory_space<hbm>> -> memref<16392x128xf32, #tpu.memory_space<hbm>>
    tpu.enqueue_indirect_dma source(%dma_start3A_619 : memref<128x128xf32, #tpu.memory_space<vmem>>) target(%dma_start3A_625 : memref<16392x128xf32, #tpu.memory_space<hbm>>) offsets(%dma_start3A_622 : memref<128xi32, #tpu.memory_space<vmem>>) semaphore(%arg14 : memref<!tpu.dma_semaphore, #tpu.memory_space<semaphore_mem>>)
    %dma_start3A_626 = arith.constant 4 : i32
    %dma_start3A_627 = arith.constant 512 : i32
    %dma_start3A_628 = arith.constant 0 : i32
    %dma_start3A_629 = tpu.memref_slice %arg13[%dma_start3A_627, %dma_start3A_628] : memref<640x128xf32, #tpu.memory_space<vmem>> -> memref<128x128xf32, #tpu.memory_space<vmem>>
    %dma_start3A_630 = arith.constant 0 : i32
    %dma_start3A_631 = tpu.memref_slice %arg9[%dma_start3A_626, %dma_start3A_630] : memref<5x128xi32, #tpu.memory_space<vmem>> -> memref<1x128xi32, #tpu.memory_space<vmem>>
    %dma_start3A_632 = tpu.memref_squeeze %dma_start3A_631 : memref<1x128xi32, #tpu.memory_space<vmem>> -> memref<128xi32, #tpu.memory_space<vmem>>
    %dma_start3A_633 = arith.constant 0 : i32
    %dma_start3A_634 = arith.constant 0 : i32
    %dma_start3A_635 = tpu.memref_slice %arg5[%dma_start3A_633, %dma_start3A_634] : memref<16392x128xf32, #tpu.memory_space<hbm>> -> memref<16392x128xf32, #tpu.memory_space<hbm>>
    tpu.enqueue_indirect_dma source(%dma_start3A_629 : memref<128x128xf32, #tpu.memory_space<vmem>>) target(%dma_start3A_635 : memref<16392x128xf32, #tpu.memory_space<hbm>>) offsets(%dma_start3A_632 : memref<128xi32, #tpu.memory_space<vmem>>) semaphore(%arg14 : memref<!tpu.dma_semaphore, #tpu.memory_space<semaphore_mem>>)
    %dma_wait3A = arith.constant 0 : i32
    %dma_wait3A_636 = arith.constant 0 : i32
    %dma_wait3A_637 = arith.constant 0 : i32
    %dma_wait3A_638 = tpu.memref_slice %arg13[%dma_wait3A_636, %dma_wait3A_637] : memref<640x128xf32, #tpu.memory_space<vmem>> -> memref<128x128xf32, #tpu.memory_space<vmem>>
    %dma_wait3A_639 = arith.constant 0 : i32
    %dma_wait3A_640 = tpu.memref_slice %arg9[%dma_wait3A, %dma_wait3A_639] : memref<5x128xi32, #tpu.memory_space<vmem>> -> memref<1x128xi32, #tpu.memory_space<vmem>>
    %dma_wait3A_641 = tpu.memref_squeeze %dma_wait3A_640 : memref<1x128xi32, #tpu.memory_space<vmem>> -> memref<128xi32, #tpu.memory_space<vmem>>
    %dma_wait3A_642 = arith.constant 0 : i32
    %dma_wait3A_643 = arith.constant 0 : i32
    %dma_wait3A_644 = tpu.memref_slice %arg5[%dma_wait3A_642, %dma_wait3A_643] : memref<16392x128xf32, #tpu.memory_space<hbm>> -> memref<16392x128xf32, #tpu.memory_space<hbm>>
    tpu.wait_indirect_dma semaphore(%arg14 : memref<!tpu.dma_semaphore, #tpu.memory_space<semaphore_mem>>) src(%dma_wait3A_638 : memref<128x128xf32, #tpu.memory_space<vmem>>) dst(%dma_wait3A_644 : memref<16392x128xf32, #tpu.memory_space<hbm>>)
    %dma_wait3A_645 = arith.constant 1 : i32
    %dma_wait3A_646 = arith.constant 128 : i32
    %dma_wait3A_647 = arith.constant 0 : i32
    %dma_wait3A_648 = tpu.memref_slice %arg13[%dma_wait3A_646, %dma_wait3A_647] : memref<640x128xf32, #tpu.memory_space<vmem>> -> memref<128x128xf32, #tpu.memory_space<vmem>>
    %dma_wait3A_649 = arith.constant 0 : i32
    %dma_wait3A_650 = tpu.memref_slice %arg9[%dma_wait3A_645, %dma_wait3A_649] : memref<5x128xi32, #tpu.memory_space<vmem>> -> memref<1x128xi32, #tpu.memory_space<vmem>>
    %dma_wait3A_651 = tpu.memref_squeeze %dma_wait3A_650 : memref<1x128xi32, #tpu.memory_space<vmem>> -> memref<128xi32, #tpu.memory_space<vmem>>
    %dma_wait3A_652 = arith.constant 0 : i32
    %dma_wait3A_653 = arith.constant 0 : i32
    %dma_wait3A_654 = tpu.memref_slice %arg5[%dma_wait3A_652, %dma_wait3A_653] : memref<16392x128xf32, #tpu.memory_space<hbm>> -> memref<16392x128xf32, #tpu.memory_space<hbm>>
    tpu.wait_indirect_dma semaphore(%arg14 : memref<!tpu.dma_semaphore, #tpu.memory_space<semaphore_mem>>) src(%dma_wait3A_648 : memref<128x128xf32, #tpu.memory_space<vmem>>) dst(%dma_wait3A_654 : memref<16392x128xf32, #tpu.memory_space<hbm>>)
    %dma_wait3A_655 = arith.constant 2 : i32
    %dma_wait3A_656 = arith.constant 256 : i32
    %dma_wait3A_657 = arith.constant 0 : i32
    %dma_wait3A_658 = tpu.memref_slice %arg13[%dma_wait3A_656, %dma_wait3A_657] : memref<640x128xf32, #tpu.memory_space<vmem>> -> memref<128x128xf32, #tpu.memory_space<vmem>>
    %dma_wait3A_659 = arith.constant 0 : i32
    %dma_wait3A_660 = tpu.memref_slice %arg9[%dma_wait3A_655, %dma_wait3A_659] : memref<5x128xi32, #tpu.memory_space<vmem>> -> memref<1x128xi32, #tpu.memory_space<vmem>>
    %dma_wait3A_661 = tpu.memref_squeeze %dma_wait3A_660 : memref<1x128xi32, #tpu.memory_space<vmem>> -> memref<128xi32, #tpu.memory_space<vmem>>
    %dma_wait3A_662 = arith.constant 0 : i32
    %dma_wait3A_663 = arith.constant 0 : i32
    %dma_wait3A_664 = tpu.memref_slice %arg5[%dma_wait3A_662, %dma_wait3A_663] : memref<16392x128xf32, #tpu.memory_space<hbm>> -> memref<16392x128xf32, #tpu.memory_space<hbm>>
    tpu.wait_indirect_dma semaphore(%arg14 : memref<!tpu.dma_semaphore, #tpu.memory_space<semaphore_mem>>) src(%dma_wait3A_658 : memref<128x128xf32, #tpu.memory_space<vmem>>) dst(%dma_wait3A_664 : memref<16392x128xf32, #tpu.memory_space<hbm>>)
    %dma_wait3A_665 = arith.constant 3 : i32
    %dma_wait3A_666 = arith.constant 384 : i32
    %dma_wait3A_667 = arith.constant 0 : i32
    %dma_wait3A_668 = tpu.memref_slice %arg13[%dma_wait3A_666, %dma_wait3A_667] : memref<640x128xf32, #tpu.memory_space<vmem>> -> memref<128x128xf32, #tpu.memory_space<vmem>>
    %dma_wait3A_669 = arith.constant 0 : i32
    %dma_wait3A_670 = tpu.memref_slice %arg9[%dma_wait3A_665, %dma_wait3A_669] : memref<5x128xi32, #tpu.memory_space<vmem>> -> memref<1x128xi32, #tpu.memory_space<vmem>>
    %dma_wait3A_671 = tpu.memref_squeeze %dma_wait3A_670 : memref<1x128xi32, #tpu.memory_space<vmem>> -> memref<128xi32, #tpu.memory_space<vmem>>
    %dma_wait3A_672 = arith.constant 0 : i32
    %dma_wait3A_673 = arith.constant 0 : i32
    %dma_wait3A_674 = tpu.memref_slice %arg5[%dma_wait3A_672, %dma_wait3A_673] : memref<16392x128xf32, #tpu.memory_space<hbm>> -> memref<16392x128xf32, #tpu.memory_space<hbm>>
    tpu.wait_indirect_dma semaphore(%arg14 : memref<!tpu.dma_semaphore, #tpu.memory_space<semaphore_mem>>) src(%dma_wait3A_668 : memref<128x128xf32, #tpu.memory_space<vmem>>) dst(%dma_wait3A_674 : memref<16392x128xf32, #tpu.memory_space<hbm>>)
    %dma_wait3A_675 = arith.constant 4 : i32
    %dma_wait3A_676 = arith.constant 512 : i32
    %dma_wait3A_677 = arith.constant 0 : i32
    %dma_wait3A_678 = tpu.memref_slice %arg13[%dma_wait3A_676, %dma_wait3A_677] : memref<640x128xf32, #tpu.memory_space<vmem>> -> memref<128x128xf32, #tpu.memory_space<vmem>>
    %dma_wait3A_679 = arith.constant 0 : i32
    %dma_wait3A_680 = tpu.memref_slice %arg9[%dma_wait3A_675, %dma_wait3A_679] : memref<5x128xi32, #tpu.memory_space<vmem>> -> memref<1x128xi32, #tpu.memory_space<vmem>>
    %dma_wait3A_681 = tpu.memref_squeeze %dma_wait3A_680 : memref<1x128xi32, #tpu.memory_space<vmem>> -> memref<128xi32, #tpu.memory_space<vmem>>
    %dma_wait3A_682 = arith.constant 0 : i32
    %dma_wait3A_683 = arith.constant 0 : i32
    %dma_wait3A_684 = tpu.memref_slice %arg5[%dma_wait3A_682, %dma_wait3A_683] : memref<16392x128xf32, #tpu.memory_space<hbm>> -> memref<16392x128xf32, #tpu.memory_space<hbm>>
    tpu.wait_indirect_dma semaphore(%arg14 : memref<!tpu.dma_semaphore, #tpu.memory_space<semaphore_mem>>) src(%dma_wait3A_678 : memref<128x128xf32, #tpu.memory_space<vmem>>) dst(%dma_wait3A_684 : memref<16392x128xf32, #tpu.memory_space<hbm>>)
    return
  }
}

module attributes {stable_mosaic.version = 14 : i64} {
  func.func @_fill_body(%arg0: memref<51x64x16384xf32, #tpu.memory_space<hbm>>, %arg1: memref<16392x128xf32, #tpu.memory_space<hbm>>, %arg2: memref<64x16384xf32, #tpu.memory_space<hbm>>, %arg3: memref<51x64x16384xf32, #tpu.memory_space<hbm>>, %arg4: memref<16384x128xf32, #tpu.memory_space<vmem>>, %arg5: memref<64x16384xf32, #tpu.memory_space<vmem>>, %arg6: memref<64x16384xf32, #tpu.memory_space<vmem>>, %arg7: memref<!tpu.dma_semaphore, #tpu.memory_space<semaphore_mem>>) attributes {dimension_semantics = [], scalar_prefetch = 0 : i64, scratch_operands = 4 : i64, tpu.core_type = #tpu.core_type<tc>} {
    %dma_start3A = arith.constant 0 : i32
    %dma_start3A_0 = arith.constant 0 : i32
    %dma_start3A_1 = tpu.memref_slice %arg1[%dma_start3A, %dma_start3A_0] : memref<16392x128xf32, #tpu.memory_space<hbm>> -> memref<16384x128xf32, #tpu.memory_space<hbm>>
    tpu.enqueue_dma source(%dma_start3A_1 : memref<16384x128xf32, #tpu.memory_space<hbm>>) target(%arg4 : memref<16384x128xf32, #tpu.memory_space<vmem>>) target_semaphore(%arg7 : memref<!tpu.dma_semaphore, #tpu.memory_space<semaphore_mem>>)
    tpu.enqueue_dma source(%arg2 : memref<64x16384xf32, #tpu.memory_space<hbm>>) target(%arg5 : memref<64x16384xf32, #tpu.memory_space<vmem>>) target_semaphore(%arg7 : memref<!tpu.dma_semaphore, #tpu.memory_space<semaphore_mem>>)
    %dma_wait3A = arith.constant 0 : i32
    %dma_wait3A_2 = arith.constant 0 : i32
    %dma_wait3A_3 = tpu.memref_slice %arg1[%dma_wait3A, %dma_wait3A_2] : memref<16392x128xf32, #tpu.memory_space<hbm>> -> memref<16384x128xf32, #tpu.memory_space<hbm>>
    tpu.wait_dma2 semaphore(%arg7 : memref<!tpu.dma_semaphore, #tpu.memory_space<semaphore_mem>>) src(%dma_wait3A_3 : memref<16384x128xf32, #tpu.memory_space<hbm>>) dst(%arg4 : memref<16384x128xf32, #tpu.memory_space<vmem>>)
    tpu.wait_dma2 semaphore(%arg7 : memref<!tpu.dma_semaphore, #tpu.memory_space<semaphore_mem>>) src(%arg2 : memref<64x16384xf32, #tpu.memory_space<hbm>>) dst(%arg5 : memref<64x16384xf32, #tpu.memory_space<vmem>>)
    %get3A = arith.constant 0 : index
    %get3A_4 = arith.constant 0 : index
    %get3A_5 = vector.load %arg4[%get3A, %get3A_4] : memref<16384x128xf32, #tpu.memory_space<vmem>>, vector<16384x64xf32>
    %transpose3A = tpu.transpose %get3A_5, [1, 0] : vector<16384x64xf32> -> vector<64x16384xf32>
    %get3A_6 = arith.constant 0 : index
    %get3A_7 = arith.constant 0 : index
    %get3A_8 = vector.load %arg5[%get3A_6, %get3A_7] : memref<64x16384xf32, #tpu.memory_space<vmem>>, vector<64x16384xf32>
    %add3A = arith.addf %transpose3A, %get3A_8 : vector<64x16384xf32>
    %swap3A = arith.constant 0 : index
    %swap3A_9 = arith.constant 0 : index
    %swap3A_10 = vector.load %arg6[%swap3A, %swap3A_9] : memref<64x16384xf32, #tpu.memory_space<vmem>>, vector<64x16384xf32>
    tpu.vector_store %arg6[%swap3A, %swap3A_9], %add3A {strides = array<i32>} : memref<64x16384xf32, #tpu.memory_space<vmem>>, vector<64x16384xf32>,
    %dma_start3A_11 = arith.constant 0 : i32
    %dma_start3A_12 = arith.constant 0 : i32
    %dma_start3A_13 = arith.constant 0 : i32
    %dma_start3A_14 = tpu.memref_slice %arg3[%dma_start3A_11, %dma_start3A_12, %dma_start3A_13] : memref<51x64x16384xf32, #tpu.memory_space<hbm>> -> memref<1x64x16384xf32, #tpu.memory_space<hbm>>
    %dma_start3A_15 = tpu.memref_squeeze %dma_start3A_14 : memref<1x64x16384xf32, #tpu.memory_space<hbm>> -> memref<64x16384xf32, #tpu.memory_space<hbm>>
    tpu.enqueue_dma source(%arg6 : memref<64x16384xf32, #tpu.memory_space<vmem>>) target(%dma_start3A_15 : memref<64x16384xf32, #tpu.memory_space<hbm>>) target_semaphore(%arg7 : memref<!tpu.dma_semaphore, #tpu.memory_space<semaphore_mem>>)
    %dma_wait3A_16 = arith.constant 0 : i32
    %dma_wait3A_17 = arith.constant 0 : i32
    %dma_wait3A_18 = arith.constant 0 : i32
    %dma_wait3A_19 = tpu.memref_slice %arg3[%dma_wait3A_16, %dma_wait3A_17, %dma_wait3A_18] : memref<51x64x16384xf32, #tpu.memory_space<hbm>> -> memref<1x64x16384xf32, #tpu.memory_space<hbm>>
    %dma_wait3A_20 = tpu.memref_squeeze %dma_wait3A_19 : memref<1x64x16384xf32, #tpu.memory_space<hbm>> -> memref<64x16384xf32, #tpu.memory_space<hbm>>
    tpu.wait_dma2 semaphore(%arg7 : memref<!tpu.dma_semaphore, #tpu.memory_space<semaphore_mem>>) src(%arg6 : memref<64x16384xf32, #tpu.memory_space<vmem>>) dst(%dma_wait3A_20 : memref<64x16384xf32, #tpu.memory_space<hbm>>)
    return
  }
}

module attributes {stable_mosaic.version = 14 : i64} {
  func.func @_xcopy_body(%arg0: i32, %arg1: memref<1x64x16384xf32, #tpu.memory_space<vmem>>, %arg2: memref<1x64x16384xf32, #tpu.memory_space<vmem>>) attributes {dimension_semantics = [#tpu.dimension_semantics<arbitrary>], iteration_bounds = array<i64: 50>, scalar_prefetch = 0 : i64, scratch_operands = 0 : i64, tpu.core_type = #tpu.core_type<tc>, window_params = [{transform_indices = @transform_0, window_bounds = array<i64: 1, 64, 16384>}, {transform_indices = @transform_1, window_bounds = array<i64: 1, 64, 16384>}]} {
    %get3A = arith.constant 0 : index
    %get3A_0 = arith.constant 0 : index
    %get3A_1 = arith.constant 0 : index
    %get3A_2 = vector.load %arg1[%get3A, %get3A_0, %get3A_1] : memref<1x64x16384xf32, #tpu.memory_space<vmem>>, vector<1x64x16384xf32>
    %swap3A = arith.constant 0 : index
    %swap3A_3 = arith.constant 0 : index
    %swap3A_4 = arith.constant 0 : index
    %swap3A_5 = vector.load %arg2[%swap3A, %swap3A_3, %swap3A_4] : memref<1x64x16384xf32, #tpu.memory_space<vmem>>, vector<1x64x16384xf32>
    tpu.vector_store %arg2[%swap3A, %swap3A_3, %swap3A_4], %get3A_2 {strides = array<i32>} : memref<1x64x16384xf32, #tpu.memory_space<vmem>>, vector<1x64x16384xf32>,
    return
  }
  func.func @transform_0(%arg0: i32) -> (i32, i32, i32) {
    %c0_i32 = arith.constant 0 : i32
    %c0_i32_0 = arith.constant 0 : i32
    %c0_i32_1 = arith.constant 0 : i32
    return %arg0, %c0_i32, %c0_i32_0 : i32, i32, i32
  }
  func.func @transform_1(%arg0: i32) -> (i32, i32, i32) {
    %add3A = arith.constant 1 : i32
    %add3A_0 = arith.addi %arg0, %add3A : i32
    %c0_i32 = arith.constant 0 : i32
    %c0_i32_1 = arith.constant 0 : i32
    %c0_i32_2 = arith.constant 0 : i32
    return %add3A_0, %c0_i32, %c0_i32_1 : i32, i32, i32
  }
}

</mosaic_0001>

<sc_bundles>
// kernel: kernel.5.cloned.1.call-start
scs
__scs_entry_jumppad:
0x0: {  	(pc) =	sbr.rel $0x88, $3  }
0x1: {  	(tag) =	ssettag $0x0;
	lr =	simm.s32 $0x1  }
0x2: {  	[smem:$0x3F9E] =	sst lr;
	_ =	strace $0xD0000000  }
0x3: {  	_ = 	snop  }
0x4: {  	_ = 	snop  }
0x5: {  	_ = 	snop  }
0x6: {  	_ = 	snop  }
0x7: {  	_ = 	snop  }
__scs_overlays_trampoline_lowered:
0x8: {  	[smem:$0x3FAD] =	sst s0  }
0x9: {  	[smem:$0x3FAE] =	sst s1  }
0xa: {  	[smem:$0x3FAF] =	sst s2  }
0xb: {  	[smem:$0x3FB0] =	sst s3  }
0xc: {  	[smem:$0x3FB1] =	sst s4  }
0xd: {  	[smem:$0x3FB2] =	sst s5  }
0xe: {  	[smem:$0x3FB3] =	sst s6  }
0xf: {  	[smem:$0x3FB4] =	sst s7  }
0x10: {  	[smem:$0x3FB5] =	sst s8  }
0x11: {  	[smem:$0x3FB6] =	sst s9;
	s0 =	simm.s32 @!p0 $0x0  }
0x12: {  	s1 =	sld [smem:$0x3F9C];
	s0 =	simm.s32 @p0 $0x1  }
0x13: {  	[smem:$0x3FB7] =	sst s0;
	s0 =	simm.s32 @!p1 $0x0  }
0x14: {  	s2 =	sld [smem:$0x3F9B];
	s0 =	simm.s32 @p1 $0x1  }
0x15: {  	[smem:$0x3FB8] =	sst s0;
	s0 =	simm.s32 @!p2 $0x0  }
0x16: {  	s3 =	sld [smem:$0x3FDB];
	s0 =	simm.s32 @p2 $0x1  }
0x17: {  	s4 =	simm.s32 $0x1BF5;
	[smem:$0x3FBA] =	sst s0  }
0x18: {  	s0 =	sld [smem:$0x3F9D];
	_ =	swait.ge [sflag:s4], $0x0  }
0x19: {  	s7 =	sld [smem:$0x3F9E]  }
0x1a: {  	s8 =	sadd.s32 $0xFFFFE003, lr  }
0x1b: {  	s9 =	sadd.s32 $0xFFFFFEF7, lr;
	s5 =	simm.s32 $0xFFFFFFFF;
	p2 =	slt.u32 s8, $0xFFFFF086  }
0x1c: {  	p1 =	slt.u32 s9, $0xF7A;
	s5 =	simm.s32 @!p2 $0x0  }
0x1d: {  	s5 =	simm.s32 @p1 $0x1;
	p0 =	seq.s32 s7, s2  }
0x1e: {  	s7 =	smul.u32 @!p0 $0xF7A, s2;
	p2 =	seq.s32 @!p0 s5, $0x0  }
0x1f: {  	s9 =	smul.u32 $0xF7A, s1;
	s8 =	simm.s32 @!p0 $0x1BF5;
	p2 =	por !p2, p0  }
0x20: {  	[sflag:s8] =	ssyncset.s32 @!p0 $0xFFFFF086;
	s6 =	sadd.s32 @!p0 s3, s7;
	s7 =	simm.s32 @!p0 $0x108  }
0x21: {  	s3 =	sadd.s32 s3, s9;
	s6 =	sadd.s32 @!p0 $0x88, s6;
	s7 =	simm.s32 @p2 $0x1082  }
0x22: {  	[simem:s7], [sflag:s8] =	dma.local @!p0 [hbm:s6], $0xF7A  }
0x23: {  	s9 =	sor.u32 $0xD0000000, s2;
	s6 =	simm.s32 $0x108;
	_ =	swait.ge @!p0 [sflag:s8], $0x0  }
0x24: {  	s3 =	sadd.s32 $0x88, s3;
	s6 =	simm.s32 @!p1 $0x1082;
	[sflag:s4] =	ssyncset.s32 $0xFFFFF086  }
0x25: {  	[simem:s6], [sflag:s4] =	dma.local [hbm:s3], $0xF7A  }
0x26: {  	[smem:$0x3F9E] =	sst s1;
	(tag) =	ssettag s2;
	_ =	strace s9  }
0x27: {  	s1 =	sld [smem:$0x3FAE]  }
0x28: {  	s2 =	sld [smem:$0x3FAF]  }
0x29: {  	s4 =	sld [smem:$0x3FB1]  }
0x2a: {  	p0 =	seq.s32 s5, $0x0;
	s5 =	sld [smem:$0x3FB2]  }
0x2b: {  	s6 =	sld [smem:$0x3FB3]  }
0x2c: {  	s7 =	sld [smem:$0x3FB4]  }
0x2d: {  	s3 =	simm.s32 $0x108;
	s8 =	sld [smem:$0x3FB5]  }
0x2e: {  	s3 =	simm.s32 @!p0 $0x1082;
	s9 =	sld [smem:$0x3FB6]  }
0x2f: {  	lr =	sadd.s32 s0, s3;
	s0 =	sld [smem:$0x3FAD]  }
0x30: {  	s3 =	sld [smem:$0x3FB0]  }
0x31: {  	[smem:$0x3FB9] =	sst s10  }
0x32: {  	s10 =	sld [smem:$0x3FB7];
	_ =	sdelay $0x3  }
0x33: {  	p0 =	seq.s32 s10, $0x1;
	s10 =	sld [smem:$0x3FB9];
	_ =	sdelay $0x3  }
0x34: {  	[smem:$0x3FB9] =	sst s10  }
0x35: {  	s10 =	sld [smem:$0x3FB8];
	_ =	sdelay $0x3  }
0x36: {  	p1 =	seq.s32 s10, $0x1;
	s10 =	sld [smem:$0x3FB9];
	_ =	sdelay $0x3  }
0x37: {  	[smem:$0x3FB9] =	sst s10  }
0x38: {  	s10 =	sld [smem:$0x3FBA]  }
0x39: {  	_ = 	snop;
	(pc) =	sbr.ind lr, $3  }
0x3a: {  	_ = 	snop  }
0x3b: {  	_ = 	snop  }
0x3c: {  	p2 =	seq.s32 s10, $0x1;
	s10 =	sld [smem:$0x3FB9]  }
0x3d: {  	_ =	shalt  }
0x3e: {  	_ =	shalt  }
0x3f: {  	_ =	shalt  }
0x40: {  	_ =	shalt  }
0x41: {  	_ =	shalt  }
0x42: {  	_ =	shalt  }
0x43: {  	_ =	shalt  }
0x44: {  	_ =	shalt  }
0x45: {  	_ =	shalt  }
0x46: {  	_ =	shalt  }
0x47: {  	_ =	shalt  }
0x48: {  	_ =	shalt  }
0x49: {  	_ =	shalt  }
0x4a: {  	_ =	shalt  }
0x4b: {  	_ =	shalt  }
0x4c: {  	_ =	shalt  }
0x4d: {  	_ =	shalt  }
0x4e: {  	_ =	shalt  }
0x4f: {  	_ =	shalt  }
0x50: {  	_ =	shalt  }
0x51: {  	_ =	shalt  }
0x52: {  	_ =	shalt  }
0x53: {  	_ =	shalt  }
0x54: {  	_ =	shalt  }
0x55: {  	_ =	shalt  }
0x56: {  	_ =	shalt  }
0x57: {  	_ =	shalt  }
0x58: {  	_ =	shalt  }
0x59: {  	_ =	shalt  }
0x5a: {  	_ =	shalt  }
0x5b: {  	_ =	shalt  }
0x5c: {  	_ =	shalt  }
0x5d: {  	_ =	shalt  }
0x5e: {  	_ =	shalt  }
0x5f: {  	_ =	shalt  }
0x60: {  	_ =	shalt  }
0x61: {  	_ =	shalt  }
0x62: {  	_ =	shalt  }
0x63: {  	_ =	shalt  }
0x64: {  	_ =	shalt  }
0x65: {  	_ =	shalt  }
0x66: {  	_ =	shalt  }
0x67: {  	_ =	shalt  }
0x68: {  	_ =	shalt  }
0x69: {  	_ =	shalt  }
0x6a: {  	_ =	shalt  }
0x6b: {  	_ =	shalt  }
0x6c: {  	_ =	shalt  }
0x6d: {  	_ =	shalt  }
0x6e: {  	_ =	shalt  }
0x6f: {  	_ =	shalt  }
0x70: {  	_ =	shalt  }
0x71: {  	_ =	shalt  }
0x72: {  	_ =	shalt  }
0x73: {  	_ =	shalt  }
0x74: {  	_ =	shalt  }
0x75: {  	_ =	shalt  }
0x76: {  	_ =	shalt  }
0x77: {  	_ =	shalt  }
0x78: {  	_ =	shalt  }
0x79: {  	_ =	shalt  }
0x7a: {  	_ =	shalt  }
0x7b: {  	_ =	shalt  }
0x7c: {  	_ =	shalt  }
0x7d: {  	_ =	shalt  }
0x7e: {  	_ =	shalt  }
0x7f: {  	_ =	shalt  }
0x80: {  	_ =	shalt  }
0x81: {  	_ =	shalt  }
0x82: {  	_ =	shalt  }
0x83: {  	_ =	shalt  }
0x84: {  	_ =	shalt  }
0x85: {  	_ =	shalt  }
0x86: {  	_ =	shalt  }
0x87: {  	_ =	shalt  }
.Lfunc_end0:
.L_simem_size_0:
called_computation_lowered:
.L_overlay_start_0:
0x88: {  	s2 =	sld [smem:$0x3FD9]  }
0x89: {  	s3 =	sld [smem:$0x3FFE];
	_ =	sdelay $0x1  }
0x8a: {  	s1 =	srdreg.scid  }
0x8b: {  	s0 =	sand.u32 $0x1, s1  }
0x8c: {  	s17 =	sshll.u32 s0, $0xA;
	s2 =	sadd.s32 s3, s2  }
0x8d: {  	s2 =	sadd.s32 s2, s17  }
0x8e: {  	[smem:$0x3FC5] =	sst s2  }
0x8f: {  	_ = 	snop  }
0x90: {  	s2 =	sld [smem:$0x3FC8]  }
0x91: {  	s18 =	sld [smem:$0x3FC7];
	(tm) =	ssettm $0x1  }
0x92: {  	s4 =	sld [smem:$0x3FFB];
	_ =	sdelay $0x3  }
0x93: {  	_ =	strace s4  }
0x94: {  	s4 =	sld [smem:$0x3FFC];
	_ =	sdelay $0x3  }
0x95: {  	_ =	strace s4  }
0x96: {  	s4 =	sld [smem:$0x3FFD];
	_ =	sdelay $0x3  }
0x97: {  	_ =	strace s4  }
0x98: {  	_ =	strace $0x8FFFFFFF  }
0x99: {  	s19 =	sld [smem:$0x3FDB];
	_ =	sdelay $0x1  }
0x9a: {  	s5 =	simm.s32 $_scs_section_size  }
0x9b: {  	s6 =	simm.s32 $_size__tile_overlayer_lowered;
	s7 =	simm.s32 $_tile_overlayer_lowered  }
0x9c: {  	s22 =	simm.s32 $0x1BFF;
	s21 =	sshll.u32 s7, $0x1;
	s4 =	sadd.s32 s5, s19  }
0x9d: {  	s8 =	simm.s32 $0x0;
	s20 =	sshll.u32 s6, $0x1;
	s6 =	sadd.s32 s21, s4  }
0x9e: {  	[timem:s8], [sflag:s22] =	dma.local [hbm:s6], s20  }
0x9f: {  	_ =	swait.ge [sflag:s22], s20  }
0xa0: {  	s5 =	ssub.s32 $0x0, s20;
	[sflag:s22] =	ssyncset.done $0x0  }
0xa1: {  	[sflag:s22] =	ssyncadd.s32 s5;
	_ =	sdelay $0x1  }
0xa2: {  	s23 =	simm.s32 $0x1B8B  }
0xa3: {  	_ =	swait.ge [sflag:s23], $0x1  }
0xa4: {  	[sflag:s23] =	ssyncset.done $0x0  }
0xa5: {  	s25 =	simm.s32 $0x1B8E;
	s24 =	sld [smem:$0x3FFE];
	[sflag:s23] =	ssyncadd.s32 $0xFFFFFFFF  }
0xa6: {  	s26 =	simm.s32 $execute0_lowered;
	[smem:$0x3FD2] =	sst s25  }
0xa7: {  	s6 =	sshll.u32 s26, $0x1;
	_ =	strace $0x80000046;
	[dreg:$0x1] =	wrdreg $0xFFFFFFFF  }
0xa8: {  	s28 =	simm.s32 $_size_execute0_lowered;
	s4 =	sadd.s32 s4, s6;
	[dreg:$0x0] =	wrdreg $0x0  }
0xa9: {  	s6 =	sshll.u32 s28, $0x1;
	[dreg:$0x2] =	wrdreg s4  }
0xaa: {  	[dreg:$0x3] =	wrdreg s6  }
0xab: {  	[dreg:$0x4] =	wrdreg $0xC0  }
0xac: {  	_ =	task [dreg:s8], $0x5FFFF  }
0xad: {  	[dreg:$0x1] =	wrdreg $0xFFFFFFFF  }
0xae: {  	[dreg:$0x0] =	wrdreg $0x60  }
0xaf: {  	[dreg:$0x2] =	wrdreg s2  }
0xb0: {  	[dreg:$0x3] =	wrdreg s18  }
0xb1: {  	[dreg:$0x4] =	wrdreg s24  }
0xb2: {  	[dreg:$0x5] =	wrdreg $0x9  }
0xb3: {  	_ =	task.clear_ibuf [dreg:s8], $0x6FFFF;
	_ =	strace $0x90000046  }
0xb4: {  	s29 =	simm.s32 $0x9;
	_ =	strace $0x80000048  }
0xb5: {  	_ =	swait.ge [sflag:s29], $0x1  }
0xb6: {  	[sflag:s29] =	ssyncadd.s32 $0xFFFFFFFF  }
0xb7: {  	_ =	strace $0x90000048  }
0xb8: {  	_ =	sfence  }
0xb9: {  	s30 =	sld [smem:$0x0];
	_ =	sdelay $0x2  }
0xba: {  	s31 =	sshll.u32 s1, $0xD;
	s1 =	sshrl.u32 s1, $0x2  }
0xbb: {  	s3 =	sand.u32 $0x4000, s31;
	s1 =	sadd.s32 s1, s30  }
0xbc: {  	s0 =	sor.u32 s3, s0;
	s1 =	sshll.u32 s1, $0x11  }
0xbd: {  	s0 =	sor.u32 s1, s0  }
0xbe: {  	s0 =	sadd.s32 $0x8F2B, s0  }
0xbf: {  	[sflag:s0] =	ssyncadd.remote.s32 $0x1  }
0xc0: {  	_ =	sfence.sel $0xFFFF  }
0xc1: {  	[dreg:$0x0] =	wrdreg $0xFFFFFFFF;
	(pc) =	sbr.abs _section_cstart, $3  }
0xc2: {  	[dreg:$0x1] =	wrdreg $0xFFFFFFFF  }
0xc3: {  	_ =	task.clear_ibuf [dreg:s8], $0x2FFFF;
	_ =	strace $0x9FFFFFFF  }
0xc4: {  	(tm) =	ssettm $0x7FFFFFFF  }
0xc5: {  	_ =	shalt  }
tec
execute0_lowered:
.L_overlay_start_1:
0x0: {  	(tag) =	ssettag $0x1  }
0x1: {  	s1 =	rddreg [dreg:$0x0]  }
0x2: {  	s2 =	rddreg [dreg:$0x1]  }
0x3: {  	s0 =	rddreg [dreg:$0x2];
	s4 =	simm.s32 $0x0  }
0x4: {  	s3 =	srdreg.scid;
	s5 =	stileid.u32;
	s6 =	simm.s32 $0x3E  }
0x5: {  	s17 =	simm.s32 $0x2;
	s18 =	simm.s32 $0x9900;
	s19 =	simm.s32 $0x9B80  }
0x6: {  	s20 =	simm.s32 $0x1;
	s21 =	simm.s32 $0x1900;
	s22 =	simm.s32 $0x9E00  }
0x7: {  	[smem:$0x7FF] =	sst s4;
	s3 =	sand.u32 $0x1, s3;
	s5 =	sshll.u32 s5, $0x1  }
0x8: {  	s30 =	sadd.s32 $0xC00, s0;
	s10 =	sadd.s32 $0x880, s0;
	s11 =	sadd.s32 $0x900, s0  }
0x9: {  	s12 =	sadd.s32 $0x980, s0;
	s13 =	sadd.s32 $0xA00, s0;
	s14 =	sadd.s32 $0xA80, s0  }
0xa: {  	s15 =	sadd.s32 $0xB00, s0;
	s16 =	sadd.s32 $0xB80, s0;
	s7 =	sor.u32 s3, s5  }
0xb: {  	_ =	strace $0x80000047;
	s3 =	ssub.s32 $0x2, s3;
	s8 =	smul.u32 $0x3D, s7  }
.Ltmp0:
0xc: {  	s9 =	sshrl.u32 s3, $0x1;
	p0 =	seq.s32 s7, $0x1F;
	(pc) =	sbr.rel .LBB2_1-.Ltmp0, $4  }
0xd: {  	p1 =	seq.s32 s7, $0x0;
	s6 =	simm.s32 @!p0 $0x3D;
	s7 =	sadd.s32 $0x1, s8  }
0xe: {  	s3 =	ssub.s32 s3, s9;
	s6 =	simm.s32 @p1 $0x3E;
	s7 =	simm.s32 @p1 $0x0  }
0xf: {  	v2 =	vimm.s32 $0x40000000;
	v3 =	vimm.s32 $0x4000;
	v4 =	vlaneseq.u32;
	[dreg:$0x4] =	wrdreg s30;
	s3 =	smax.u32 s3, $0x1;
	s31 =	sadd.s32 s6, s7  }
0x10: {  	v5 =	vimm.s32 $0x0;
	s5 =	sadd.s32 $0x800, s0;
	[dreg:$0x5] =	wrdreg s3;
	s3 =	simm.s32 $0x0;
	v1 =	vmov s7;
	v0 =	vmov s31  }
.LBB2_12:
0x11: {  	s0 =	rddreg [dreg:$0x4];
	s3 =	simm.s32 $0x80;
	s8 =	simm.s32 $0x1500  }
0x12: {  	[hbm4b:s0+s3] =	stream.indirect.scatter [tilespmem:s22], [sflag:$0x1], $0x80, s8, s3, $0xb8;
	[tilespmem:$0x1DE00] =	vst v63  }
0x13: {  	s31 =	simm.s32 $0x1580;
	s9 =	simm.s32 $0xDE00  }
0x14: {  	[hbm4b:s0+s3] =	stream.indirect.scatter [tilespmem:s9], [sflag:$0x1], $0x80, s31, s3, $0xb8;
	[tilespmem:$0x1DE00] =	vst v63  }
0x15: {  	s23 =	simm.s32 $0x1600;
	s24 =	simm.s32 $0x11E00  }
0x16: {  	[hbm4b:s0+s3] =	stream.indirect.scatter [tilespmem:s24], [sflag:$0x1], $0x80, s23, s3, $0xb8;
	[tilespmem:$0x1DE00] =	vst v63  }
0x17: {  	s25 =	simm.s32 $0x1680;
	s26 =	simm.s32 $0x15E00  }
0x18: {  	[hbm4b:s0+s3] =	stream.indirect.scatter [tilespmem:s26], [sflag:$0x1], $0x80, s25, s3, $0xb8;
	[tilespmem:$0x1DE00] =	vst v63  }
0x19: {  	s28 =	simm.s32 $0x1700;
	s29 =	simm.s32 $0x19E00  }
0x1a: {  	[hbm4b:s0+s3] =	stream.indirect.scatter [tilespmem:s29], [sflag:$0x1], $0x80, s28, s3, $0xb8;
	[tilespmem:$0x1DE00] =	vst v63  }
0x1b: {  	_ =	swait.ge [sflag:s20], $0x4000  }
0x1c: {  	[sflag:s20] =	ssyncset.done $0x0  }
0x1d: {  	[sflag:s20] =	ssyncadd.s32 $0xFFFFC000  }
0x1e: {  	_ =	swait.ge [sflag:s20], $0x4000  }
0x1f: {  	[sflag:s20] =	ssyncset.done $0x0  }
0x20: {  	[sflag:s20] =	ssyncadd.s32 $0xFFFFC000  }
0x21: {  	_ =	swait.ge [sflag:s20], $0x4000  }
0x22: {  	[sflag:s20] =	ssyncset.done $0x0  }
0x23: {  	[sflag:s20] =	ssyncadd.s32 $0xFFFFC000  }
0x24: {  	_ =	swait.ge [sflag:s20], $0x4000  }
0x25: {  	[sflag:s20] =	ssyncset.done $0x0  }
0x26: {  	[sflag:s20] =	ssyncadd.s32 $0xFFFFC000  }
0x27: {  	_ =	swait.ge [sflag:s20], $0x4000  }
0x28: {  	s30 =	rddreg [dreg:$0x6]  }
0x29: {  	s31 =	rddreg [dreg:$0x5];
	s3 =	sadd.s32 $0x1, s30  }
0x2a: {  	p0 =	sne.s32 s3, s31  }
.Ltmp1:
0x2b: {  	_ = 	snop;
	(pc) =	sbr.rel @!p0 .LBB2_13-.Ltmp1, $3  }
0x2c: {  	_ =	sdelay $0x1  }
0x2d: {  	[sflag:s20] =	ssyncset.done $0x0  }
0x2e: {  	[sflag:s20] =	ssyncadd.s32 $0xFFFFC000  }
.LBB2_1:
0x2f: {  	[tilespmem:$0x1000] =	vst v2  }
0x30: {  	[tilespmem:$0x1280] =	vst v3  }
0x31: {  	[tilespmem:$0x1010] =	vst v2  }
0x32: {  	[tilespmem:$0x1290] =	vst v3  }
0x33: {  	[tilespmem:$0x1020] =	vst v2  }
0x34: {  	[tilespmem:$0x12A0] =	vst v3  }
0x35: {  	[tilespmem:$0x1030] =	vst v2  }
0x36: {  	[tilespmem:$0x12B0] =	vst v3  }
0x37: {  	[tilespmem:$0x1040] =	vst v2  }
0x38: {  	[tilespmem:$0x12C0] =	vst v3  }
0x39: {  	[tilespmem:$0x1050] =	vst v2  }
0x3a: {  	[tilespmem:$0x12D0] =	vst v3  }
0x3b: {  	[tilespmem:$0x1060] =	vst v2  }
0x3c: {  	[tilespmem:$0x12E0] =	vst v3  }
0x3d: {  	[tilespmem:$0x1070] =	vst v2  }
0x3e: {  	[tilespmem:$0x12F0] =	vst v3  }
0x3f: {  	[tilespmem:$0x1080] =	vst v2  }
0x40: {  	[tilespmem:$0x1300] =	vst v3  }
0x41: {  	[tilespmem:$0x1090] =	vst v2  }
0x42: {  	[tilespmem:$0x1310] =	vst v3  }
0x43: {  	[tilespmem:$0x10A0] =	vst v2  }
0x44: {  	[tilespmem:$0x1320] =	vst v3  }
0x45: {  	[tilespmem:$0x10B0] =	vst v2  }
0x46: {  	[tilespmem:$0x1330] =	vst v3  }
0x47: {  	[tilespmem:$0x10C0] =	vst v2  }
0x48: {  	[tilespmem:$0x1340] =	vst v3  }
0x49: {  	[tilespmem:$0x10D0] =	vst v2  }
0x4a: {  	[tilespmem:$0x1350] =	vst v3  }
0x4b: {  	[tilespmem:$0x10E0] =	vst v2  }
0x4c: {  	[tilespmem:$0x1360] =	vst v3  }
0x4d: {  	[tilespmem:$0x10F0] =	vst v2  }
0x4e: {  	[tilespmem:$0x1370] =	vst v3  }
0x4f: {  	[tilespmem:$0x1100] =	vst v2  }
0x50: {  	[tilespmem:$0x1380] =	vst v3  }
0x51: {  	[tilespmem:$0x1110] =	vst v2  }
0x52: {  	[tilespmem:$0x1390] =	vst v3  }
0x53: {  	[tilespmem:$0x1120] =	vst v2  }
0x54: {  	[tilespmem:$0x13A0] =	vst v3  }
0x55: {  	[tilespmem:$0x1130] =	vst v2  }
0x56: {  	[tilespmem:$0x13B0] =	vst v3  }
0x57: {  	[tilespmem:$0x1140] =	vst v2  }
0x58: {  	[tilespmem:$0x13C0] =	vst v3  }
0x59: {  	[tilespmem:$0x1150] =	vst v2  }
0x5a: {  	[tilespmem:$0x13D0] =	vst v3  }
0x5b: {  	[tilespmem:$0x1160] =	vst v2  }
0x5c: {  	[tilespmem:$0x13E0] =	vst v3  }
0x5d: {  	[tilespmem:$0x1170] =	vst v2  }
0x5e: {  	[tilespmem:$0x13F0] =	vst v3  }
0x5f: {  	[tilespmem:$0x1180] =	vst v2  }
0x60: {  	[tilespmem:$0x1400] =	vst v3  }
0x61: {  	[tilespmem:$0x1190] =	vst v2  }
0x62: {  	[tilespmem:$0x1410] =	vst v3  }
0x63: {  	[tilespmem:$0x11A0] =	vst v2  }
0x64: {  	[tilespmem:$0x1420] =	vst v3  }
0x65: {  	[tilespmem:$0x11B0] =	vst v2  }
0x66: {  	[tilespmem:$0x1430] =	vst v3  }
0x67: {  	[tilespmem:$0x11C0] =	vst v2  }
0x68: {  	[tilespmem:$0x1440] =	vst v3  }
0x69: {  	[tilespmem:$0x11D0] =	vst v2  }
0x6a: {  	[tilespmem:$0x1450] =	vst v3  }
0x6b: {  	[tilespmem:$0x11E0] =	vst v2  }
0x6c: {  	[tilespmem:$0x1460] =	vst v3  }
0x6d: {  	[tilespmem:$0x11F0] =	vst v2  }
0x6e: {  	[tilespmem:$0x1470] =	vst v3  }
0x6f: {  	[tilespmem:$0x1200] =	vst v2  }
0x70: {  	[tilespmem:$0x1480] =	vst v3  }
0x71: {  	[tilespmem:$0x1210] =	vst v2  }
0x72: {  	[tilespmem:$0x1490] =	vst v3  }
0x73: {  	[tilespmem:$0x1220] =	vst v2  }
0x74: {  	[tilespmem:$0x14A0] =	vst v3  }
0x75: {  	[tilespmem:$0x1230] =	vst v2  }
0x76: {  	[tilespmem:$0x14B0] =	vst v3  }
0x77: {  	[tilespmem:$0x1240] =	vst v2  }
0x78: {  	[tilespmem:$0x14C0] =	vst v3  }
0x79: {  	[tilespmem:$0x1250] =	vst v2  }
0x7a: {  	[tilespmem:$0x14D0] =	vst v3  }
0x7b: {  	[tilespmem:$0x1260] =	vst v2  }
0x7c: {  	[tilespmem:$0x14E0] =	vst v3  }
0x7d: {  	[dreg:$0x6] =	wrdreg s3;
	[tilespmem:$0x1270] =	vst v2  }
0x7e: {  	[tilespmem:$0x14F0] =	vst v3;
	s25 =	simm.s32 $0x0;
	s0 =	simm.s32 $0x0;
	s26 =	simm.s32 $0x0  }
.LBB2_2:
0x7f: {  	s3 =	sshll.u32 s26, $0x9  }
0x80: {  	s3 =	sadd.s32 s1, s3  }
0x81: {  	[tilespmem:s4], [sflag:$0x2] =	stream.linear.gather [hbm4b:s3+s4], $0x1000, $0x38;
	[tilespmem:$0x1DE00] =	vst v63  }
0x82: {  	_ =	swait.ge [sflag:s17], $0x1000  }
0x83: {  	[sflag:s17] =	ssyncset.done $0x0  }
0x84: {  	s23 =	simm.s32 $0x20;
	[sflag:s17] =	ssyncadd.s32 $0xFFFFF000  }
0x85: {  	v18 =	vld [tilespmem:s23+$0x10]  }
0x86: {  	v19 =	vld [tilespmem:s23+$0x0]  }
0x87: {  	v11 =	vld [tilespmem:s23+$0xFFFFFFF0]  }
0x88: {  	v17 =	vld [tilespmem:s23+$0xFFFFFFE0];
	_ =	sdelay $0x3  }
0x89: {  	v6 =	vshrl.u32 v19, $0x9  }
0x8a: {  	v7 =	vshrl.u32 v18, $0x9;
	v8 =	vshrl.u32 v17, $0x9;
	v9 =	vshrl.u32 v11, $0x9  }
0x8b: {  	vm0 =	vge.u32 v8, v1;
	vm2 =	vlt.u32 v8, v0;
	vm3 =	vge.u32 v6, v1  }
0x8c: {  	vm4 =	vmand vm0, vm2;
	vm0 =	vge.u32 v9, v1;
	vm2 =	vlt.u32 v9, v0  }
0x8d: {  	v8 =	vmpcnt.ones.xlane vm4;
	vm0 =	vmand vm0, vm2;
	vm2 =	vlt.u32 v6, v0  }
0x8e: {  	s24 =	simm.s32 $0x60;
	vm1 =	vge.u32 v7, v1;
	v6 =	vmpcnt.ones.xlane vm0;
	vm2 =	vmand vm3, vm2  }
0x8f: {  	v12 =	vld [tilespmem:s24+$0x0];
	vm3 =	vlt.u32 v7, v0;
	v10 =	vmpcnt.ones.xlane vm2;
	(v2sf) =	vpush v8, $0x0  }
0x90: {  	v14 =	vld [tilespmem:s24+$0xFFFFFFE0];
	vm1 =	vmand vm1, vm3;
	(v2sf) =	vpush v6, $0x0  }
0x91: {  	s9 =	sadd.s32 $0xFFFFFFC0, s25;
	v9 =	vld [tilespmem:s24+$0x10];
	v8 =	vmpcnt.ones.xlane vm1;
	(v2sf) =	vpush v10, $0x0  }
0x92: {  	s30 =	sadd.s32 $0x60, s9;
	v7 =	vld [tilespmem:s24+$0xFFFFFFF0]  }
0x93: {  	s3 =	sadd.s32 $0x50, s9;
	s23 =	sadd.s32 $0x40, s9;
	s9 =	sadd.s32 $0x70, s9;
	(v2sf) =	vpush v8, $0x0  }
0x94: {  	v21 =	vor.u32 s23, v4;
	v22 =	vor.u32 s9, v4  }
0x95: {  	vm5 =	vmmov vm4;
	vm0 =	vmmov vm0;
	v6 =	vshrl.u32 v12, $0x9  }
0x96: {  	v10 =	vshrl.u32 v9, $0x9;
	vm8 =	vge.u32 v6, v1;
	v8 =	vshrl.u32 v14, $0x9  }
0x97: {  	v13 =	vshrl.u32 v7, $0x9;
	vm3 =	vge.u32 v8, v1;
	vm6 =	vlt.u32 v8, v0  }
0x98: {  	vm3 =	vmand vm3, vm6;
	vm6 =	vge.u32 v13, v1;
	vm7 =	vlt.u32 v13, v0  }
0x99: {  	s8 =	simm.s32 $0xA0;
	v13 =	vmpcnt.ones.xlane vm3;
	vm7 =	vmand vm6, vm7;
	vm6 =	vlt.u32 v6, v0  }
0x9a: {  	vm4 =	vge.u32 v10, v1;
	v8 =	vld [tilespmem:s8+$0x10];
	v15 =	vmpcnt.ones.xlane vm7;
	vm6 =	vmand vm8, vm6  }
0x9b: {  	v6 =	vld [tilespmem:s8+$0xFFFFFFF0];
	vm8 =	vlt.u32 v10, v0;
	v16 =	vmpcnt.ones.xlane vm6;
	(v2sf) =	vpush v13, $0x0  }
0x9c: {  	vm2 =	vmmov vm2;
	v10 =	vld [tilespmem:s8+$0x0];
	vm8 =	vmand vm4, vm8;
	(v2sf) =	vpush v15, $0x0  }
0x9d: {  	vm1 =	vmmov vm1;
	v13 =	vld [tilespmem:s8+$0xFFFFFFE0];
	v20 =	vmpcnt.ones.xlane vm8;
	(v2sf) =	vpush v16, $0x0  }
0x9e: {  	p0 =	slt.s32 s0, $0x270;
	s28 =	smov.u32 s0;
	vm10 =	vmmov vm1;
	vm3 =	vmmov vm3;
	vm4 =	vmmov vm2;
	s24 =	spop (v2sf)  }
0x9f: {  	s28 =	simm.s32 @!p0 $0x270;
	vm2 =	vmmov vm6;
	vm6 =	vmmov vm0;
	(v2sf) =	vpush v20, $0x0;
	s29 =	sadd.s32 s0, s24;
	s8 =	spop (v2sf)  }
0xa0: {  	s31 =	simm.s32 $0x80;
	[tilespmem:s28+$0x1000] =	vst.msk vm5, v17;
	vm0 =	vmmov vm7;
	v15 =	vor.u32 s3, v4;
	v17 =	vshrl.u32 v8, $0x9;
	s3 =	sadd.s32 s29, s8;
	s23 =	spop (v2sf)  }
0xa1: {  	s9 =	simm.s32 $0xE0;
	vm1 =	vmmov vm8;
	v16 =	vor.u32 s30, v4;
	vm8 =	vge.u32 v17, v1;
	p0 =	slt.s32 s3, $0x270;
	s8 =	sadd.s32 s3, s23  }
0xa2: {  	[tilespmem:s28+$0x1280] =	vst.msk vm5, v21;
	v23 =	vshrl.u32 v6, $0x9;
	v20 =	vshrl.u32 v10, $0x9;
	v63 =	vshrl.u32 v13, $0x9;
	s24 =	spop (v2sf);
	s3 =	simm.s32 @!p0 $0x270;
	p0 =	slt.s32 s8, $0x270  }
0xa3: {  	s28 =	simm.s32 $0x40;
	vm11 =	vlt.u32 v23, v0;
	vm5 =	vge.u32 v63, v1;
	vm7 =	vlt.u32 v63, v0;
	s23 =	sadd.s32 s8, s24;
	[tilespmem:s3+$0x1000] =	vst.msk vm4, v19;
	s8 =	simm.s32 @!p0 $0x270  }
0xa4: {  	vm9 =	vge.u32 v20, v1;
	vm7 =	vmand vm5, vm7;
	vm5 =	vge.u32 v23, v1;
	p0 =	slt.s32 s29, $0x270;
	p1 =	slt.s32 s23, $0x270;
	s0 =	smov.u32 s23;
	[tilespmem:s8+$0x1000] =	vst.msk vm10, v18  }
0xa5: {  	s30 =	simm.s32 $0x0;
	vm5 =	vmand vm5, vm11;
	vm11 =	vlt.u32 v20, v0;
	s29 =	simm.s32 @!p0 $0x270;
	s0 =	simm.s32 @!p1 $0x270;
	v18 =	vmpcnt.ones.xlane vm7;
	[tilespmem:s8+$0x1280] =	vst.msk vm10, v22  }
.LBB2_3:
0xa6: {  	v19 =	vld [tilespmem:s9+$0x10];
	v20 =	vmpcnt.ones.xlane vm5;
	vm9 =	vmand vm9, vm11;
	vm10 =	vlt.u32 v17, v0;
	[tilespmem:s3+$0x1280] =	vst.msk vm4, v16;
	v21 =	vmovc v10;
	s3 =	smov.u32 s31  }
0xa7: {  	s31 =	sadd.s32 $0x40, s31;
	s8 =	sadd.s32 s30, s25;
	s30 =	smov.u32 s28;
	v10 =	vld [tilespmem:s9+$0x0];
	v16 =	vmpcnt.ones.xlane vm9;
	vm8 =	vmand vm8, vm10;
	(v2sf) =	vpush v18, $0x0;
	[tilespmem:s29+$0x1000] =	vst.msk vm6, v11;
	v11 =	vmovc v7;
	v7 =	vmovc v6  }
0xa8: {  	vm4 =	vmmov vm2;
	p0 =	slt.u32 s31, $0xFC0;
	s24 =	sadd.s32 $0x40, s8;
	s28 =	smov.u32 s3;
	v6 =	vld [tilespmem:s9+$0xFFFFFFF0];
	v17 =	vmpcnt.ones.xlane vm8;
	(v2sf) =	vpush v20, $0x0;
	[tilespmem:s29+$0x1280] =	vst.msk vm6, v15  }
0xa9: {  	vm2 =	vmmov vm9;
	v15 =	vor.u32 s24, v4;
	(v2sf) =	vpush v16, $0x0;
	[tilespmem:s0+$0x1000] =	vst.msk vm3, v14;
	v14 =	vmovc v13;
	v13 =	vld [tilespmem:s9+$0xFFFFFFE0]  }
0xaa: {  	vm10 =	vmmov vm1;
	s24 =	sadd.s32 $0x60, s8;
	vm1 =	vmmov vm8;
	(v2sf) =	vpush v17, $0x0;
	[tilespmem:s0+$0x1280] =	vst.msk vm3, v15;
	s0 =	sadd.s32 $0x50, s8;
	s3 =	spop (v2sf)  }
0xab: {  	vm6 =	vmmov vm0;
	vm0 =	vmmov vm5;
	s8 =	sadd.s32 $0x70, s8;
	vm3 =	vmmov vm7;
	s29 =	sadd.s32 s23, s3;
	s3 =	spop (v2sf)  }
0xac: {  	v15 =	vor.u32 s0, v4;
	s3 =	sadd.s32 s29, s3;
	s0 =	spop (v2sf)  }
0xad: {  	v16 =	vor.u32 s24, v4;
	p1 =	slt.s32 s29, $0x270;
	p2 =	slt.s32 s3, $0x270;
	s24 =	sadd.s32 s3, s0  }
.Ltmp2:
0xae: {  	v17 =	vshrl.u32 v19, $0x9;
	v22 =	vor.u32 s8, v4;
	v20 =	vshrl.u32 v10, $0x9;
	s0 =	spop (v2sf);
	s29 =	simm.s32 @!p1 $0x270;
	(pc) =	sbr.rel @p0 .LBB2_3-.Ltmp2, $4  }
0xaf: {  	vm8 =	vge.u32 v17, v1;
	v23 =	vshrl.u32 v6, $0x9;
	v18 =	vshrl.u32 v13, $0x9;
	s3 =	simm.s32 @!p2 $0x270;
	p2 =	slt.s32 s24, $0x270;
	s23 =	sadd.s32 s24, s0  }
0xb0: {  	vm9 =	vge.u32 v20, v1;
	vm5 =	vge.u32 v18, v1;
	vm7 =	vlt.u32 v18, v0;
	p3 =	slt.s32 s23, $0x270;
	[tilespmem:s3+$0x1000] =	vst.msk vm4, v12;
	s24 =	simm.s32 @!p2 $0x270;
	s0 =	smov.u32 s23  }
0xb1: {  	vm11 =	vlt.u32 v23, v0;
	vm7 =	vmand vm5, vm7;
	vm5 =	vge.u32 v23, v1;
	s0 =	simm.s32 @!p3 $0x270;
	[tilespmem:s24+$0x1000] =	vst.msk vm10, v9;
	v9 =	vmovc v8  }
0xb2: {  	s9 =	sadd.s32 $0x40, s9;
	v12 =	vmovc v21;
	v8 =	vmovc v19;
	v18 =	vmpcnt.ones.xlane vm7;
	vm5 =	vmand vm5, vm11;
	vm11 =	vlt.u32 v20, v0;
	[tilespmem:s24+$0x1280] =	vst.msk vm10, v22  }
0xb3: {  	v19 =	vmpcnt.ones.xlane vm5;
	vm9 =	vmand vm9, vm11  }
0xb4: {  	vm10 =	vlt.u32 v17, v0;
	v57 =	vmpcnt.ones.xlane vm9;
	(v2sf) =	vpush v18, $0x0  }
0xb5: {  	vm8 =	vmand vm8, vm10;
	(v2sf) =	vpush v19, $0x0  }
0xb6: {  	v58 =	vmpcnt.ones.xlane vm8;
	(v2sf) =	vpush v57, $0x0;
	_ =	sdelay $0x1  }
0xb7: {  	(v2sf) =	vpush v58, $0x0;
	_ =	sdelay $0x2  }
0xb8: {  	[tilespmem:s3+$0x1280] =	vst.msk vm4, v16;
	s24 =	spop (v2sf)  }
0xb9: {  	s8 =	sadd.s32 s30, s25;
	[tilespmem:s29+$0x1000] =	vst.msk vm6, v11;
	s3 =	sadd.s32 s23, s24;
	s9 =	spop (v2sf)  }
0xba: {  	[tilespmem:s0+$0x1000] =	vst.msk vm3, v14;
	s31 =	sadd.s32 $0x40, s8;
	s9 =	sadd.s32 s3, s9;
	s24 =	spop (v2sf)  }
0xbb: {  	[tilespmem:s29+$0x1280] =	vst.msk vm6, v15;
	v59 =	vor.u32 s31, v4;
	p0 =	slt.s32 s9, $0x270;
	s23 =	sadd.s32 s9, s24  }
0xbc: {  	vm2 =	vmmov vm2;
	[tilespmem:s0+$0x1280] =	vst.msk vm3, v59;
	s29 =	spop (v2sf);
	s9 =	simm.s32 @!p0 $0x270;
	p0 =	slt.s32 s23, $0x270  }
0xbd: {  	vm1 =	vmmov vm1;
	s31 =	sadd.s32 $0x60, s8;
	s0 =	sadd.s32 s23, s29;
	[tilespmem:s9+$0x1000] =	vst.msk vm2, v12;
	s23 =	simm.s32 @!p0 $0x270  }
0xbe: {  	s30 =	sadd.s32 $0x70, s8;
	s8 =	sadd.s32 $0x50, s8;
	v61 =	vor.u32 s31, v4;
	[tilespmem:s23+$0x1000] =	vst.msk vm1, v9  }
0xbf: {  	s26 =	sadd.s32 $0x1, s26;
	v60 =	vor.u32 s30, v4;
	v62 =	vor.u32 s8, v4;
	s8 =	sadd.s32 s28, s25;
	p0 =	slt.s32 s3, $0x270;
	[tilespmem:s9+$0x1280] =	vst.msk vm2, v61  }
0xc0: {  	vm0 =	vmmov vm0;
	s31 =	sadd.s32 $0x40, s8;
	s3 =	simm.s32 @!p0 $0x270;
	[tilespmem:s23+$0x1280] =	vst.msk vm1, v60;
	s29 =	spop (v2sf)  }
0xc1: {  	p1 =	slt.s32 s0, $0x270;
	[tilespmem:s3+$0x1000] =	vst.msk vm0, v7;
	s9 =	sadd.s32 s0, s29;
	s30 =	spop (v2sf)  }
0xc2: {  	s23 =	smov.u32 s0;
	[tilespmem:s3+$0x1280] =	vst.msk vm0, v62;
	s3 =	sadd.s32 s9, s30;
	s28 =	spop (v2sf)  }
0xc3: {  	vm10 =	vmmov vm7;
	s23 =	simm.s32 @!p1 $0x270;
	p0 =	slt.s32 s3, $0x270;
	s24 =	sadd.s32 s3, s28  }
0xc4: {  	vm11 =	vmmov vm9;
	v7 =	vor.u32 s31, v4;
	[tilespmem:s23+$0x1000] =	vst.msk vm10, v13;
	s29 =	spop (v2sf);
	s3 =	simm.s32 @!p0 $0x270;
	p0 =	slt.s32 s24, $0x270  }
0xc5: {  	vm12 =	vmmov vm8;
	vm0 =	vmmov vm11;
	[tilespmem:s23+$0x1280] =	vst.msk vm10, v7;
	s0 =	sadd.s32 s24, s29;
	s24 =	simm.s32 @!p0 $0x270;
	p0 =	slt.s32 s9, $0x270  }
0xc6: {  	vm13 =	vmmov vm12;
	s31 =	sadd.s32 $0x60, s8;
	[tilespmem:s3+$0x1000] =	vst.msk vm0, v10;
	s9 =	simm.s32 @!p0 $0x270;
	p0 =	sne.s32 s26, $0x4  }
.Ltmp3:
0xc7: {  	v63 =	vor.u32 s31, v4;
	s30 =	sadd.s32 $0x70, s8;
	[tilespmem:s24+$0x1000] =	vst.msk vm13, v8;
	(pc) =	sbr.rel @p0 .LBB2_2-.Ltmp3, $4  }
0xc8: {  	vm14 =	vmmov vm5;
	v7 =	vor.u32 s30, v4;
	[tilespmem:s3+$0x1280] =	vst.msk vm0, v63  }
0xc9: {  	vm15 =	vmmov vm14;
	s8 =	sadd.s32 $0x50, s8;
	[tilespmem:s24+$0x1280] =	vst.msk vm13, v7  }
0xca: {  	v7 =	vor.u32 s8, v4;
	[tilespmem:s9+$0x1000] =	vst.msk vm15, v6  }
0xcb: {  	s25 =	sadd.s32 $0x1000, s25;
	[tilespmem:s9+$0x1280] =	vst.msk vm15, v7  }
0xcc: {  	v6 =	vld [tilespmem:$0x1280]  }
0xcd: {  	v7 =	vld [tilespmem:$0x1290]  }
0xce: {  	v8 =	vld [tilespmem:$0x12A0]  }
0xcf: {  	v9 =	vld [tilespmem:$0x12B0]  }
0xd0: {  	v10 =	vld [tilespmem:$0x12C0]  }
0xd1: {  	v43 =	vld [tilespmem:$0x12F0];
	[tilespmem:$0x1500] =	vst v6  }
0xd2: {  	v44 =	vld [tilespmem:$0x1300];
	[tilespmem:$0x1510] =	vst v7  }
0xd3: {  	v45 =	vld [tilespmem:$0x1310];
	[tilespmem:$0x1520] =	vst v8  }
0xd4: {  	v6 =	vld [tilespmem:$0x12D0];
	[tilespmem:$0x1530] =	vst v9  }
0xd5: {  	v7 =	vld [tilespmem:$0x12E0];
	[tilespmem:$0x1540] =	vst v10  }
0xd6: {  	v46 =	vld [tilespmem:$0x1340];
	[tilespmem:$0x1570] =	vst v43  }
0xd7: {  	v47 =	vld [tilespmem:$0x1350];
	[tilespmem:$0x1580] =	vst v44  }
0xd8: {  	v48 =	vld [tilespmem:$0x1360];
	[tilespmem:$0x1590] =	vst v45  }
0xd9: {  	[tilespmem:$0x1550] =	vst v6;
	v6 =	vld [tilespmem:$0x1320]  }
0xda: {  	[tilespmem:$0x1560] =	vst v7;
	v7 =	vld [tilespmem:$0x1330]  }
0xdb: {  	v49 =	vld [tilespmem:$0x1390];
	[tilespmem:$0x15C0] =	vst v46  }
0xdc: {  	v50 =	vld [tilespmem:$0x13A0];
	[tilespmem:$0x15D0] =	vst v47  }
0xdd: {  	v51 =	vld [tilespmem:$0x13B0];
	[tilespmem:$0x15E0] =	vst v48  }
0xde: {  	[tilespmem:$0x15A0] =	vst v6;
	v6 =	vld [tilespmem:$0x1370]  }
0xdf: {  	[tilespmem:$0x15B0] =	vst v7;
	v7 =	vld [tilespmem:$0x1380]  }
0xe0: {  	v52 =	vld [tilespmem:$0x13E0];
	[tilespmem:$0x1610] =	vst v49  }
0xe1: {  	v53 =	vld [tilespmem:$0x13F0];
	[tilespmem:$0x1620] =	vst v50  }
0xe2: {  	v54 =	vld [tilespmem:$0x1400];
	[tilespmem:$0x1630] =	vst v51  }
0xe3: {  	[tilespmem:$0x15F0] =	vst v6;
	v6 =	vld [tilespmem:$0x13C0]  }
0xe4: {  	[tilespmem:$0x1600] =	vst v7;
	v7 =	vld [tilespmem:$0x13D0]  }
0xe5: {  	v55 =	vld [tilespmem:$0x1430];
	[tilespmem:$0x1660] =	vst v52  }
0xe6: {  	v56 =	vld [tilespmem:$0x1440];
	[tilespmem:$0x1670] =	vst v53  }
0xe7: {  	v57 =	vld [tilespmem:$0x1450];
	[tilespmem:$0x1680] =	vst v54  }
0xe8: {  	[tilespmem:$0x1640] =	vst v6;
	v6 =	vld [tilespmem:$0x1410]  }
0xe9: {  	[tilespmem:$0x1650] =	vst v7;
	v7 =	vld [tilespmem:$0x1420]  }
0xea: {  	v58 =	vld [tilespmem:$0x1480];
	[tilespmem:$0x16B0] =	vst v55  }
0xeb: {  	v59 =	vld [tilespmem:$0x1490];
	[tilespmem:$0x16C0] =	vst v56  }
0xec: {  	v60 =	vld [tilespmem:$0x14A0];
	[tilespmem:$0x16D0] =	vst v57  }
0xed: {  	[tilespmem:$0x1690] =	vst v6;
	v6 =	vld [tilespmem:$0x1460]  }
0xee: {  	[tilespmem:$0x16A0] =	vst v7;
	v7 =	vld [tilespmem:$0x1470]  }
0xef: {  	v61 =	vld [tilespmem:$0x14D0];
	[tilespmem:$0x1700] =	vst v58  }
0xf0: {  	v62 =	vld [tilespmem:$0x14E0];
	[tilespmem:$0x1710] =	vst v59  }
0xf1: {  	v63 =	vld [tilespmem:$0x14F0];
	[tilespmem:$0x1720] =	vst v60  }
0xf2: {  	[tilespmem:$0x16E0] =	vst v6;
	v6 =	vld [tilespmem:$0x14B0]  }
0xf3: {  	[tilespmem:$0x16F0] =	vst v7;
	v7 =	vld [tilespmem:$0x14C0]  }
.Ltmp4:
0xf4: {  	[tilespmem:$0x1750] =	vst v61;
	(pc) =	sbr.rel .LBB2_6-.Ltmp4, $4  }
0xf5: {  	[tilespmem:$0x1760] =	vst v62  }
0xf6: {  	[tilespmem:$0x1770] =	vst v63  }
0xf7: {  	[tilespmem:$0x1730] =	vst v6  }
0xf8: {  	s25 =	simm.s32 $0x0;
	s26 =	simm.s32 $0x0;
	[tilespmem:$0x1740] =	vst v7  }
.LBB2_11:
0xf9: {  	s26 =	sadd.s32 $0x1, s26  }
0xfa: {  	p0 =	sne.s32 s26, s6  }
.Ltmp5:
0xfb: {  	_ = 	snop;
	(pc) =	sbr.rel @!p0 .LBB2_12-.Ltmp5, $1  }
0xfc: {  	_ =	sdelay $0x3  }
.LBB2_6:
0xfd: {  	s0 =	sadd.s32 s7, s26  }
0xfe: {  	p0 =	sgt.u32 s0, $0x7A0  }
0xff: {  	p1 =	sne.s32 @p0 s0, $0x7A1  }
0x100: {  	p1 =	por p1, !p0  }
0x101: {  	s3 =	simm.s32 @!p1 $0x0;
	s8 =	simm.s32 @!p1 $0x1900  }
0x102: {  	[tilespmem:s8], [sflag:$0x2] =	stream.linear.gather @!p1 [hbm4b:s5+s3], $0x400, $0x38;
	[tilespmem:$0x1DE00] =	vst v63  }
0x103: {  	s8 =	simm.s32 @!p1 $0x2900  }
0x104: {  	[tilespmem:s8], [sflag:$0x2] =	stream.linear.gather @!p1 [hbm4b:s10+s3], $0x400, $0x38;
	[tilespmem:$0x1DE00] =	vst v63  }
0x105: {  	s8 =	simm.s32 @!p1 $0x3900  }
0x106: {  	[tilespmem:s8], [sflag:$0x2] =	stream.linear.gather @!p1 [hbm4b:s11+s3], $0x400, $0x38;
	[tilespmem:$0x1DE00] =	vst v63  }
0x107: {  	s8 =	simm.s32 @!p1 $0x4900  }
0x108: {  	[tilespmem:s8], [sflag:$0x2] =	stream.linear.gather @!p1 [hbm4b:s12+s3], $0x400, $0x38;
	[tilespmem:$0x1DE00] =	vst v63  }
0x109: {  	s8 =	simm.s32 @!p1 $0x5900  }
0x10a: {  	[tilespmem:s8], [sflag:$0x2] =	stream.linear.gather @!p1 [hbm4b:s13+s3], $0x400, $0x38;
	[tilespmem:$0x1DE00] =	vst v63  }
0x10b: {  	s8 =	simm.s32 @!p1 $0x6900  }
0x10c: {  	[tilespmem:s8], [sflag:$0x2] =	stream.linear.gather @!p1 [hbm4b:s14+s3], $0x400, $0x38;
	[tilespmem:$0x1DE00] =	vst v63  }
0x10d: {  	s8 =	simm.s32 @!p1 $0x7900  }
0x10e: {  	[tilespmem:s8], [sflag:$0x2] =	stream.linear.gather @!p1 [hbm4b:s15+s3], $0x400, $0x38;
	[tilespmem:$0x1DE00] =	vst v63  }
0x10f: {  	s8 =	simm.s32 @!p1 $0x8900  }
0x110: {  	[tilespmem:s8], [sflag:$0x2] =	stream.linear.gather @!p1 [hbm4b:s16+s3], $0x400, $0x38;
	[tilespmem:$0x1DE00] =	vst v63  }
0x111: {  	s3 =	simm.s32 @!p1 $0x2  }
0x112: {  	s9 =	simm.s32 @!p0 $0x1000;
	_ =	swait.ge @!p1 [sflag:s3], $0x2000  }
0x113: {  	s23 =	simm.s32 @!p0 $0x7A1400;
	s8 =	sshll.u32 s0, $0x9;
	[sflag:s3] =	ssyncset.done @!p1 $0x0  }
0x114: {  	s24 =	simm.s32 @!p0 $0x1900;
	[sflag:s3] =	ssyncadd.s32 @!p1 $0xFFFFE000;
	s3 =	sadd.s32 @!p0 s2, s8  }
0x115: {  	[tilespmem:s24], [sflag:$0x2] =	stream.strided.gather @!p0 [hbm4b:s3+s9], $0x8000, s23, s9, $0x38;
	[tilespmem:$0x1DE00] =	vst v63  }
0x116: {  	s3 =	simm.s32 @!p0 $0x2  }
0x117: {  	_ =	swait.ge @!p0 [sflag:s3], $0x8000  }
0x118: {  	[sflag:s3] =	ssyncset.done @!p0 $0x0  }
0x119: {  	s31 =	simm.s32 $0x1000;
	[sflag:s3] =	ssyncadd.s32 @!p0 $0xFFFF8000  }
0x11a: {  	v8 =	vld [tilespmem:s31+$0x0];
	_ =	sdelay $0x4  }
0x11b: {  	v7 =	vmov s0;
	v6 =	vshrl.u32 v8, $0x9  }
0x11c: {  	vm0 =	veq.s32 v6, v7  }
0x11d: {  	v6 =	vsel vm0, $0x1, v5  }
0x11e: {  	(xrf0) =	vadd.scan.msk.s32 $0xffff, v6;
	_ =	sdelay $0x2  }
0x11f: {  	v6 =	vmov s25  }
0x120: {  	v6 =	vadd.s32 $0xFFFFFFFF, v6  }
0x121: {  	v6 =	vbroadcast v6, $0x0  }
0x122: {  	v9, _, _ =	vpop (xrf0)  }
0x123: {  	v6 =	vadd.s32 v9, v6;
	(v2sf) =	vpush v9, $0xF  }
0x124: {  	vm1 =	vlt.s32 v6, $0x27F  }
0x125: {  	v10 =	vnsel vm1, $0x27F, v6;
	_ =	sdelay $0x2  }
0x126: {  	v6 =	vmov s8  }
0x127: {  	v8 =	vsub.s32 v8, v6  }
0x128: {  	[tilespmem:v10+s18+$0x0] =	vst.idx.msk vm0, v8;
	v8 =	vor.u32 s25, v4  }
0x129: {  	s9 =	simm.s32 $0x1010;
	[tilespmem:v10+s19+$0x0] =	vst.idx.msk vm0, v8  }
0x12a: {  	s0 =	simm.s32 $0x10;
	s23 =	simm.s32 $0x20;
	s3 =	simm.s32 $0x0;
	v8 =	vld [tilespmem:s9+$0x0]  }
.LBB2_7:
0x12b: {  	p0 =	sne.s32 s23, $0x270;
	_ =	sdelay $0x3  }
0x12c: {  	v9 =	vshrl.u32 v8, $0x9;
	v8 =	vsub.s32 v8, v6  }
0x12d: {  	vm0 =	veq.s32 v9, v7;
	s8 =	spop (v2sf)  }
0x12e: {  	v9 =	vsel vm0, $0x1, v5;
	s3 =	sadd.s32 s3, s8  }
0x12f: {  	v10 =	vmov s3;
	(xrf0) =	vadd.scan.msk.s32 $0xffff, v9  }
0x130: {  	v9 =	vadd.s32 $0xFFFFFFFF, v10  }
0x131: {  	v9 =	vbroadcast v9, $0x0;
	_ =	sdelay $0x3  }
0x132: {  	v10, _, _ =	vpop (xrf0)  }
0x133: {  	v9 =	vadd.s32 v10, v9;
	(v2sf) =	vpush v10, $0xF  }
0x134: {  	vm1 =	vlt.s32 v9, $0x27F  }
0x135: {  	v9 =	vnsel vm1, $0x27F, v9;
	_ =	sdelay $0x2  }
.Ltmp6:
0x136: {  	(pc) =	sbr.rel @p0 .LBB2_7-.Ltmp6, $4  }
0x137: {  	_ = 	snop  }
0x138: {  	[tilespmem:v9+s18+$0x0] =	vst.idx.msk vm0, v8;
	v8 =	vor.u32 s0, v4;
	s0 =	smov.u32 s23  }
0x139: {  	s9 =	sadd.s32 $0x10, s9;
	[tilespmem:v9+s19+$0x0] =	vst.idx.msk vm0, v8  }
0x13a: {  	s23 =	sadd.s32 $0x10, s23;
	v8 =	vld [tilespmem:s9+$0x0]  }
0x13b: {  	_ =	sdelay $0x3  }
0x13c: {  	v9 =	vshrl.u32 v8, $0x9  }
0x13d: {  	vm0 =	veq.s32 v9, v7  }
0x13e: {  	v7 =	vsel vm0, $0x1, v5  }
0x13f: {  	(xrf0) =	vadd.scan.msk.s32 $0xffff, v7;
	_ =	sdelay $0x5  }
0x140: {  	v7, _, _ =	vpop (xrf0)  }
0x141: {  	(v2sf) =	vpush v7, $0xF;
	_ =	sdelay $0xd  }
0x142: {  	s8 =	spop (v2sf)  }
0x143: {  	s3 =	sadd.s32 s3, s8;
	s30 =	spop (v2sf)  }
0x144: {  	v63 =	vmov s3;
	s3 =	sadd.s32 s3, s30  }
0x145: {  	s8 =	sadd.s32 $0xF, s3  }
0x146: {  	v9 =	vadd.s32 $0xFFFFFFFF, v63;
	s9 =	sand.u32 $0xF, s8  }
0x147: {  	v9 =	vbroadcast v9, $0x0;
	s31 =	sshra.s32 s8, $0x1F;
	p1 =	slt.s32 s8, $0x1;
	p0 =	sne.s32 s9, $0x0  }
0x148: {  	s9 =	sshrl.u32 s31, $0x1C;
	p0 =	por !p1, !p0  }
0x149: {  	v7 =	vadd.s32 v7, v9;
	s8 =	sadd.s32 s9, s8;
	s9 =	simm.s32 $0x1;
	p0 =	por !p0, !p0  }
0x14a: {  	vm1 =	vlt.s32 v7, $0x27F;
	s8 =	sshra.s32 s8, $0x4;
	s9 =	simm.s32 @!p0 $0x0  }
0x14b: {  	v7 =	vnsel vm1, $0x27F, v7;
	s28 =	ssub.s32 s8, s9  }
0x14c: {  	p0 =	slt.s32 s28, $0x1  }
.Ltmp7:
0x14d: {  	_ = 	snop;
	(pc) =	sbr.rel @p0 .LBB2_11-.Ltmp7, $4  }
0x14e: {  	_ = 	snop  }
0x14f: {  	v6 =	vsub.s32 v8, v6  }
0x150: {  	[tilespmem:v7+s18+$0x0] =	vst.idx.msk vm0, v6;
	v6 =	vor.u32 s0, v4  }
0x151: {  	[tilespmem:v7+s19+$0x0] =	vst.idx.msk vm0, v6  }
0x152: {  	v6 =	vmov s3;
	s29 =	simm.s32 $0x9900;
	s30 =	simm.s32 $0x9B80;
	s31 =	simm.s32 $0x0  }
.LBB2_10:
0x153: {  	v7 =	vld [tilespmem:s29+$0x0];
	_ =	sdelay $0x4  }
0x154: {  	v8 =	vor.u32 s31, v4;
	v9 =	vshll.u32 v7, $0x3  }
0x155: {  	vm0 =	vlt.s32 v8, v6;
	v7 =	vand.u32 $0x7F, v7;
	v8 =	vand.u32 $0xFFFFFC00, v9  }
0x156: {  	v44 =	vld [tilespmem:s30+$0x0];
	v8 =	vor.u32 v7, v8;
	_ =	sdelay $0x4  }
0x157: {  	v7 =	vshll.u32 v44, $0x7;
	v10 =	vld.idx.msk [tilespmem:v8+s21+$0x0], vm0  }
0x158: {  	v45 =	vor.u32 $0x80, v8;
	_ =	sdelay $0x3  }
0x159: {  	[tilespmem:v7+s22+$0x0] =	vst.idx.msk vm0, v10  }
0x15a: {  	v46 =	vor.u32 $0x1, v7;
	v9 =	vld.idx.msk [tilespmem:v45+s21+$0x0], vm0  }
0x15b: {  	v11 =	vor.u32 $0x100, v8;
	_ =	sdelay $0x3  }
0x15c: {  	[tilespmem:v46+s22+$0x0] =	vst.idx.msk vm0, v9  }
0x15d: {  	v47 =	vor.u32 $0x2, v7;
	v9 =	vld.idx.msk [tilespmem:v11+s21+$0x0], vm0  }
0x15e: {  	v48 =	vor.u32 $0x180, v8;
	_ =	sdelay $0x3  }
0x15f: {  	[tilespmem:v47+s22+$0x0] =	vst.idx.msk vm0, v9  }
0x160: {  	v49 =	vor.u32 $0x3, v7;
	v9 =	vld.idx.msk [tilespmem:v48+s21+$0x0], vm0  }
0x161: {  	v50 =	vor.u32 $0x200, v8;
	_ =	sdelay $0x3  }
0x162: {  	[tilespmem:v49+s22+$0x0] =	vst.idx.msk vm0, v9  }
0x163: {  	v51 =	vor.u32 $0x4, v7;
	v9 =	vld.idx.msk [tilespmem:v50+s21+$0x0], vm0  }
0x164: {  	v52 =	vor.u32 $0x280, v8;
	_ =	sdelay $0x3  }
0x165: {  	[tilespmem:v51+s22+$0x0] =	vst.idx.msk vm0, v9  }
0x166: {  	v53 =	vor.u32 $0x5, v7;
	v9 =	vld.idx.msk [tilespmem:v52+s21+$0x0], vm0  }
0x167: {  	v54 =	vor.u32 $0x300, v8;
	_ =	sdelay $0x3  }
0x168: {  	[tilespmem:v53+s22+$0x0] =	vst.idx.msk vm0, v9  }
0x169: {  	v55 =	vor.u32 $0x6, v7;
	v9 =	vld.idx.msk [tilespmem:v54+s21+$0x0], vm0  }
0x16a: {  	v56 =	vor.u32 $0x380, v8;
	_ =	sdelay $0x3  }
0x16b: {  	[tilespmem:v55+s22+$0x0] =	vst.idx.msk vm0, v9  }
0x16c: {  	v57 =	vor.u32 $0x7, v7;
	v9 =	vld.idx.msk [tilespmem:v56+s21+$0x0], vm0  }
0x16d: {  	v58 =	vadd.s32 $0x1000, v8;
	_ =	sdelay $0x3  }
0x16e: {  	[tilespmem:v57+s22+$0x0] =	vst.idx.msk vm0, v9  }
0x16f: {  	v59 =	vor.u32 $0x8, v7;
	v9 =	vld.idx.msk [tilespmem:v58+s21+$0x0], vm0  }
0x170: {  	v60 =	vadd.s32 $0x1080, v8;
	_ =	sdelay $0x3  }
0x171: {  	[tilespmem:v59+s22+$0x0] =	vst.idx.msk vm0, v9  }
0x172: {  	v61 =	vor.u32 $0x9, v7;
	v9 =	vld.idx.msk [tilespmem:v60+s21+$0x0], vm0  }
0x173: {  	v62 =	vadd.s32 $0x1100, v8;
	_ =	sdelay $0x3  }
0x174: {  	[tilespmem:v61+s22+$0x0] =	vst.idx.msk vm0, v9  }
0x175: {  	v63 =	vor.u32 $0xA, v7;
	v9 =	vld.idx.msk [tilespmem:v62+s21+$0x0], vm0  }
0x176: {  	v12 =	vadd.s32 $0x1180, v8;
	_ =	sdelay $0x3  }
0x177: {  	[tilespmem:v63+s22+$0x0] =	vst.idx.msk vm0, v9  }
0x178: {  	v13 =	vor.u32 $0xB, v7;
	v9 =	vld.idx.msk [tilespmem:v12+s21+$0x0], vm0  }
0x179: {  	v14 =	vadd.s32 $0x1200, v8;
	_ =	sdelay $0x3  }
0x17a: {  	[tilespmem:v13+s22+$0x0] =	vst.idx.msk vm0, v9  }
0x17b: {  	v15 =	vor.u32 $0xC, v7;
	v9 =	vld.idx.msk [tilespmem:v14+s21+$0x0], vm0  }
0x17c: {  	v16 =	vadd.s32 $0x1280, v8;
	_ =	sdelay $0x3  }
0x17d: {  	[tilespmem:v15+s22+$0x0] =	vst.idx.msk vm0, v9  }
0x17e: {  	v17 =	vor.u32 $0xD, v7;
	v9 =	vld.idx.msk [tilespmem:v16+s21+$0x0], vm0  }
0x17f: {  	v18 =	vadd.s32 $0x1300, v8;
	_ =	sdelay $0x3  }
0x180: {  	[tilespmem:v17+s22+$0x0] =	vst.idx.msk vm0, v9  }
0x181: {  	v19 =	vor.u32 $0xE, v7;
	v9 =	vld.idx.msk [tilespmem:v18+s21+$0x0], vm0  }
0x182: {  	v20 =	vadd.s32 $0x1380, v8;
	_ =	sdelay $0x3  }
0x183: {  	[tilespmem:v19+s22+$0x0] =	vst.idx.msk vm0, v9  }
0x184: {  	v21 =	vor.u32 $0xF, v7;
	v9 =	vld.idx.msk [tilespmem:v20+s21+$0x0], vm0  }
0x185: {  	v22 =	vadd.s32 $0x2000, v8;
	_ =	sdelay $0x3  }
0x186: {  	[tilespmem:v21+s22+$0x0] =	vst.idx.msk vm0, v9  }
0x187: {  	v23 =	vor.u32 $0x10, v7;
	v9 =	vld.idx.msk [tilespmem:v22+s21+$0x0], vm0  }
0x188: {  	v24 =	vadd.s32 $0x2080, v8;
	_ =	sdelay $0x3  }
0x189: {  	[tilespmem:v23+s22+$0x0] =	vst.idx.msk vm0, v9  }
0x18a: {  	v25 =	vor.u32 $0x11, v7;
	v9 =	vld.idx.msk [tilespmem:v24+s21+$0x0], vm0  }
0x18b: {  	v26 =	vadd.s32 $0x2100, v8;
	_ =	sdelay $0x3  }
0x18c: {  	[tilespmem:v25+s22+$0x0] =	vst.idx.msk vm0, v9  }
0x18d: {  	v27 =	vor.u32 $0x12, v7;
	v9 =	vld.idx.msk [tilespmem:v26+s21+$0x0], vm0  }
0x18e: {  	v28 =	vadd.s32 $0x2180, v8;
	_ =	sdelay $0x3  }
0x18f: {  	[tilespmem:v27+s22+$0x0] =	vst.idx.msk vm0, v9  }
0x190: {  	v29 =	vor.u32 $0x13, v7;
	v9 =	vld.idx.msk [tilespmem:v28+s21+$0x0], vm0  }
0x191: {  	v30 =	vadd.s32 $0x2200, v8;
	_ =	sdelay $0x3  }
0x192: {  	[tilespmem:v29+s22+$0x0] =	vst.idx.msk vm0, v9  }
0x193: {  	v31 =	vor.u32 $0x14, v7;
	v9 =	vld.idx.msk [tilespmem:v30+s21+$0x0], vm0  }
0x194: {  	v32 =	vadd.s32 $0x2280, v8;
	_ =	sdelay $0x3  }
0x195: {  	[tilespmem:v31+s22+$0x0] =	vst.idx.msk vm0, v9  }
0x196: {  	v33 =	vor.u32 $0x15, v7;
	v9 =	vld.idx.msk [tilespmem:v32+s21+$0x0], vm0  }
0x197: {  	v34 =	vadd.s32 $0x2300, v8;
	_ =	sdelay $0x3  }
0x198: {  	[tilespmem:v33+s22+$0x0] =	vst.idx.msk vm0, v9  }
0x199: {  	v35 =	vor.u32 $0x16, v7;
	v9 =	vld.idx.msk [tilespmem:v34+s21+$0x0], vm0  }
0x19a: {  	v36 =	vadd.s32 $0x2380, v8;
	_ =	sdelay $0x3  }
0x19b: {  	[tilespmem:v35+s22+$0x0] =	vst.idx.msk vm0, v9  }
0x19c: {  	v37 =	vor.u32 $0x17, v7;
	v9 =	vld.idx.msk [tilespmem:v36+s21+$0x0], vm0  }
0x19d: {  	v38 =	vadd.s32 $0x3000, v8;
	_ =	sdelay $0x3  }
0x19e: {  	[tilespmem:v37+s22+$0x0] =	vst.idx.msk vm0, v9  }
0x19f: {  	v39 =	vor.u32 $0x18, v7;
	v9 =	vld.idx.msk [tilespmem:v38+s21+$0x0], vm0  }
0x1a0: {  	v40 =	vadd.s32 $0x3080, v8;
	_ =	sdelay $0x3  }
0x1a1: {  	[tilespmem:v39+s22+$0x0] =	vst.idx.msk vm0, v9  }
0x1a2: {  	v41 =	vor.u32 $0x19, v7;
	v9 =	vld.idx.msk [tilespmem:v40+s21+$0x0], vm0  }
0x1a3: {  	v42 =	vadd.s32 $0x3100, v8;
	_ =	sdelay $0x3  }
0x1a4: {  	[tilespmem:v41+s22+$0x0] =	vst.idx.msk vm0, v9  }
0x1a5: {  	v43 =	vor.u32 $0x1A, v7;
	v9 =	vld.idx.msk [tilespmem:v42+s21+$0x0], vm0  }
0x1a6: {  	v44 =	vadd.s32 $0x3180, v8;
	_ =	sdelay $0x3  }
0x1a7: {  	[tilespmem:v43+s22+$0x0] =	vst.idx.msk vm0, v9  }
0x1a8: {  	v45 =	vor.u32 $0x1B, v7;
	v9 =	vld.idx.msk [tilespmem:v44+s21+$0x0], vm0  }
0x1a9: {  	v46 =	vadd.s32 $0x3200, v8;
	_ =	sdelay $0x3  }
0x1aa: {  	[tilespmem:v45+s22+$0x0] =	vst.idx.msk vm0, v9  }
0x1ab: {  	v47 =	vor.u32 $0x1C, v7;
	v9 =	vld.idx.msk [tilespmem:v46+s21+$0x0], vm0  }
0x1ac: {  	v48 =	vadd.s32 $0x3280, v8;
	_ =	sdelay $0x3  }
0x1ad: {  	[tilespmem:v47+s22+$0x0] =	vst.idx.msk vm0, v9  }
0x1ae: {  	v49 =	vor.u32 $0x1D, v7;
	v9 =	vld.idx.msk [tilespmem:v48+s21+$0x0], vm0  }
0x1af: {  	v50 =	vadd.s32 $0x3300, v8;
	_ =	sdelay $0x3  }
0x1b0: {  	[tilespmem:v49+s22+$0x0] =	vst.idx.msk vm0, v9  }
0x1b1: {  	v51 =	vor.u32 $0x1E, v7;
	v9 =	vld.idx.msk [tilespmem:v50+s21+$0x0], vm0  }
0x1b2: {  	v52 =	vadd.s32 $0x3380, v8;
	_ =	sdelay $0x3  }
0x1b3: {  	[tilespmem:v51+s22+$0x0] =	vst.idx.msk vm0, v9  }
0x1b4: {  	v53 =	vor.u32 $0x1F, v7;
	v9 =	vld.idx.msk [tilespmem:v52+s21+$0x0], vm0  }
0x1b5: {  	v54 =	vadd.s32 $0x4000, v8;
	_ =	sdelay $0x3  }
0x1b6: {  	[tilespmem:v53+s22+$0x0] =	vst.idx.msk vm0, v9  }
0x1b7: {  	v55 =	vor.u32 $0x20, v7;
	v9 =	vld.idx.msk [tilespmem:v54+s21+$0x0], vm0  }
0x1b8: {  	v56 =	vadd.s32 $0x4080, v8;
	_ =	sdelay $0x3  }
0x1b9: {  	[tilespmem:v55+s22+$0x0] =	vst.idx.msk vm0, v9  }
0x1ba: {  	v57 =	vor.u32 $0x21, v7;
	v9 =	vld.idx.msk [tilespmem:v56+s21+$0x0], vm0  }
0x1bb: {  	v58 =	vadd.s32 $0x4100, v8;
	_ =	sdelay $0x3  }
0x1bc: {  	[tilespmem:v57+s22+$0x0] =	vst.idx.msk vm0, v9  }
0x1bd: {  	v59 =	vor.u32 $0x22, v7;
	v9 =	vld.idx.msk [tilespmem:v58+s21+$0x0], vm0  }
0x1be: {  	v60 =	vadd.s32 $0x4180, v8;
	_ =	sdelay $0x3  }
0x1bf: {  	[tilespmem:v59+s22+$0x0] =	vst.idx.msk vm0, v9  }
0x1c0: {  	v61 =	vor.u32 $0x23, v7;
	v9 =	vld.idx.msk [tilespmem:v60+s21+$0x0], vm0  }
0x1c1: {  	v62 =	vadd.s32 $0x4200, v8;
	_ =	sdelay $0x3  }
0x1c2: {  	[tilespmem:v61+s22+$0x0] =	vst.idx.msk vm0, v9  }
0x1c3: {  	v63 =	vor.u32 $0x24, v7;
	v9 =	vld.idx.msk [tilespmem:v62+s21+$0x0], vm0  }
0x1c4: {  	v12 =	vadd.s32 $0x4280, v8;
	_ =	sdelay $0x3  }
0x1c5: {  	[tilespmem:v63+s22+$0x0] =	vst.idx.msk vm0, v9  }
0x1c6: {  	v13 =	vor.u32 $0x25, v7;
	v9 =	vld.idx.msk [tilespmem:v12+s21+$0x0], vm0  }
0x1c7: {  	v14 =	vadd.s32 $0x4300, v8;
	_ =	sdelay $0x3  }
0x1c8: {  	[tilespmem:v13+s22+$0x0] =	vst.idx.msk vm0, v9  }
0x1c9: {  	v15 =	vor.u32 $0x26, v7;
	v9 =	vld.idx.msk [tilespmem:v14+s21+$0x0], vm0  }
0x1ca: {  	v16 =	vadd.s32 $0x4380, v8;
	_ =	sdelay $0x3  }
0x1cb: {  	[tilespmem:v15+s22+$0x0] =	vst.idx.msk vm0, v9  }
0x1cc: {  	v17 =	vor.u32 $0x27, v7;
	v9 =	vld.idx.msk [tilespmem:v16+s21+$0x0], vm0  }
0x1cd: {  	v18 =	vadd.s32 $0x5000, v8;
	_ =	sdelay $0x3  }
0x1ce: {  	[tilespmem:v17+s22+$0x0] =	vst.idx.msk vm0, v9  }
0x1cf: {  	v19 =	vor.u32 $0x28, v7;
	v9 =	vld.idx.msk [tilespmem:v18+s21+$0x0], vm0  }
0x1d0: {  	v20 =	vadd.s32 $0x5080, v8;
	_ =	sdelay $0x3  }
0x1d1: {  	[tilespmem:v19+s22+$0x0] =	vst.idx.msk vm0, v9  }
0x1d2: {  	v21 =	vor.u32 $0x29, v7;
	v9 =	vld.idx.msk [tilespmem:v20+s21+$0x0], vm0  }
0x1d3: {  	v22 =	vadd.s32 $0x5100, v8;
	_ =	sdelay $0x3  }
0x1d4: {  	[tilespmem:v21+s22+$0x0] =	vst.idx.msk vm0, v9  }
0x1d5: {  	v23 =	vor.u32 $0x2A, v7;
	v9 =	vld.idx.msk [tilespmem:v22+s21+$0x0], vm0  }
0x1d6: {  	v24 =	vadd.s32 $0x5180, v8;
	_ =	sdelay $0x3  }
0x1d7: {  	[tilespmem:v23+s22+$0x0] =	vst.idx.msk vm0, v9  }
0x1d8: {  	v25 =	vor.u32 $0x2B, v7;
	v9 =	vld.idx.msk [tilespmem:v24+s21+$0x0], vm0  }
0x1d9: {  	v26 =	vadd.s32 $0x5200, v8;
	_ =	sdelay $0x3  }
0x1da: {  	[tilespmem:v25+s22+$0x0] =	vst.idx.msk vm0, v9  }
0x1db: {  	v27 =	vor.u32 $0x2C, v7;
	v9 =	vld.idx.msk [tilespmem:v26+s21+$0x0], vm0  }
0x1dc: {  	v28 =	vadd.s32 $0x5280, v8;
	_ =	sdelay $0x3  }
0x1dd: {  	[tilespmem:v27+s22+$0x0] =	vst.idx.msk vm0, v9  }
0x1de: {  	v29 =	vor.u32 $0x2D, v7;
	v9 =	vld.idx.msk [tilespmem:v28+s21+$0x0], vm0  }
0x1df: {  	v30 =	vadd.s32 $0x5300, v8;
	_ =	sdelay $0x3  }
0x1e0: {  	[tilespmem:v29+s22+$0x0] =	vst.idx.msk vm0, v9  }
0x1e1: {  	v31 =	vor.u32 $0x2E, v7;
	v9 =	vld.idx.msk [tilespmem:v30+s21+$0x0], vm0  }
0x1e2: {  	v32 =	vadd.s32 $0x5380, v8;
	_ =	sdelay $0x3  }
0x1e3: {  	[tilespmem:v31+s22+$0x0] =	vst.idx.msk vm0, v9  }
0x1e4: {  	v33 =	vor.u32 $0x2F, v7;
	v9 =	vld.idx.msk [tilespmem:v32+s21+$0x0], vm0  }
0x1e5: {  	v34 =	vadd.s32 $0x6000, v8;
	_ =	sdelay $0x3  }
0x1e6: {  	[tilespmem:v33+s22+$0x0] =	vst.idx.msk vm0, v9  }
0x1e7: {  	v35 =	vor.u32 $0x30, v7;
	v9 =	vld.idx.msk [tilespmem:v34+s21+$0x0], vm0  }
0x1e8: {  	v36 =	vadd.s32 $0x6080, v8;
	_ =	sdelay $0x3  }
0x1e9: {  	[tilespmem:v35+s22+$0x0] =	vst.idx.msk vm0, v9  }
0x1ea: {  	v37 =	vor.u32 $0x31, v7;
	v9 =	vld.idx.msk [tilespmem:v36+s21+$0x0], vm0  }
0x1eb: {  	v38 =	vadd.s32 $0x6100, v8;
	_ =	sdelay $0x3  }
0x1ec: {  	[tilespmem:v37+s22+$0x0] =	vst.idx.msk vm0, v9  }
0x1ed: {  	v39 =	vor.u32 $0x32, v7;
	v9 =	vld.idx.msk [tilespmem:v38+s21+$0x0], vm0  }
0x1ee: {  	v40 =	vadd.s32 $0x6180, v8;
	_ =	sdelay $0x3  }
0x1ef: {  	[tilespmem:v39+s22+$0x0] =	vst.idx.msk vm0, v9  }
0x1f0: {  	v41 =	vor.u32 $0x33, v7;
	v9 =	vld.idx.msk [tilespmem:v40+s21+$0x0], vm0  }
0x1f1: {  	v42 =	vadd.s32 $0x6200, v8;
	_ =	sdelay $0x3  }
0x1f2: {  	[tilespmem:v41+s22+$0x0] =	vst.idx.msk vm0, v9  }
0x1f3: {  	v43 =	vor.u32 $0x34, v7;
	v9 =	vld.idx.msk [tilespmem:v42+s21+$0x0], vm0  }
0x1f4: {  	v44 =	vadd.s32 $0x6280, v8;
	_ =	sdelay $0x3  }
0x1f5: {  	[tilespmem:v43+s22+$0x0] =	vst.idx.msk vm0, v9  }
0x1f6: {  	v45 =	vor.u32 $0x35, v7;
	v9 =	vld.idx.msk [tilespmem:v44+s21+$0x0], vm0  }
0x1f7: {  	v46 =	vadd.s32 $0x6300, v8;
	_ =	sdelay $0x3  }
0x1f8: {  	[tilespmem:v45+s22+$0x0] =	vst.idx.msk vm0, v9  }
0x1f9: {  	v47 =	vor.u32 $0x36, v7;
	v9 =	vld.idx.msk [tilespmem:v46+s21+$0x0], vm0  }
0x1fa: {  	v48 =	vadd.s32 $0x6380, v8;
	_ =	sdelay $0x3  }
0x1fb: {  	[tilespmem:v47+s22+$0x0] =	vst.idx.msk vm0, v9  }
0x1fc: {  	v49 =	vor.u32 $0x37, v7;
	v9 =	vld.idx.msk [tilespmem:v48+s21+$0x0], vm0  }
0x1fd: {  	v50 =	vadd.s32 $0x7000, v8;
	_ =	sdelay $0x3  }
0x1fe: {  	[tilespmem:v49+s22+$0x0] =	vst.idx.msk vm0, v9  }
0x1ff: {  	v51 =	vor.u32 $0x38, v7;
	v9 =	vld.idx.msk [tilespmem:v50+s21+$0x0], vm0  }
0x200: {  	v52 =	vadd.s32 $0x7080, v8;
	_ =	sdelay $0x3  }
0x201: {  	[tilespmem:v51+s22+$0x0] =	vst.idx.msk vm0, v9  }
0x202: {  	v53 =	vor.u32 $0x39, v7;
	v9 =	vld.idx.msk [tilespmem:v52+s21+$0x0], vm0  }
0x203: {  	v54 =	vadd.s32 $0x7100, v8;
	_ =	sdelay $0x3  }
0x204: {  	[tilespmem:v53+s22+$0x0] =	vst.idx.msk vm0, v9  }
0x205: {  	v55 =	vor.u32 $0x3A, v7;
	v9 =	vld.idx.msk [tilespmem:v54+s21+$0x0], vm0  }
0x206: {  	v56 =	vadd.s32 $0x7180, v8;
	_ =	sdelay $0x3  }
0x207: {  	[tilespmem:v55+s22+$0x0] =	vst.idx.msk vm0, v9  }
0x208: {  	v57 =	vor.u32 $0x3B, v7;
	v9 =	vld.idx.msk [tilespmem:v56+s21+$0x0], vm0  }
0x209: {  	v58 =	vadd.s32 $0x7200, v8;
	_ =	sdelay $0x3  }
0x20a: {  	[tilespmem:v57+s22+$0x0] =	vst.idx.msk vm0, v9  }
0x20b: {  	v59 =	vor.u32 $0x3C, v7;
	v9 =	vld.idx.msk [tilespmem:v58+s21+$0x0], vm0  }
0x20c: {  	v60 =	vadd.s32 $0x7280, v8;
	_ =	sdelay $0x3  }
0x20d: {  	[tilespmem:v59+s22+$0x0] =	vst.idx.msk vm0, v9  }
0x20e: {  	v61 =	vor.u32 $0x3D, v7;
	v9 =	vld.idx.msk [tilespmem:v60+s21+$0x0], vm0  }
0x20f: {  	v62 =	vadd.s32 $0x7300, v8;
	_ =	sdelay $0x3  }
0x210: {  	[tilespmem:v61+s22+$0x0] =	vst.idx.msk vm0, v9  }
0x211: {  	v63 =	vor.u32 $0x3E, v7;
	v9 =	vld.idx.msk [tilespmem:v62+s21+$0x0], vm0  }
0x212: {  	v8 =	vadd.s32 $0x7380, v8;
	_ =	sdelay $0x3  }
0x213: {  	[tilespmem:v63+s22+$0x0] =	vst.idx.msk vm0, v9  }
0x214: {  	p0 =	sne.s32 s28, $0x1;
	v7 =	vor.u32 $0x3F, v7;
	v8 =	vld.idx.msk [tilespmem:v8+s21+$0x0], vm0  }
.Ltmp8:
0x215: {  	_ = 	snop;
	(pc) =	sbr.rel @p0 .LBB2_10-.Ltmp8, $3  }
0x216: {  	_ =	sdelay $0x1  }
0x217: {  	s29 =	sadd.s32 $0x10, s29  }
0x218: {  	s30 =	sadd.s32 $0x10, s30;
	s31 =	sadd.s32 $0x10, s31;
	s28 =	sadd.s32 $0xFFFFFFFF, s28;
	[tilespmem:v7+s22+$0x0] =	vst.idx.msk vm0, v8  }
.Ltmp9:
0x219: {  	_ = 	snop;
	(pc) =	sbr.rel .LBB2_11-.Ltmp9, $1  }
0x21a: {  	_ =	sdelay $0x3  }
.LBB2_13:
0x21b: {  	_ =	sfence.sel $0x180000  }
0x21c: {  	[bflag:$0x0] =	sbarrier.arrive $0xFFFF  }
0x21d: {  	_ =	strace $0x90000047  }
0x21e: {  	s0 =	stileid.u32;
	[bflag:$0x2] =	sbarrier.arrive $0xFFFF  }
0x21f: {  	p0 =	sne.s32 s0, $0x0;
	s0 =	rddreg [dreg:$0x3]  }
0x220: {  	s0 =	sadd.s32 @!p0 $0x100000, s0  }
0x221: {  	[sflag:s0] =	ssyncadd.tile.s32 @!p0 $0x1;
	_ =	shalt  }
.Lfunc_end2:
_tile_overlayer_lowered:
.L_overlay_start_2:
0x222: {  	(tag) =	ssettag $0x2  }
0x223: {  	s0 =	rddreg [dreg:$0x0];
	s2 =	stileid.u32  }
0x224: {  	s1 =	rddreg [dreg:$0x1];
	p0 =	sne.s32 s2, $0x0  }
0x225: {  	s3 =	rddreg [dreg:$0x2];
	[bflag:$0x3] =	sbarrier.arrive $0xFFFF;
	s2 =	simm.s32 @!p0 $0x1C02  }
0x226: {  	[timem:s3], [sflag:s2] =	dma.local @!p0 [hbm:s0], s1  }
0x227: {  	s0 =	simm.s32 @!p0 $0x2  }
0x228: {  	_ =	swait.ge @!p0 [sflag:s0], s1  }
0x229: {  	s1 =	ssub.s32 @!p0 $0x0, s1;
	[sflag:s0] =	ssyncset.done @!p0 $0x0  }
0x22a: {  	[sflag:s0] =	ssyncadd.s32 @!p0 s1  }
0x22b: {  	[bflag:$0x3] =	sbarrier.arrive $0xFFFF  }
0x22c: {  	_ =	shalt  }

</sc_bundles>
